<compile_context>
chip_gen: v7x
topology: tpu7x:2x2x1
jax: 0.10.2.dev20260603
libtpu: 0.0.44.dev20260713+nightly
codegen_flags: <defaults>
</compile_context>

<pallas_src>
import functools

import jax
import jax.numpy as jnp
from jax import lax
from jax.experimental import pallas as pl
from jax.experimental.pallas import tpu as pltpu
from jax.experimental.pallas import tpu_sc as plsc

NUM_CORES = 2
NUM_SUBCORES = 16
NUM_WORKERS = NUM_CORES * NUM_SUBCORES
BATCH = 16384
DIM = 128
NJ = DIM // 16
BW = BATCH // NUM_WORKERS
CHUNK = 64
NCHUNK = BW // CHUNK


def _body(idx_hbm, e_hbm, rel_hbm, w_hbm, out_hbm,
          idxv, hb, tb, rb, wb, outb, sems):
    wid = lax.axis_index("s") * NUM_CORES + lax.axis_index("c")

    pltpu.sync_copy(idx_hbm.at[wid], idxv)

    lanes = lax.iota(jnp.int32, 16)

    def issue(k):
        par = k % 2
        sem = sems.at[par]
        pltpu.async_copy(e_hbm.at[idxv.at[0, k]], hb.at[par], sem)
        pltpu.async_copy(e_hbm.at[idxv.at[1, k]], tb.at[par], sem)
        pltpu.async_copy(rel_hbm.at[idxv.at[2, k]], rb.at[par], sem)
        pltpu.async_copy(w_hbm.at[idxv.at[2, k]], wb.at[par], sem)

    def drain(k):
        par = k % 2
        for b in (hb, tb, rb, wb):
            pltpu.make_async_copy(
                e_hbm.at[pl.ds(0, CHUNK)], b.at[par], sems.at[par]).wait()

    def compute(k):
        par = k % 2

        def group_body(g, carry2):
            outv = jnp.zeros((16,), jnp.float32)
            for rr in range(16):
                i = g * 16 + rr
                d = []
                w = []
                s1v = jnp.zeros((16,), jnp.float32)
                s2v = jnp.zeros((16,), jnp.float32)
                for j in range(NJ):
                    sl = pl.ds(j * 16, 16)
                    dv = hb[par, i, sl] - tb[par, i, sl]
                    wv = wb[par, i, sl]
                    d.append(dv)
                    w.append(wv)
                    s1v = s1v + dv * wv
                    s2v = s2v + wv * wv
                s1 = jnp.broadcast_to(jnp.sum(s1v), (16,))
                s2 = jnp.broadcast_to(jnp.sum(s2v), (16,))
                coeff = s1 / jnp.maximum(s2, 1e-24)
                accv = jnp.zeros((16,), jnp.float32)
                for j in range(NJ):
                    rv = rb[par, i, pl.ds(j * 16, 16)]
                    accv = accv + jnp.abs(d[j] + rv - coeff * w[j])
                acc = jnp.broadcast_to(jnp.sum(accv), (16,))
                outv = jnp.where(lanes == rr, acc, outv)
            base = pl.multiple_of(k * CHUNK + g * 16, 16)
            outb[pl.ds(base, 16)] = outv
            return carry2

        lax.fori_loop(0, CHUNK // 16, group_body, 0)

    issue(0)

    def chunk_body(k, carry):
        @pl.when(k + 1 < NCHUNK)
        def _():
            issue(k + 1)

        drain(k)
        compute(k)
        return carry

    lax.fori_loop(0, NCHUNK, chunk_body, 0)
    pltpu.sync_copy(outb, out_hbm.at[pl.ds(pl.multiple_of(wid * BW, 8), BW)])


@jax.jit
def kernel(h, r, t, E, R, W):
    mesh = plsc.VectorSubcoreMesh(core_axis_name="c", subcore_axis_name="s")
    buf = pltpu.VMEM((2, CHUNK, DIM), jnp.float32)
    kfn = pl.kernel(
        _body,
        out_type=jax.ShapeDtypeStruct((BATCH,), jnp.float32),
        mesh=mesh,
        compiler_params=pltpu.CompilerParams(needs_layout_passes=False),
        scratch_types=[
            pltpu.VMEM((3, NCHUNK, CHUNK), jnp.int32),
            buf, buf, buf, buf,
            pltpu.VMEM((BW,), jnp.float32),
            pltpu.SemaphoreType.DMA((2,)),
        ],
    )
    idx = jnp.stack([h, t, r]).reshape(3, NUM_WORKERS, NCHUNK, CHUNK)
    idx = idx.transpose(1, 0, 2, 3)
    return kfn(idx, E, R, W)

# --- scband reference (transcript-rebuilt; emitter-appended) ---
"""Pipeline reference for scband-trans-h-22368189677950 (READ-ONLY COPY).

The authoritative reference and input builder live on the scoring server;
editing this copy changes nothing except your own understanding.
"""

import jax, jax.numpy as jnp
import numpy as np

NUM_ENTITIES = 100000
NUM_RELATIONS = 1000
DIM = 128
BATCH = 16384

def _xavier(key, shape):
    fan_in, fan_out = shape[0], shape[1]
    limit = float(np.sqrt(6.0 / (fan_in + fan_out)))
    return jax.random.uniform(key, shape, dtype=jnp.float32, minval=-limit, maxval=limit)

def setup_inputs(seed: int = 0) -> dict:
    key = jax.random.key(seed)
    k1, k2, k3, k4, k5, k6 = jax.random.split(key, 6)
    h = jax.random.randint(k1, (BATCH,), 0, NUM_ENTITIES, dtype=jnp.int64 if jax.config.jax_enable_x64 else jnp.int32).astype(jnp.int32)
    r = jax.random.randint(k2, (BATCH,), 0, NUM_RELATIONS, dtype=jnp.int32)
    t = jax.random.randint(k3, (BATCH,), 0, NUM_ENTITIES, dtype=jnp.int32)
    E = _xavier(k4, (NUM_ENTITIES, DIM))
    R = _xavier(k5, (NUM_RELATIONS, DIM))
    W = _xavier(k6, (NUM_RELATIONS, DIM))
    return {"h": h, "r": r, "t": t, "E": E, "R": R, "W": W}

def _project(emb, w):
    norm_w = w / jnp.maximum(jnp.linalg.norm(w, ord=2, axis=1, keepdims=True), 1e-12)
    scale = jnp.sum(emb * norm_w, axis=1, keepdims=True)
    return emb - scale * norm_w

def reference(h, r, t, E, R, W):
    h_emb = jnp.take(E, h, axis=0)
    t_emb = jnp.take(E, t, axis=0)
    r_vec = jnp.take(R, r, axis=0)
    w = jnp.take(W, r, axis=0)
    h_proj = _project(h_emb, w)
    t_proj = _project(t_emb, w)
    return jnp.sum(jnp.abs(h_proj + r_vec - t_proj), axis=1)

if __name__ == "__main__":
    import jax
    _d = setup_inputs()
    print(jax.jit(kernel)(*tuple(_d.values())))

</pallas_src>

<mosaic_0001>
#map = affine_map<(d0, d1) -> (0, 0, 0, 0)>
#map1 = affine_map<(d0, d1) -> (0, 0)>
#map2 = affine_map<(d0, d1) -> (0)>
module attributes {stable_mosaic.version = 14 : i64} {
  func.func @_body(%arg0: i32, %arg1: i32, %arg2: memref<32x3x8x64xi32, #tpu.memory_space<hbm>>, %arg3: memref<100000x128xf32, #tpu.memory_space<hbm>>, %arg4: memref<1000x128xf32, #tpu.memory_space<hbm>>, %arg5: memref<1000x128xf32, #tpu.memory_space<hbm>>, %arg6: memref<16384xf32, #tpu.memory_space<hbm>>, %arg7: memref<3x8x64xi32, #tpu.memory_space<vmem>>, %arg8: memref<2x64x128xf32, #tpu.memory_space<vmem>>, %arg9: memref<2x64x128xf32, #tpu.memory_space<vmem>>, %arg10: memref<2x64x128xf32, #tpu.memory_space<vmem>>, %arg11: memref<2x64x128xf32, #tpu.memory_space<vmem>>, %arg12: memref<512xf32, #tpu.memory_space<vmem>>, %arg13: memref<2x!tpu.dma_semaphore, #tpu.memory_space<semaphore_mem>>) attributes {dimension_semantics = [#tpu.dimension_semantics<core_parallel>, #tpu.dimension_semantics<subcore_parallel>], iteration_bounds = array<i64: 2, 16>, scalar_prefetch = 0 : i64, scratch_operands = 7 : i64, tpu.core_type = #tpu.core_type<sc_vector_subcore>, window_params = [{transform_indices = #map}, {transform_indices = #map1}, {transform_indices = #map1}, {transform_indices = #map1}, {transform_indices = #map2}]} {
    %mul3A = arith.constant 2 : i32
    %mul3A_0 = arith.muli %arg1, %mul3A : i32
    %add3A = arith.addi %mul3A_0, %arg0 : i32
    "tpu.region"() ({
      %run_scoped3A = tpu.sem_alloc : memref<!tpu.dma_semaphore, #tpu.memory_space<semaphore_mem>>
      %dma_start3A_71 = arith.constant 0 : i32
      %dma_start3A_72 = arith.constant 0 : i32
      %dma_start3A_73 = arith.constant 0 : i32
      %dma_start3A_74 = tpu.memref_slice %arg2[%add3A, %dma_start3A_71, %dma_start3A_72, %dma_start3A_73] : memref<32x3x8x64xi32, #tpu.memory_space<hbm>> -> memref<1x3x8x64xi32, #tpu.memory_space<hbm>>
      %dma_start3A_75 = tpu.memref_squeeze %dma_start3A_74 : memref<1x3x8x64xi32, #tpu.memory_space<hbm>> -> memref<3x8x64xi32, #tpu.memory_space<hbm>>
      %dma_start3A_76 = arith.constant 0 : i32
      %dma_start3A_77 = arith.constant 0 : i32
      %dma_start3A_78 = arith.constant 0 : i32
      %dma_start3A_79 = tpu.memref_slice %arg2[%add3A, %dma_start3A_76, %dma_start3A_77, %dma_start3A_78] : memref<32x3x8x64xi32, #tpu.memory_space<hbm>> -> memref<1x3x8x64xi32, #tpu.memory_space<hbm>>
      %dma_start3A_80 = tpu.memref_squeeze %dma_start3A_79 : memref<1x3x8x64xi32, #tpu.memory_space<hbm>> -> memref<3x8x64xi32, #tpu.memory_space<hbm>>
      tpu.enqueue_dma source(%dma_start3A_80 : memref<3x8x64xi32, #tpu.memory_space<hbm>>) target(%arg7 : memref<3x8x64xi32, #tpu.memory_space<vmem>>) target_semaphore(%run_scoped3A : memref<!tpu.dma_semaphore, #tpu.memory_space<semaphore_mem>>)
      %dma_wait3A = arith.constant 0 : i32
      %dma_wait3A_81 = arith.constant 0 : i32
      %dma_wait3A_82 = arith.constant 0 : i32
      %dma_wait3A_83 = tpu.memref_slice %arg2[%add3A, %dma_wait3A, %dma_wait3A_81, %dma_wait3A_82] : memref<32x3x8x64xi32, #tpu.memory_space<hbm>> -> memref<1x3x8x64xi32, #tpu.memory_space<hbm>>
      %dma_wait3A_84 = tpu.memref_squeeze %dma_wait3A_83 : memref<1x3x8x64xi32, #tpu.memory_space<hbm>> -> memref<3x8x64xi32, #tpu.memory_space<hbm>>
      %dma_wait3A_85 = arith.constant 0 : i32
      %dma_wait3A_86 = arith.constant 0 : i32
      %dma_wait3A_87 = arith.constant 0 : i32
      %dma_wait3A_88 = tpu.memref_slice %arg2[%add3A, %dma_wait3A_85, %dma_wait3A_86, %dma_wait3A_87] : memref<32x3x8x64xi32, #tpu.memory_space<hbm>> -> memref<1x3x8x64xi32, #tpu.memory_space<hbm>>
      %dma_wait3A_89 = tpu.memref_squeeze %dma_wait3A_88 : memref<1x3x8x64xi32, #tpu.memory_space<hbm>> -> memref<3x8x64xi32, #tpu.memory_space<hbm>>
      tpu.wait_dma2 semaphore(%run_scoped3A : memref<!tpu.dma_semaphore, #tpu.memory_space<semaphore_mem>>) src(%dma_wait3A_89 : memref<3x8x64xi32, #tpu.memory_space<hbm>>) dst(%arg7 : memref<3x8x64xi32, #tpu.memory_space<vmem>>)
      tpu.yield
    }) : () -> ()
    %iota3A = tpu.iota {dimensions = array<i32: 0>} : vector<16xi32>
    %dma_start3A = arith.constant 0 : i32
    %dma_start3A_1 = arith.constant 0 : i32
    %dma_start3A_2 = arith.constant 0 : i32
    %dma_start3A_3 = arith.constant 0 : i32
    %dma_start3A_4 = arith.constant 0 : i32
    %dma_start3A_5 = arith.constant 0 : i32
    %dma_start3A_6 = tpu.memref_slice %arg8[%dma_start3A_2, %dma_start3A_4, %dma_start3A_5] : memref<2x64x128xf32, #tpu.memory_space<vmem>> -> memref<1x64x128xf32, #tpu.memory_space<vmem>>
    %dma_start3A_7 = tpu.memref_squeeze %dma_start3A_6 : memref<1x64x128xf32, #tpu.memory_space<vmem>> -> memref<64x128xf32, #tpu.memory_space<vmem>>
    %dma_start3A_8 = arith.constant 0 : i32
    %dma_start3A_9 = tpu.memref_slice %arg7[%dma_start3A, %dma_start3A_1, %dma_start3A_8] : memref<3x8x64xi32, #tpu.memory_space<vmem>> -> memref<1x1x64xi32, #tpu.memory_space<vmem>>
    %dma_start3A_10 = tpu.memref_squeeze %dma_start3A_9 : memref<1x1x64xi32, #tpu.memory_space<vmem>> -> memref<64xi32, #tpu.memory_space<vmem>>
    %dma_start3A_11 = arith.constant 0 : i32
    %dma_start3A_12 = arith.constant 0 : i32
    %dma_start3A_13 = tpu.memref_slice %arg3[%dma_start3A_11, %dma_start3A_12] : memref<100000x128xf32, #tpu.memory_space<hbm>> -> memref<100000x128xf32, #tpu.memory_space<hbm>>
    %dma_start3A_14 = tpu.memref_slice %arg13[%dma_start3A_3] : memref<2x!tpu.dma_semaphore, #tpu.memory_space<semaphore_mem>> -> memref<1x!tpu.dma_semaphore, #tpu.memory_space<semaphore_mem>>
    %dma_start3A_15 = tpu.memref_squeeze %dma_start3A_14 : memref<1x!tpu.dma_semaphore, #tpu.memory_space<semaphore_mem>> -> memref<!tpu.dma_semaphore, #tpu.memory_space<semaphore_mem>>
    tpu.enqueue_indirect_dma source(%dma_start3A_13 : memref<100000x128xf32, #tpu.memory_space<hbm>>) target(%dma_start3A_7 : memref<64x128xf32, #tpu.memory_space<vmem>>) offsets(%dma_start3A_10 : memref<64xi32, #tpu.memory_space<vmem>>) semaphore(%dma_start3A_15 : memref<!tpu.dma_semaphore, #tpu.memory_space<semaphore_mem>>)
    %dma_start3A_16 = arith.constant 1 : i32
    %dma_start3A_17 = arith.constant 0 : i32
    %dma_start3A_18 = arith.constant 0 : i32
    %dma_start3A_19 = arith.constant 0 : i32
    %dma_start3A_20 = arith.constant 0 : i32
    %dma_start3A_21 = arith.constant 0 : i32
    %dma_start3A_22 = tpu.memref_slice %arg9[%dma_start3A_18, %dma_start3A_20, %dma_start3A_21] : memref<2x64x128xf32, #tpu.memory_space<vmem>> -> memref<1x64x128xf32, #tpu.memory_space<vmem>>
    %dma_start3A_23 = tpu.memref_squeeze %dma_start3A_22 : memref<1x64x128xf32, #tpu.memory_space<vmem>> -> memref<64x128xf32, #tpu.memory_space<vmem>>
    %dma_start3A_24 = arith.constant 0 : i32
    %dma_start3A_25 = tpu.memref_slice %arg7[%dma_start3A_16, %dma_start3A_17, %dma_start3A_24] : memref<3x8x64xi32, #tpu.memory_space<vmem>> -> memref<1x1x64xi32, #tpu.memory_space<vmem>>
    %dma_start3A_26 = tpu.memref_squeeze %dma_start3A_25 : memref<1x1x64xi32, #tpu.memory_space<vmem>> -> memref<64xi32, #tpu.memory_space<vmem>>
    %dma_start3A_27 = arith.constant 0 : i32
    %dma_start3A_28 = arith.constant 0 : i32
    %dma_start3A_29 = tpu.memref_slice %arg3[%dma_start3A_27, %dma_start3A_28] : memref<100000x128xf32, #tpu.memory_space<hbm>> -> memref<100000x128xf32, #tpu.memory_space<hbm>>
    %dma_start3A_30 = tpu.memref_slice %arg13[%dma_start3A_19] : memref<2x!tpu.dma_semaphore, #tpu.memory_space<semaphore_mem>> -> memref<1x!tpu.dma_semaphore, #tpu.memory_space<semaphore_mem>>
    %dma_start3A_31 = tpu.memref_squeeze %dma_start3A_30 : memref<1x!tpu.dma_semaphore, #tpu.memory_space<semaphore_mem>> -> memref<!tpu.dma_semaphore, #tpu.memory_space<semaphore_mem>>
    tpu.enqueue_indirect_dma source(%dma_start3A_29 : memref<100000x128xf32, #tpu.memory_space<hbm>>) target(%dma_start3A_23 : memref<64x128xf32, #tpu.memory_space<vmem>>) offsets(%dma_start3A_26 : memref<64xi32, #tpu.memory_space<vmem>>) semaphore(%dma_start3A_31 : memref<!tpu.dma_semaphore, #tpu.memory_space<semaphore_mem>>)
    %dma_start3A_32 = arith.constant 2 : i32
    %dma_start3A_33 = arith.constant 0 : i32
    %dma_start3A_34 = arith.constant 0 : i32
    %dma_start3A_35 = arith.constant 0 : i32
    %dma_start3A_36 = arith.constant 0 : i32
    %dma_start3A_37 = arith.constant 0 : i32
    %dma_start3A_38 = tpu.memref_slice %arg10[%dma_start3A_34, %dma_start3A_36, %dma_start3A_37] : memref<2x64x128xf32, #tpu.memory_space<vmem>> -> memref<1x64x128xf32, #tpu.memory_space<vmem>>
    %dma_start3A_39 = tpu.memref_squeeze %dma_start3A_38 : memref<1x64x128xf32, #tpu.memory_space<vmem>> -> memref<64x128xf32, #tpu.memory_space<vmem>>
    %dma_start3A_40 = arith.constant 0 : i32
    %dma_start3A_41 = tpu.memref_slice %arg7[%dma_start3A_32, %dma_start3A_33, %dma_start3A_40] : memref<3x8x64xi32, #tpu.memory_space<vmem>> -> memref<1x1x64xi32, #tpu.memory_space<vmem>>
    %dma_start3A_42 = tpu.memref_squeeze %dma_start3A_41 : memref<1x1x64xi32, #tpu.memory_space<vmem>> -> memref<64xi32, #tpu.memory_space<vmem>>
    %dma_start3A_43 = arith.constant 0 : i32
    %dma_start3A_44 = arith.constant 0 : i32
    %dma_start3A_45 = tpu.memref_slice %arg4[%dma_start3A_43, %dma_start3A_44] : memref<1000x128xf32, #tpu.memory_space<hbm>> -> memref<1000x128xf32, #tpu.memory_space<hbm>>
    %dma_start3A_46 = tpu.memref_slice %arg13[%dma_start3A_35] : memref<2x!tpu.dma_semaphore, #tpu.memory_space<semaphore_mem>> -> memref<1x!tpu.dma_semaphore, #tpu.memory_space<semaphore_mem>>
    %dma_start3A_47 = tpu.memref_squeeze %dma_start3A_46 : memref<1x!tpu.dma_semaphore, #tpu.memory_space<semaphore_mem>> -> memref<!tpu.dma_semaphore, #tpu.memory_space<semaphore_mem>>
    tpu.enqueue_indirect_dma source(%dma_start3A_45 : memref<1000x128xf32, #tpu.memory_space<hbm>>) target(%dma_start3A_39 : memref<64x128xf32, #tpu.memory_space<vmem>>) offsets(%dma_start3A_42 : memref<64xi32, #tpu.memory_space<vmem>>) semaphore(%dma_start3A_47 : memref<!tpu.dma_semaphore, #tpu.memory_space<semaphore_mem>>)
    %dma_start3A_48 = arith.constant 2 : i32
    %dma_start3A_49 = arith.constant 0 : i32
    %dma_start3A_50 = arith.constant 0 : i32
    %dma_start3A_51 = arith.constant 0 : i32
    %dma_start3A_52 = arith.constant 0 : i32
    %dma_start3A_53 = arith.constant 0 : i32
    %dma_start3A_54 = tpu.memref_slice %arg11[%dma_start3A_50, %dma_start3A_52, %dma_start3A_53] : memref<2x64x128xf32, #tpu.memory_space<vmem>> -> memref<1x64x128xf32, #tpu.memory_space<vmem>>
    %dma_start3A_55 = tpu.memref_squeeze %dma_start3A_54 : memref<1x64x128xf32, #tpu.memory_space<vmem>> -> memref<64x128xf32, #tpu.memory_space<vmem>>
    %dma_start3A_56 = arith.constant 0 : i32
    %dma_start3A_57 = tpu.memref_slice %arg7[%dma_start3A_48, %dma_start3A_49, %dma_start3A_56] : memref<3x8x64xi32, #tpu.memory_space<vmem>> -> memref<1x1x64xi32, #tpu.memory_space<vmem>>
    %dma_start3A_58 = tpu.memref_squeeze %dma_start3A_57 : memref<1x1x64xi32, #tpu.memory_space<vmem>> -> memref<64xi32, #tpu.memory_space<vmem>>
    %dma_start3A_59 = arith.constant 0 : i32
    %dma_start3A_60 = arith.constant 0 : i32
    %dma_start3A_61 = tpu.memref_slice %arg5[%dma_start3A_59, %dma_start3A_60] : memref<1000x128xf32, #tpu.memory_space<hbm>> -> memref<1000x128xf32, #tpu.memory_space<hbm>>
    %dma_start3A_62 = tpu.memref_slice %arg13[%dma_start3A_51] : memref<2x!tpu.dma_semaphore, #tpu.memory_space<semaphore_mem>> -> memref<1x!tpu.dma_semaphore, #tpu.memory_space<semaphore_mem>>
    %dma_start3A_63 = tpu.memref_squeeze %dma_start3A_62 : memref<1x!tpu.dma_semaphore, #tpu.memory_space<semaphore_mem>> -> memref<!tpu.dma_semaphore, #tpu.memory_space<semaphore_mem>>
    tpu.enqueue_indirect_dma source(%dma_start3A_61 : memref<1000x128xf32, #tpu.memory_space<hbm>>) target(%dma_start3A_55 : memref<64x128xf32, #tpu.memory_space<vmem>>) offsets(%dma_start3A_58 : memref<64xi32, #tpu.memory_space<vmem>>) semaphore(%dma_start3A_63 : memref<!tpu.dma_semaphore, #tpu.memory_space<semaphore_mem>>)
    %scan3A = arith.constant 0 : i32
    %scan3A_64 = arith.constant 0 : i32
    %scan3A_65 = arith.constant 8 : i32
    %scan3A_66 = arith.addi %scan3A_64, %scan3A_65 : i32
    %scan3A_67 = arith.constant 1 : i32
    scf.for %scan3A_71 = %scan3A_64 to %scan3A_66 step %scan3A_67  : i32 {
      %add3A_72 = arith.constant 1 : i32
      %add3A_73 = arith.addi %scan3A_71, %add3A_72 : i32
      %lt3A = arith.constant 8 : i32
      %lt3A_74 = arith.cmpi slt, %add3A_73, %lt3A : i32
      %convert_element_type3A = arith.extui %lt3A_74 : i1 to i32
      %cond3A = arith.constant 0 : i32
      %cond3A_75 = arith.cmpi ne, %convert_element_type3A, %cond3A : i32
      scf.if %cond3A_75 {
        %add3A_171 = arith.constant 1 : i32
        %add3A_172 = arith.addi %scan3A_71, %add3A_171 : i32
        %jit3A_173 = arith.constant 2 : i32
        %eq3A_174 = arith.constant 0 : i32
        %eq3A_175 = arith.cmpi eq, %jit3A_173, %eq3A_174 : i32
        %jit3A_176 = arith.constant 1 : i32
        %select_n3A_177 = arith.select %eq3A_175, %jit3A_176, %jit3A_173 : i32
        %rem3A_178 = arith.remsi %add3A_172, %select_n3A_177 : i32
        %ne3A_179 = arith.constant 0 : i32
        %ne3A_180 = arith.cmpi ne, %rem3A_178, %ne3A_179 : i32
        %lt3A_181 = arith.constant 0 : i32
        %lt3A_182 = arith.cmpi slt, %rem3A_178, %lt3A_181 : i32
        %lt3A_183 = arith.constant 0 : i32
        %lt3A_184 = arith.cmpi slt, %select_n3A_177, %lt3A_183 : i32
        %ne3A_185 = arith.xori %lt3A_182, %lt3A_184 : i1
        %and3A_186 = arith.andi %ne3A_185, %ne3A_180 : i1
        %add3A_187 = arith.addi %rem3A_178, %select_n3A_177 : i32
        %select_n3A_188 = arith.select %and3A_186, %add3A_187, %rem3A_178 : i32
        %dma_start3A_189 = arith.constant 0 : i32
        %dma_start3A_190 = arith.constant 0 : i32
        %dma_start3A_191 = arith.constant 0 : i32
        %dma_start3A_192 = tpu.memref_slice %arg8[%select_n3A_188, %dma_start3A_190, %dma_start3A_191] : memref<2x64x128xf32, #tpu.memory_space<vmem>> -> memref<1x64x128xf32, #tpu.memory_space<vmem>>
        %dma_start3A_193 = tpu.memref_squeeze %dma_start3A_192 : memref<1x64x128xf32, #tpu.memory_space<vmem>> -> memref<64x128xf32, #tpu.memory_space<vmem>>
        %dma_start3A_194 = arith.constant 0 : i32
        %dma_start3A_195 = tpu.memref_slice %arg7[%dma_start3A_189, %add3A_172, %dma_start3A_194] : memref<3x8x64xi32, #tpu.memory_space<vmem>> -> memref<1x1x64xi32, #tpu.memory_space<vmem>>
        %dma_start3A_196 = tpu.memref_squeeze %dma_start3A_195 : memref<1x1x64xi32, #tpu.memory_space<vmem>> -> memref<64xi32, #tpu.memory_space<vmem>>
        %dma_start3A_197 = arith.constant 0 : i32
        %dma_start3A_198 = arith.constant 0 : i32
        %dma_start3A_199 = tpu.memref_slice %arg3[%dma_start3A_197, %dma_start3A_198] : memref<100000x128xf32, #tpu.memory_space<hbm>> -> memref<100000x128xf32, #tpu.memory_space<hbm>>
        %dma_start3A_200 = tpu.memref_slice %arg13[%select_n3A_188] : memref<2x!tpu.dma_semaphore, #tpu.memory_space<semaphore_mem>> -> memref<1x!tpu.dma_semaphore, #tpu.memory_space<semaphore_mem>>
        %dma_start3A_201 = tpu.memref_squeeze %dma_start3A_200 : memref<1x!tpu.dma_semaphore, #tpu.memory_space<semaphore_mem>> -> memref<!tpu.dma_semaphore, #tpu.memory_space<semaphore_mem>>
        tpu.enqueue_indirect_dma source(%dma_start3A_199 : memref<100000x128xf32, #tpu.memory_space<hbm>>) target(%dma_start3A_193 : memref<64x128xf32, #tpu.memory_space<vmem>>) offsets(%dma_start3A_196 : memref<64xi32, #tpu.memory_space<vmem>>) semaphore(%dma_start3A_201 : memref<!tpu.dma_semaphore, #tpu.memory_space<semaphore_mem>>)
        %dma_start3A_202 = arith.constant 1 : i32
        %dma_start3A_203 = arith.constant 0 : i32
        %dma_start3A_204 = arith.constant 0 : i32
        %dma_start3A_205 = tpu.memref_slice %arg9[%select_n3A_188, %dma_start3A_203, %dma_start3A_204] : memref<2x64x128xf32, #tpu.memory_space<vmem>> -> memref<1x64x128xf32, #tpu.memory_space<vmem>>
        %dma_start3A_206 = tpu.memref_squeeze %dma_start3A_205 : memref<1x64x128xf32, #tpu.memory_space<vmem>> -> memref<64x128xf32, #tpu.memory_space<vmem>>
        %dma_start3A_207 = arith.constant 0 : i32
        %dma_start3A_208 = tpu.memref_slice %arg7[%dma_start3A_202, %add3A_172, %dma_start3A_207] : memref<3x8x64xi32, #tpu.memory_space<vmem>> -> memref<1x1x64xi32, #tpu.memory_space<vmem>>
        %dma_start3A_209 = tpu.memref_squeeze %dma_start3A_208 : memref<1x1x64xi32, #tpu.memory_space<vmem>> -> memref<64xi32, #tpu.memory_space<vmem>>
        %dma_start3A_210 = arith.constant 0 : i32
        %dma_start3A_211 = arith.constant 0 : i32
        %dma_start3A_212 = tpu.memref_slice %arg3[%dma_start3A_210, %dma_start3A_211] : memref<100000x128xf32, #tpu.memory_space<hbm>> -> memref<100000x128xf32, #tpu.memory_space<hbm>>
        %dma_start3A_213 = tpu.memref_slice %arg13[%select_n3A_188] : memref<2x!tpu.dma_semaphore, #tpu.memory_space<semaphore_mem>> -> memref<1x!tpu.dma_semaphore, #tpu.memory_space<semaphore_mem>>
        %dma_start3A_214 = tpu.memref_squeeze %dma_start3A_213 : memref<1x!tpu.dma_semaphore, #tpu.memory_space<semaphore_mem>> -> memref<!tpu.dma_semaphore, #tpu.memory_space<semaphore_mem>>
        tpu.enqueue_indirect_dma source(%dma_start3A_212 : memref<100000x128xf32, #tpu.memory_space<hbm>>) target(%dma_start3A_206 : memref<64x128xf32, #tpu.memory_space<vmem>>) offsets(%dma_start3A_209 : memref<64xi32, #tpu.memory_space<vmem>>) semaphore(%dma_start3A_214 : memref<!tpu.dma_semaphore, #tpu.memory_space<semaphore_mem>>)
        %dma_start3A_215 = arith.constant 2 : i32
        %dma_start3A_216 = arith.constant 0 : i32
        %dma_start3A_217 = arith.constant 0 : i32
        %dma_start3A_218 = tpu.memref_slice %arg10[%select_n3A_188, %dma_start3A_216, %dma_start3A_217] : memref<2x64x128xf32, #tpu.memory_space<vmem>> -> memref<1x64x128xf32, #tpu.memory_space<vmem>>
        %dma_start3A_219 = tpu.memref_squeeze %dma_start3A_218 : memref<1x64x128xf32, #tpu.memory_space<vmem>> -> memref<64x128xf32, #tpu.memory_space<vmem>>
        %dma_start3A_220 = arith.constant 0 : i32
        %dma_start3A_221 = tpu.memref_slice %arg7[%dma_start3A_215, %add3A_172, %dma_start3A_220] : memref<3x8x64xi32, #tpu.memory_space<vmem>> -> memref<1x1x64xi32, #tpu.memory_space<vmem>>
        %dma_start3A_222 = tpu.memref_squeeze %dma_start3A_221 : memref<1x1x64xi32, #tpu.memory_space<vmem>> -> memref<64xi32, #tpu.memory_space<vmem>>
        %dma_start3A_223 = arith.constant 0 : i32
        %dma_start3A_224 = arith.constant 0 : i32
        %dma_start3A_225 = tpu.memref_slice %arg4[%dma_start3A_223, %dma_start3A_224] : memref<1000x128xf32, #tpu.memory_space<hbm>> -> memref<1000x128xf32, #tpu.memory_space<hbm>>
        %dma_start3A_226 = tpu.memref_slice %arg13[%select_n3A_188] : memref<2x!tpu.dma_semaphore, #tpu.memory_space<semaphore_mem>> -> memref<1x!tpu.dma_semaphore, #tpu.memory_space<semaphore_mem>>
        %dma_start3A_227 = tpu.memref_squeeze %dma_start3A_226 : memref<1x!tpu.dma_semaphore, #tpu.memory_space<semaphore_mem>> -> memref<!tpu.dma_semaphore, #tpu.memory_space<semaphore_mem>>
        tpu.enqueue_indirect_dma source(%dma_start3A_225 : memref<1000x128xf32, #tpu.memory_space<hbm>>) target(%dma_start3A_219 : memref<64x128xf32, #tpu.memory_space<vmem>>) offsets(%dma_start3A_222 : memref<64xi32, #tpu.memory_space<vmem>>) semaphore(%dma_start3A_227 : memref<!tpu.dma_semaphore, #tpu.memory_space<semaphore_mem>>)
        %dma_start3A_228 = arith.constant 2 : i32
        %dma_start3A_229 = arith.constant 0 : i32
        %dma_start3A_230 = arith.constant 0 : i32
        %dma_start3A_231 = tpu.memref_slice %arg11[%select_n3A_188, %dma_start3A_229, %dma_start3A_230] : memref<2x64x128xf32, #tpu.memory_space<vmem>> -> memref<1x64x128xf32, #tpu.memory_space<vmem>>
        %dma_start3A_232 = tpu.memref_squeeze %dma_start3A_231 : memref<1x64x128xf32, #tpu.memory_space<vmem>> -> memref<64x128xf32, #tpu.memory_space<vmem>>
        %dma_start3A_233 = arith.constant 0 : i32
        %dma_start3A_234 = tpu.memref_slice %arg7[%dma_start3A_228, %add3A_172, %dma_start3A_233] : memref<3x8x64xi32, #tpu.memory_space<vmem>> -> memref<1x1x64xi32, #tpu.memory_space<vmem>>
        %dma_start3A_235 = tpu.memref_squeeze %dma_start3A_234 : memref<1x1x64xi32, #tpu.memory_space<vmem>> -> memref<64xi32, #tpu.memory_space<vmem>>
        %dma_start3A_236 = arith.constant 0 : i32
        %dma_start3A_237 = arith.constant 0 : i32
        %dma_start3A_238 = tpu.memref_slice %arg5[%dma_start3A_236, %dma_start3A_237] : memref<1000x128xf32, #tpu.memory_space<hbm>> -> memref<1000x128xf32, #tpu.memory_space<hbm>>
        %dma_start3A_239 = tpu.memref_slice %arg13[%select_n3A_188] : memref<2x!tpu.dma_semaphore, #tpu.memory_space<semaphore_mem>> -> memref<1x!tpu.dma_semaphore, #tpu.memory_space<semaphore_mem>>
        %dma_start3A_240 = tpu.memref_squeeze %dma_start3A_239 : memref<1x!tpu.dma_semaphore, #tpu.memory_space<semaphore_mem>> -> memref<!tpu.dma_semaphore, #tpu.memory_space<semaphore_mem>>
        tpu.enqueue_indirect_dma source(%dma_start3A_238 : memref<1000x128xf32, #tpu.memory_space<hbm>>) target(%dma_start3A_232 : memref<64x128xf32, #tpu.memory_space<vmem>>) offsets(%dma_start3A_235 : memref<64xi32, #tpu.memory_space<vmem>>) semaphore(%dma_start3A_240 : memref<!tpu.dma_semaphore, #tpu.memory_space<semaphore_mem>>)
      } else {
      }
      %jit3A = arith.constant 2 : i32
      %eq3A = arith.constant 0 : i32
      %eq3A_76 = arith.cmpi eq, %jit3A, %eq3A : i32
      %jit3A_77 = arith.constant 1 : i32
      %select_n3A = arith.select %eq3A_76, %jit3A_77, %jit3A : i32
      %rem3A = arith.remsi %scan3A_71, %select_n3A : i32
      %ne3A = arith.constant 0 : i32
      %ne3A_78 = arith.cmpi ne, %rem3A, %ne3A : i32
      %lt3A_79 = arith.constant 0 : i32
      %lt3A_80 = arith.cmpi slt, %rem3A, %lt3A_79 : i32
      %lt3A_81 = arith.constant 0 : i32
      %lt3A_82 = arith.cmpi slt, %select_n3A, %lt3A_81 : i32
      %ne3A_83 = arith.xori %lt3A_80, %lt3A_82 : i1
      %and3A = arith.andi %ne3A_83, %ne3A_78 : i1
      %add3A_84 = arith.addi %rem3A, %select_n3A : i32
      %select_n3A_85 = arith.select %and3A, %add3A_84, %rem3A : i32
      %dma_wait3A = arith.constant 0 : i32
      %dma_wait3A_86 = arith.constant 0 : i32
      %dma_wait3A_87 = tpu.memref_slice %arg8[%select_n3A_85, %dma_wait3A, %dma_wait3A_86] : memref<2x64x128xf32, #tpu.memory_space<vmem>> -> memref<1x64x128xf32, #tpu.memory_space<vmem>>
      %dma_wait3A_88 = tpu.memref_squeeze %dma_wait3A_87 : memref<1x64x128xf32, #tpu.memory_space<vmem>> -> memref<64x128xf32, #tpu.memory_space<vmem>>
      %dma_wait3A_89 = arith.constant 0 : i32
      %dma_wait3A_90 = arith.constant 0 : i32
      %dma_wait3A_91 = tpu.memref_slice %arg3[%dma_wait3A_89, %dma_wait3A_90] : memref<100000x128xf32, #tpu.memory_space<hbm>> -> memref<64x128xf32, #tpu.memory_space<hbm>>
      %dma_wait3A_92 = tpu.memref_slice %arg13[%select_n3A_85] : memref<2x!tpu.dma_semaphore, #tpu.memory_space<semaphore_mem>> -> memref<1x!tpu.dma_semaphore, #tpu.memory_space<semaphore_mem>>
      %dma_wait3A_93 = tpu.memref_squeeze %dma_wait3A_92 : memref<1x!tpu.dma_semaphore, #tpu.memory_space<semaphore_mem>> -> memref<!tpu.dma_semaphore, #tpu.memory_space<semaphore_mem>>
      %dma_wait3A_94 = arith.constant 0 : i32
      %dma_wait3A_95 = arith.constant 0 : i32
      %dma_wait3A_96 = tpu.memref_slice %arg8[%select_n3A_85, %dma_wait3A_94, %dma_wait3A_95] : memref<2x64x128xf32, #tpu.memory_space<vmem>> -> memref<1x64x128xf32, #tpu.memory_space<vmem>>
      %dma_wait3A_97 = tpu.memref_squeeze %dma_wait3A_96 : memref<1x64x128xf32, #tpu.memory_space<vmem>> -> memref<64x128xf32, #tpu.memory_space<vmem>>
      %dma_wait3A_98 = arith.constant 0 : i32
      %dma_wait3A_99 = arith.constant 0 : i32
      %dma_wait3A_100 = tpu.memref_slice %arg3[%dma_wait3A_98, %dma_wait3A_99] : memref<100000x128xf32, #tpu.memory_space<hbm>> -> memref<64x128xf32, #tpu.memory_space<hbm>>
      tpu.wait_dma2 semaphore(%dma_wait3A_93 : memref<!tpu.dma_semaphore, #tpu.memory_space<semaphore_mem>>) src(%dma_wait3A_100 : memref<64x128xf32, #tpu.memory_space<hbm>>) dst(%dma_wait3A_97 : memref<64x128xf32, #tpu.memory_space<vmem>>)
      %dma_wait3A_101 = arith.constant 0 : i32
      %dma_wait3A_102 = arith.constant 0 : i32
      %dma_wait3A_103 = tpu.memref_slice %arg9[%select_n3A_85, %dma_wait3A_101, %dma_wait3A_102] : memref<2x64x128xf32, #tpu.memory_space<vmem>> -> memref<1x64x128xf32, #tpu.memory_space<vmem>>
      %dma_wait3A_104 = tpu.memref_squeeze %dma_wait3A_103 : memref<1x64x128xf32, #tpu.memory_space<vmem>> -> memref<64x128xf32, #tpu.memory_space<vmem>>
      %dma_wait3A_105 = arith.constant 0 : i32
      %dma_wait3A_106 = arith.constant 0 : i32
      %dma_wait3A_107 = tpu.memref_slice %arg3[%dma_wait3A_105, %dma_wait3A_106] : memref<100000x128xf32, #tpu.memory_space<hbm>> -> memref<64x128xf32, #tpu.memory_space<hbm>>
      %dma_wait3A_108 = tpu.memref_slice %arg13[%select_n3A_85] : memref<2x!tpu.dma_semaphore, #tpu.memory_space<semaphore_mem>> -> memref<1x!tpu.dma_semaphore, #tpu.memory_space<semaphore_mem>>
      %dma_wait3A_109 = tpu.memref_squeeze %dma_wait3A_108 : memref<1x!tpu.dma_semaphore, #tpu.memory_space<semaphore_mem>> -> memref<!tpu.dma_semaphore, #tpu.memory_space<semaphore_mem>>
      %dma_wait3A_110 = arith.constant 0 : i32
      %dma_wait3A_111 = arith.constant 0 : i32
      %dma_wait3A_112 = tpu.memref_slice %arg9[%select_n3A_85, %dma_wait3A_110, %dma_wait3A_111] : memref<2x64x128xf32, #tpu.memory_space<vmem>> -> memref<1x64x128xf32, #tpu.memory_space<vmem>>
      %dma_wait3A_113 = tpu.memref_squeeze %dma_wait3A_112 : memref<1x64x128xf32, #tpu.memory_space<vmem>> -> memref<64x128xf32, #tpu.memory_space<vmem>>
      %dma_wait3A_114 = arith.constant 0 : i32
      %dma_wait3A_115 = arith.constant 0 : i32
      %dma_wait3A_116 = tpu.memref_slice %arg3[%dma_wait3A_114, %dma_wait3A_115] : memref<100000x128xf32, #tpu.memory_space<hbm>> -> memref<64x128xf32, #tpu.memory_space<hbm>>
      tpu.wait_dma2 semaphore(%dma_wait3A_109 : memref<!tpu.dma_semaphore, #tpu.memory_space<semaphore_mem>>) src(%dma_wait3A_116 : memref<64x128xf32, #tpu.memory_space<hbm>>) dst(%dma_wait3A_113 : memref<64x128xf32, #tpu.memory_space<vmem>>)
      %dma_wait3A_117 = arith.constant 0 : i32
      %dma_wait3A_118 = arith.constant 0 : i32
      %dma_wait3A_119 = tpu.memref_slice %arg10[%select_n3A_85, %dma_wait3A_117, %dma_wait3A_118] : memref<2x64x128xf32, #tpu.memory_space<vmem>> -> memref<1x64x128xf32, #tpu.memory_space<vmem>>
      %dma_wait3A_120 = tpu.memref_squeeze %dma_wait3A_119 : memref<1x64x128xf32, #tpu.memory_space<vmem>> -> memref<64x128xf32, #tpu.memory_space<vmem>>
      %dma_wait3A_121 = arith.constant 0 : i32
      %dma_wait3A_122 = arith.constant 0 : i32
      %dma_wait3A_123 = tpu.memref_slice %arg3[%dma_wait3A_121, %dma_wait3A_122] : memref<100000x128xf32, #tpu.memory_space<hbm>> -> memref<64x128xf32, #tpu.memory_space<hbm>>
      %dma_wait3A_124 = tpu.memref_slice %arg13[%select_n3A_85] : memref<2x!tpu.dma_semaphore, #tpu.memory_space<semaphore_mem>> -> memref<1x!tpu.dma_semaphore, #tpu.memory_space<semaphore_mem>>
      %dma_wait3A_125 = tpu.memref_squeeze %dma_wait3A_124 : memref<1x!tpu.dma_semaphore, #tpu.memory_space<semaphore_mem>> -> memref<!tpu.dma_semaphore, #tpu.memory_space<semaphore_mem>>
      %dma_wait3A_126 = arith.constant 0 : i32
      %dma_wait3A_127 = arith.constant 0 : i32
      %dma_wait3A_128 = tpu.memref_slice %arg10[%select_n3A_85, %dma_wait3A_126, %dma_wait3A_127] : memref<2x64x128xf32, #tpu.memory_space<vmem>> -> memref<1x64x128xf32, #tpu.memory_space<vmem>>
      %dma_wait3A_129 = tpu.memref_squeeze %dma_wait3A_128 : memref<1x64x128xf32, #tpu.memory_space<vmem>> -> memref<64x128xf32, #tpu.memory_space<vmem>>
      %dma_wait3A_130 = arith.constant 0 : i32
      %dma_wait3A_131 = arith.constant 0 : i32
      %dma_wait3A_132 = tpu.memref_slice %arg3[%dma_wait3A_130, %dma_wait3A_131] : memref<100000x128xf32, #tpu.memory_space<hbm>> -> memref<64x128xf32, #tpu.memory_space<hbm>>
      tpu.wait_dma2 semaphore(%dma_wait3A_125 : memref<!tpu.dma_semaphore, #tpu.memory_space<semaphore_mem>>) src(%dma_wait3A_132 : memref<64x128xf32, #tpu.memory_space<hbm>>) dst(%dma_wait3A_129 : memref<64x128xf32, #tpu.memory_space<vmem>>)
      %dma_wait3A_133 = arith.constant 0 : i32
      %dma_wait3A_134 = arith.constant 0 : i32
      %dma_wait3A_135 = tpu.memref_slice %arg11[%select_n3A_85, %dma_wait3A_133, %dma_wait3A_134] : memref<2x64x128xf32, #tpu.memory_space<vmem>> -> memref<1x64x128xf32, #tpu.memory_space<vmem>>
      %dma_wait3A_136 = tpu.memref_squeeze %dma_wait3A_135 : memref<1x64x128xf32, #tpu.memory_space<vmem>> -> memref<64x128xf32, #tpu.memory_space<vmem>>
      %dma_wait3A_137 = arith.constant 0 : i32
      %dma_wait3A_138 = arith.constant 0 : i32
      %dma_wait3A_139 = tpu.memref_slice %arg3[%dma_wait3A_137, %dma_wait3A_138] : memref<100000x128xf32, #tpu.memory_space<hbm>> -> memref<64x128xf32, #tpu.memory_space<hbm>>
      %dma_wait3A_140 = tpu.memref_slice %arg13[%select_n3A_85] : memref<2x!tpu.dma_semaphore, #tpu.memory_space<semaphore_mem>> -> memref<1x!tpu.dma_semaphore, #tpu.memory_space<semaphore_mem>>
      %dma_wait3A_141 = tpu.memref_squeeze %dma_wait3A_140 : memref<1x!tpu.dma_semaphore, #tpu.memory_space<semaphore_mem>> -> memref<!tpu.dma_semaphore, #tpu.memory_space<semaphore_mem>>
      %dma_wait3A_142 = arith.constant 0 : i32
      %dma_wait3A_143 = arith.constant 0 : i32
      %dma_wait3A_144 = tpu.memref_slice %arg11[%select_n3A_85, %dma_wait3A_142, %dma_wait3A_143] : memref<2x64x128xf32, #tpu.memory_space<vmem>> -> memref<1x64x128xf32, #tpu.memory_space<vmem>>
      %dma_wait3A_145 = tpu.memref_squeeze %dma_wait3A_144 : memref<1x64x128xf32, #tpu.memory_space<vmem>> -> memref<64x128xf32, #tpu.memory_space<vmem>>
      %dma_wait3A_146 = arith.constant 0 : i32
      %dma_wait3A_147 = arith.constant 0 : i32
      %dma_wait3A_148 = tpu.memref_slice %arg3[%dma_wait3A_146, %dma_wait3A_147] : memref<100000x128xf32, #tpu.memory_space<hbm>> -> memref<64x128xf32, #tpu.memory_space<hbm>>
      tpu.wait_dma2 semaphore(%dma_wait3A_141 : memref<!tpu.dma_semaphore, #tpu.memory_space<semaphore_mem>>) src(%dma_wait3A_148 : memref<64x128xf32, #tpu.memory_space<hbm>>) dst(%dma_wait3A_145 : memref<64x128xf32, #tpu.memory_space<vmem>>)
      %jit3A_149 = arith.constant 2 : i32
      %eq3A_150 = arith.constant 0 : i32
      %eq3A_151 = arith.cmpi eq, %jit3A_149, %eq3A_150 : i32
      %jit3A_152 = arith.constant 1 : i32
      %select_n3A_153 = arith.select %eq3A_151, %jit3A_152, %jit3A_149 : i32
      %rem3A_154 = arith.remsi %scan3A_71, %select_n3A_153 : i32
      %ne3A_155 = arith.constant 0 : i32
      %ne3A_156 = arith.cmpi ne, %rem3A_154, %ne3A_155 : i32
      %lt3A_157 = arith.constant 0 : i32
      %lt3A_158 = arith.cmpi slt, %rem3A_154, %lt3A_157 : i32
      %lt3A_159 = arith.constant 0 : i32
      %lt3A_160 = arith.cmpi slt, %select_n3A_153, %lt3A_159 : i32
      %ne3A_161 = arith.xori %lt3A_158, %lt3A_160 : i1
      %and3A_162 = arith.andi %ne3A_161, %ne3A_156 : i1
      %add3A_163 = arith.addi %rem3A_154, %select_n3A_153 : i32
      %select_n3A_164 = arith.select %and3A_162, %add3A_163, %rem3A_154 : i32
      %scan3A_165 = arith.constant 0 : i32
      %scan3A_166 = arith.constant 0 : i32
      %scan3A_167 = arith.constant 4 : i32
      %scan3A_168 = arith.addi %scan3A_166, %scan3A_167 : i32
      %scan3A_169 = arith.constant 1 : i32
      scf.for %scan3A_171 = %scan3A_166 to %scan3A_168 step %scan3A_169  : i32 {
        %broadcast_in_dim3A = arith.constant 0.000000e+00 : f32
        %broadcast_in_dim3A_172 = vector.broadcast %broadcast_in_dim3A : f32 to vector<16xf32>
        %mul3A_173 = arith.constant 16 : i32
        %mul3A_174 = arith.muli %scan3A_171, %mul3A_173 : i32
        %add3A_175 = arith.constant 0 : i32
        %add3A_176 = arith.addi %mul3A_174, %add3A_175 : i32
        %broadcast_in_dim3A_177 = arith.constant 0.000000e+00 : f32
        %broadcast_in_dim3A_178 = vector.broadcast %broadcast_in_dim3A_177 : f32 to vector<16xf32>
        %broadcast_in_dim3A_179 = arith.constant 0.000000e+00 : f32
        %broadcast_in_dim3A_180 = vector.broadcast %broadcast_in_dim3A_179 : f32 to vector<16xf32>
        %get3A = arith.index_cast %select_n3A_164 : i32 to index
        %get3A_181 = arith.index_cast %add3A_176 : i32 to index
        %get3A_182 = arith.constant 0 : index
        %get3A_183 = tpu.vector_load %arg8[%get3A, %get3A_181, %get3A_182] {strides = array<i32>} : memref<2x64x128xf32, #tpu.memory_space<vmem>>, vector<16xf32>,
        %get3A_184 = arith.index_cast %select_n3A_164 : i32 to index
        %get3A_185 = arith.index_cast %add3A_176 : i32 to index
        %get3A_186 = arith.constant 0 : index
        %get3A_187 = tpu.vector_load %arg9[%get3A_184, %get3A_185, %get3A_186] {strides = array<i32>} : memref<2x64x128xf32, #tpu.memory_space<vmem>>, vector<16xf32>,
        %sub3A = arith.subf %get3A_183, %get3A_187 : vector<16xf32>
        %get3A_188 = arith.index_cast %select_n3A_164 : i32 to index
        %get3A_189 = arith.index_cast %add3A_176 : i32 to index
        %get3A_190 = arith.constant 0 : index
        %get3A_191 = tpu.vector_load %arg11[%get3A_188, %get3A_189, %get3A_190] {strides = array<i32>} : memref<2x64x128xf32, #tpu.memory_space<vmem>>, vector<16xf32>,
        %mul3A_192 = arith.mulf %sub3A, %get3A_191 : vector<16xf32>
        %add3A_193 = arith.addf %broadcast_in_dim3A_178, %mul3A_192 : vector<16xf32>
        %mul3A_194 = arith.mulf %get3A_191, %get3A_191 : vector<16xf32>
        %add3A_195 = arith.addf %broadcast_in_dim3A_180, %mul3A_194 : vector<16xf32>
        %get3A_196 = arith.index_cast %select_n3A_164 : i32 to index
        %get3A_197 = arith.index_cast %add3A_176 : i32 to index
        %get3A_198 = arith.constant 16 : index
        %get3A_199 = tpu.vector_load %arg8[%get3A_196, %get3A_197, %get3A_198] {strides = array<i32>} : memref<2x64x128xf32, #tpu.memory_space<vmem>>, vector<16xf32>,
        %get3A_200 = arith.index_cast %select_n3A_164 : i32 to index
        %get3A_201 = arith.index_cast %add3A_176 : i32 to index
        %get3A_202 = arith.constant 16 : index
        %get3A_203 = tpu.vector_load %arg9[%get3A_200, %get3A_201, %get3A_202] {strides = array<i32>} : memref<2x64x128xf32, #tpu.memory_space<vmem>>, vector<16xf32>,
        %sub3A_204 = arith.subf %get3A_199, %get3A_203 : vector<16xf32>
        %get3A_205 = arith.index_cast %select_n3A_164 : i32 to index
        %get3A_206 = arith.index_cast %add3A_176 : i32 to index
        %get3A_207 = arith.constant 16 : index
        %get3A_208 = tpu.vector_load %arg11[%get3A_205, %get3A_206, %get3A_207] {strides = array<i32>} : memref<2x64x128xf32, #tpu.memory_space<vmem>>, vector<16xf32>,
        %mul3A_209 = arith.mulf %sub3A_204, %get3A_208 : vector<16xf32>
        %add3A_210 = arith.addf %add3A_193, %mul3A_209 : vector<16xf32>
        %mul3A_211 = arith.mulf %get3A_208, %get3A_208 : vector<16xf32>
        %add3A_212 = arith.addf %add3A_195, %mul3A_211 : vector<16xf32>
        %get3A_213 = arith.index_cast %select_n3A_164 : i32 to index
        %get3A_214 = arith.index_cast %add3A_176 : i32 to index
        %get3A_215 = arith.constant 32 : index
        %get3A_216 = tpu.vector_load %arg8[%get3A_213, %get3A_214, %get3A_215] {strides = array<i32>} : memref<2x64x128xf32, #tpu.memory_space<vmem>>, vector<16xf32>,
        %get3A_217 = arith.index_cast %select_n3A_164 : i32 to index
        %get3A_218 = arith.index_cast %add3A_176 : i32 to index
        %get3A_219 = arith.constant 32 : index
        %get3A_220 = tpu.vector_load %arg9[%get3A_217, %get3A_218, %get3A_219] {strides = array<i32>} : memref<2x64x128xf32, #tpu.memory_space<vmem>>, vector<16xf32>,
        %sub3A_221 = arith.subf %get3A_216, %get3A_220 : vector<16xf32>
        %get3A_222 = arith.index_cast %select_n3A_164 : i32 to index
        %get3A_223 = arith.index_cast %add3A_176 : i32 to index
        %get3A_224 = arith.constant 32 : index
        %get3A_225 = tpu.vector_load %arg11[%get3A_222, %get3A_223, %get3A_224] {strides = array<i32>} : memref<2x64x128xf32, #tpu.memory_space<vmem>>, vector<16xf32>,
        %mul3A_226 = arith.mulf %sub3A_221, %get3A_225 : vector<16xf32>
        %add3A_227 = arith.addf %add3A_210, %mul3A_226 : vector<16xf32>
        %mul3A_228 = arith.mulf %get3A_225, %get3A_225 : vector<16xf32>
        %add3A_229 = arith.addf %add3A_212, %mul3A_228 : vector<16xf32>
        %get3A_230 = arith.index_cast %select_n3A_164 : i32 to index
        %get3A_231 = arith.index_cast %add3A_176 : i32 to index
        %get3A_232 = arith.constant 48 : index
        %get3A_233 = tpu.vector_load %arg8[%get3A_230, %get3A_231, %get3A_232] {strides = array<i32>} : memref<2x64x128xf32, #tpu.memory_space<vmem>>, vector<16xf32>,
        %get3A_234 = arith.index_cast %select_n3A_164 : i32 to index
        %get3A_235 = arith.index_cast %add3A_176 : i32 to index
        %get3A_236 = arith.constant 48 : index
        %get3A_237 = tpu.vector_load %arg9[%get3A_234, %get3A_235, %get3A_236] {strides = array<i32>} : memref<2x64x128xf32, #tpu.memory_space<vmem>>, vector<16xf32>,
        %sub3A_238 = arith.subf %get3A_233, %get3A_237 : vector<16xf32>
        %get3A_239 = arith.index_cast %select_n3A_164 : i32 to index
        %get3A_240 = arith.index_cast %add3A_176 : i32 to index
        %get3A_241 = arith.constant 48 : index
        %get3A_242 = tpu.vector_load %arg11[%get3A_239, %get3A_240, %get3A_241] {strides = array<i32>} : memref<2x64x128xf32, #tpu.memory_space<vmem>>, vector<16xf32>,
        %mul3A_243 = arith.mulf %sub3A_238, %get3A_242 : vector<16xf32>
        %add3A_244 = arith.addf %add3A_227, %mul3A_243 : vector<16xf32>
        %mul3A_245 = arith.mulf %get3A_242, %get3A_242 : vector<16xf32>
        %add3A_246 = arith.addf %add3A_229, %mul3A_245 : vector<16xf32>
        %get3A_247 = arith.index_cast %select_n3A_164 : i32 to index
        %get3A_248 = arith.index_cast %add3A_176 : i32 to index
        %get3A_249 = arith.constant 64 : index
        %get3A_250 = tpu.vector_load %arg8[%get3A_247, %get3A_248, %get3A_249] {strides = array<i32>} : memref<2x64x128xf32, #tpu.memory_space<vmem>>, vector<16xf32>,
        %get3A_251 = arith.index_cast %select_n3A_164 : i32 to index
        %get3A_252 = arith.index_cast %add3A_176 : i32 to index
        %get3A_253 = arith.constant 64 : index
        %get3A_254 = tpu.vector_load %arg9[%get3A_251, %get3A_252, %get3A_253] {strides = array<i32>} : memref<2x64x128xf32, #tpu.memory_space<vmem>>, vector<16xf32>,
        %sub3A_255 = arith.subf %get3A_250, %get3A_254 : vector<16xf32>
        %get3A_256 = arith.index_cast %select_n3A_164 : i32 to index
        %get3A_257 = arith.index_cast %add3A_176 : i32 to index
        %get3A_258 = arith.constant 64 : index
        %get3A_259 = tpu.vector_load %arg11[%get3A_256, %get3A_257, %get3A_258] {strides = array<i32>} : memref<2x64x128xf32, #tpu.memory_space<vmem>>, vector<16xf32>,
        %mul3A_260 = arith.mulf %sub3A_255, %get3A_259 : vector<16xf32>
        %add3A_261 = arith.addf %add3A_244, %mul3A_260 : vector<16xf32>
        %mul3A_262 = arith.mulf %get3A_259, %get3A_259 : vector<16xf32>
        %add3A_263 = arith.addf %add3A_246, %mul3A_262 : vector<16xf32>
        %get3A_264 = arith.index_cast %select_n3A_164 : i32 to index
        %get3A_265 = arith.index_cast %add3A_176 : i32 to index
        %get3A_266 = arith.constant 80 : index
        %get3A_267 = tpu.vector_load %arg8[%get3A_264, %get3A_265, %get3A_266] {strides = array<i32>} : memref<2x64x128xf32, #tpu.memory_space<vmem>>, vector<16xf32>,
        %get3A_268 = arith.index_cast %select_n3A_164 : i32 to index
        %get3A_269 = arith.index_cast %add3A_176 : i32 to index
        %get3A_270 = arith.constant 80 : index
        %get3A_271 = tpu.vector_load %arg9[%get3A_268, %get3A_269, %get3A_270] {strides = array<i32>} : memref<2x64x128xf32, #tpu.memory_space<vmem>>, vector<16xf32>,
        %sub3A_272 = arith.subf %get3A_267, %get3A_271 : vector<16xf32>
        %get3A_273 = arith.index_cast %select_n3A_164 : i32 to index
        %get3A_274 = arith.index_cast %add3A_176 : i32 to index
        %get3A_275 = arith.constant 80 : index
        %get3A_276 = tpu.vector_load %arg11[%get3A_273, %get3A_274, %get3A_275] {strides = array<i32>} : memref<2x64x128xf32, #tpu.memory_space<vmem>>, vector<16xf32>,
        %mul3A_277 = arith.mulf %sub3A_272, %get3A_276 : vector<16xf32>
        %add3A_278 = arith.addf %add3A_261, %mul3A_277 : vector<16xf32>
        %mul3A_279 = arith.mulf %get3A_276, %get3A_276 : vector<16xf32>
        %add3A_280 = arith.addf %add3A_263, %mul3A_279 : vector<16xf32>
        %get3A_281 = arith.index_cast %select_n3A_164 : i32 to index
        %get3A_282 = arith.index_cast %add3A_176 : i32 to index
        %get3A_283 = arith.constant 96 : index
        %get3A_284 = tpu.vector_load %arg8[%get3A_281, %get3A_282, %get3A_283] {strides = array<i32>} : memref<2x64x128xf32, #tpu.memory_space<vmem>>, vector<16xf32>,
        %get3A_285 = arith.index_cast %select_n3A_164 : i32 to index
        %get3A_286 = arith.index_cast %add3A_176 : i32 to index
        %get3A_287 = arith.constant 96 : index
        %get3A_288 = tpu.vector_load %arg9[%get3A_285, %get3A_286, %get3A_287] {strides = array<i32>} : memref<2x64x128xf32, #tpu.memory_space<vmem>>, vector<16xf32>,
        %sub3A_289 = arith.subf %get3A_284, %get3A_288 : vector<16xf32>
        %get3A_290 = arith.index_cast %select_n3A_164 : i32 to index
        %get3A_291 = arith.index_cast %add3A_176 : i32 to index
        %get3A_292 = arith.constant 96 : index
        %get3A_293 = tpu.vector_load %arg11[%get3A_290, %get3A_291, %get3A_292] {strides = array<i32>} : memref<2x64x128xf32, #tpu.memory_space<vmem>>, vector<16xf32>,
        %mul3A_294 = arith.mulf %sub3A_289, %get3A_293 : vector<16xf32>
        %add3A_295 = arith.addf %add3A_278, %mul3A_294 : vector<16xf32>
        %mul3A_296 = arith.mulf %get3A_293, %get3A_293 : vector<16xf32>
        %add3A_297 = arith.addf %add3A_280, %mul3A_296 : vector<16xf32>
        %get3A_298 = arith.index_cast %select_n3A_164 : i32 to index
        %get3A_299 = arith.index_cast %add3A_176 : i32 to index
        %get3A_300 = arith.constant 112 : index
        %get3A_301 = tpu.vector_load %arg8[%get3A_298, %get3A_299, %get3A_300] {strides = array<i32>} : memref<2x64x128xf32, #tpu.memory_space<vmem>>, vector<16xf32>,
        %get3A_302 = arith.index_cast %select_n3A_164 : i32 to index
        %get3A_303 = arith.index_cast %add3A_176 : i32 to index
        %get3A_304 = arith.constant 112 : index
        %get3A_305 = tpu.vector_load %arg9[%get3A_302, %get3A_303, %get3A_304] {strides = array<i32>} : memref<2x64x128xf32, #tpu.memory_space<vmem>>, vector<16xf32>,
        %sub3A_306 = arith.subf %get3A_301, %get3A_305 : vector<16xf32>
        %get3A_307 = arith.index_cast %select_n3A_164 : i32 to index
        %get3A_308 = arith.index_cast %add3A_176 : i32 to index
        %get3A_309 = arith.constant 112 : index
        %get3A_310 = tpu.vector_load %arg11[%get3A_307, %get3A_308, %get3A_309] {strides = array<i32>} : memref<2x64x128xf32, #tpu.memory_space<vmem>>, vector<16xf32>,
        %mul3A_311 = arith.mulf %sub3A_306, %get3A_310 : vector<16xf32>
        %add3A_312 = arith.addf %add3A_295, %mul3A_311 : vector<16xf32>
        %mul3A_313 = arith.mulf %get3A_310, %get3A_310 : vector<16xf32>
        %add3A_314 = arith.addf %add3A_297, %mul3A_313 : vector<16xf32>
        %reduce_sum3A = arith.constant true
        %reduce_sum3A_315 = vector.broadcast %reduce_sum3A : i1 to vector<16xi1>
        %reduce_sum3A_316 = tpu.scan <sum>, %add3A_312 masked %reduce_sum3A_315 : vector<16xf32>, vector<16xi1> -> vector<16xf32>
        %reduce_sum3A_317 = vector.extract %reduce_sum3A_316[15] : f32 from vector<16xf32>
        %broadcast_in_dim3A_318 = vector.broadcast %reduce_sum3A_317 : f32 to vector<16xf32>
        %reduce_sum3A_319 = arith.constant true
        %reduce_sum3A_320 = vector.broadcast %reduce_sum3A_319 : i1 to vector<16xi1>
        %reduce_sum3A_321 = tpu.scan <sum>, %add3A_314 masked %reduce_sum3A_320 : vector<16xf32>, vector<16xi1> -> vector<16xf32>
        %reduce_sum3A_322 = vector.extract %reduce_sum3A_321[15] : f32 from vector<16xf32>
        %broadcast_in_dim3A_323 = vector.broadcast %reduce_sum3A_322 : f32 to vector<16xf32>
        %max3A = arith.constant 1.000000e-24 : f32
        %max3A_324 = vector.broadcast %max3A : f32 to vector<16xf32>
        %max3A_325 = arith.maximumf %broadcast_in_dim3A_323, %max3A_324 : vector<16xf32>
        %div3A = arith.divf %broadcast_in_dim3A_318, %max3A_325 : vector<16xf32>
        %broadcast_in_dim3A_326 = arith.constant 0.000000e+00 : f32
        %broadcast_in_dim3A_327 = vector.broadcast %broadcast_in_dim3A_326 : f32 to vector<16xf32>
        %get3A_328 = arith.index_cast %select_n3A_164 : i32 to index
        %get3A_329 = arith.index_cast %add3A_176 : i32 to index
        %get3A_330 = arith.constant 0 : index
        %get3A_331 = tpu.vector_load %arg10[%get3A_328, %get3A_329, %get3A_330] {strides = array<i32>} : memref<2x64x128xf32, #tpu.memory_space<vmem>>, vector<16xf32>,
        %add3A_332 = arith.addf %sub3A, %get3A_331 : vector<16xf32>
        %mul3A_333 = arith.mulf %div3A, %get3A_191 : vector<16xf32>
        %sub3A_334 = arith.subf %add3A_332, %mul3A_333 : vector<16xf32>
        %abs3A = math.absf %sub3A_334 : vector<16xf32>
        %add3A_335 = arith.addf %broadcast_in_dim3A_327, %abs3A : vector<16xf32>
        %get3A_336 = arith.index_cast %select_n3A_164 : i32 to index
        %get3A_337 = arith.index_cast %add3A_176 : i32 to index
        %get3A_338 = arith.constant 16 : index
        %get3A_339 = tpu.vector_load %arg10[%get3A_336, %get3A_337, %get3A_338] {strides = array<i32>} : memref<2x64x128xf32, #tpu.memory_space<vmem>>, vector<16xf32>,
        %add3A_340 = arith.addf %sub3A_204, %get3A_339 : vector<16xf32>
        %mul3A_341 = arith.mulf %div3A, %get3A_208 : vector<16xf32>
        %sub3A_342 = arith.subf %add3A_340, %mul3A_341 : vector<16xf32>
        %abs3A_343 = math.absf %sub3A_342 : vector<16xf32>
        %add3A_344 = arith.addf %add3A_335, %abs3A_343 : vector<16xf32>
        %get3A_345 = arith.index_cast %select_n3A_164 : i32 to index
        %get3A_346 = arith.index_cast %add3A_176 : i32 to index
        %get3A_347 = arith.constant 32 : index
        %get3A_348 = tpu.vector_load %arg10[%get3A_345, %get3A_346, %get3A_347] {strides = array<i32>} : memref<2x64x128xf32, #tpu.memory_space<vmem>>, vector<16xf32>,
        %add3A_349 = arith.addf %sub3A_221, %get3A_348 : vector<16xf32>
        %mul3A_350 = arith.mulf %div3A, %get3A_225 : vector<16xf32>
        %sub3A_351 = arith.subf %add3A_349, %mul3A_350 : vector<16xf32>
        %abs3A_352 = math.absf %sub3A_351 : vector<16xf32>
        %add3A_353 = arith.addf %add3A_344, %abs3A_352 : vector<16xf32>
        %get3A_354 = arith.index_cast %select_n3A_164 : i32 to index
        %get3A_355 = arith.index_cast %add3A_176 : i32 to index
        %get3A_356 = arith.constant 48 : index
        %get3A_357 = tpu.vector_load %arg10[%get3A_354, %get3A_355, %get3A_356] {strides = array<i32>} : memref<2x64x128xf32, #tpu.memory_space<vmem>>, vector<16xf32>,
        %add3A_358 = arith.addf %sub3A_238, %get3A_357 : vector<16xf32>
        %mul3A_359 = arith.mulf %div3A, %get3A_242 : vector<16xf32>
        %sub3A_360 = arith.subf %add3A_358, %mul3A_359 : vector<16xf32>
        %abs3A_361 = math.absf %sub3A_360 : vector<16xf32>
        %add3A_362 = arith.addf %add3A_353, %abs3A_361 : vector<16xf32>
        %get3A_363 = arith.index_cast %select_n3A_164 : i32 to index
        %get3A_364 = arith.index_cast %add3A_176 : i32 to index
        %get3A_365 = arith.constant 64 : index
        %get3A_366 = tpu.vector_load %arg10[%get3A_363, %get3A_364, %get3A_365] {strides = array<i32>} : memref<2x64x128xf32, #tpu.memory_space<vmem>>, vector<16xf32>,
        %add3A_367 = arith.addf %sub3A_255, %get3A_366 : vector<16xf32>
        %mul3A_368 = arith.mulf %div3A, %get3A_259 : vector<16xf32>
        %sub3A_369 = arith.subf %add3A_367, %mul3A_368 : vector<16xf32>
        %abs3A_370 = math.absf %sub3A_369 : vector<16xf32>
        %add3A_371 = arith.addf %add3A_362, %abs3A_370 : vector<16xf32>
        %get3A_372 = arith.index_cast %select_n3A_164 : i32 to index
        %get3A_373 = arith.index_cast %add3A_176 : i32 to index
        %get3A_374 = arith.constant 80 : index
        %get3A_375 = tpu.vector_load %arg10[%get3A_372, %get3A_373, %get3A_374] {strides = array<i32>} : memref<2x64x128xf32, #tpu.memory_space<vmem>>, vector<16xf32>,
        %add3A_376 = arith.addf %sub3A_272, %get3A_375 : vector<16xf32>
        %mul3A_377 = arith.mulf %div3A, %get3A_276 : vector<16xf32>
        %sub3A_378 = arith.subf %add3A_376, %mul3A_377 : vector<16xf32>
        %abs3A_379 = math.absf %sub3A_378 : vector<16xf32>
        %add3A_380 = arith.addf %add3A_371, %abs3A_379 : vector<16xf32>
        %get3A_381 = arith.index_cast %select_n3A_164 : i32 to index
        %get3A_382 = arith.index_cast %add3A_176 : i32 to index
        %get3A_383 = arith.constant 96 : index
        %get3A_384 = tpu.vector_load %arg10[%get3A_381, %get3A_382, %get3A_383] {strides = array<i32>} : memref<2x64x128xf32, #tpu.memory_space<vmem>>, vector<16xf32>,
        %add3A_385 = arith.addf %sub3A_289, %get3A_384 : vector<16xf32>
        %mul3A_386 = arith.mulf %div3A, %get3A_293 : vector<16xf32>
        %sub3A_387 = arith.subf %add3A_385, %mul3A_386 : vector<16xf32>
        %abs3A_388 = math.absf %sub3A_387 : vector<16xf32>
        %add3A_389 = arith.addf %add3A_380, %abs3A_388 : vector<16xf32>
        %get3A_390 = arith.index_cast %select_n3A_164 : i32 to index
        %get3A_391 = arith.index_cast %add3A_176 : i32 to index
        %get3A_392 = arith.constant 112 : index
        %get3A_393 = tpu.vector_load %arg10[%get3A_390, %get3A_391, %get3A_392] {strides = array<i32>} : memref<2x64x128xf32, #tpu.memory_space<vmem>>, vector<16xf32>,
        %add3A_394 = arith.addf %sub3A_306, %get3A_393 : vector<16xf32>
        %mul3A_395 = arith.mulf %div3A, %get3A_310 : vector<16xf32>
        %sub3A_396 = arith.subf %add3A_394, %mul3A_395 : vector<16xf32>
        %abs3A_397 = math.absf %sub3A_396 : vector<16xf32>
        %add3A_398 = arith.addf %add3A_389, %abs3A_397 : vector<16xf32>
        %reduce_sum3A_399 = arith.constant true
        %reduce_sum3A_400 = vector.broadcast %reduce_sum3A_399 : i1 to vector<16xi1>
        %reduce_sum3A_401 = tpu.scan <sum>, %add3A_398 masked %reduce_sum3A_400 : vector<16xf32>, vector<16xi1> -> vector<16xf32>
        %reduce_sum3A_402 = vector.extract %reduce_sum3A_401[15] : f32 from vector<16xf32>
        %broadcast_in_dim3A_403 = vector.broadcast %reduce_sum3A_402 : f32 to vector<16xf32>
        %eq3A_404 = arith.constant 0 : i32
        %eq3A_405 = vector.broadcast %eq3A_404 : i32 to vector<16xi32>
        %eq3A_406 = arith.cmpi eq, %iota3A, %eq3A_405 : vector<16xi32>
        %select_n3A_407 = arith.select %eq3A_406, %broadcast_in_dim3A_403, %broadcast_in_dim3A_172 : vector<16xi1>, vector<16xf32>
        %mul3A_408 = arith.constant 16 : i32
        %mul3A_409 = arith.muli %scan3A_171, %mul3A_408 : i32
        %add3A_410 = arith.constant 1 : i32
        %add3A_411 = arith.addi %mul3A_409, %add3A_410 : i32
        %broadcast_in_dim3A_412 = arith.constant 0.000000e+00 : f32
        %broadcast_in_dim3A_413 = vector.broadcast %broadcast_in_dim3A_412 : f32 to vector<16xf32>
        %broadcast_in_dim3A_414 = arith.constant 0.000000e+00 : f32
        %broadcast_in_dim3A_415 = vector.broadcast %broadcast_in_dim3A_414 : f32 to vector<16xf32>
        %get3A_416 = arith.index_cast %select_n3A_164 : i32 to index
        %get3A_417 = arith.index_cast %add3A_411 : i32 to index
        %get3A_418 = arith.constant 0 : index
        %get3A_419 = tpu.vector_load %arg8[%get3A_416, %get3A_417, %get3A_418] {strides = array<i32>} : memref<2x64x128xf32, #tpu.memory_space<vmem>>, vector<16xf32>,
        %get3A_420 = arith.index_cast %select_n3A_164 : i32 to index
        %get3A_421 = arith.index_cast %add3A_411 : i32 to index
        %get3A_422 = arith.constant 0 : index
        %get3A_423 = tpu.vector_load %arg9[%get3A_420, %get3A_421, %get3A_422] {strides = array<i32>} : memref<2x64x128xf32, #tpu.memory_space<vmem>>, vector<16xf32>,
        %sub3A_424 = arith.subf %get3A_419, %get3A_423 : vector<16xf32>
        %get3A_425 = arith.index_cast %select_n3A_164 : i32 to index
        %get3A_426 = arith.index_cast %add3A_411 : i32 to index
        %get3A_427 = arith.constant 0 : index
        %get3A_428 = tpu.vector_load %arg11[%get3A_425, %get3A_426, %get3A_427] {strides = array<i32>} : memref<2x64x128xf32, #tpu.memory_space<vmem>>, vector<16xf32>,
        %mul3A_429 = arith.mulf %sub3A_424, %get3A_428 : vector<16xf32>
        %add3A_430 = arith.addf %broadcast_in_dim3A_413, %mul3A_429 : vector<16xf32>
        %mul3A_431 = arith.mulf %get3A_428, %get3A_428 : vector<16xf32>
        %add3A_432 = arith.addf %broadcast_in_dim3A_415, %mul3A_431 : vector<16xf32>
        %get3A_433 = arith.index_cast %select_n3A_164 : i32 to index
        %get3A_434 = arith.index_cast %add3A_411 : i32 to index
        %get3A_435 = arith.constant 16 : index
        %get3A_436 = tpu.vector_load %arg8[%get3A_433, %get3A_434, %get3A_435] {strides = array<i32>} : memref<2x64x128xf32, #tpu.memory_space<vmem>>, vector<16xf32>,
        %get3A_437 = arith.index_cast %select_n3A_164 : i32 to index
        %get3A_438 = arith.index_cast %add3A_411 : i32 to index
        %get3A_439 = arith.constant 16 : index
        %get3A_440 = tpu.vector_load %arg9[%get3A_437, %get3A_438, %get3A_439] {strides = array<i32>} : memref<2x64x128xf32, #tpu.memory_space<vmem>>, vector<16xf32>,
        %sub3A_441 = arith.subf %get3A_436, %get3A_440 : vector<16xf32>
        %get3A_442 = arith.index_cast %select_n3A_164 : i32 to index
        %get3A_443 = arith.index_cast %add3A_411 : i32 to index
        %get3A_444 = arith.constant 16 : index
        %get3A_445 = tpu.vector_load %arg11[%get3A_442, %get3A_443, %get3A_444] {strides = array<i32>} : memref<2x64x128xf32, #tpu.memory_space<vmem>>, vector<16xf32>,
        %mul3A_446 = arith.mulf %sub3A_441, %get3A_445 : vector<16xf32>
        %add3A_447 = arith.addf %add3A_430, %mul3A_446 : vector<16xf32>
        %mul3A_448 = arith.mulf %get3A_445, %get3A_445 : vector<16xf32>
        %add3A_449 = arith.addf %add3A_432, %mul3A_448 : vector<16xf32>
        %get3A_450 = arith.index_cast %select_n3A_164 : i32 to index
        %get3A_451 = arith.index_cast %add3A_411 : i32 to index
        %get3A_452 = arith.constant 32 : index
        %get3A_453 = tpu.vector_load %arg8[%get3A_450, %get3A_451, %get3A_452] {strides = array<i32>} : memref<2x64x128xf32, #tpu.memory_space<vmem>>, vector<16xf32>,
        %get3A_454 = arith.index_cast %select_n3A_164 : i32 to index
        %get3A_455 = arith.index_cast %add3A_411 : i32 to index
        %get3A_456 = arith.constant 32 : index
        %get3A_457 = tpu.vector_load %arg9[%get3A_454, %get3A_455, %get3A_456] {strides = array<i32>} : memref<2x64x128xf32, #tpu.memory_space<vmem>>, vector<16xf32>,
        %sub3A_458 = arith.subf %get3A_453, %get3A_457 : vector<16xf32>
        %get3A_459 = arith.index_cast %select_n3A_164 : i32 to index
        %get3A_460 = arith.index_cast %add3A_411 : i32 to index
        %get3A_461 = arith.constant 32 : index
        %get3A_462 = tpu.vector_load %arg11[%get3A_459, %get3A_460, %get3A_461] {strides = array<i32>} : memref<2x64x128xf32, #tpu.memory_space<vmem>>, vector<16xf32>,
        %mul3A_463 = arith.mulf %sub3A_458, %get3A_462 : vector<16xf32>
        %add3A_464 = arith.addf %add3A_447, %mul3A_463 : vector<16xf32>
        %mul3A_465 = arith.mulf %get3A_462, %get3A_462 : vector<16xf32>
        %add3A_466 = arith.addf %add3A_449, %mul3A_465 : vector<16xf32>
        %get3A_467 = arith.index_cast %select_n3A_164 : i32 to index
        %get3A_468 = arith.index_cast %add3A_411 : i32 to index
        %get3A_469 = arith.constant 48 : index
        %get3A_470 = tpu.vector_load %arg8[%get3A_467, %get3A_468, %get3A_469] {strides = array<i32>} : memref<2x64x128xf32, #tpu.memory_space<vmem>>, vector<16xf32>,
        %get3A_471 = arith.index_cast %select_n3A_164 : i32 to index
        %get3A_472 = arith.index_cast %add3A_411 : i32 to index
        %get3A_473 = arith.constant 48 : index
        %get3A_474 = tpu.vector_load %arg9[%get3A_471, %get3A_472, %get3A_473] {strides = array<i32>} : memref<2x64x128xf32, #tpu.memory_space<vmem>>, vector<16xf32>,
        %sub3A_475 = arith.subf %get3A_470, %get3A_474 : vector<16xf32>
        %get3A_476 = arith.index_cast %select_n3A_164 : i32 to index
        %get3A_477 = arith.index_cast %add3A_411 : i32 to index
        %get3A_478 = arith.constant 48 : index
        %get3A_479 = tpu.vector_load %arg11[%get3A_476, %get3A_477, %get3A_478] {strides = array<i32>} : memref<2x64x128xf32, #tpu.memory_space<vmem>>, vector<16xf32>,
        %mul3A_480 = arith.mulf %sub3A_475, %get3A_479 : vector<16xf32>
        %add3A_481 = arith.addf %add3A_464, %mul3A_480 : vector<16xf32>
        %mul3A_482 = arith.mulf %get3A_479, %get3A_479 : vector<16xf32>
        %add3A_483 = arith.addf %add3A_466, %mul3A_482 : vector<16xf32>
        %get3A_484 = arith.index_cast %select_n3A_164 : i32 to index
        %get3A_485 = arith.index_cast %add3A_411 : i32 to index
        %get3A_486 = arith.constant 64 : index
        %get3A_487 = tpu.vector_load %arg8[%get3A_484, %get3A_485, %get3A_486] {strides = array<i32>} : memref<2x64x128xf32, #tpu.memory_space<vmem>>, vector<16xf32>,
        %get3A_488 = arith.index_cast %select_n3A_164 : i32 to index
        %get3A_489 = arith.index_cast %add3A_411 : i32 to index
        %get3A_490 = arith.constant 64 : index
        %get3A_491 = tpu.vector_load %arg9[%get3A_488, %get3A_489, %get3A_490] {strides = array<i32>} : memref<2x64x128xf32, #tpu.memory_space<vmem>>, vector<16xf32>,
        %sub3A_492 = arith.subf %get3A_487, %get3A_491 : vector<16xf32>
        %get3A_493 = arith.index_cast %select_n3A_164 : i32 to index
        %get3A_494 = arith.index_cast %add3A_411 : i32 to index
        %get3A_495 = arith.constant 64 : index
        %get3A_496 = tpu.vector_load %arg11[%get3A_493, %get3A_494, %get3A_495] {strides = array<i32>} : memref<2x64x128xf32, #tpu.memory_space<vmem>>, vector<16xf32>,
        %mul3A_497 = arith.mulf %sub3A_492, %get3A_496 : vector<16xf32>
        %add3A_498 = arith.addf %add3A_481, %mul3A_497 : vector<16xf32>
        %mul3A_499 = arith.mulf %get3A_496, %get3A_496 : vector<16xf32>
        %add3A_500 = arith.addf %add3A_483, %mul3A_499 : vector<16xf32>
        %get3A_501 = arith.index_cast %select_n3A_164 : i32 to index
        %get3A_502 = arith.index_cast %add3A_411 : i32 to index
        %get3A_503 = arith.constant 80 : index
        %get3A_504 = tpu.vector_load %arg8[%get3A_501, %get3A_502, %get3A_503] {strides = array<i32>} : memref<2x64x128xf32, #tpu.memory_space<vmem>>, vector<16xf32>,
        %get3A_505 = arith.index_cast %select_n3A_164 : i32 to index
        %get3A_506 = arith.index_cast %add3A_411 : i32 to index
        %get3A_507 = arith.constant 80 : index
        %get3A_508 = tpu.vector_load %arg9[%get3A_505, %get3A_506, %get3A_507] {strides = array<i32>} : memref<2x64x128xf32, #tpu.memory_space<vmem>>, vector<16xf32>,
        %sub3A_509 = arith.subf %get3A_504, %get3A_508 : vector<16xf32>
        %get3A_510 = arith.index_cast %select_n3A_164 : i32 to index
        %get3A_511 = arith.index_cast %add3A_411 : i32 to index
        %get3A_512 = arith.constant 80 : index
        %get3A_513 = tpu.vector_load %arg11[%get3A_510, %get3A_511, %get3A_512] {strides = array<i32>} : memref<2x64x128xf32, #tpu.memory_space<vmem>>, vector<16xf32>,
        %mul3A_514 = arith.mulf %sub3A_509, %get3A_513 : vector<16xf32>
        %add3A_515 = arith.addf %add3A_498, %mul3A_514 : vector<16xf32>
        %mul3A_516 = arith.mulf %get3A_513, %get3A_513 : vector<16xf32>
        %add3A_517 = arith.addf %add3A_500, %mul3A_516 : vector<16xf32>
        %get3A_518 = arith.index_cast %select_n3A_164 : i32 to index
        %get3A_519 = arith.index_cast %add3A_411 : i32 to index
        %get3A_520 = arith.constant 96 : index
        %get3A_521 = tpu.vector_load %arg8[%get3A_518, %get3A_519, %get3A_520] {strides = array<i32>} : memref<2x64x128xf32, #tpu.memory_space<vmem>>, vector<16xf32>,
        %get3A_522 = arith.index_cast %select_n3A_164 : i32 to index
        %get3A_523 = arith.index_cast %add3A_411 : i32 to index
        %get3A_524 = arith.constant 96 : index
        %get3A_525 = tpu.vector_load %arg9[%get3A_522, %get3A_523, %get3A_524] {strides = array<i32>} : memref<2x64x128xf32, #tpu.memory_space<vmem>>, vector<16xf32>,
        %sub3A_526 = arith.subf %get3A_521, %get3A_525 : vector<16xf32>
        %get3A_527 = arith.index_cast %select_n3A_164 : i32 to index
        %get3A_528 = arith.index_cast %add3A_411 : i32 to index
        %get3A_529 = arith.constant 96 : index
        %get3A_530 = tpu.vector_load %arg11[%get3A_527, %get3A_528, %get3A_529] {strides = array<i32>} : memref<2x64x128xf32, #tpu.memory_space<vmem>>, vector<16xf32>,
        %mul3A_531 = arith.mulf %sub3A_526, %get3A_530 : vector<16xf32>
        %add3A_532 = arith.addf %add3A_515, %mul3A_531 : vector<16xf32>
        %mul3A_533 = arith.mulf %get3A_530, %get3A_530 : vector<16xf32>
        %add3A_534 = arith.addf %add3A_517, %mul3A_533 : vector<16xf32>
        %get3A_535 = arith.index_cast %select_n3A_164 : i32 to index
        %get3A_536 = arith.index_cast %add3A_411 : i32 to index
        %get3A_537 = arith.constant 112 : index
        %get3A_538 = tpu.vector_load %arg8[%get3A_535, %get3A_536, %get3A_537] {strides = array<i32>} : memref<2x64x128xf32, #tpu.memory_space<vmem>>, vector<16xf32>,
        %get3A_539 = arith.index_cast %select_n3A_164 : i32 to index
        %get3A_540 = arith.index_cast %add3A_411 : i32 to index
        %get3A_541 = arith.constant 112 : index
        %get3A_542 = tpu.vector_load %arg9[%get3A_539, %get3A_540, %get3A_541] {strides = array<i32>} : memref<2x64x128xf32, #tpu.memory_space<vmem>>, vector<16xf32>,
        %sub3A_543 = arith.subf %get3A_538, %get3A_542 : vector<16xf32>
        %get3A_544 = arith.index_cast %select_n3A_164 : i32 to index
        %get3A_545 = arith.index_cast %add3A_411 : i32 to index
        %get3A_546 = arith.constant 112 : index
        %get3A_547 = tpu.vector_load %arg11[%get3A_544, %get3A_545, %get3A_546] {strides = array<i32>} : memref<2x64x128xf32, #tpu.memory_space<vmem>>, vector<16xf32>,
        %mul3A_548 = arith.mulf %sub3A_543, %get3A_547 : vector<16xf32>
        %add3A_549 = arith.addf %add3A_532, %mul3A_548 : vector<16xf32>
        %mul3A_550 = arith.mulf %get3A_547, %get3A_547 : vector<16xf32>
        %add3A_551 = arith.addf %add3A_534, %mul3A_550 : vector<16xf32>
        %reduce_sum3A_552 = arith.constant true
        %reduce_sum3A_553 = vector.broadcast %reduce_sum3A_552 : i1 to vector<16xi1>
        %reduce_sum3A_554 = tpu.scan <sum>, %add3A_549 masked %reduce_sum3A_553 : vector<16xf32>, vector<16xi1> -> vector<16xf32>
        %reduce_sum3A_555 = vector.extract %reduce_sum3A_554[15] : f32 from vector<16xf32>
        %broadcast_in_dim3A_556 = vector.broadcast %reduce_sum3A_555 : f32 to vector<16xf32>
        %reduce_sum3A_557 = arith.constant true
        %reduce_sum3A_558 = vector.broadcast %reduce_sum3A_557 : i1 to vector<16xi1>
        %reduce_sum3A_559 = tpu.scan <sum>, %add3A_551 masked %reduce_sum3A_558 : vector<16xf32>, vector<16xi1> -> vector<16xf32>
        %reduce_sum3A_560 = vector.extract %reduce_sum3A_559[15] : f32 from vector<16xf32>
        %broadcast_in_dim3A_561 = vector.broadcast %reduce_sum3A_560 : f32 to vector<16xf32>
        %max3A_562 = arith.constant 1.000000e-24 : f32
        %max3A_563 = vector.broadcast %max3A_562 : f32 to vector<16xf32>
        %max3A_564 = arith.maximumf %broadcast_in_dim3A_561, %max3A_563 : vector<16xf32>
        %div3A_565 = arith.divf %broadcast_in_dim3A_556, %max3A_564 : vector<16xf32>
        %broadcast_in_dim3A_566 = arith.constant 0.000000e+00 : f32
        %broadcast_in_dim3A_567 = vector.broadcast %broadcast_in_dim3A_566 : f32 to vector<16xf32>
        %get3A_568 = arith.index_cast %select_n3A_164 : i32 to index
        %get3A_569 = arith.index_cast %add3A_411 : i32 to index
        %get3A_570 = arith.constant 0 : index
        %get3A_571 = tpu.vector_load %arg10[%get3A_568, %get3A_569, %get3A_570] {strides = array<i32>} : memref<2x64x128xf32, #tpu.memory_space<vmem>>, vector<16xf32>,
        %add3A_572 = arith.addf %sub3A_424, %get3A_571 : vector<16xf32>
        %mul3A_573 = arith.mulf %div3A_565, %get3A_428 : vector<16xf32>
        %sub3A_574 = arith.subf %add3A_572, %mul3A_573 : vector<16xf32>
        %abs3A_575 = math.absf %sub3A_574 : vector<16xf32>
        %add3A_576 = arith.addf %broadcast_in_dim3A_567, %abs3A_575 : vector<16xf32>
        %get3A_577 = arith.index_cast %select_n3A_164 : i32 to index
        %get3A_578 = arith.index_cast %add3A_411 : i32 to index
        %get3A_579 = arith.constant 16 : index
        %get3A_580 = tpu.vector_load %arg10[%get3A_577, %get3A_578, %get3A_579] {strides = array<i32>} : memref<2x64x128xf32, #tpu.memory_space<vmem>>, vector<16xf32>,
        %add3A_581 = arith.addf %sub3A_441, %get3A_580 : vector<16xf32>
        %mul3A_582 = arith.mulf %div3A_565, %get3A_445 : vector<16xf32>
        %sub3A_583 = arith.subf %add3A_581, %mul3A_582 : vector<16xf32>
        %abs3A_584 = math.absf %sub3A_583 : vector<16xf32>
        %add3A_585 = arith.addf %add3A_576, %abs3A_584 : vector<16xf32>
        %get3A_586 = arith.index_cast %select_n3A_164 : i32 to index
        %get3A_587 = arith.index_cast %add3A_411 : i32 to index
        %get3A_588 = arith.constant 32 : index
        %get3A_589 = tpu.vector_load %arg10[%get3A_586, %get3A_587, %get3A_588] {strides = array<i32>} : memref<2x64x128xf32, #tpu.memory_space<vmem>>, vector<16xf32>,
        %add3A_590 = arith.addf %sub3A_458, %get3A_589 : vector<16xf32>
        %mul3A_591 = arith.mulf %div3A_565, %get3A_462 : vector<16xf32>
        %sub3A_592 = arith.subf %add3A_590, %mul3A_591 : vector<16xf32>
        %abs3A_593 = math.absf %sub3A_592 : vector<16xf32>
        %add3A_594 = arith.addf %add3A_585, %abs3A_593 : vector<16xf32>
        %get3A_595 = arith.index_cast %select_n3A_164 : i32 to index
        %get3A_596 = arith.index_cast %add3A_411 : i32 to index
        %get3A_597 = arith.constant 48 : index
        %get3A_598 = tpu.vector_load %arg10[%get3A_595, %get3A_596, %get3A_597] {strides = array<i32>} : memref<2x64x128xf32, #tpu.memory_space<vmem>>, vector<16xf32>,
        %add3A_599 = arith.addf %sub3A_475, %get3A_598 : vector<16xf32>
        %mul3A_600 = arith.mulf %div3A_565, %get3A_479 : vector<16xf32>
        %sub3A_601 = arith.subf %add3A_599, %mul3A_600 : vector<16xf32>
        %abs3A_602 = math.absf %sub3A_601 : vector<16xf32>
        %add3A_603 = arith.addf %add3A_594, %abs3A_602 : vector<16xf32>
        %get3A_604 = arith.index_cast %select_n3A_164 : i32 to index
        %get3A_605 = arith.index_cast %add3A_411 : i32 to index
        %get3A_606 = arith.constant 64 : index
        %get3A_607 = tpu.vector_load %arg10[%get3A_604, %get3A_605, %get3A_606] {strides = array<i32>} : memref<2x64x128xf32, #tpu.memory_space<vmem>>, vector<16xf32>,
        %add3A_608 = arith.addf %sub3A_492, %get3A_607 : vector<16xf32>
        %mul3A_609 = arith.mulf %div3A_565, %get3A_496 : vector<16xf32>
        %sub3A_610 = arith.subf %add3A_608, %mul3A_609 : vector<16xf32>
        %abs3A_611 = math.absf %sub3A_610 : vector<16xf32>
        %add3A_612 = arith.addf %add3A_603, %abs3A_611 : vector<16xf32>
        %get3A_613 = arith.index_cast %select_n3A_164 : i32 to index
        %get3A_614 = arith.index_cast %add3A_411 : i32 to index
        %get3A_615 = arith.constant 80 : index
        %get3A_616 = tpu.vector_load %arg10[%get3A_613, %get3A_614, %get3A_615] {strides = array<i32>} : memref<2x64x128xf32, #tpu.memory_space<vmem>>, vector<16xf32>,
        %add3A_617 = arith.addf %sub3A_509, %get3A_616 : vector<16xf32>
        %mul3A_618 = arith.mulf %div3A_565, %get3A_513 : vector<16xf32>
        %sub3A_619 = arith.subf %add3A_617, %mul3A_618 : vector<16xf32>
        %abs3A_620 = math.absf %sub3A_619 : vector<16xf32>
        %add3A_621 = arith.addf %add3A_612, %abs3A_620 : vector<16xf32>
        %get3A_622 = arith.index_cast %select_n3A_164 : i32 to index
        %get3A_623 = arith.index_cast %add3A_411 : i32 to index
        %get3A_624 = arith.constant 96 : index
        %get3A_625 = tpu.vector_load %arg10[%get3A_622, %get3A_623, %get3A_624] {strides = array<i32>} : memref<2x64x128xf32, #tpu.memory_space<vmem>>, vector<16xf32>,
        %add3A_626 = arith.addf %sub3A_526, %get3A_625 : vector<16xf32>
        %mul3A_627 = arith.mulf %div3A_565, %get3A_530 : vector<16xf32>
        %sub3A_628 = arith.subf %add3A_626, %mul3A_627 : vector<16xf32>
        %abs3A_629 = math.absf %sub3A_628 : vector<16xf32>
        %add3A_630 = arith.addf %add3A_621, %abs3A_629 : vector<16xf32>
        %get3A_631 = arith.index_cast %select_n3A_164 : i32 to index
        %get3A_632 = arith.index_cast %add3A_411 : i32 to index
        %get3A_633 = arith.constant 112 : index
        %get3A_634 = tpu.vector_load %arg10[%get3A_631, %get3A_632, %get3A_633] {strides = array<i32>} : memref<2x64x128xf32, #tpu.memory_space<vmem>>, vector<16xf32>,
        %add3A_635 = arith.addf %sub3A_543, %get3A_634 : vector<16xf32>
        %mul3A_636 = arith.mulf %div3A_565, %get3A_547 : vector<16xf32>
        %sub3A_637 = arith.subf %add3A_635, %mul3A_636 : vector<16xf32>
        %abs3A_638 = math.absf %sub3A_637 : vector<16xf32>
        %add3A_639 = arith.addf %add3A_630, %abs3A_638 : vector<16xf32>
        %reduce_sum3A_640 = arith.constant true
        %reduce_sum3A_641 = vector.broadcast %reduce_sum3A_640 : i1 to vector<16xi1>
        %reduce_sum3A_642 = tpu.scan <sum>, %add3A_639 masked %reduce_sum3A_641 : vector<16xf32>, vector<16xi1> -> vector<16xf32>
        %reduce_sum3A_643 = vector.extract %reduce_sum3A_642[15] : f32 from vector<16xf32>
        %broadcast_in_dim3A_644 = vector.broadcast %reduce_sum3A_643 : f32 to vector<16xf32>
        %eq3A_645 = arith.constant 1 : i32
        %eq3A_646 = vector.broadcast %eq3A_645 : i32 to vector<16xi32>
        %eq3A_647 = arith.cmpi eq, %iota3A, %eq3A_646 : vector<16xi32>
        %select_n3A_648 = arith.select %eq3A_647, %broadcast_in_dim3A_644, %select_n3A_407 : vector<16xi1>, vector<16xf32>
        %mul3A_649 = arith.constant 16 : i32
        %mul3A_650 = arith.muli %scan3A_171, %mul3A_649 : i32
        %add3A_651 = arith.constant 2 : i32
        %add3A_652 = arith.addi %mul3A_650, %add3A_651 : i32
        %broadcast_in_dim3A_653 = arith.constant 0.000000e+00 : f32
        %broadcast_in_dim3A_654 = vector.broadcast %broadcast_in_dim3A_653 : f32 to vector<16xf32>
        %broadcast_in_dim3A_655 = arith.constant 0.000000e+00 : f32
        %broadcast_in_dim3A_656 = vector.broadcast %broadcast_in_dim3A_655 : f32 to vector<16xf32>
        %get3A_657 = arith.index_cast %select_n3A_164 : i32 to index
        %get3A_658 = arith.index_cast %add3A_652 : i32 to index
        %get3A_659 = arith.constant 0 : index
        %get3A_660 = tpu.vector_load %arg8[%get3A_657, %get3A_658, %get3A_659] {strides = array<i32>} : memref<2x64x128xf32, #tpu.memory_space<vmem>>, vector<16xf32>,
        %get3A_661 = arith.index_cast %select_n3A_164 : i32 to index
        %get3A_662 = arith.index_cast %add3A_652 : i32 to index
        %get3A_663 = arith.constant 0 : index
        %get3A_664 = tpu.vector_load %arg9[%get3A_661, %get3A_662, %get3A_663] {strides = array<i32>} : memref<2x64x128xf32, #tpu.memory_space<vmem>>, vector<16xf32>,
        %sub3A_665 = arith.subf %get3A_660, %get3A_664 : vector<16xf32>
        %get3A_666 = arith.index_cast %select_n3A_164 : i32 to index
        %get3A_667 = arith.index_cast %add3A_652 : i32 to index
        %get3A_668 = arith.constant 0 : index
        %get3A_669 = tpu.vector_load %arg11[%get3A_666, %get3A_667, %get3A_668] {strides = array<i32>} : memref<2x64x128xf32, #tpu.memory_space<vmem>>, vector<16xf32>,
        %mul3A_670 = arith.mulf %sub3A_665, %get3A_669 : vector<16xf32>
        %add3A_671 = arith.addf %broadcast_in_dim3A_654, %mul3A_670 : vector<16xf32>
        %mul3A_672 = arith.mulf %get3A_669, %get3A_669 : vector<16xf32>
        %add3A_673 = arith.addf %broadcast_in_dim3A_656, %mul3A_672 : vector<16xf32>
        %get3A_674 = arith.index_cast %select_n3A_164 : i32 to index
        %get3A_675 = arith.index_cast %add3A_652 : i32 to index
        %get3A_676 = arith.constant 16 : index
        %get3A_677 = tpu.vector_load %arg8[%get3A_674, %get3A_675, %get3A_676] {strides = array<i32>} : memref<2x64x128xf32, #tpu.memory_space<vmem>>, vector<16xf32>,
        %get3A_678 = arith.index_cast %select_n3A_164 : i32 to index
        %get3A_679 = arith.index_cast %add3A_652 : i32 to index
        %get3A_680 = arith.constant 16 : index
        %get3A_681 = tpu.vector_load %arg9[%get3A_678, %get3A_679, %get3A_680] {strides = array<i32>} : memref<2x64x128xf32, #tpu.memory_space<vmem>>, vector<16xf32>,
        %sub3A_682 = arith.subf %get3A_677, %get3A_681 : vector<16xf32>
        %get3A_683 = arith.index_cast %select_n3A_164 : i32 to index
        %get3A_684 = arith.index_cast %add3A_652 : i32 to index
        %get3A_685 = arith.constant 16 : index
        %get3A_686 = tpu.vector_load %arg11[%get3A_683, %get3A_684, %get3A_685] {strides = array<i32>} : memref<2x64x128xf32, #tpu.memory_space<vmem>>, vector<16xf32>,
        %mul3A_687 = arith.mulf %sub3A_682, %get3A_686 : vector<16xf32>
        %add3A_688 = arith.addf %add3A_671, %mul3A_687 : vector<16xf32>
        %mul3A_689 = arith.mulf %get3A_686, %get3A_686 : vector<16xf32>
        %add3A_690 = arith.addf %add3A_673, %mul3A_689 : vector<16xf32>
        %get3A_691 = arith.index_cast %select_n3A_164 : i32 to index
        %get3A_692 = arith.index_cast %add3A_652 : i32 to index
        %get3A_693 = arith.constant 32 : index
        %get3A_694 = tpu.vector_load %arg8[%get3A_691, %get3A_692, %get3A_693] {strides = array<i32>} : memref<2x64x128xf32, #tpu.memory_space<vmem>>, vector<16xf32>,
        %get3A_695 = arith.index_cast %select_n3A_164 : i32 to index
        %get3A_696 = arith.index_cast %add3A_652 : i32 to index
        %get3A_697 = arith.constant 32 : index
        %get3A_698 = tpu.vector_load %arg9[%get3A_695, %get3A_696, %get3A_697] {strides = array<i32>} : memref<2x64x128xf32, #tpu.memory_space<vmem>>, vector<16xf32>,
        %sub3A_699 = arith.subf %get3A_694, %get3A_698 : vector<16xf32>
        %get3A_700 = arith.index_cast %select_n3A_164 : i32 to index
        %get3A_701 = arith.index_cast %add3A_652 : i32 to index
        %get3A_702 = arith.constant 32 : index
        %get3A_703 = tpu.vector_load %arg11[%get3A_700, %get3A_701, %get3A_702] {strides = array<i32>} : memref<2x64x128xf32, #tpu.memory_space<vmem>>, vector<16xf32>,
        %mul3A_704 = arith.mulf %sub3A_699, %get3A_703 : vector<16xf32>
        %add3A_705 = arith.addf %add3A_688, %mul3A_704 : vector<16xf32>
        %mul3A_706 = arith.mulf %get3A_703, %get3A_703 : vector<16xf32>
        %add3A_707 = arith.addf %add3A_690, %mul3A_706 : vector<16xf32>
        %get3A_708 = arith.index_cast %select_n3A_164 : i32 to index
        %get3A_709 = arith.index_cast %add3A_652 : i32 to index
        %get3A_710 = arith.constant 48 : index
        %get3A_711 = tpu.vector_load %arg8[%get3A_708, %get3A_709, %get3A_710] {strides = array<i32>} : memref<2x64x128xf32, #tpu.memory_space<vmem>>, vector<16xf32>,
        %get3A_712 = arith.index_cast %select_n3A_164 : i32 to index
        %get3A_713 = arith.index_cast %add3A_652 : i32 to index
        %get3A_714 = arith.constant 48 : index
        %get3A_715 = tpu.vector_load %arg9[%get3A_712, %get3A_713, %get3A_714] {strides = array<i32>} : memref<2x64x128xf32, #tpu.memory_space<vmem>>, vector<16xf32>,
        %sub3A_716 = arith.subf %get3A_711, %get3A_715 : vector<16xf32>
        %get3A_717 = arith.index_cast %select_n3A_164 : i32 to index
        %get3A_718 = arith.index_cast %add3A_652 : i32 to index
        %get3A_719 = arith.constant 48 : index
        %get3A_720 = tpu.vector_load %arg11[%get3A_717, %get3A_718, %get3A_719] {strides = array<i32>} : memref<2x64x128xf32, #tpu.memory_space<vmem>>, vector<16xf32>,
        %mul3A_721 = arith.mulf %sub3A_716, %get3A_720 : vector<16xf32>
        %add3A_722 = arith.addf %add3A_705, %mul3A_721 : vector<16xf32>
        %mul3A_723 = arith.mulf %get3A_720, %get3A_720 : vector<16xf32>
        %add3A_724 = arith.addf %add3A_707, %mul3A_723 : vector<16xf32>
        %get3A_725 = arith.index_cast %select_n3A_164 : i32 to index
        %get3A_726 = arith.index_cast %add3A_652 : i32 to index
        %get3A_727 = arith.constant 64 : index
        %get3A_728 = tpu.vector_load %arg8[%get3A_725, %get3A_726, %get3A_727] {strides = array<i32>} : memref<2x64x128xf32, #tpu.memory_space<vmem>>, vector<16xf32>,
        %get3A_729 = arith.index_cast %select_n3A_164 : i32 to index
        %get3A_730 = arith.index_cast %add3A_652 : i32 to index
        %get3A_731 = arith.constant 64 : index
        %get3A_732 = tpu.vector_load %arg9[%get3A_729, %get3A_730, %get3A_731] {strides = array<i32>} : memref<2x64x128xf32, #tpu.memory_space<vmem>>, vector<16xf32>,
        %sub3A_733 = arith.subf %get3A_728, %get3A_732 : vector<16xf32>
        %get3A_734 = arith.index_cast %select_n3A_164 : i32 to index
        %get3A_735 = arith.index_cast %add3A_652 : i32 to index
        %get3A_736 = arith.constant 64 : index
        %get3A_737 = tpu.vector_load %arg11[%get3A_734, %get3A_735, %get3A_736] {strides = array<i32>} : memref<2x64x128xf32, #tpu.memory_space<vmem>>, vector<16xf32>,
        %mul3A_738 = arith.mulf %sub3A_733, %get3A_737 : vector<16xf32>
        %add3A_739 = arith.addf %add3A_722, %mul3A_738 : vector<16xf32>
        %mul3A_740 = arith.mulf %get3A_737, %get3A_737 : vector<16xf32>
        %add3A_741 = arith.addf %add3A_724, %mul3A_740 : vector<16xf32>
        %get3A_742 = arith.index_cast %select_n3A_164 : i32 to index
        %get3A_743 = arith.index_cast %add3A_652 : i32 to index
        %get3A_744 = arith.constant 80 : index
        %get3A_745 = tpu.vector_load %arg8[%get3A_742, %get3A_743, %get3A_744] {strides = array<i32>} : memref<2x64x128xf32, #tpu.memory_space<vmem>>, vector<16xf32>,
        %get3A_746 = arith.index_cast %select_n3A_164 : i32 to index
        %get3A_747 = arith.index_cast %add3A_652 : i32 to index
        %get3A_748 = arith.constant 80 : index
        %get3A_749 = tpu.vector_load %arg9[%get3A_746, %get3A_747, %get3A_748] {strides = array<i32>} : memref<2x64x128xf32, #tpu.memory_space<vmem>>, vector<16xf32>,
        %sub3A_750 = arith.subf %get3A_745, %get3A_749 : vector<16xf32>
        %get3A_751 = arith.index_cast %select_n3A_164 : i32 to index
        %get3A_752 = arith.index_cast %add3A_652 : i32 to index
        %get3A_753 = arith.constant 80 : index
        %get3A_754 = tpu.vector_load %arg11[%get3A_751, %get3A_752, %get3A_753] {strides = array<i32>} : memref<2x64x128xf32, #tpu.memory_space<vmem>>, vector<16xf32>,
        %mul3A_755 = arith.mulf %sub3A_750, %get3A_754 : vector<16xf32>
        %add3A_756 = arith.addf %add3A_739, %mul3A_755 : vector<16xf32>
        %mul3A_757 = arith.mulf %get3A_754, %get3A_754 : vector<16xf32>
        %add3A_758 = arith.addf %add3A_741, %mul3A_757 : vector<16xf32>
        %get3A_759 = arith.index_cast %select_n3A_164 : i32 to index
        %get3A_760 = arith.index_cast %add3A_652 : i32 to index
        %get3A_761 = arith.constant 96 : index
        %get3A_762 = tpu.vector_load %arg8[%get3A_759, %get3A_760, %get3A_761] {strides = array<i32>} : memref<2x64x128xf32, #tpu.memory_space<vmem>>, vector<16xf32>,
        %get3A_763 = arith.index_cast %select_n3A_164 : i32 to index
        %get3A_764 = arith.index_cast %add3A_652 : i32 to index
        %get3A_765 = arith.constant 96 : index
        %get3A_766 = tpu.vector_load %arg9[%get3A_763, %get3A_764, %get3A_765] {strides = array<i32>} : memref<2x64x128xf32, #tpu.memory_space<vmem>>, vector<16xf32>,
        %sub3A_767 = arith.subf %get3A_762, %get3A_766 : vector<16xf32>
        %get3A_768 = arith.index_cast %select_n3A_164 : i32 to index
        %get3A_769 = arith.index_cast %add3A_652 : i32 to index
        %get3A_770 = arith.constant 96 : index
        %get3A_771 = tpu.vector_load %arg11[%get3A_768, %get3A_769, %get3A_770] {strides = array<i32>} : memref<2x64x128xf32, #tpu.memory_space<vmem>>, vector<16xf32>,
        %mul3A_772 = arith.mulf %sub3A_767, %get3A_771 : vector<16xf32>
        %add3A_773 = arith.addf %add3A_756, %mul3A_772 : vector<16xf32>
        %mul3A_774 = arith.mulf %get3A_771, %get3A_771 : vector<16xf32>
        %add3A_775 = arith.addf %add3A_758, %mul3A_774 : vector<16xf32>
        %get3A_776 = arith.index_cast %select_n3A_164 : i32 to index
        %get3A_777 = arith.index_cast %add3A_652 : i32 to index
        %get3A_778 = arith.constant 112 : index
        %get3A_779 = tpu.vector_load %arg8[%get3A_776, %get3A_777, %get3A_778] {strides = array<i32>} : memref<2x64x128xf32, #tpu.memory_space<vmem>>, vector<16xf32>,
        %get3A_780 = arith.index_cast %select_n3A_164 : i32 to index
        %get3A_781 = arith.index_cast %add3A_652 : i32 to index
        %get3A_782 = arith.constant 112 : index
        %get3A_783 = tpu.vector_load %arg9[%get3A_780, %get3A_781, %get3A_782] {strides = array<i32>} : memref<2x64x128xf32, #tpu.memory_space<vmem>>, vector<16xf32>,
        %sub3A_784 = arith.subf %get3A_779, %get3A_783 : vector<16xf32>
        %get3A_785 = arith.index_cast %select_n3A_164 : i32 to index
        %get3A_786 = arith.index_cast %add3A_652 : i32 to index
        %get3A_787 = arith.constant 112 : index
        %get3A_788 = tpu.vector_load %arg11[%get3A_785, %get3A_786, %get3A_787] {strides = array<i32>} : memref<2x64x128xf32, #tpu.memory_space<vmem>>, vector<16xf32>,
        %mul3A_789 = arith.mulf %sub3A_784, %get3A_788 : vector<16xf32>
        %add3A_790 = arith.addf %add3A_773, %mul3A_789 : vector<16xf32>
        %mul3A_791 = arith.mulf %get3A_788, %get3A_788 : vector<16xf32>
        %add3A_792 = arith.addf %add3A_775, %mul3A_791 : vector<16xf32>
        %reduce_sum3A_793 = arith.constant true
        %reduce_sum3A_794 = vector.broadcast %reduce_sum3A_793 : i1 to vector<16xi1>
        %reduce_sum3A_795 = tpu.scan <sum>, %add3A_790 masked %reduce_sum3A_794 : vector<16xf32>, vector<16xi1> -> vector<16xf32>
        %reduce_sum3A_796 = vector.extract %reduce_sum3A_795[15] : f32 from vector<16xf32>
        %broadcast_in_dim3A_797 = vector.broadcast %reduce_sum3A_796 : f32 to vector<16xf32>
        %reduce_sum3A_798 = arith.constant true
        %reduce_sum3A_799 = vector.broadcast %reduce_sum3A_798 : i1 to vector<16xi1>
        %reduce_sum3A_800 = tpu.scan <sum>, %add3A_792 masked %reduce_sum3A_799 : vector<16xf32>, vector<16xi1> -> vector<16xf32>
        %reduce_sum3A_801 = vector.extract %reduce_sum3A_800[15] : f32 from vector<16xf32>
        %broadcast_in_dim3A_802 = vector.broadcast %reduce_sum3A_801 : f32 to vector<16xf32>
        %max3A_803 = arith.constant 1.000000e-24 : f32
        %max3A_804 = vector.broadcast %max3A_803 : f32 to vector<16xf32>
        %max3A_805 = arith.maximumf %broadcast_in_dim3A_802, %max3A_804 : vector<16xf32>
        %div3A_806 = arith.divf %broadcast_in_dim3A_797, %max3A_805 : vector<16xf32>
        %broadcast_in_dim3A_807 = arith.constant 0.000000e+00 : f32
        %broadcast_in_dim3A_808 = vector.broadcast %broadcast_in_dim3A_807 : f32 to vector<16xf32>
        %get3A_809 = arith.index_cast %select_n3A_164 : i32 to index
        %get3A_810 = arith.index_cast %add3A_652 : i32 to index
        %get3A_811 = arith.constant 0 : index
        %get3A_812 = tpu.vector_load %arg10[%get3A_809, %get3A_810, %get3A_811] {strides = array<i32>} : memref<2x64x128xf32, #tpu.memory_space<vmem>>, vector<16xf32>,
        %add3A_813 = arith.addf %sub3A_665, %get3A_812 : vector<16xf32>
        %mul3A_814 = arith.mulf %div3A_806, %get3A_669 : vector<16xf32>
        %sub3A_815 = arith.subf %add3A_813, %mul3A_814 : vector<16xf32>
        %abs3A_816 = math.absf %sub3A_815 : vector<16xf32>
        %add3A_817 = arith.addf %broadcast_in_dim3A_808, %abs3A_816 : vector<16xf32>
        %get3A_818 = arith.index_cast %select_n3A_164 : i32 to index
        %get3A_819 = arith.index_cast %add3A_652 : i32 to index
        %get3A_820 = arith.constant 16 : index
        %get3A_821 = tpu.vector_load %arg10[%get3A_818, %get3A_819, %get3A_820] {strides = array<i32>} : memref<2x64x128xf32, #tpu.memory_space<vmem>>, vector<16xf32>,
        %add3A_822 = arith.addf %sub3A_682, %get3A_821 : vector<16xf32>
        %mul3A_823 = arith.mulf %div3A_806, %get3A_686 : vector<16xf32>
        %sub3A_824 = arith.subf %add3A_822, %mul3A_823 : vector<16xf32>
        %abs3A_825 = math.absf %sub3A_824 : vector<16xf32>
        %add3A_826 = arith.addf %add3A_817, %abs3A_825 : vector<16xf32>
        %get3A_827 = arith.index_cast %select_n3A_164 : i32 to index
        %get3A_828 = arith.index_cast %add3A_652 : i32 to index
        %get3A_829 = arith.constant 32 : index
        %get3A_830 = tpu.vector_load %arg10[%get3A_827, %get3A_828, %get3A_829] {strides = array<i32>} : memref<2x64x128xf32, #tpu.memory_space<vmem>>, vector<16xf32>,
        %add3A_831 = arith.addf %sub3A_699, %get3A_830 : vector<16xf32>
        %mul3A_832 = arith.mulf %div3A_806, %get3A_703 : vector<16xf32>
        %sub3A_833 = arith.subf %add3A_831, %mul3A_832 : vector<16xf32>
        %abs3A_834 = math.absf %sub3A_833 : vector<16xf32>
        %add3A_835 = arith.addf %add3A_826, %abs3A_834 : vector<16xf32>
        %get3A_836 = arith.index_cast %select_n3A_164 : i32 to index
        %get3A_837 = arith.index_cast %add3A_652 : i32 to index
        %get3A_838 = arith.constant 48 : index
        %get3A_839 = tpu.vector_load %arg10[%get3A_836, %get3A_837, %get3A_838] {strides = array<i32>} : memref<2x64x128xf32, #tpu.memory_space<vmem>>, vector<16xf32>,
        %add3A_840 = arith.addf %sub3A_716, %get3A_839 : vector<16xf32>
        %mul3A_841 = arith.mulf %div3A_806, %get3A_720 : vector<16xf32>
        %sub3A_842 = arith.subf %add3A_840, %mul3A_841 : vector<16xf32>
        %abs3A_843 = math.absf %sub3A_842 : vector<16xf32>
        %add3A_844 = arith.addf %add3A_835, %abs3A_843 : vector<16xf32>
        %get3A_845 = arith.index_cast %select_n3A_164 : i32 to index
        %get3A_846 = arith.index_cast %add3A_652 : i32 to index
        %get3A_847 = arith.constant 64 : index
        %get3A_848 = tpu.vector_load %arg10[%get3A_845, %get3A_846, %get3A_847] {strides = array<i32>} : memref<2x64x128xf32, #tpu.memory_space<vmem>>, vector<16xf32>,
        %add3A_849 = arith.addf %sub3A_733, %get3A_848 : vector<16xf32>
        %mul3A_850 = arith.mulf %div3A_806, %get3A_737 : vector<16xf32>
        %sub3A_851 = arith.subf %add3A_849, %mul3A_850 : vector<16xf32>
        %abs3A_852 = math.absf %sub3A_851 : vector<16xf32>
        %add3A_853 = arith.addf %add3A_844, %abs3A_852 : vector<16xf32>
        %get3A_854 = arith.index_cast %select_n3A_164 : i32 to index
        %get3A_855 = arith.index_cast %add3A_652 : i32 to index
        %get3A_856 = arith.constant 80 : index
        %get3A_857 = tpu.vector_load %arg10[%get3A_854, %get3A_855, %get3A_856] {strides = array<i32>} : memref<2x64x128xf32, #tpu.memory_space<vmem>>, vector<16xf32>,
        %add3A_858 = arith.addf %sub3A_750, %get3A_857 : vector<16xf32>
        %mul3A_859 = arith.mulf %div3A_806, %get3A_754 : vector<16xf32>
        %sub3A_860 = arith.subf %add3A_858, %mul3A_859 : vector<16xf32>
        %abs3A_861 = math.absf %sub3A_860 : vector<16xf32>
        %add3A_862 = arith.addf %add3A_853, %abs3A_861 : vector<16xf32>
        %get3A_863 = arith.index_cast %select_n3A_164 : i32 to index
        %get3A_864 = arith.index_cast %add3A_652 : i32 to index
        %get3A_865 = arith.constant 96 : index
        %get3A_866 = tpu.vector_load %arg10[%get3A_863, %get3A_864, %get3A_865] {strides = array<i32>} : memref<2x64x128xf32, #tpu.memory_space<vmem>>, vector<16xf32>,
        %add3A_867 = arith.addf %sub3A_767, %get3A_866 : vector<16xf32>
        %mul3A_868 = arith.mulf %div3A_806, %get3A_771 : vector<16xf32>
        %sub3A_869 = arith.subf %add3A_867, %mul3A_868 : vector<16xf32>
        %abs3A_870 = math.absf %sub3A_869 : vector<16xf32>
        %add3A_871 = arith.addf %add3A_862, %abs3A_870 : vector<16xf32>
        %get3A_872 = arith.index_cast %select_n3A_164 : i32 to index
        %get3A_873 = arith.index_cast %add3A_652 : i32 to index
        %get3A_874 = arith.constant 112 : index
        %get3A_875 = tpu.vector_load %arg10[%get3A_872, %get3A_873, %get3A_874] {strides = array<i32>} : memref<2x64x128xf32, #tpu.memory_space<vmem>>, vector<16xf32>,
        %add3A_876 = arith.addf %sub3A_784, %get3A_875 : vector<16xf32>
        %mul3A_877 = arith.mulf %div3A_806, %get3A_788 : vector<16xf32>
        %sub3A_878 = arith.subf %add3A_876, %mul3A_877 : vector<16xf32>
        %abs3A_879 = math.absf %sub3A_878 : vector<16xf32>
        %add3A_880 = arith.addf %add3A_871, %abs3A_879 : vector<16xf32>
        %reduce_sum3A_881 = arith.constant true
        %reduce_sum3A_882 = vector.broadcast %reduce_sum3A_881 : i1 to vector<16xi1>
        %reduce_sum3A_883 = tpu.scan <sum>, %add3A_880 masked %reduce_sum3A_882 : vector<16xf32>, vector<16xi1> -> vector<16xf32>
        %reduce_sum3A_884 = vector.extract %reduce_sum3A_883[15] : f32 from vector<16xf32>
        %broadcast_in_dim3A_885 = vector.broadcast %reduce_sum3A_884 : f32 to vector<16xf32>
        %eq3A_886 = arith.constant 2 : i32
        %eq3A_887 = vector.broadcast %eq3A_886 : i32 to vector<16xi32>
        %eq3A_888 = arith.cmpi eq, %iota3A, %eq3A_887 : vector<16xi32>
        %select_n3A_889 = arith.select %eq3A_888, %broadcast_in_dim3A_885, %select_n3A_648 : vector<16xi1>, vector<16xf32>
        %mul3A_890 = arith.constant 16 : i32
        %mul3A_891 = arith.muli %scan3A_171, %mul3A_890 : i32
        %add3A_892 = arith.constant 3 : i32
        %add3A_893 = arith.addi %mul3A_891, %add3A_892 : i32
        %broadcast_in_dim3A_894 = arith.constant 0.000000e+00 : f32
        %broadcast_in_dim3A_895 = vector.broadcast %broadcast_in_dim3A_894 : f32 to vector<16xf32>
        %broadcast_in_dim3A_896 = arith.constant 0.000000e+00 : f32
        %broadcast_in_dim3A_897 = vector.broadcast %broadcast_in_dim3A_896 : f32 to vector<16xf32>
        %get3A_898 = arith.index_cast %select_n3A_164 : i32 to index
        %get3A_899 = arith.index_cast %add3A_893 : i32 to index
        %get3A_900 = arith.constant 0 : index
        %get3A_901 = tpu.vector_load %arg8[%get3A_898, %get3A_899, %get3A_900] {strides = array<i32>} : memref<2x64x128xf32, #tpu.memory_space<vmem>>, vector<16xf32>,
        %get3A_902 = arith.index_cast %select_n3A_164 : i32 to index
        %get3A_903 = arith.index_cast %add3A_893 : i32 to index
        %get3A_904 = arith.constant 0 : index
        %get3A_905 = tpu.vector_load %arg9[%get3A_902, %get3A_903, %get3A_904] {strides = array<i32>} : memref<2x64x128xf32, #tpu.memory_space<vmem>>, vector<16xf32>,
        %sub3A_906 = arith.subf %get3A_901, %get3A_905 : vector<16xf32>
        %get3A_907 = arith.index_cast %select_n3A_164 : i32 to index
        %get3A_908 = arith.index_cast %add3A_893 : i32 to index
        %get3A_909 = arith.constant 0 : index
        %get3A_910 = tpu.vector_load %arg11[%get3A_907, %get3A_908, %get3A_909] {strides = array<i32>} : memref<2x64x128xf32, #tpu.memory_space<vmem>>, vector<16xf32>,
        %mul3A_911 = arith.mulf %sub3A_906, %get3A_910 : vector<16xf32>
        %add3A_912 = arith.addf %broadcast_in_dim3A_895, %mul3A_911 : vector<16xf32>
        %mul3A_913 = arith.mulf %get3A_910, %get3A_910 : vector<16xf32>
        %add3A_914 = arith.addf %broadcast_in_dim3A_897, %mul3A_913 : vector<16xf32>
        %get3A_915 = arith.index_cast %select_n3A_164 : i32 to index
        %get3A_916 = arith.index_cast %add3A_893 : i32 to index
        %get3A_917 = arith.constant 16 : index
        %get3A_918 = tpu.vector_load %arg8[%get3A_915, %get3A_916, %get3A_917] {strides = array<i32>} : memref<2x64x128xf32, #tpu.memory_space<vmem>>, vector<16xf32>,
        %get3A_919 = arith.index_cast %select_n3A_164 : i32 to index
        %get3A_920 = arith.index_cast %add3A_893 : i32 to index
        %get3A_921 = arith.constant 16 : index
        %get3A_922 = tpu.vector_load %arg9[%get3A_919, %get3A_920, %get3A_921] {strides = array<i32>} : memref<2x64x128xf32, #tpu.memory_space<vmem>>, vector<16xf32>,
        %sub3A_923 = arith.subf %get3A_918, %get3A_922 : vector<16xf32>
        %get3A_924 = arith.index_cast %select_n3A_164 : i32 to index
        %get3A_925 = arith.index_cast %add3A_893 : i32 to index
        %get3A_926 = arith.constant 16 : index
        %get3A_927 = tpu.vector_load %arg11[%get3A_924, %get3A_925, %get3A_926] {strides = array<i32>} : memref<2x64x128xf32, #tpu.memory_space<vmem>>, vector<16xf32>,
        %mul3A_928 = arith.mulf %sub3A_923, %get3A_927 : vector<16xf32>
        %add3A_929 = arith.addf %add3A_912, %mul3A_928 : vector<16xf32>
        %mul3A_930 = arith.mulf %get3A_927, %get3A_927 : vector<16xf32>
        %add3A_931 = arith.addf %add3A_914, %mul3A_930 : vector<16xf32>
        %get3A_932 = arith.index_cast %select_n3A_164 : i32 to index
        %get3A_933 = arith.index_cast %add3A_893 : i32 to index
        %get3A_934 = arith.constant 32 : index
        %get3A_935 = tpu.vector_load %arg8[%get3A_932, %get3A_933, %get3A_934] {strides = array<i32>} : memref<2x64x128xf32, #tpu.memory_space<vmem>>, vector<16xf32>,
        %get3A_936 = arith.index_cast %select_n3A_164 : i32 to index
        %get3A_937 = arith.index_cast %add3A_893 : i32 to index
        %get3A_938 = arith.constant 32 : index
        %get3A_939 = tpu.vector_load %arg9[%get3A_936, %get3A_937, %get3A_938] {strides = array<i32>} : memref<2x64x128xf32, #tpu.memory_space<vmem>>, vector<16xf32>,
        %sub3A_940 = arith.subf %get3A_935, %get3A_939 : vector<16xf32>
        %get3A_941 = arith.index_cast %select_n3A_164 : i32 to index
        %get3A_942 = arith.index_cast %add3A_893 : i32 to index
        %get3A_943 = arith.constant 32 : index
        %get3A_944 = tpu.vector_load %arg11[%get3A_941, %get3A_942, %get3A_943] {strides = array<i32>} : memref<2x64x128xf32, #tpu.memory_space<vmem>>, vector<16xf32>,
        %mul3A_945 = arith.mulf %sub3A_940, %get3A_944 : vector<16xf32>
        %add3A_946 = arith.addf %add3A_929, %mul3A_945 : vector<16xf32>
        %mul3A_947 = arith.mulf %get3A_944, %get3A_944 : vector<16xf32>
        %add3A_948 = arith.addf %add3A_931, %mul3A_947 : vector<16xf32>
        %get3A_949 = arith.index_cast %select_n3A_164 : i32 to index
        %get3A_950 = arith.index_cast %add3A_893 : i32 to index
        %get3A_951 = arith.constant 48 : index
        %get3A_952 = tpu.vector_load %arg8[%get3A_949, %get3A_950, %get3A_951] {strides = array<i32>} : memref<2x64x128xf32, #tpu.memory_space<vmem>>, vector<16xf32>,
        %get3A_953 = arith.index_cast %select_n3A_164 : i32 to index
        %get3A_954 = arith.index_cast %add3A_893 : i32 to index
        %get3A_955 = arith.constant 48 : index
        %get3A_956 = tpu.vector_load %arg9[%get3A_953, %get3A_954, %get3A_955] {strides = array<i32>} : memref<2x64x128xf32, #tpu.memory_space<vmem>>, vector<16xf32>,
        %sub3A_957 = arith.subf %get3A_952, %get3A_956 : vector<16xf32>
        %get3A_958 = arith.index_cast %select_n3A_164 : i32 to index
        %get3A_959 = arith.index_cast %add3A_893 : i32 to index
        %get3A_960 = arith.constant 48 : index
        %get3A_961 = tpu.vector_load %arg11[%get3A_958, %get3A_959, %get3A_960] {strides = array<i32>} : memref<2x64x128xf32, #tpu.memory_space<vmem>>, vector<16xf32>,
        %mul3A_962 = arith.mulf %sub3A_957, %get3A_961 : vector<16xf32>
        %add3A_963 = arith.addf %add3A_946, %mul3A_962 : vector<16xf32>
        %mul3A_964 = arith.mulf %get3A_961, %get3A_961 : vector<16xf32>
        %add3A_965 = arith.addf %add3A_948, %mul3A_964 : vector<16xf32>
        %get3A_966 = arith.index_cast %select_n3A_164 : i32 to index
        %get3A_967 = arith.index_cast %add3A_893 : i32 to index
        %get3A_968 = arith.constant 64 : index
        %get3A_969 = tpu.vector_load %arg8[%get3A_966, %get3A_967, %get3A_968] {strides = array<i32>} : memref<2x64x128xf32, #tpu.memory_space<vmem>>, vector<16xf32>,
        %get3A_970 = arith.index_cast %select_n3A_164 : i32 to index
        %get3A_971 = arith.index_cast %add3A_893 : i32 to index
        %get3A_972 = arith.constant 64 : index
        %get3A_973 = tpu.vector_load %arg9[%get3A_970, %get3A_971, %get3A_972] {strides = array<i32>} : memref<2x64x128xf32, #tpu.memory_space<vmem>>, vector<16xf32>,
        %sub3A_974 = arith.subf %get3A_969, %get3A_973 : vector<16xf32>
        %get3A_975 = arith.index_cast %select_n3A_164 : i32 to index
        %get3A_976 = arith.index_cast %add3A_893 : i32 to index
        %get3A_977 = arith.constant 64 : index
        %get3A_978 = tpu.vector_load %arg11[%get3A_975, %get3A_976, %get3A_977] {strides = array<i32>} : memref<2x64x128xf32, #tpu.memory_space<vmem>>, vector<16xf32>,
        %mul3A_979 = arith.mulf %sub3A_974, %get3A_978 : vector<16xf32>
        %add3A_980 = arith.addf %add3A_963, %mul3A_979 : vector<16xf32>
        %mul3A_981 = arith.mulf %get3A_978, %get3A_978 : vector<16xf32>
        %add3A_982 = arith.addf %add3A_965, %mul3A_981 : vector<16xf32>
        %get3A_983 = arith.index_cast %select_n3A_164 : i32 to index
        %get3A_984 = arith.index_cast %add3A_893 : i32 to index
        %get3A_985 = arith.constant 80 : index
        %get3A_986 = tpu.vector_load %arg8[%get3A_983, %get3A_984, %get3A_985] {strides = array<i32>} : memref<2x64x128xf32, #tpu.memory_space<vmem>>, vector<16xf32>,
        %get3A_987 = arith.index_cast %select_n3A_164 : i32 to index
        %get3A_988 = arith.index_cast %add3A_893 : i32 to index
        %get3A_989 = arith.constant 80 : index
        %get3A_990 = tpu.vector_load %arg9[%get3A_987, %get3A_988, %get3A_989] {strides = array<i32>} : memref<2x64x128xf32, #tpu.memory_space<vmem>>, vector<16xf32>,
        %sub3A_991 = arith.subf %get3A_986, %get3A_990 : vector<16xf32>
        %get3A_992 = arith.index_cast %select_n3A_164 : i32 to index
        %get3A_993 = arith.index_cast %add3A_893 : i32 to index
        %get3A_994 = arith.constant 80 : index
        %get3A_995 = tpu.vector_load %arg11[%get3A_992, %get3A_993, %get3A_994] {strides = array<i32>} : memref<2x64x128xf32, #tpu.memory_space<vmem>>, vector<16xf32>,
        %mul3A_996 = arith.mulf %sub3A_991, %get3A_995 : vector<16xf32>
        %add3A_997 = arith.addf %add3A_980, %mul3A_996 : vector<16xf32>
        %mul3A_998 = arith.mulf %get3A_995, %get3A_995 : vector<16xf32>
        %add3A_999 = arith.addf %add3A_982, %mul3A_998 : vector<16xf32>
        %get3A_1000 = arith.index_cast %select_n3A_164 : i32 to index
        %get3A_1001 = arith.index_cast %add3A_893 : i32 to index
        %get3A_1002 = arith.constant 96 : index
        %get3A_1003 = tpu.vector_load %arg8[%get3A_1000, %get3A_1001, %get3A_1002] {strides = array<i32>} : memref<2x64x128xf32, #tpu.memory_space<vmem>>, vector<16xf32>,
        %get3A_1004 = arith.index_cast %select_n3A_164 : i32 to index
        %get3A_1005 = arith.index_cast %add3A_893 : i32 to index
        %get3A_1006 = arith.constant 96 : index
        %get3A_1007 = tpu.vector_load %arg9[%get3A_1004, %get3A_1005, %get3A_1006] {strides = array<i32>} : memref<2x64x128xf32, #tpu.memory_space<vmem>>, vector<16xf32>,
        %sub3A_1008 = arith.subf %get3A_1003, %get3A_1007 : vector<16xf32>
        %get3A_1009 = arith.index_cast %select_n3A_164 : i32 to index
        %get3A_1010 = arith.index_cast %add3A_893 : i32 to index
        %get3A_1011 = arith.constant 96 : index
        %get3A_1012 = tpu.vector_load %arg11[%get3A_1009, %get3A_1010, %get3A_1011] {strides = array<i32>} : memref<2x64x128xf32, #tpu.memory_space<vmem>>, vector<16xf32>,
        %mul3A_1013 = arith.mulf %sub3A_1008, %get3A_1012 : vector<16xf32>
        %add3A_1014 = arith.addf %add3A_997, %mul3A_1013 : vector<16xf32>
        %mul3A_1015 = arith.mulf %get3A_1012, %get3A_1012 : vector<16xf32>
        %add3A_1016 = arith.addf %add3A_999, %mul3A_1015 : vector<16xf32>
        %get3A_1017 = arith.index_cast %select_n3A_164 : i32 to index
        %get3A_1018 = arith.index_cast %add3A_893 : i32 to index
        %get3A_1019 = arith.constant 112 : index
        %get3A_1020 = tpu.vector_load %arg8[%get3A_1017, %get3A_1018, %get3A_1019] {strides = array<i32>} : memref<2x64x128xf32, #tpu.memory_space<vmem>>, vector<16xf32>,
        %get3A_1021 = arith.index_cast %select_n3A_164 : i32 to index
        %get3A_1022 = arith.index_cast %add3A_893 : i32 to index
        %get3A_1023 = arith.constant 112 : index
        %get3A_1024 = tpu.vector_load %arg9[%get3A_1021, %get3A_1022, %get3A_1023] {strides = array<i32>} : memref<2x64x128xf32, #tpu.memory_space<vmem>>, vector<16xf32>,
        %sub3A_1025 = arith.subf %get3A_1020, %get3A_1024 : vector<16xf32>
        %get3A_1026 = arith.index_cast %select_n3A_164 : i32 to index
        %get3A_1027 = arith.index_cast %add3A_893 : i32 to index
        %get3A_1028 = arith.constant 112 : index
        %get3A_1029 = tpu.vector_load %arg11[%get3A_1026, %get3A_1027, %get3A_1028] {strides = array<i32>} : memref<2x64x128xf32, #tpu.memory_space<vmem>>, vector<16xf32>,
        %mul3A_1030 = arith.mulf %sub3A_1025, %get3A_1029 : vector<16xf32>
        %add3A_1031 = arith.addf %add3A_1014, %mul3A_1030 : vector<16xf32>
        %mul3A_1032 = arith.mulf %get3A_1029, %get3A_1029 : vector<16xf32>
        %add3A_1033 = arith.addf %add3A_1016, %mul3A_1032 : vector<16xf32>
        %reduce_sum3A_1034 = arith.constant true
        %reduce_sum3A_1035 = vector.broadcast %reduce_sum3A_1034 : i1 to vector<16xi1>
        %reduce_sum3A_1036 = tpu.scan <sum>, %add3A_1031 masked %reduce_sum3A_1035 : vector<16xf32>, vector<16xi1> -> vector<16xf32>
        %reduce_sum3A_1037 = vector.extract %reduce_sum3A_1036[15] : f32 from vector<16xf32>
        %broadcast_in_dim3A_1038 = vector.broadcast %reduce_sum3A_1037 : f32 to vector<16xf32>
        %reduce_sum3A_1039 = arith.constant true
        %reduce_sum3A_1040 = vector.broadcast %reduce_sum3A_1039 : i1 to vector<16xi1>
        %reduce_sum3A_1041 = tpu.scan <sum>, %add3A_1033 masked %reduce_sum3A_1040 : vector<16xf32>, vector<16xi1> -> vector<16xf32>
        %reduce_sum3A_1042 = vector.extract %reduce_sum3A_1041[15] : f32 from vector<16xf32>
        %broadcast_in_dim3A_1043 = vector.broadcast %reduce_sum3A_1042 : f32 to vector<16xf32>
        %max3A_1044 = arith.constant 1.000000e-24 : f32
        %max3A_1045 = vector.broadcast %max3A_1044 : f32 to vector<16xf32>
        %max3A_1046 = arith.maximumf %broadcast_in_dim3A_1043, %max3A_1045 : vector<16xf32>
        %div3A_1047 = arith.divf %broadcast_in_dim3A_1038, %max3A_1046 : vector<16xf32>
        %broadcast_in_dim3A_1048 = arith.constant 0.000000e+00 : f32
        %broadcast_in_dim3A_1049 = vector.broadcast %broadcast_in_dim3A_1048 : f32 to vector<16xf32>
        %get3A_1050 = arith.index_cast %select_n3A_164 : i32 to index
        %get3A_1051 = arith.index_cast %add3A_893 : i32 to index
        %get3A_1052 = arith.constant 0 : index
        %get3A_1053 = tpu.vector_load %arg10[%get3A_1050, %get3A_1051, %get3A_1052] {strides = array<i32>} : memref<2x64x128xf32, #tpu.memory_space<vmem>>, vector<16xf32>,
        %add3A_1054 = arith.addf %sub3A_906, %get3A_1053 : vector<16xf32>
        %mul3A_1055 = arith.mulf %div3A_1047, %get3A_910 : vector<16xf32>
        %sub3A_1056 = arith.subf %add3A_1054, %mul3A_1055 : vector<16xf32>
        %abs3A_1057 = math.absf %sub3A_1056 : vector<16xf32>
        %add3A_1058 = arith.addf %broadcast_in_dim3A_1049, %abs3A_1057 : vector<16xf32>
        %get3A_1059 = arith.index_cast %select_n3A_164 : i32 to index
        %get3A_1060 = arith.index_cast %add3A_893 : i32 to index
        %get3A_1061 = arith.constant 16 : index
        %get3A_1062 = tpu.vector_load %arg10[%get3A_1059, %get3A_1060, %get3A_1061] {strides = array<i32>} : memref<2x64x128xf32, #tpu.memory_space<vmem>>, vector<16xf32>,
        %add3A_1063 = arith.addf %sub3A_923, %get3A_1062 : vector<16xf32>
        %mul3A_1064 = arith.mulf %div3A_1047, %get3A_927 : vector<16xf32>
        %sub3A_1065 = arith.subf %add3A_1063, %mul3A_1064 : vector<16xf32>
        %abs3A_1066 = math.absf %sub3A_1065 : vector<16xf32>
        %add3A_1067 = arith.addf %add3A_1058, %abs3A_1066 : vector<16xf32>
        %get3A_1068 = arith.index_cast %select_n3A_164 : i32 to index
        %get3A_1069 = arith.index_cast %add3A_893 : i32 to index
        %get3A_1070 = arith.constant 32 : index
        %get3A_1071 = tpu.vector_load %arg10[%get3A_1068, %get3A_1069, %get3A_1070] {strides = array<i32>} : memref<2x64x128xf32, #tpu.memory_space<vmem>>, vector<16xf32>,
        %add3A_1072 = arith.addf %sub3A_940, %get3A_1071 : vector<16xf32>
        %mul3A_1073 = arith.mulf %div3A_1047, %get3A_944 : vector<16xf32>
        %sub3A_1074 = arith.subf %add3A_1072, %mul3A_1073 : vector<16xf32>
        %abs3A_1075 = math.absf %sub3A_1074 : vector<16xf32>
        %add3A_1076 = arith.addf %add3A_1067, %abs3A_1075 : vector<16xf32>
        %get3A_1077 = arith.index_cast %select_n3A_164 : i32 to index
        %get3A_1078 = arith.index_cast %add3A_893 : i32 to index
        %get3A_1079 = arith.constant 48 : index
        %get3A_1080 = tpu.vector_load %arg10[%get3A_1077, %get3A_1078, %get3A_1079] {strides = array<i32>} : memref<2x64x128xf32, #tpu.memory_space<vmem>>, vector<16xf32>,
        %add3A_1081 = arith.addf %sub3A_957, %get3A_1080 : vector<16xf32>
        %mul3A_1082 = arith.mulf %div3A_1047, %get3A_961 : vector<16xf32>
        %sub3A_1083 = arith.subf %add3A_1081, %mul3A_1082 : vector<16xf32>
        %abs3A_1084 = math.absf %sub3A_1083 : vector<16xf32>
        %add3A_1085 = arith.addf %add3A_1076, %abs3A_1084 : vector<16xf32>
        %get3A_1086 = arith.index_cast %select_n3A_164 : i32 to index
        %get3A_1087 = arith.index_cast %add3A_893 : i32 to index
        %get3A_1088 = arith.constant 64 : index
        %get3A_1089 = tpu.vector_load %arg10[%get3A_1086, %get3A_1087, %get3A_1088] {strides = array<i32>} : memref<2x64x128xf32, #tpu.memory_space<vmem>>, vector<16xf32>,
        %add3A_1090 = arith.addf %sub3A_974, %get3A_1089 : vector<16xf32>
        %mul3A_1091 = arith.mulf %div3A_1047, %get3A_978 : vector<16xf32>
        %sub3A_1092 = arith.subf %add3A_1090, %mul3A_1091 : vector<16xf32>
        %abs3A_1093 = math.absf %sub3A_1092 : vector<16xf32>
        %add3A_1094 = arith.addf %add3A_1085, %abs3A_1093 : vector<16xf32>
        %get3A_1095 = arith.index_cast %select_n3A_164 : i32 to index
        %get3A_1096 = arith.index_cast %add3A_893 : i32 to index
        %get3A_1097 = arith.constant 80 : index
        %get3A_1098 = tpu.vector_load %arg10[%get3A_1095, %get3A_1096, %get3A_1097] {strides = array<i32>} : memref<2x64x128xf32, #tpu.memory_space<vmem>>, vector<16xf32>,
        %add3A_1099 = arith.addf %sub3A_991, %get3A_1098 : vector<16xf32>
        %mul3A_1100 = arith.mulf %div3A_1047, %get3A_995 : vector<16xf32>
        %sub3A_1101 = arith.subf %add3A_1099, %mul3A_1100 : vector<16xf32>
        %abs3A_1102 = math.absf %sub3A_1101 : vector<16xf32>
        %add3A_1103 = arith.addf %add3A_1094, %abs3A_1102 : vector<16xf32>
        %get3A_1104 = arith.index_cast %select_n3A_164 : i32 to index
        %get3A_1105 = arith.index_cast %add3A_893 : i32 to index
        %get3A_1106 = arith.constant 96 : index
        %get3A_1107 = tpu.vector_load %arg10[%get3A_1104, %get3A_1105, %get3A_1106] {strides = array<i32>} : memref<2x64x128xf32, #tpu.memory_space<vmem>>, vector<16xf32>,
        %add3A_1108 = arith.addf %sub3A_1008, %get3A_1107 : vector<16xf32>
        %mul3A_1109 = arith.mulf %div3A_1047, %get3A_1012 : vector<16xf32>
        %sub3A_1110 = arith.subf %add3A_1108, %mul3A_1109 : vector<16xf32>
        %abs3A_1111 = math.absf %sub3A_1110 : vector<16xf32>
        %add3A_1112 = arith.addf %add3A_1103, %abs3A_1111 : vector<16xf32>
        %get3A_1113 = arith.index_cast %select_n3A_164 : i32 to index
        %get3A_1114 = arith.index_cast %add3A_893 : i32 to index
        %get3A_1115 = arith.constant 112 : index
        %get3A_1116 = tpu.vector_load %arg10[%get3A_1113, %get3A_1114, %get3A_1115] {strides = array<i32>} : memref<2x64x128xf32, #tpu.memory_space<vmem>>, vector<16xf32>,
        %add3A_1117 = arith.addf %sub3A_1025, %get3A_1116 : vector<16xf32>
        %mul3A_1118 = arith.mulf %div3A_1047, %get3A_1029 : vector<16xf32>
        %sub3A_1119 = arith.subf %add3A_1117, %mul3A_1118 : vector<16xf32>
        %abs3A_1120 = math.absf %sub3A_1119 : vector<16xf32>
        %add3A_1121 = arith.addf %add3A_1112, %abs3A_1120 : vector<16xf32>
        %reduce_sum3A_1122 = arith.constant true
        %reduce_sum3A_1123 = vector.broadcast %reduce_sum3A_1122 : i1 to vector<16xi1>
        %reduce_sum3A_1124 = tpu.scan <sum>, %add3A_1121 masked %reduce_sum3A_1123 : vector<16xf32>, vector<16xi1> -> vector<16xf32>
        %reduce_sum3A_1125 = vector.extract %reduce_sum3A_1124[15] : f32 from vector<16xf32>
        %broadcast_in_dim3A_1126 = vector.broadcast %reduce_sum3A_1125 : f32 to vector<16xf32>
        %eq3A_1127 = arith.constant 3 : i32
        %eq3A_1128 = vector.broadcast %eq3A_1127 : i32 to vector<16xi32>
        %eq3A_1129 = arith.cmpi eq, %iota3A, %eq3A_1128 : vector<16xi32>
        %select_n3A_1130 = arith.select %eq3A_1129, %broadcast_in_dim3A_1126, %select_n3A_889 : vector<16xi1>, vector<16xf32>
        %mul3A_1131 = arith.constant 16 : i32
        %mul3A_1132 = arith.muli %scan3A_171, %mul3A_1131 : i32
        %add3A_1133 = arith.constant 4 : i32
        %add3A_1134 = arith.addi %mul3A_1132, %add3A_1133 : i32
        %broadcast_in_dim3A_1135 = arith.constant 0.000000e+00 : f32
        %broadcast_in_dim3A_1136 = vector.broadcast %broadcast_in_dim3A_1135 : f32 to vector<16xf32>
        %broadcast_in_dim3A_1137 = arith.constant 0.000000e+00 : f32
        %broadcast_in_dim3A_1138 = vector.broadcast %broadcast_in_dim3A_1137 : f32 to vector<16xf32>
        %get3A_1139 = arith.index_cast %select_n3A_164 : i32 to index
        %get3A_1140 = arith.index_cast %add3A_1134 : i32 to index
        %get3A_1141 = arith.constant 0 : index
        %get3A_1142 = tpu.vector_load %arg8[%get3A_1139, %get3A_1140, %get3A_1141] {strides = array<i32>} : memref<2x64x128xf32, #tpu.memory_space<vmem>>, vector<16xf32>,
        %get3A_1143 = arith.index_cast %select_n3A_164 : i32 to index
        %get3A_1144 = arith.index_cast %add3A_1134 : i32 to index
        %get3A_1145 = arith.constant 0 : index
        %get3A_1146 = tpu.vector_load %arg9[%get3A_1143, %get3A_1144, %get3A_1145] {strides = array<i32>} : memref<2x64x128xf32, #tpu.memory_space<vmem>>, vector<16xf32>,
        %sub3A_1147 = arith.subf %get3A_1142, %get3A_1146 : vector<16xf32>
        %get3A_1148 = arith.index_cast %select_n3A_164 : i32 to index
        %get3A_1149 = arith.index_cast %add3A_1134 : i32 to index
        %get3A_1150 = arith.constant 0 : index
        %get3A_1151 = tpu.vector_load %arg11[%get3A_1148, %get3A_1149, %get3A_1150] {strides = array<i32>} : memref<2x64x128xf32, #tpu.memory_space<vmem>>, vector<16xf32>,
        %mul3A_1152 = arith.mulf %sub3A_1147, %get3A_1151 : vector<16xf32>
        %add3A_1153 = arith.addf %broadcast_in_dim3A_1136, %mul3A_1152 : vector<16xf32>
        %mul3A_1154 = arith.mulf %get3A_1151, %get3A_1151 : vector<16xf32>
        %add3A_1155 = arith.addf %broadcast_in_dim3A_1138, %mul3A_1154 : vector<16xf32>
        %get3A_1156 = arith.index_cast %select_n3A_164 : i32 to index
        %get3A_1157 = arith.index_cast %add3A_1134 : i32 to index
        %get3A_1158 = arith.constant 16 : index
        %get3A_1159 = tpu.vector_load %arg8[%get3A_1156, %get3A_1157, %get3A_1158] {strides = array<i32>} : memref<2x64x128xf32, #tpu.memory_space<vmem>>, vector<16xf32>,
        %get3A_1160 = arith.index_cast %select_n3A_164 : i32 to index
        %get3A_1161 = arith.index_cast %add3A_1134 : i32 to index
        %get3A_1162 = arith.constant 16 : index
        %get3A_1163 = tpu.vector_load %arg9[%get3A_1160, %get3A_1161, %get3A_1162] {strides = array<i32>} : memref<2x64x128xf32, #tpu.memory_space<vmem>>, vector<16xf32>,
        %sub3A_1164 = arith.subf %get3A_1159, %get3A_1163 : vector<16xf32>
        %get3A_1165 = arith.index_cast %select_n3A_164 : i32 to index
        %get3A_1166 = arith.index_cast %add3A_1134 : i32 to index
        %get3A_1167 = arith.constant 16 : index
        %get3A_1168 = tpu.vector_load %arg11[%get3A_1165, %get3A_1166, %get3A_1167] {strides = array<i32>} : memref<2x64x128xf32, #tpu.memory_space<vmem>>, vector<16xf32>,
        %mul3A_1169 = arith.mulf %sub3A_1164, %get3A_1168 : vector<16xf32>
        %add3A_1170 = arith.addf %add3A_1153, %mul3A_1169 : vector<16xf32>
        %mul3A_1171 = arith.mulf %get3A_1168, %get3A_1168 : vector<16xf32>
        %add3A_1172 = arith.addf %add3A_1155, %mul3A_1171 : vector<16xf32>
        %get3A_1173 = arith.index_cast %select_n3A_164 : i32 to index
        %get3A_1174 = arith.index_cast %add3A_1134 : i32 to index
        %get3A_1175 = arith.constant 32 : index
        %get3A_1176 = tpu.vector_load %arg8[%get3A_1173, %get3A_1174, %get3A_1175] {strides = array<i32>} : memref<2x64x128xf32, #tpu.memory_space<vmem>>, vector<16xf32>,
        %get3A_1177 = arith.index_cast %select_n3A_164 : i32 to index
        %get3A_1178 = arith.index_cast %add3A_1134 : i32 to index
        %get3A_1179 = arith.constant 32 : index
        %get3A_1180 = tpu.vector_load %arg9[%get3A_1177, %get3A_1178, %get3A_1179] {strides = array<i32>} : memref<2x64x128xf32, #tpu.memory_space<vmem>>, vector<16xf32>,
        %sub3A_1181 = arith.subf %get3A_1176, %get3A_1180 : vector<16xf32>
        %get3A_1182 = arith.index_cast %select_n3A_164 : i32 to index
        %get3A_1183 = arith.index_cast %add3A_1134 : i32 to index
        %get3A_1184 = arith.constant 32 : index
        %get3A_1185 = tpu.vector_load %arg11[%get3A_1182, %get3A_1183, %get3A_1184] {strides = array<i32>} : memref<2x64x128xf32, #tpu.memory_space<vmem>>, vector<16xf32>,
        %mul3A_1186 = arith.mulf %sub3A_1181, %get3A_1185 : vector<16xf32>
        %add3A_1187 = arith.addf %add3A_1170, %mul3A_1186 : vector<16xf32>
        %mul3A_1188 = arith.mulf %get3A_1185, %get3A_1185 : vector<16xf32>
        %add3A_1189 = arith.addf %add3A_1172, %mul3A_1188 : vector<16xf32>
        %get3A_1190 = arith.index_cast %select_n3A_164 : i32 to index
        %get3A_1191 = arith.index_cast %add3A_1134 : i32 to index
        %get3A_1192 = arith.constant 48 : index
        %get3A_1193 = tpu.vector_load %arg8[%get3A_1190, %get3A_1191, %get3A_1192] {strides = array<i32>} : memref<2x64x128xf32, #tpu.memory_space<vmem>>, vector<16xf32>,
        %get3A_1194 = arith.index_cast %select_n3A_164 : i32 to index
        %get3A_1195 = arith.index_cast %add3A_1134 : i32 to index
        %get3A_1196 = arith.constant 48 : index
        %get3A_1197 = tpu.vector_load %arg9[%get3A_1194, %get3A_1195, %get3A_1196] {strides = array<i32>} : memref<2x64x128xf32, #tpu.memory_space<vmem>>, vector<16xf32>,
        %sub3A_1198 = arith.subf %get3A_1193, %get3A_1197 : vector<16xf32>
        %get3A_1199 = arith.index_cast %select_n3A_164 : i32 to index
        %get3A_1200 = arith.index_cast %add3A_1134 : i32 to index
        %get3A_1201 = arith.constant 48 : index
        %get3A_1202 = tpu.vector_load %arg11[%get3A_1199, %get3A_1200, %get3A_1201] {strides = array<i32>} : memref<2x64x128xf32, #tpu.memory_space<vmem>>, vector<16xf32>,
        %mul3A_1203 = arith.mulf %sub3A_1198, %get3A_1202 : vector<16xf32>
        %add3A_1204 = arith.addf %add3A_1187, %mul3A_1203 : vector<16xf32>
        %mul3A_1205 = arith.mulf %get3A_1202, %get3A_1202 : vector<16xf32>
        %add3A_1206 = arith.addf %add3A_1189, %mul3A_1205 : vector<16xf32>
        %get3A_1207 = arith.index_cast %select_n3A_164 : i32 to index
        %get3A_1208 = arith.index_cast %add3A_1134 : i32 to index
        %get3A_1209 = arith.constant 64 : index
        %get3A_1210 = tpu.vector_load %arg8[%get3A_1207, %get3A_1208, %get3A_1209] {strides = array<i32>} : memref<2x64x128xf32, #tpu.memory_space<vmem>>, vector<16xf32>,
        %get3A_1211 = arith.index_cast %select_n3A_164 : i32 to index
        %get3A_1212 = arith.index_cast %add3A_1134 : i32 to index
        %get3A_1213 = arith.constant 64 : index
        %get3A_1214 = tpu.vector_load %arg9[%get3A_1211, %get3A_1212, %get3A_1213] {strides = array<i32>} : memref<2x64x128xf32, #tpu.memory_space<vmem>>, vector<16xf32>,
        %sub3A_1215 = arith.subf %get3A_1210, %get3A_1214 : vector<16xf32>
        %get3A_1216 = arith.index_cast %select_n3A_164 : i32 to index
        %get3A_1217 = arith.index_cast %add3A_1134 : i32 to index
        %get3A_1218 = arith.constant 64 : index
        %get3A_1219 = tpu.vector_load %arg11[%get3A_1216, %get3A_1217, %get3A_1218] {strides = array<i32>} : memref<2x64x128xf32, #tpu.memory_space<vmem>>, vector<16xf32>,
        %mul3A_1220 = arith.mulf %sub3A_1215, %get3A_1219 : vector<16xf32>
        %add3A_1221 = arith.addf %add3A_1204, %mul3A_1220 : vector<16xf32>
        %mul3A_1222 = arith.mulf %get3A_1219, %get3A_1219 : vector<16xf32>
        %add3A_1223 = arith.addf %add3A_1206, %mul3A_1222 : vector<16xf32>
        %get3A_1224 = arith.index_cast %select_n3A_164 : i32 to index
        %get3A_1225 = arith.index_cast %add3A_1134 : i32 to index
        %get3A_1226 = arith.constant 80 : index
        %get3A_1227 = tpu.vector_load %arg8[%get3A_1224, %get3A_1225, %get3A_1226] {strides = array<i32>} : memref<2x64x128xf32, #tpu.memory_space<vmem>>, vector<16xf32>,
        %get3A_1228 = arith.index_cast %select_n3A_164 : i32 to index
        %get3A_1229 = arith.index_cast %add3A_1134 : i32 to index
        %get3A_1230 = arith.constant 80 : index
        %get3A_1231 = tpu.vector_load %arg9[%get3A_1228, %get3A_1229, %get3A_1230] {strides = array<i32>} : memref<2x64x128xf32, #tpu.memory_space<vmem>>, vector<16xf32>,
        %sub3A_1232 = arith.subf %get3A_1227, %get3A_1231 : vector<16xf32>
        %get3A_1233 = arith.index_cast %select_n3A_164 : i32 to index
        %get3A_1234 = arith.index_cast %add3A_1134 : i32 to index
        %get3A_1235 = arith.constant 80 : index
        %get3A_1236 = tpu.vector_load %arg11[%get3A_1233, %get3A_1234, %get3A_1235] {strides = array<i32>} : memref<2x64x128xf32, #tpu.memory_space<vmem>>, vector<16xf32>,
        %mul3A_1237 = arith.mulf %sub3A_1232, %get3A_1236 : vector<16xf32>
        %add3A_1238 = arith.addf %add3A_1221, %mul3A_1237 : vector<16xf32>
        %mul3A_1239 = arith.mulf %get3A_1236, %get3A_1236 : vector<16xf32>
        %add3A_1240 = arith.addf %add3A_1223, %mul3A_1239 : vector<16xf32>
        %get3A_1241 = arith.index_cast %select_n3A_164 : i32 to index
        %get3A_1242 = arith.index_cast %add3A_1134 : i32 to index
        %get3A_1243 = arith.constant 96 : index
        %get3A_1244 = tpu.vector_load %arg8[%get3A_1241, %get3A_1242, %get3A_1243] {strides = array<i32>} : memref<2x64x128xf32, #tpu.memory_space<vmem>>, vector<16xf32>,
        %get3A_1245 = arith.index_cast %select_n3A_164 : i32 to index
        %get3A_1246 = arith.index_cast %add3A_1134 : i32 to index
        %get3A_1247 = arith.constant 96 : index
        %get3A_1248 = tpu.vector_load %arg9[%get3A_1245, %get3A_1246, %get3A_1247] {strides = array<i32>} : memref<2x64x128xf32, #tpu.memory_space<vmem>>, vector<16xf32>,
        %sub3A_1249 = arith.subf %get3A_1244, %get3A_1248 : vector<16xf32>
        %get3A_1250 = arith.index_cast %select_n3A_164 : i32 to index
        %get3A_1251 = arith.index_cast %add3A_1134 : i32 to index
        %get3A_1252 = arith.constant 96 : index
        %get3A_1253 = tpu.vector_load %arg11[%get3A_1250, %get3A_1251, %get3A_1252] {strides = array<i32>} : memref<2x64x128xf32, #tpu.memory_space<vmem>>, vector<16xf32>,
        %mul3A_1254 = arith.mulf %sub3A_1249, %get3A_1253 : vector<16xf32>
        %add3A_1255 = arith.addf %add3A_1238, %mul3A_1254 : vector<16xf32>
        %mul3A_1256 = arith.mulf %get3A_1253, %get3A_1253 : vector<16xf32>
        %add3A_1257 = arith.addf %add3A_1240, %mul3A_1256 : vector<16xf32>
        %get3A_1258 = arith.index_cast %select_n3A_164 : i32 to index
        %get3A_1259 = arith.index_cast %add3A_1134 : i32 to index
        %get3A_1260 = arith.constant 112 : index
        %get3A_1261 = tpu.vector_load %arg8[%get3A_1258, %get3A_1259, %get3A_1260] {strides = array<i32>} : memref<2x64x128xf32, #tpu.memory_space<vmem>>, vector<16xf32>,
        %get3A_1262 = arith.index_cast %select_n3A_164 : i32 to index
        %get3A_1263 = arith.index_cast %add3A_1134 : i32 to index
        %get3A_1264 = arith.constant 112 : index
        %get3A_1265 = tpu.vector_load %arg9[%get3A_1262, %get3A_1263, %get3A_1264] {strides = array<i32>} : memref<2x64x128xf32, #tpu.memory_space<vmem>>, vector<16xf32>,
        %sub3A_1266 = arith.subf %get3A_1261, %get3A_1265 : vector<16xf32>
        %get3A_1267 = arith.index_cast %select_n3A_164 : i32 to index
        %get3A_1268 = arith.index_cast %add3A_1134 : i32 to index
        %get3A_1269 = arith.constant 112 : index
        %get3A_1270 = tpu.vector_load %arg11[%get3A_1267, %get3A_1268, %get3A_1269] {strides = array<i32>} : memref<2x64x128xf32, #tpu.memory_space<vmem>>, vector<16xf32>,
        %mul3A_1271 = arith.mulf %sub3A_1266, %get3A_1270 : vector<16xf32>
        %add3A_1272 = arith.addf %add3A_1255, %mul3A_1271 : vector<16xf32>
        %mul3A_1273 = arith.mulf %get3A_1270, %get3A_1270 : vector<16xf32>
        %add3A_1274 = arith.addf %add3A_1257, %mul3A_1273 : vector<16xf32>
        %reduce_sum3A_1275 = arith.constant true
        %reduce_sum3A_1276 = vector.broadcast %reduce_sum3A_1275 : i1 to vector<16xi1>
        %reduce_sum3A_1277 = tpu.scan <sum>, %add3A_1272 masked %reduce_sum3A_1276 : vector<16xf32>, vector<16xi1> -> vector<16xf32>
        %reduce_sum3A_1278 = vector.extract %reduce_sum3A_1277[15] : f32 from vector<16xf32>
        %broadcast_in_dim3A_1279 = vector.broadcast %reduce_sum3A_1278 : f32 to vector<16xf32>
        %reduce_sum3A_1280 = arith.constant true
        %reduce_sum3A_1281 = vector.broadcast %reduce_sum3A_1280 : i1 to vector<16xi1>
        %reduce_sum3A_1282 = tpu.scan <sum>, %add3A_1274 masked %reduce_sum3A_1281 : vector<16xf32>, vector<16xi1> -> vector<16xf32>
        %reduce_sum3A_1283 = vector.extract %reduce_sum3A_1282[15] : f32 from vector<16xf32>
        %broadcast_in_dim3A_1284 = vector.broadcast %reduce_sum3A_1283 : f32 to vector<16xf32>
        %max3A_1285 = arith.constant 1.000000e-24 : f32
        %max3A_1286 = vector.broadcast %max3A_1285 : f32 to vector<16xf32>
        %max3A_1287 = arith.maximumf %broadcast_in_dim3A_1284, %max3A_1286 : vector<16xf32>
        %div3A_1288 = arith.divf %broadcast_in_dim3A_1279, %max3A_1287 : vector<16xf32>
        %broadcast_in_dim3A_1289 = arith.constant 0.000000e+00 : f32
        %broadcast_in_dim3A_1290 = vector.broadcast %broadcast_in_dim3A_1289 : f32 to vector<16xf32>
        %get3A_1291 = arith.index_cast %select_n3A_164 : i32 to index
        %get3A_1292 = arith.index_cast %add3A_1134 : i32 to index
        %get3A_1293 = arith.constant 0 : index
        %get3A_1294 = tpu.vector_load %arg10[%get3A_1291, %get3A_1292, %get3A_1293] {strides = array<i32>} : memref<2x64x128xf32, #tpu.memory_space<vmem>>, vector<16xf32>,
        %add3A_1295 = arith.addf %sub3A_1147, %get3A_1294 : vector<16xf32>
        %mul3A_1296 = arith.mulf %div3A_1288, %get3A_1151 : vector<16xf32>
        %sub3A_1297 = arith.subf %add3A_1295, %mul3A_1296 : vector<16xf32>
        %abs3A_1298 = math.absf %sub3A_1297 : vector<16xf32>
        %add3A_1299 = arith.addf %broadcast_in_dim3A_1290, %abs3A_1298 : vector<16xf32>
        %get3A_1300 = arith.index_cast %select_n3A_164 : i32 to index
        %get3A_1301 = arith.index_cast %add3A_1134 : i32 to index
        %get3A_1302 = arith.constant 16 : index
        %get3A_1303 = tpu.vector_load %arg10[%get3A_1300, %get3A_1301, %get3A_1302] {strides = array<i32>} : memref<2x64x128xf32, #tpu.memory_space<vmem>>, vector<16xf32>,
        %add3A_1304 = arith.addf %sub3A_1164, %get3A_1303 : vector<16xf32>
        %mul3A_1305 = arith.mulf %div3A_1288, %get3A_1168 : vector<16xf32>
        %sub3A_1306 = arith.subf %add3A_1304, %mul3A_1305 : vector<16xf32>
        %abs3A_1307 = math.absf %sub3A_1306 : vector<16xf32>
        %add3A_1308 = arith.addf %add3A_1299, %abs3A_1307 : vector<16xf32>
        %get3A_1309 = arith.index_cast %select_n3A_164 : i32 to index
        %get3A_1310 = arith.index_cast %add3A_1134 : i32 to index
        %get3A_1311 = arith.constant 32 : index
        %get3A_1312 = tpu.vector_load %arg10[%get3A_1309, %get3A_1310, %get3A_1311] {strides = array<i32>} : memref<2x64x128xf32, #tpu.memory_space<vmem>>, vector<16xf32>,
        %add3A_1313 = arith.addf %sub3A_1181, %get3A_1312 : vector<16xf32>
        %mul3A_1314 = arith.mulf %div3A_1288, %get3A_1185 : vector<16xf32>
        %sub3A_1315 = arith.subf %add3A_1313, %mul3A_1314 : vector<16xf32>
        %abs3A_1316 = math.absf %sub3A_1315 : vector<16xf32>
        %add3A_1317 = arith.addf %add3A_1308, %abs3A_1316 : vector<16xf32>
        %get3A_1318 = arith.index_cast %select_n3A_164 : i32 to index
        %get3A_1319 = arith.index_cast %add3A_1134 : i32 to index
        %get3A_1320 = arith.constant 48 : index
        %get3A_1321 = tpu.vector_load %arg10[%get3A_1318, %get3A_1319, %get3A_1320] {strides = array<i32>} : memref<2x64x128xf32, #tpu.memory_space<vmem>>, vector<16xf32>,
        %add3A_1322 = arith.addf %sub3A_1198, %get3A_1321 : vector<16xf32>
        %mul3A_1323 = arith.mulf %div3A_1288, %get3A_1202 : vector<16xf32>
        %sub3A_1324 = arith.subf %add3A_1322, %mul3A_1323 : vector<16xf32>
        %abs3A_1325 = math.absf %sub3A_1324 : vector<16xf32>
        %add3A_1326 = arith.addf %add3A_1317, %abs3A_1325 : vector<16xf32>
        %get3A_1327 = arith.index_cast %select_n3A_164 : i32 to index
        %get3A_1328 = arith.index_cast %add3A_1134 : i32 to index
        %get3A_1329 = arith.constant 64 : index
        %get3A_1330 = tpu.vector_load %arg10[%get3A_1327, %get3A_1328, %get3A_1329] {strides = array<i32>} : memref<2x64x128xf32, #tpu.memory_space<vmem>>, vector<16xf32>,
        %add3A_1331 = arith.addf %sub3A_1215, %get3A_1330 : vector<16xf32>
        %mul3A_1332 = arith.mulf %div3A_1288, %get3A_1219 : vector<16xf32>
        %sub3A_1333 = arith.subf %add3A_1331, %mul3A_1332 : vector<16xf32>
        %abs3A_1334 = math.absf %sub3A_1333 : vector<16xf32>
        %add3A_1335 = arith.addf %add3A_1326, %abs3A_1334 : vector<16xf32>
        %get3A_1336 = arith.index_cast %select_n3A_164 : i32 to index
        %get3A_1337 = arith.index_cast %add3A_1134 : i32 to index
        %get3A_1338 = arith.constant 80 : index
        %get3A_1339 = tpu.vector_load %arg10[%get3A_1336, %get3A_1337, %get3A_1338] {strides = array<i32>} : memref<2x64x128xf32, #tpu.memory_space<vmem>>, vector<16xf32>,
        %add3A_1340 = arith.addf %sub3A_1232, %get3A_1339 : vector<16xf32>
        %mul3A_1341 = arith.mulf %div3A_1288, %get3A_1236 : vector<16xf32>
        %sub3A_1342 = arith.subf %add3A_1340, %mul3A_1341 : vector<16xf32>
        %abs3A_1343 = math.absf %sub3A_1342 : vector<16xf32>
        %add3A_1344 = arith.addf %add3A_1335, %abs3A_1343 : vector<16xf32>
        %get3A_1345 = arith.index_cast %select_n3A_164 : i32 to index
        %get3A_1346 = arith.index_cast %add3A_1134 : i32 to index
        %get3A_1347 = arith.constant 96 : index
        %get3A_1348 = tpu.vector_load %arg10[%get3A_1345, %get3A_1346, %get3A_1347] {strides = array<i32>} : memref<2x64x128xf32, #tpu.memory_space<vmem>>, vector<16xf32>,
        %add3A_1349 = arith.addf %sub3A_1249, %get3A_1348 : vector<16xf32>
        %mul3A_1350 = arith.mulf %div3A_1288, %get3A_1253 : vector<16xf32>
        %sub3A_1351 = arith.subf %add3A_1349, %mul3A_1350 : vector<16xf32>
        %abs3A_1352 = math.absf %sub3A_1351 : vector<16xf32>
        %add3A_1353 = arith.addf %add3A_1344, %abs3A_1352 : vector<16xf32>
        %get3A_1354 = arith.index_cast %select_n3A_164 : i32 to index
        %get3A_1355 = arith.index_cast %add3A_1134 : i32 to index
        %get3A_1356 = arith.constant 112 : index
        %get3A_1357 = tpu.vector_load %arg10[%get3A_1354, %get3A_1355, %get3A_1356] {strides = array<i32>} : memref<2x64x128xf32, #tpu.memory_space<vmem>>, vector<16xf32>,
        %add3A_1358 = arith.addf %sub3A_1266, %get3A_1357 : vector<16xf32>
        %mul3A_1359 = arith.mulf %div3A_1288, %get3A_1270 : vector<16xf32>
        %sub3A_1360 = arith.subf %add3A_1358, %mul3A_1359 : vector<16xf32>
        %abs3A_1361 = math.absf %sub3A_1360 : vector<16xf32>
        %add3A_1362 = arith.addf %add3A_1353, %abs3A_1361 : vector<16xf32>
        %reduce_sum3A_1363 = arith.constant true
        %reduce_sum3A_1364 = vector.broadcast %reduce_sum3A_1363 : i1 to vector<16xi1>
        %reduce_sum3A_1365 = tpu.scan <sum>, %add3A_1362 masked %reduce_sum3A_1364 : vector<16xf32>, vector<16xi1> -> vector<16xf32>
        %reduce_sum3A_1366 = vector.extract %reduce_sum3A_1365[15] : f32 from vector<16xf32>
        %broadcast_in_dim3A_1367 = vector.broadcast %reduce_sum3A_1366 : f32 to vector<16xf32>
        %eq3A_1368 = arith.constant 4 : i32
        %eq3A_1369 = vector.broadcast %eq3A_1368 : i32 to vector<16xi32>
        %eq3A_1370 = arith.cmpi eq, %iota3A, %eq3A_1369 : vector<16xi32>
        %select_n3A_1371 = arith.select %eq3A_1370, %broadcast_in_dim3A_1367, %select_n3A_1130 : vector<16xi1>, vector<16xf32>
        %mul3A_1372 = arith.constant 16 : i32
        %mul3A_1373 = arith.muli %scan3A_171, %mul3A_1372 : i32
        %add3A_1374 = arith.constant 5 : i32
        %add3A_1375 = arith.addi %mul3A_1373, %add3A_1374 : i32
        %broadcast_in_dim3A_1376 = arith.constant 0.000000e+00 : f32
        %broadcast_in_dim3A_1377 = vector.broadcast %broadcast_in_dim3A_1376 : f32 to vector<16xf32>
        %broadcast_in_dim3A_1378 = arith.constant 0.000000e+00 : f32
        %broadcast_in_dim3A_1379 = vector.broadcast %broadcast_in_dim3A_1378 : f32 to vector<16xf32>
        %get3A_1380 = arith.index_cast %select_n3A_164 : i32 to index
        %get3A_1381 = arith.index_cast %add3A_1375 : i32 to index
        %get3A_1382 = arith.constant 0 : index
        %get3A_1383 = tpu.vector_load %arg8[%get3A_1380, %get3A_1381, %get3A_1382] {strides = array<i32>} : memref<2x64x128xf32, #tpu.memory_space<vmem>>, vector<16xf32>,
        %get3A_1384 = arith.index_cast %select_n3A_164 : i32 to index
        %get3A_1385 = arith.index_cast %add3A_1375 : i32 to index
        %get3A_1386 = arith.constant 0 : index
        %get3A_1387 = tpu.vector_load %arg9[%get3A_1384, %get3A_1385, %get3A_1386] {strides = array<i32>} : memref<2x64x128xf32, #tpu.memory_space<vmem>>, vector<16xf32>,
        %sub3A_1388 = arith.subf %get3A_1383, %get3A_1387 : vector<16xf32>
        %get3A_1389 = arith.index_cast %select_n3A_164 : i32 to index
        %get3A_1390 = arith.index_cast %add3A_1375 : i32 to index
        %get3A_1391 = arith.constant 0 : index
        %get3A_1392 = tpu.vector_load %arg11[%get3A_1389, %get3A_1390, %get3A_1391] {strides = array<i32>} : memref<2x64x128xf32, #tpu.memory_space<vmem>>, vector<16xf32>,
        %mul3A_1393 = arith.mulf %sub3A_1388, %get3A_1392 : vector<16xf32>
        %add3A_1394 = arith.addf %broadcast_in_dim3A_1377, %mul3A_1393 : vector<16xf32>
        %mul3A_1395 = arith.mulf %get3A_1392, %get3A_1392 : vector<16xf32>
        %add3A_1396 = arith.addf %broadcast_in_dim3A_1379, %mul3A_1395 : vector<16xf32>
        %get3A_1397 = arith.index_cast %select_n3A_164 : i32 to index
        %get3A_1398 = arith.index_cast %add3A_1375 : i32 to index
        %get3A_1399 = arith.constant 16 : index
        %get3A_1400 = tpu.vector_load %arg8[%get3A_1397, %get3A_1398, %get3A_1399] {strides = array<i32>} : memref<2x64x128xf32, #tpu.memory_space<vmem>>, vector<16xf32>,
        %get3A_1401 = arith.index_cast %select_n3A_164 : i32 to index
        %get3A_1402 = arith.index_cast %add3A_1375 : i32 to index
        %get3A_1403 = arith.constant 16 : index
        %get3A_1404 = tpu.vector_load %arg9[%get3A_1401, %get3A_1402, %get3A_1403] {strides = array<i32>} : memref<2x64x128xf32, #tpu.memory_space<vmem>>, vector<16xf32>,
        %sub3A_1405 = arith.subf %get3A_1400, %get3A_1404 : vector<16xf32>
        %get3A_1406 = arith.index_cast %select_n3A_164 : i32 to index
        %get3A_1407 = arith.index_cast %add3A_1375 : i32 to index
        %get3A_1408 = arith.constant 16 : index
        %get3A_1409 = tpu.vector_load %arg11[%get3A_1406, %get3A_1407, %get3A_1408] {strides = array<i32>} : memref<2x64x128xf32, #tpu.memory_space<vmem>>, vector<16xf32>,
        %mul3A_1410 = arith.mulf %sub3A_1405, %get3A_1409 : vector<16xf32>
        %add3A_1411 = arith.addf %add3A_1394, %mul3A_1410 : vector<16xf32>
        %mul3A_1412 = arith.mulf %get3A_1409, %get3A_1409 : vector<16xf32>
        %add3A_1413 = arith.addf %add3A_1396, %mul3A_1412 : vector<16xf32>
        %get3A_1414 = arith.index_cast %select_n3A_164 : i32 to index
        %get3A_1415 = arith.index_cast %add3A_1375 : i32 to index
        %get3A_1416 = arith.constant 32 : index
        %get3A_1417 = tpu.vector_load %arg8[%get3A_1414, %get3A_1415, %get3A_1416] {strides = array<i32>} : memref<2x64x128xf32, #tpu.memory_space<vmem>>, vector<16xf32>,
        %get3A_1418 = arith.index_cast %select_n3A_164 : i32 to index
        %get3A_1419 = arith.index_cast %add3A_1375 : i32 to index
        %get3A_1420 = arith.constant 32 : index
        %get3A_1421 = tpu.vector_load %arg9[%get3A_1418, %get3A_1419, %get3A_1420] {strides = array<i32>} : memref<2x64x128xf32, #tpu.memory_space<vmem>>, vector<16xf32>,
        %sub3A_1422 = arith.subf %get3A_1417, %get3A_1421 : vector<16xf32>
        %get3A_1423 = arith.index_cast %select_n3A_164 : i32 to index
        %get3A_1424 = arith.index_cast %add3A_1375 : i32 to index
        %get3A_1425 = arith.constant 32 : index
        %get3A_1426 = tpu.vector_load %arg11[%get3A_1423, %get3A_1424, %get3A_1425] {strides = array<i32>} : memref<2x64x128xf32, #tpu.memory_space<vmem>>, vector<16xf32>,
        %mul3A_1427 = arith.mulf %sub3A_1422, %get3A_1426 : vector<16xf32>
        %add3A_1428 = arith.addf %add3A_1411, %mul3A_1427 : vector<16xf32>
        %mul3A_1429 = arith.mulf %get3A_1426, %get3A_1426 : vector<16xf32>
        %add3A_1430 = arith.addf %add3A_1413, %mul3A_1429 : vector<16xf32>
        %get3A_1431 = arith.index_cast %select_n3A_164 : i32 to index
        %get3A_1432 = arith.index_cast %add3A_1375 : i32 to index
        %get3A_1433 = arith.constant 48 : index
        %get3A_1434 = tpu.vector_load %arg8[%get3A_1431, %get3A_1432, %get3A_1433] {strides = array<i32>} : memref<2x64x128xf32, #tpu.memory_space<vmem>>, vector<16xf32>,
        %get3A_1435 = arith.index_cast %select_n3A_164 : i32 to index
        %get3A_1436 = arith.index_cast %add3A_1375 : i32 to index
        %get3A_1437 = arith.constant 48 : index
        %get3A_1438 = tpu.vector_load %arg9[%get3A_1435, %get3A_1436, %get3A_1437] {strides = array<i32>} : memref<2x64x128xf32, #tpu.memory_space<vmem>>, vector<16xf32>,
        %sub3A_1439 = arith.subf %get3A_1434, %get3A_1438 : vector<16xf32>
        %get3A_1440 = arith.index_cast %select_n3A_164 : i32 to index
        %get3A_1441 = arith.index_cast %add3A_1375 : i32 to index
        %get3A_1442 = arith.constant 48 : index
        %get3A_1443 = tpu.vector_load %arg11[%get3A_1440, %get3A_1441, %get3A_1442] {strides = array<i32>} : memref<2x64x128xf32, #tpu.memory_space<vmem>>, vector<16xf32>,
        %mul3A_1444 = arith.mulf %sub3A_1439, %get3A_1443 : vector<16xf32>
        %add3A_1445 = arith.addf %add3A_1428, %mul3A_1444 : vector<16xf32>
        %mul3A_1446 = arith.mulf %get3A_1443, %get3A_1443 : vector<16xf32>
        %add3A_1447 = arith.addf %add3A_1430, %mul3A_1446 : vector<16xf32>
        %get3A_1448 = arith.index_cast %select_n3A_164 : i32 to index
        %get3A_1449 = arith.index_cast %add3A_1375 : i32 to index
        %get3A_1450 = arith.constant 64 : index
        %get3A_1451 = tpu.vector_load %arg8[%get3A_1448, %get3A_1449, %get3A_1450] {strides = array<i32>} : memref<2x64x128xf32, #tpu.memory_space<vmem>>, vector<16xf32>,
        %get3A_1452 = arith.index_cast %select_n3A_164 : i32 to index
        %get3A_1453 = arith.index_cast %add3A_1375 : i32 to index
        %get3A_1454 = arith.constant 64 : index
        %get3A_1455 = tpu.vector_load %arg9[%get3A_1452, %get3A_1453, %get3A_1454] {strides = array<i32>} : memref<2x64x128xf32, #tpu.memory_space<vmem>>, vector<16xf32>,
        %sub3A_1456 = arith.subf %get3A_1451, %get3A_1455 : vector<16xf32>
        %get3A_1457 = arith.index_cast %select_n3A_164 : i32 to index
        %get3A_1458 = arith.index_cast %add3A_1375 : i32 to index
        %get3A_1459 = arith.constant 64 : index
        %get3A_1460 = tpu.vector_load %arg11[%get3A_1457, %get3A_1458, %get3A_1459] {strides = array<i32>} : memref<2x64x128xf32, #tpu.memory_space<vmem>>, vector<16xf32>,
        %mul3A_1461 = arith.mulf %sub3A_1456, %get3A_1460 : vector<16xf32>
        %add3A_1462 = arith.addf %add3A_1445, %mul3A_1461 : vector<16xf32>
        %mul3A_1463 = arith.mulf %get3A_1460, %get3A_1460 : vector<16xf32>
        %add3A_1464 = arith.addf %add3A_1447, %mul3A_1463 : vector<16xf32>
        %get3A_1465 = arith.index_cast %select_n3A_164 : i32 to index
        %get3A_1466 = arith.index_cast %add3A_1375 : i32 to index
        %get3A_1467 = arith.constant 80 : index
        %get3A_1468 = tpu.vector_load %arg8[%get3A_1465, %get3A_1466, %get3A_1467] {strides = array<i32>} : memref<2x64x128xf32, #tpu.memory_space<vmem>>, vector<16xf32>,
        %get3A_1469 = arith.index_cast %select_n3A_164 : i32 to index
        %get3A_1470 = arith.index_cast %add3A_1375 : i32 to index
        %get3A_1471 = arith.constant 80 : index
        %get3A_1472 = tpu.vector_load %arg9[%get3A_1469, %get3A_1470, %get3A_1471] {strides = array<i32>} : memref<2x64x128xf32, #tpu.memory_space<vmem>>, vector<16xf32>,
        %sub3A_1473 = arith.subf %get3A_1468, %get3A_1472 : vector<16xf32>
        %get3A_1474 = arith.index_cast %select_n3A_164 : i32 to index
        %get3A_1475 = arith.index_cast %add3A_1375 : i32 to index
        %get3A_1476 = arith.constant 80 : index
        %get3A_1477 = tpu.vector_load %arg11[%get3A_1474, %get3A_1475, %get3A_1476] {strides = array<i32>} : memref<2x64x128xf32, #tpu.memory_space<vmem>>, vector<16xf32>,
        %mul3A_1478 = arith.mulf %sub3A_1473, %get3A_1477 : vector<16xf32>
        %add3A_1479 = arith.addf %add3A_1462, %mul3A_1478 : vector<16xf32>
        %mul3A_1480 = arith.mulf %get3A_1477, %get3A_1477 : vector<16xf32>
        %add3A_1481 = arith.addf %add3A_1464, %mul3A_1480 : vector<16xf32>
        %get3A_1482 = arith.index_cast %select_n3A_164 : i32 to index
        %get3A_1483 = arith.index_cast %add3A_1375 : i32 to index
        %get3A_1484 = arith.constant 96 : index
        %get3A_1485 = tpu.vector_load %arg8[%get3A_1482, %get3A_1483, %get3A_1484] {strides = array<i32>} : memref<2x64x128xf32, #tpu.memory_space<vmem>>, vector<16xf32>,
        %get3A_1486 = arith.index_cast %select_n3A_164 : i32 to index
        %get3A_1487 = arith.index_cast %add3A_1375 : i32 to index
        %get3A_1488 = arith.constant 96 : index
        %get3A_1489 = tpu.vector_load %arg9[%get3A_1486, %get3A_1487, %get3A_1488] {strides = array<i32>} : memref<2x64x128xf32, #tpu.memory_space<vmem>>, vector<16xf32>,
        %sub3A_1490 = arith.subf %get3A_1485, %get3A_1489 : vector<16xf32>
        %get3A_1491 = arith.index_cast %select_n3A_164 : i32 to index
        %get3A_1492 = arith.index_cast %add3A_1375 : i32 to index
        %get3A_1493 = arith.constant 96 : index
        %get3A_1494 = tpu.vector_load %arg11[%get3A_1491, %get3A_1492, %get3A_1493] {strides = array<i32>} : memref<2x64x128xf32, #tpu.memory_space<vmem>>, vector<16xf32>,
        %mul3A_1495 = arith.mulf %sub3A_1490, %get3A_1494 : vector<16xf32>
        %add3A_1496 = arith.addf %add3A_1479, %mul3A_1495 : vector<16xf32>
        %mul3A_1497 = arith.mulf %get3A_1494, %get3A_1494 : vector<16xf32>
        %add3A_1498 = arith.addf %add3A_1481, %mul3A_1497 : vector<16xf32>
        %get3A_1499 = arith.index_cast %select_n3A_164 : i32 to index
        %get3A_1500 = arith.index_cast %add3A_1375 : i32 to index
        %get3A_1501 = arith.constant 112 : index
        %get3A_1502 = tpu.vector_load %arg8[%get3A_1499, %get3A_1500, %get3A_1501] {strides = array<i32>} : memref<2x64x128xf32, #tpu.memory_space<vmem>>, vector<16xf32>,
        %get3A_1503 = arith.index_cast %select_n3A_164 : i32 to index
        %get3A_1504 = arith.index_cast %add3A_1375 : i32 to index
        %get3A_1505 = arith.constant 112 : index
        %get3A_1506 = tpu.vector_load %arg9[%get3A_1503, %get3A_1504, %get3A_1505] {strides = array<i32>} : memref<2x64x128xf32, #tpu.memory_space<vmem>>, vector<16xf32>,
        %sub3A_1507 = arith.subf %get3A_1502, %get3A_1506 : vector<16xf32>
        %get3A_1508 = arith.index_cast %select_n3A_164 : i32 to index
        %get3A_1509 = arith.index_cast %add3A_1375 : i32 to index
        %get3A_1510 = arith.constant 112 : index
        %get3A_1511 = tpu.vector_load %arg11[%get3A_1508, %get3A_1509, %get3A_1510] {strides = array<i32>} : memref<2x64x128xf32, #tpu.memory_space<vmem>>, vector<16xf32>,
        %mul3A_1512 = arith.mulf %sub3A_1507, %get3A_1511 : vector<16xf32>
        %add3A_1513 = arith.addf %add3A_1496, %mul3A_1512 : vector<16xf32>
        %mul3A_1514 = arith.mulf %get3A_1511, %get3A_1511 : vector<16xf32>
        %add3A_1515 = arith.addf %add3A_1498, %mul3A_1514 : vector<16xf32>
        %reduce_sum3A_1516 = arith.constant true
        %reduce_sum3A_1517 = vector.broadcast %reduce_sum3A_1516 : i1 to vector<16xi1>
        %reduce_sum3A_1518 = tpu.scan <sum>, %add3A_1513 masked %reduce_sum3A_1517 : vector<16xf32>, vector<16xi1> -> vector<16xf32>
        %reduce_sum3A_1519 = vector.extract %reduce_sum3A_1518[15] : f32 from vector<16xf32>
        %broadcast_in_dim3A_1520 = vector.broadcast %reduce_sum3A_1519 : f32 to vector<16xf32>
        %reduce_sum3A_1521 = arith.constant true
        %reduce_sum3A_1522 = vector.broadcast %reduce_sum3A_1521 : i1 to vector<16xi1>
        %reduce_sum3A_1523 = tpu.scan <sum>, %add3A_1515 masked %reduce_sum3A_1522 : vector<16xf32>, vector<16xi1> -> vector<16xf32>
        %reduce_sum3A_1524 = vector.extract %reduce_sum3A_1523[15] : f32 from vector<16xf32>
        %broadcast_in_dim3A_1525 = vector.broadcast %reduce_sum3A_1524 : f32 to vector<16xf32>
        %max3A_1526 = arith.constant 1.000000e-24 : f32
        %max3A_1527 = vector.broadcast %max3A_1526 : f32 to vector<16xf32>
        %max3A_1528 = arith.maximumf %broadcast_in_dim3A_1525, %max3A_1527 : vector<16xf32>
        %div3A_1529 = arith.divf %broadcast_in_dim3A_1520, %max3A_1528 : vector<16xf32>
        %broadcast_in_dim3A_1530 = arith.constant 0.000000e+00 : f32
        %broadcast_in_dim3A_1531 = vector.broadcast %broadcast_in_dim3A_1530 : f32 to vector<16xf32>
        %get3A_1532 = arith.index_cast %select_n3A_164 : i32 to index
        %get3A_1533 = arith.index_cast %add3A_1375 : i32 to index
        %get3A_1534 = arith.constant 0 : index
        %get3A_1535 = tpu.vector_load %arg10[%get3A_1532, %get3A_1533, %get3A_1534] {strides = array<i32>} : memref<2x64x128xf32, #tpu.memory_space<vmem>>, vector<16xf32>,
        %add3A_1536 = arith.addf %sub3A_1388, %get3A_1535 : vector<16xf32>
        %mul3A_1537 = arith.mulf %div3A_1529, %get3A_1392 : vector<16xf32>
        %sub3A_1538 = arith.subf %add3A_1536, %mul3A_1537 : vector<16xf32>
        %abs3A_1539 = math.absf %sub3A_1538 : vector<16xf32>
        %add3A_1540 = arith.addf %broadcast_in_dim3A_1531, %abs3A_1539 : vector<16xf32>
        %get3A_1541 = arith.index_cast %select_n3A_164 : i32 to index
        %get3A_1542 = arith.index_cast %add3A_1375 : i32 to index
        %get3A_1543 = arith.constant 16 : index
        %get3A_1544 = tpu.vector_load %arg10[%get3A_1541, %get3A_1542, %get3A_1543] {strides = array<i32>} : memref<2x64x128xf32, #tpu.memory_space<vmem>>, vector<16xf32>,
        %add3A_1545 = arith.addf %sub3A_1405, %get3A_1544 : vector<16xf32>
        %mul3A_1546 = arith.mulf %div3A_1529, %get3A_1409 : vector<16xf32>
        %sub3A_1547 = arith.subf %add3A_1545, %mul3A_1546 : vector<16xf32>
        %abs3A_1548 = math.absf %sub3A_1547 : vector<16xf32>
        %add3A_1549 = arith.addf %add3A_1540, %abs3A_1548 : vector<16xf32>
        %get3A_1550 = arith.index_cast %select_n3A_164 : i32 to index
        %get3A_1551 = arith.index_cast %add3A_1375 : i32 to index
        %get3A_1552 = arith.constant 32 : index
        %get3A_1553 = tpu.vector_load %arg10[%get3A_1550, %get3A_1551, %get3A_1552] {strides = array<i32>} : memref<2x64x128xf32, #tpu.memory_space<vmem>>, vector<16xf32>,
        %add3A_1554 = arith.addf %sub3A_1422, %get3A_1553 : vector<16xf32>
        %mul3A_1555 = arith.mulf %div3A_1529, %get3A_1426 : vector<16xf32>
        %sub3A_1556 = arith.subf %add3A_1554, %mul3A_1555 : vector<16xf32>
        %abs3A_1557 = math.absf %sub3A_1556 : vector<16xf32>
        %add3A_1558 = arith.addf %add3A_1549, %abs3A_1557 : vector<16xf32>
        %get3A_1559 = arith.index_cast %select_n3A_164 : i32 to index
        %get3A_1560 = arith.index_cast %add3A_1375 : i32 to index
        %get3A_1561 = arith.constant 48 : index
        %get3A_1562 = tpu.vector_load %arg10[%get3A_1559, %get3A_1560, %get3A_1561] {strides = array<i32>} : memref<2x64x128xf32, #tpu.memory_space<vmem>>, vector<16xf32>,
        %add3A_1563 = arith.addf %sub3A_1439, %get3A_1562 : vector<16xf32>
        %mul3A_1564 = arith.mulf %div3A_1529, %get3A_1443 : vector<16xf32>
        %sub3A_1565 = arith.subf %add3A_1563, %mul3A_1564 : vector<16xf32>
        %abs3A_1566 = math.absf %sub3A_1565 : vector<16xf32>
        %add3A_1567 = arith.addf %add3A_1558, %abs3A_1566 : vector<16xf32>
        %get3A_1568 = arith.index_cast %select_n3A_164 : i32 to index
        %get3A_1569 = arith.index_cast %add3A_1375 : i32 to index
        %get3A_1570 = arith.constant 64 : index
        %get3A_1571 = tpu.vector_load %arg10[%get3A_1568, %get3A_1569, %get3A_1570] {strides = array<i32>} : memref<2x64x128xf32, #tpu.memory_space<vmem>>, vector<16xf32>,
        %add3A_1572 = arith.addf %sub3A_1456, %get3A_1571 : vector<16xf32>
        %mul3A_1573 = arith.mulf %div3A_1529, %get3A_1460 : vector<16xf32>
        %sub3A_1574 = arith.subf %add3A_1572, %mul3A_1573 : vector<16xf32>
        %abs3A_1575 = math.absf %sub3A_1574 : vector<16xf32>
        %add3A_1576 = arith.addf %add3A_1567, %abs3A_1575 : vector<16xf32>
        %get3A_1577 = arith.index_cast %select_n3A_164 : i32 to index
        %get3A_1578 = arith.index_cast %add3A_1375 : i32 to index
        %get3A_1579 = arith.constant 80 : index
        %get3A_1580 = tpu.vector_load %arg10[%get3A_1577, %get3A_1578, %get3A_1579] {strides = array<i32>} : memref<2x64x128xf32, #tpu.memory_space<vmem>>, vector<16xf32>,
        %add3A_1581 = arith.addf %sub3A_1473, %get3A_1580 : vector<16xf32>
        %mul3A_1582 = arith.mulf %div3A_1529, %get3A_1477 : vector<16xf32>
        %sub3A_1583 = arith.subf %add3A_1581, %mul3A_1582 : vector<16xf32>
        %abs3A_1584 = math.absf %sub3A_1583 : vector<16xf32>
        %add3A_1585 = arith.addf %add3A_1576, %abs3A_1584 : vector<16xf32>
        %get3A_1586 = arith.index_cast %select_n3A_164 : i32 to index
        %get3A_1587 = arith.index_cast %add3A_1375 : i32 to index
        %get3A_1588 = arith.constant 96 : index
        %get3A_1589 = tpu.vector_load %arg10[%get3A_1586, %get3A_1587, %get3A_1588] {strides = array<i32>} : memref<2x64x128xf32, #tpu.memory_space<vmem>>, vector<16xf32>,
        %add3A_1590 = arith.addf %sub3A_1490, %get3A_1589 : vector<16xf32>
        %mul3A_1591 = arith.mulf %div3A_1529, %get3A_1494 : vector<16xf32>
        %sub3A_1592 = arith.subf %add3A_1590, %mul3A_1591 : vector<16xf32>
        %abs3A_1593 = math.absf %sub3A_1592 : vector<16xf32>
        %add3A_1594 = arith.addf %add3A_1585, %abs3A_1593 : vector<16xf32>
        %get3A_1595 = arith.index_cast %select_n3A_164 : i32 to index
        %get3A_1596 = arith.index_cast %add3A_1375 : i32 to index
        %get3A_1597 = arith.constant 112 : index
        %get3A_1598 = tpu.vector_load %arg10[%get3A_1595, %get3A_1596, %get3A_1597] {strides = array<i32>} : memref<2x64x128xf32, #tpu.memory_space<vmem>>, vector<16xf32>,
        %add3A_1599 = arith.addf %sub3A_1507, %get3A_1598 : vector<16xf32>
        %mul3A_1600 = arith.mulf %div3A_1529, %get3A_1511 : vector<16xf32>
        %sub3A_1601 = arith.subf %add3A_1599, %mul3A_1600 : vector<16xf32>
        %abs3A_1602 = math.absf %sub3A_1601 : vector<16xf32>
        %add3A_1603 = arith.addf %add3A_1594, %abs3A_1602 : vector<16xf32>
        %reduce_sum3A_1604 = arith.constant true
        %reduce_sum3A_1605 = vector.broadcast %reduce_sum3A_1604 : i1 to vector<16xi1>
        %reduce_sum3A_1606 = tpu.scan <sum>, %add3A_1603 masked %reduce_sum3A_1605 : vector<16xf32>, vector<16xi1> -> vector<16xf32>
        %reduce_sum3A_1607 = vector.extract %reduce_sum3A_1606[15] : f32 from vector<16xf32>
        %broadcast_in_dim3A_1608 = vector.broadcast %reduce_sum3A_1607 : f32 to vector<16xf32>
        %eq3A_1609 = arith.constant 5 : i32
        %eq3A_1610 = vector.broadcast %eq3A_1609 : i32 to vector<16xi32>
        %eq3A_1611 = arith.cmpi eq, %iota3A, %eq3A_1610 : vector<16xi32>
        %select_n3A_1612 = arith.select %eq3A_1611, %broadcast_in_dim3A_1608, %select_n3A_1371 : vector<16xi1>, vector<16xf32>
        %mul3A_1613 = arith.constant 16 : i32
        %mul3A_1614 = arith.muli %scan3A_171, %mul3A_1613 : i32
        %add3A_1615 = arith.constant 6 : i32
        %add3A_1616 = arith.addi %mul3A_1614, %add3A_1615 : i32
        %broadcast_in_dim3A_1617 = arith.constant 0.000000e+00 : f32
        %broadcast_in_dim3A_1618 = vector.broadcast %broadcast_in_dim3A_1617 : f32 to vector<16xf32>
        %broadcast_in_dim3A_1619 = arith.constant 0.000000e+00 : f32
        %broadcast_in_dim3A_1620 = vector.broadcast %broadcast_in_dim3A_1619 : f32 to vector<16xf32>
        %get3A_1621 = arith.index_cast %select_n3A_164 : i32 to index
        %get3A_1622 = arith.index_cast %add3A_1616 : i32 to index
        %get3A_1623 = arith.constant 0 : index
        %get3A_1624 = tpu.vector_load %arg8[%get3A_1621, %get3A_1622, %get3A_1623] {strides = array<i32>} : memref<2x64x128xf32, #tpu.memory_space<vmem>>, vector<16xf32>,
        %get3A_1625 = arith.index_cast %select_n3A_164 : i32 to index
        %get3A_1626 = arith.index_cast %add3A_1616 : i32 to index
        %get3A_1627 = arith.constant 0 : index
        %get3A_1628 = tpu.vector_load %arg9[%get3A_1625, %get3A_1626, %get3A_1627] {strides = array<i32>} : memref<2x64x128xf32, #tpu.memory_space<vmem>>, vector<16xf32>,
        %sub3A_1629 = arith.subf %get3A_1624, %get3A_1628 : vector<16xf32>
        %get3A_1630 = arith.index_cast %select_n3A_164 : i32 to index
        %get3A_1631 = arith.index_cast %add3A_1616 : i32 to index
        %get3A_1632 = arith.constant 0 : index
        %get3A_1633 = tpu.vector_load %arg11[%get3A_1630, %get3A_1631, %get3A_1632] {strides = array<i32>} : memref<2x64x128xf32, #tpu.memory_space<vmem>>, vector<16xf32>,
        %mul3A_1634 = arith.mulf %sub3A_1629, %get3A_1633 : vector<16xf32>
        %add3A_1635 = arith.addf %broadcast_in_dim3A_1618, %mul3A_1634 : vector<16xf32>
        %mul3A_1636 = arith.mulf %get3A_1633, %get3A_1633 : vector<16xf32>
        %add3A_1637 = arith.addf %broadcast_in_dim3A_1620, %mul3A_1636 : vector<16xf32>
        %get3A_1638 = arith.index_cast %select_n3A_164 : i32 to index
        %get3A_1639 = arith.index_cast %add3A_1616 : i32 to index
        %get3A_1640 = arith.constant 16 : index
        %get3A_1641 = tpu.vector_load %arg8[%get3A_1638, %get3A_1639, %get3A_1640] {strides = array<i32>} : memref<2x64x128xf32, #tpu.memory_space<vmem>>, vector<16xf32>,
        %get3A_1642 = arith.index_cast %select_n3A_164 : i32 to index
        %get3A_1643 = arith.index_cast %add3A_1616 : i32 to index
        %get3A_1644 = arith.constant 16 : index
        %get3A_1645 = tpu.vector_load %arg9[%get3A_1642, %get3A_1643, %get3A_1644] {strides = array<i32>} : memref<2x64x128xf32, #tpu.memory_space<vmem>>, vector<16xf32>,
        %sub3A_1646 = arith.subf %get3A_1641, %get3A_1645 : vector<16xf32>
        %get3A_1647 = arith.index_cast %select_n3A_164 : i32 to index
        %get3A_1648 = arith.index_cast %add3A_1616 : i32 to index
        %get3A_1649 = arith.constant 16 : index
        %get3A_1650 = tpu.vector_load %arg11[%get3A_1647, %get3A_1648, %get3A_1649] {strides = array<i32>} : memref<2x64x128xf32, #tpu.memory_space<vmem>>, vector<16xf32>,
        %mul3A_1651 = arith.mulf %sub3A_1646, %get3A_1650 : vector<16xf32>
        %add3A_1652 = arith.addf %add3A_1635, %mul3A_1651 : vector<16xf32>
        %mul3A_1653 = arith.mulf %get3A_1650, %get3A_1650 : vector<16xf32>
        %add3A_1654 = arith.addf %add3A_1637, %mul3A_1653 : vector<16xf32>
        %get3A_1655 = arith.index_cast %select_n3A_164 : i32 to index
        %get3A_1656 = arith.index_cast %add3A_1616 : i32 to index
        %get3A_1657 = arith.constant 32 : index
        %get3A_1658 = tpu.vector_load %arg8[%get3A_1655, %get3A_1656, %get3A_1657] {strides = array<i32>} : memref<2x64x128xf32, #tpu.memory_space<vmem>>, vector<16xf32>,
        %get3A_1659 = arith.index_cast %select_n3A_164 : i32 to index
        %get3A_1660 = arith.index_cast %add3A_1616 : i32 to index
        %get3A_1661 = arith.constant 32 : index
        %get3A_1662 = tpu.vector_load %arg9[%get3A_1659, %get3A_1660, %get3A_1661] {strides = array<i32>} : memref<2x64x128xf32, #tpu.memory_space<vmem>>, vector<16xf32>,
        %sub3A_1663 = arith.subf %get3A_1658, %get3A_1662 : vector<16xf32>
        %get3A_1664 = arith.index_cast %select_n3A_164 : i32 to index
        %get3A_1665 = arith.index_cast %add3A_1616 : i32 to index
        %get3A_1666 = arith.constant 32 : index
        %get3A_1667 = tpu.vector_load %arg11[%get3A_1664, %get3A_1665, %get3A_1666] {strides = array<i32>} : memref<2x64x128xf32, #tpu.memory_space<vmem>>, vector<16xf32>,
        %mul3A_1668 = arith.mulf %sub3A_1663, %get3A_1667 : vector<16xf32>
        %add3A_1669 = arith.addf %add3A_1652, %mul3A_1668 : vector<16xf32>
        %mul3A_1670 = arith.mulf %get3A_1667, %get3A_1667 : vector<16xf32>
        %add3A_1671 = arith.addf %add3A_1654, %mul3A_1670 : vector<16xf32>
        %get3A_1672 = arith.index_cast %select_n3A_164 : i32 to index
        %get3A_1673 = arith.index_cast %add3A_1616 : i32 to index
        %get3A_1674 = arith.constant 48 : index
        %get3A_1675 = tpu.vector_load %arg8[%get3A_1672, %get3A_1673, %get3A_1674] {strides = array<i32>} : memref<2x64x128xf32, #tpu.memory_space<vmem>>, vector<16xf32>,
        %get3A_1676 = arith.index_cast %select_n3A_164 : i32 to index
        %get3A_1677 = arith.index_cast %add3A_1616 : i32 to index
        %get3A_1678 = arith.constant 48 : index
        %get3A_1679 = tpu.vector_load %arg9[%get3A_1676, %get3A_1677, %get3A_1678] {strides = array<i32>} : memref<2x64x128xf32, #tpu.memory_space<vmem>>, vector<16xf32>,
        %sub3A_1680 = arith.subf %get3A_1675, %get3A_1679 : vector<16xf32>
        %get3A_1681 = arith.index_cast %select_n3A_164 : i32 to index
        %get3A_1682 = arith.index_cast %add3A_1616 : i32 to index
        %get3A_1683 = arith.constant 48 : index
        %get3A_1684 = tpu.vector_load %arg11[%get3A_1681, %get3A_1682, %get3A_1683] {strides = array<i32>} : memref<2x64x128xf32, #tpu.memory_space<vmem>>, vector<16xf32>,
        %mul3A_1685 = arith.mulf %sub3A_1680, %get3A_1684 : vector<16xf32>
        %add3A_1686 = arith.addf %add3A_1669, %mul3A_1685 : vector<16xf32>
        %mul3A_1687 = arith.mulf %get3A_1684, %get3A_1684 : vector<16xf32>
        %add3A_1688 = arith.addf %add3A_1671, %mul3A_1687 : vector<16xf32>
        %get3A_1689 = arith.index_cast %select_n3A_164 : i32 to index
        %get3A_1690 = arith.index_cast %add3A_1616 : i32 to index
        %get3A_1691 = arith.constant 64 : index
        %get3A_1692 = tpu.vector_load %arg8[%get3A_1689, %get3A_1690, %get3A_1691] {strides = array<i32>} : memref<2x64x128xf32, #tpu.memory_space<vmem>>, vector<16xf32>,
        %get3A_1693 = arith.index_cast %select_n3A_164 : i32 to index
        %get3A_1694 = arith.index_cast %add3A_1616 : i32 to index
        %get3A_1695 = arith.constant 64 : index
        %get3A_1696 = tpu.vector_load %arg9[%get3A_1693, %get3A_1694, %get3A_1695] {strides = array<i32>} : memref<2x64x128xf32, #tpu.memory_space<vmem>>, vector<16xf32>,
        %sub3A_1697 = arith.subf %get3A_1692, %get3A_1696 : vector<16xf32>
        %get3A_1698 = arith.index_cast %select_n3A_164 : i32 to index
        %get3A_1699 = arith.index_cast %add3A_1616 : i32 to index
        %get3A_1700 = arith.constant 64 : index
        %get3A_1701 = tpu.vector_load %arg11[%get3A_1698, %get3A_1699, %get3A_1700] {strides = array<i32>} : memref<2x64x128xf32, #tpu.memory_space<vmem>>, vector<16xf32>,
        %mul3A_1702 = arith.mulf %sub3A_1697, %get3A_1701 : vector<16xf32>
        %add3A_1703 = arith.addf %add3A_1686, %mul3A_1702 : vector<16xf32>
        %mul3A_1704 = arith.mulf %get3A_1701, %get3A_1701 : vector<16xf32>
        %add3A_1705 = arith.addf %add3A_1688, %mul3A_1704 : vector<16xf32>
        %get3A_1706 = arith.index_cast %select_n3A_164 : i32 to index
        %get3A_1707 = arith.index_cast %add3A_1616 : i32 to index
        %get3A_1708 = arith.constant 80 : index
        %get3A_1709 = tpu.vector_load %arg8[%get3A_1706, %get3A_1707, %get3A_1708] {strides = array<i32>} : memref<2x64x128xf32, #tpu.memory_space<vmem>>, vector<16xf32>,
        %get3A_1710 = arith.index_cast %select_n3A_164 : i32 to index
        %get3A_1711 = arith.index_cast %add3A_1616 : i32 to index
        %get3A_1712 = arith.constant 80 : index
        %get3A_1713 = tpu.vector_load %arg9[%get3A_1710, %get3A_1711, %get3A_1712] {strides = array<i32>} : memref<2x64x128xf32, #tpu.memory_space<vmem>>, vector<16xf32>,
        %sub3A_1714 = arith.subf %get3A_1709, %get3A_1713 : vector<16xf32>
        %get3A_1715 = arith.index_cast %select_n3A_164 : i32 to index
        %get3A_1716 = arith.index_cast %add3A_1616 : i32 to index
        %get3A_1717 = arith.constant 80 : index
        %get3A_1718 = tpu.vector_load %arg11[%get3A_1715, %get3A_1716, %get3A_1717] {strides = array<i32>} : memref<2x64x128xf32, #tpu.memory_space<vmem>>, vector<16xf32>,
        %mul3A_1719 = arith.mulf %sub3A_1714, %get3A_1718 : vector<16xf32>
        %add3A_1720 = arith.addf %add3A_1703, %mul3A_1719 : vector<16xf32>
        %mul3A_1721 = arith.mulf %get3A_1718, %get3A_1718 : vector<16xf32>
        %add3A_1722 = arith.addf %add3A_1705, %mul3A_1721 : vector<16xf32>
        %get3A_1723 = arith.index_cast %select_n3A_164 : i32 to index
        %get3A_1724 = arith.index_cast %add3A_1616 : i32 to index
        %get3A_1725 = arith.constant 96 : index
        %get3A_1726 = tpu.vector_load %arg8[%get3A_1723, %get3A_1724, %get3A_1725] {strides = array<i32>} : memref<2x64x128xf32, #tpu.memory_space<vmem>>, vector<16xf32>,
        %get3A_1727 = arith.index_cast %select_n3A_164 : i32 to index
        %get3A_1728 = arith.index_cast %add3A_1616 : i32 to index
        %get3A_1729 = arith.constant 96 : index
        %get3A_1730 = tpu.vector_load %arg9[%get3A_1727, %get3A_1728, %get3A_1729] {strides = array<i32>} : memref<2x64x128xf32, #tpu.memory_space<vmem>>, vector<16xf32>,
        %sub3A_1731 = arith.subf %get3A_1726, %get3A_1730 : vector<16xf32>
        %get3A_1732 = arith.index_cast %select_n3A_164 : i32 to index
        %get3A_1733 = arith.index_cast %add3A_1616 : i32 to index
        %get3A_1734 = arith.constant 96 : index
        %get3A_1735 = tpu.vector_load %arg11[%get3A_1732, %get3A_1733, %get3A_1734] {strides = array<i32>} : memref<2x64x128xf32, #tpu.memory_space<vmem>>, vector<16xf32>,
        %mul3A_1736 = arith.mulf %sub3A_1731, %get3A_1735 : vector<16xf32>
        %add3A_1737 = arith.addf %add3A_1720, %mul3A_1736 : vector<16xf32>
        %mul3A_1738 = arith.mulf %get3A_1735, %get3A_1735 : vector<16xf32>
        %add3A_1739 = arith.addf %add3A_1722, %mul3A_1738 : vector<16xf32>
        %get3A_1740 = arith.index_cast %select_n3A_164 : i32 to index
        %get3A_1741 = arith.index_cast %add3A_1616 : i32 to index
        %get3A_1742 = arith.constant 112 : index
        %get3A_1743 = tpu.vector_load %arg8[%get3A_1740, %get3A_1741, %get3A_1742] {strides = array<i32>} : memref<2x64x128xf32, #tpu.memory_space<vmem>>, vector<16xf32>,
        %get3A_1744 = arith.index_cast %select_n3A_164 : i32 to index
        %get3A_1745 = arith.index_cast %add3A_1616 : i32 to index
        %get3A_1746 = arith.constant 112 : index
        %get3A_1747 = tpu.vector_load %arg9[%get3A_1744, %get3A_1745, %get3A_1746] {strides = array<i32>} : memref<2x64x128xf32, #tpu.memory_space<vmem>>, vector<16xf32>,
        %sub3A_1748 = arith.subf %get3A_1743, %get3A_1747 : vector<16xf32>
        %get3A_1749 = arith.index_cast %select_n3A_164 : i32 to index
        %get3A_1750 = arith.index_cast %add3A_1616 : i32 to index
        %get3A_1751 = arith.constant 112 : index
        %get3A_1752 = tpu.vector_load %arg11[%get3A_1749, %get3A_1750, %get3A_1751] {strides = array<i32>} : memref<2x64x128xf32, #tpu.memory_space<vmem>>, vector<16xf32>,
        %mul3A_1753 = arith.mulf %sub3A_1748, %get3A_1752 : vector<16xf32>
        %add3A_1754 = arith.addf %add3A_1737, %mul3A_1753 : vector<16xf32>
        %mul3A_1755 = arith.mulf %get3A_1752, %get3A_1752 : vector<16xf32>
        %add3A_1756 = arith.addf %add3A_1739, %mul3A_1755 : vector<16xf32>
        %reduce_sum3A_1757 = arith.constant true
        %reduce_sum3A_1758 = vector.broadcast %reduce_sum3A_1757 : i1 to vector<16xi1>
        %reduce_sum3A_1759 = tpu.scan <sum>, %add3A_1754 masked %reduce_sum3A_1758 : vector<16xf32>, vector<16xi1> -> vector<16xf32>
        %reduce_sum3A_1760 = vector.extract %reduce_sum3A_1759[15] : f32 from vector<16xf32>
        %broadcast_in_dim3A_1761 = vector.broadcast %reduce_sum3A_1760 : f32 to vector<16xf32>
        %reduce_sum3A_1762 = arith.constant true
        %reduce_sum3A_1763 = vector.broadcast %reduce_sum3A_1762 : i1 to vector<16xi1>
        %reduce_sum3A_1764 = tpu.scan <sum>, %add3A_1756 masked %reduce_sum3A_1763 : vector<16xf32>, vector<16xi1> -> vector<16xf32>
        %reduce_sum3A_1765 = vector.extract %reduce_sum3A_1764[15] : f32 from vector<16xf32>
        %broadcast_in_dim3A_1766 = vector.broadcast %reduce_sum3A_1765 : f32 to vector<16xf32>
        %max3A_1767 = arith.constant 1.000000e-24 : f32
        %max3A_1768 = vector.broadcast %max3A_1767 : f32 to vector<16xf32>
        %max3A_1769 = arith.maximumf %broadcast_in_dim3A_1766, %max3A_1768 : vector<16xf32>
        %div3A_1770 = arith.divf %broadcast_in_dim3A_1761, %max3A_1769 : vector<16xf32>
        %broadcast_in_dim3A_1771 = arith.constant 0.000000e+00 : f32
        %broadcast_in_dim3A_1772 = vector.broadcast %broadcast_in_dim3A_1771 : f32 to vector<16xf32>
        %get3A_1773 = arith.index_cast %select_n3A_164 : i32 to index
        %get3A_1774 = arith.index_cast %add3A_1616 : i32 to index
        %get3A_1775 = arith.constant 0 : index
        %get3A_1776 = tpu.vector_load %arg10[%get3A_1773, %get3A_1774, %get3A_1775] {strides = array<i32>} : memref<2x64x128xf32, #tpu.memory_space<vmem>>, vector<16xf32>,
        %add3A_1777 = arith.addf %sub3A_1629, %get3A_1776 : vector<16xf32>
        %mul3A_1778 = arith.mulf %div3A_1770, %get3A_1633 : vector<16xf32>
        %sub3A_1779 = arith.subf %add3A_1777, %mul3A_1778 : vector<16xf32>
        %abs3A_1780 = math.absf %sub3A_1779 : vector<16xf32>
        %add3A_1781 = arith.addf %broadcast_in_dim3A_1772, %abs3A_1780 : vector<16xf32>
        %get3A_1782 = arith.index_cast %select_n3A_164 : i32 to index
        %get3A_1783 = arith.index_cast %add3A_1616 : i32 to index
        %get3A_1784 = arith.constant 16 : index
        %get3A_1785 = tpu.vector_load %arg10[%get3A_1782, %get3A_1783, %get3A_1784] {strides = array<i32>} : memref<2x64x128xf32, #tpu.memory_space<vmem>>, vector<16xf32>,
        %add3A_1786 = arith.addf %sub3A_1646, %get3A_1785 : vector<16xf32>
        %mul3A_1787 = arith.mulf %div3A_1770, %get3A_1650 : vector<16xf32>
        %sub3A_1788 = arith.subf %add3A_1786, %mul3A_1787 : vector<16xf32>
        %abs3A_1789 = math.absf %sub3A_1788 : vector<16xf32>
        %add3A_1790 = arith.addf %add3A_1781, %abs3A_1789 : vector<16xf32>
        %get3A_1791 = arith.index_cast %select_n3A_164 : i32 to index
        %get3A_1792 = arith.index_cast %add3A_1616 : i32 to index
        %get3A_1793 = arith.constant 32 : index
        %get3A_1794 = tpu.vector_load %arg10[%get3A_1791, %get3A_1792, %get3A_1793] {strides = array<i32>} : memref<2x64x128xf32, #tpu.memory_space<vmem>>, vector<16xf32>,
        %add3A_1795 = arith.addf %sub3A_1663, %get3A_1794 : vector<16xf32>
        %mul3A_1796 = arith.mulf %div3A_1770, %get3A_1667 : vector<16xf32>
        %sub3A_1797 = arith.subf %add3A_1795, %mul3A_1796 : vector<16xf32>
        %abs3A_1798 = math.absf %sub3A_1797 : vector<16xf32>
        %add3A_1799 = arith.addf %add3A_1790, %abs3A_1798 : vector<16xf32>
        %get3A_1800 = arith.index_cast %select_n3A_164 : i32 to index
        %get3A_1801 = arith.index_cast %add3A_1616 : i32 to index
        %get3A_1802 = arith.constant 48 : index
        %get3A_1803 = tpu.vector_load %arg10[%get3A_1800, %get3A_1801, %get3A_1802] {strides = array<i32>} : memref<2x64x128xf32, #tpu.memory_space<vmem>>, vector<16xf32>,
        %add3A_1804 = arith.addf %sub3A_1680, %get3A_1803 : vector<16xf32>
        %mul3A_1805 = arith.mulf %div3A_1770, %get3A_1684 : vector<16xf32>
        %sub3A_1806 = arith.subf %add3A_1804, %mul3A_1805 : vector<16xf32>
        %abs3A_1807 = math.absf %sub3A_1806 : vector<16xf32>
        %add3A_1808 = arith.addf %add3A_1799, %abs3A_1807 : vector<16xf32>
        %get3A_1809 = arith.index_cast %select_n3A_164 : i32 to index
        %get3A_1810 = arith.index_cast %add3A_1616 : i32 to index
        %get3A_1811 = arith.constant 64 : index
        %get3A_1812 = tpu.vector_load %arg10[%get3A_1809, %get3A_1810, %get3A_1811] {strides = array<i32>} : memref<2x64x128xf32, #tpu.memory_space<vmem>>, vector<16xf32>,
        %add3A_1813 = arith.addf %sub3A_1697, %get3A_1812 : vector<16xf32>
        %mul3A_1814 = arith.mulf %div3A_1770, %get3A_1701 : vector<16xf32>
        %sub3A_1815 = arith.subf %add3A_1813, %mul3A_1814 : vector<16xf32>
        %abs3A_1816 = math.absf %sub3A_1815 : vector<16xf32>
        %add3A_1817 = arith.addf %add3A_1808, %abs3A_1816 : vector<16xf32>
        %get3A_1818 = arith.index_cast %select_n3A_164 : i32 to index
        %get3A_1819 = arith.index_cast %add3A_1616 : i32 to index
        %get3A_1820 = arith.constant 80 : index
        %get3A_1821 = tpu.vector_load %arg10[%get3A_1818, %get3A_1819, %get3A_1820] {strides = array<i32>} : memref<2x64x128xf32, #tpu.memory_space<vmem>>, vector<16xf32>,
        %add3A_1822 = arith.addf %sub3A_1714, %get3A_1821 : vector<16xf32>
        %mul3A_1823 = arith.mulf %div3A_1770, %get3A_1718 : vector<16xf32>
        %sub3A_1824 = arith.subf %add3A_1822, %mul3A_1823 : vector<16xf32>
        %abs3A_1825 = math.absf %sub3A_1824 : vector<16xf32>
        %add3A_1826 = arith.addf %add3A_1817, %abs3A_1825 : vector<16xf32>
        %get3A_1827 = arith.index_cast %select_n3A_164 : i32 to index
        %get3A_1828 = arith.index_cast %add3A_1616 : i32 to index
        %get3A_1829 = arith.constant 96 : index
        %get3A_1830 = tpu.vector_load %arg10[%get3A_1827, %get3A_1828, %get3A_1829] {strides = array<i32>} : memref<2x64x128xf32, #tpu.memory_space<vmem>>, vector<16xf32>,
        %add3A_1831 = arith.addf %sub3A_1731, %get3A_1830 : vector<16xf32>
        %mul3A_1832 = arith.mulf %div3A_1770, %get3A_1735 : vector<16xf32>
        %sub3A_1833 = arith.subf %add3A_1831, %mul3A_1832 : vector<16xf32>
        %abs3A_1834 = math.absf %sub3A_1833 : vector<16xf32>
        %add3A_1835 = arith.addf %add3A_1826, %abs3A_1834 : vector<16xf32>
        %get3A_1836 = arith.index_cast %select_n3A_164 : i32 to index
        %get3A_1837 = arith.index_cast %add3A_1616 : i32 to index
        %get3A_1838 = arith.constant 112 : index
        %get3A_1839 = tpu.vector_load %arg10[%get3A_1836, %get3A_1837, %get3A_1838] {strides = array<i32>} : memref<2x64x128xf32, #tpu.memory_space<vmem>>, vector<16xf32>,
        %add3A_1840 = arith.addf %sub3A_1748, %get3A_1839 : vector<16xf32>
        %mul3A_1841 = arith.mulf %div3A_1770, %get3A_1752 : vector<16xf32>
        %sub3A_1842 = arith.subf %add3A_1840, %mul3A_1841 : vector<16xf32>
        %abs3A_1843 = math.absf %sub3A_1842 : vector<16xf32>
        %add3A_1844 = arith.addf %add3A_1835, %abs3A_1843 : vector<16xf32>
        %reduce_sum3A_1845 = arith.constant true
        %reduce_sum3A_1846 = vector.broadcast %reduce_sum3A_1845 : i1 to vector<16xi1>
        %reduce_sum3A_1847 = tpu.scan <sum>, %add3A_1844 masked %reduce_sum3A_1846 : vector<16xf32>, vector<16xi1> -> vector<16xf32>
        %reduce_sum3A_1848 = vector.extract %reduce_sum3A_1847[15] : f32 from vector<16xf32>
        %broadcast_in_dim3A_1849 = vector.broadcast %reduce_sum3A_1848 : f32 to vector<16xf32>
        %eq3A_1850 = arith.constant 6 : i32
        %eq3A_1851 = vector.broadcast %eq3A_1850 : i32 to vector<16xi32>
        %eq3A_1852 = arith.cmpi eq, %iota3A, %eq3A_1851 : vector<16xi32>
        %select_n3A_1853 = arith.select %eq3A_1852, %broadcast_in_dim3A_1849, %select_n3A_1612 : vector<16xi1>, vector<16xf32>
        %mul3A_1854 = arith.constant 16 : i32
        %mul3A_1855 = arith.muli %scan3A_171, %mul3A_1854 : i32
        %add3A_1856 = arith.constant 7 : i32
        %add3A_1857 = arith.addi %mul3A_1855, %add3A_1856 : i32
        %broadcast_in_dim3A_1858 = arith.constant 0.000000e+00 : f32
        %broadcast_in_dim3A_1859 = vector.broadcast %broadcast_in_dim3A_1858 : f32 to vector<16xf32>
        %broadcast_in_dim3A_1860 = arith.constant 0.000000e+00 : f32
        %broadcast_in_dim3A_1861 = vector.broadcast %broadcast_in_dim3A_1860 : f32 to vector<16xf32>
        %get3A_1862 = arith.index_cast %select_n3A_164 : i32 to index
        %get3A_1863 = arith.index_cast %add3A_1857 : i32 to index
        %get3A_1864 = arith.constant 0 : index
        %get3A_1865 = tpu.vector_load %arg8[%get3A_1862, %get3A_1863, %get3A_1864] {strides = array<i32>} : memref<2x64x128xf32, #tpu.memory_space<vmem>>, vector<16xf32>,
        %get3A_1866 = arith.index_cast %select_n3A_164 : i32 to index
        %get3A_1867 = arith.index_cast %add3A_1857 : i32 to index
        %get3A_1868 = arith.constant 0 : index
        %get3A_1869 = tpu.vector_load %arg9[%get3A_1866, %get3A_1867, %get3A_1868] {strides = array<i32>} : memref<2x64x128xf32, #tpu.memory_space<vmem>>, vector<16xf32>,
        %sub3A_1870 = arith.subf %get3A_1865, %get3A_1869 : vector<16xf32>
        %get3A_1871 = arith.index_cast %select_n3A_164 : i32 to index
        %get3A_1872 = arith.index_cast %add3A_1857 : i32 to index
        %get3A_1873 = arith.constant 0 : index
        %get3A_1874 = tpu.vector_load %arg11[%get3A_1871, %get3A_1872, %get3A_1873] {strides = array<i32>} : memref<2x64x128xf32, #tpu.memory_space<vmem>>, vector<16xf32>,
        %mul3A_1875 = arith.mulf %sub3A_1870, %get3A_1874 : vector<16xf32>
        %add3A_1876 = arith.addf %broadcast_in_dim3A_1859, %mul3A_1875 : vector<16xf32>
        %mul3A_1877 = arith.mulf %get3A_1874, %get3A_1874 : vector<16xf32>
        %add3A_1878 = arith.addf %broadcast_in_dim3A_1861, %mul3A_1877 : vector<16xf32>
        %get3A_1879 = arith.index_cast %select_n3A_164 : i32 to index
        %get3A_1880 = arith.index_cast %add3A_1857 : i32 to index
        %get3A_1881 = arith.constant 16 : index
        %get3A_1882 = tpu.vector_load %arg8[%get3A_1879, %get3A_1880, %get3A_1881] {strides = array<i32>} : memref<2x64x128xf32, #tpu.memory_space<vmem>>, vector<16xf32>,
        %get3A_1883 = arith.index_cast %select_n3A_164 : i32 to index
        %get3A_1884 = arith.index_cast %add3A_1857 : i32 to index
        %get3A_1885 = arith.constant 16 : index
        %get3A_1886 = tpu.vector_load %arg9[%get3A_1883, %get3A_1884, %get3A_1885] {strides = array<i32>} : memref<2x64x128xf32, #tpu.memory_space<vmem>>, vector<16xf32>,
        %sub3A_1887 = arith.subf %get3A_1882, %get3A_1886 : vector<16xf32>
        %get3A_1888 = arith.index_cast %select_n3A_164 : i32 to index
        %get3A_1889 = arith.index_cast %add3A_1857 : i32 to index
        %get3A_1890 = arith.constant 16 : index
        %get3A_1891 = tpu.vector_load %arg11[%get3A_1888, %get3A_1889, %get3A_1890] {strides = array<i32>} : memref<2x64x128xf32, #tpu.memory_space<vmem>>, vector<16xf32>,
        %mul3A_1892 = arith.mulf %sub3A_1887, %get3A_1891 : vector<16xf32>
        %add3A_1893 = arith.addf %add3A_1876, %mul3A_1892 : vector<16xf32>
        %mul3A_1894 = arith.mulf %get3A_1891, %get3A_1891 : vector<16xf32>
        %add3A_1895 = arith.addf %add3A_1878, %mul3A_1894 : vector<16xf32>
        %get3A_1896 = arith.index_cast %select_n3A_164 : i32 to index
        %get3A_1897 = arith.index_cast %add3A_1857 : i32 to index
        %get3A_1898 = arith.constant 32 : index
        %get3A_1899 = tpu.vector_load %arg8[%get3A_1896, %get3A_1897, %get3A_1898] {strides = array<i32>} : memref<2x64x128xf32, #tpu.memory_space<vmem>>, vector<16xf32>,
        %get3A_1900 = arith.index_cast %select_n3A_164 : i32 to index
        %get3A_1901 = arith.index_cast %add3A_1857 : i32 to index
        %get3A_1902 = arith.constant 32 : index
        %get3A_1903 = tpu.vector_load %arg9[%get3A_1900, %get3A_1901, %get3A_1902] {strides = array<i32>} : memref<2x64x128xf32, #tpu.memory_space<vmem>>, vector<16xf32>,
        %sub3A_1904 = arith.subf %get3A_1899, %get3A_1903 : vector<16xf32>
        %get3A_1905 = arith.index_cast %select_n3A_164 : i32 to index
        %get3A_1906 = arith.index_cast %add3A_1857 : i32 to index
        %get3A_1907 = arith.constant 32 : index
        %get3A_1908 = tpu.vector_load %arg11[%get3A_1905, %get3A_1906, %get3A_1907] {strides = array<i32>} : memref<2x64x128xf32, #tpu.memory_space<vmem>>, vector<16xf32>,
        %mul3A_1909 = arith.mulf %sub3A_1904, %get3A_1908 : vector<16xf32>
        %add3A_1910 = arith.addf %add3A_1893, %mul3A_1909 : vector<16xf32>
        %mul3A_1911 = arith.mulf %get3A_1908, %get3A_1908 : vector<16xf32>
        %add3A_1912 = arith.addf %add3A_1895, %mul3A_1911 : vector<16xf32>
        %get3A_1913 = arith.index_cast %select_n3A_164 : i32 to index
        %get3A_1914 = arith.index_cast %add3A_1857 : i32 to index
        %get3A_1915 = arith.constant 48 : index
        %get3A_1916 = tpu.vector_load %arg8[%get3A_1913, %get3A_1914, %get3A_1915] {strides = array<i32>} : memref<2x64x128xf32, #tpu.memory_space<vmem>>, vector<16xf32>,
        %get3A_1917 = arith.index_cast %select_n3A_164 : i32 to index
        %get3A_1918 = arith.index_cast %add3A_1857 : i32 to index
        %get3A_1919 = arith.constant 48 : index
        %get3A_1920 = tpu.vector_load %arg9[%get3A_1917, %get3A_1918, %get3A_1919] {strides = array<i32>} : memref<2x64x128xf32, #tpu.memory_space<vmem>>, vector<16xf32>,
        %sub3A_1921 = arith.subf %get3A_1916, %get3A_1920 : vector<16xf32>
        %get3A_1922 = arith.index_cast %select_n3A_164 : i32 to index
        %get3A_1923 = arith.index_cast %add3A_1857 : i32 to index
        %get3A_1924 = arith.constant 48 : index
        %get3A_1925 = tpu.vector_load %arg11[%get3A_1922, %get3A_1923, %get3A_1924] {strides = array<i32>} : memref<2x64x128xf32, #tpu.memory_space<vmem>>, vector<16xf32>,
        %mul3A_1926 = arith.mulf %sub3A_1921, %get3A_1925 : vector<16xf32>
        %add3A_1927 = arith.addf %add3A_1910, %mul3A_1926 : vector<16xf32>
        %mul3A_1928 = arith.mulf %get3A_1925, %get3A_1925 : vector<16xf32>
        %add3A_1929 = arith.addf %add3A_1912, %mul3A_1928 : vector<16xf32>
        %get3A_1930 = arith.index_cast %select_n3A_164 : i32 to index
        %get3A_1931 = arith.index_cast %add3A_1857 : i32 to index
        %get3A_1932 = arith.constant 64 : index
        %get3A_1933 = tpu.vector_load %arg8[%get3A_1930, %get3A_1931, %get3A_1932] {strides = array<i32>} : memref<2x64x128xf32, #tpu.memory_space<vmem>>, vector<16xf32>,
        %get3A_1934 = arith.index_cast %select_n3A_164 : i32 to index
        %get3A_1935 = arith.index_cast %add3A_1857 : i32 to index
        %get3A_1936 = arith.constant 64 : index
        %get3A_1937 = tpu.vector_load %arg9[%get3A_1934, %get3A_1935, %get3A_1936] {strides = array<i32>} : memref<2x64x128xf32, #tpu.memory_space<vmem>>, vector<16xf32>,
        %sub3A_1938 = arith.subf %get3A_1933, %get3A_1937 : vector<16xf32>
        %get3A_1939 = arith.index_cast %select_n3A_164 : i32 to index
        %get3A_1940 = arith.index_cast %add3A_1857 : i32 to index
        %get3A_1941 = arith.constant 64 : index
        %get3A_1942 = tpu.vector_load %arg11[%get3A_1939, %get3A_1940, %get3A_1941] {strides = array<i32>} : memref<2x64x128xf32, #tpu.memory_space<vmem>>, vector<16xf32>,
        %mul3A_1943 = arith.mulf %sub3A_1938, %get3A_1942 : vector<16xf32>
        %add3A_1944 = arith.addf %add3A_1927, %mul3A_1943 : vector<16xf32>
        %mul3A_1945 = arith.mulf %get3A_1942, %get3A_1942 : vector<16xf32>
        %add3A_1946 = arith.addf %add3A_1929, %mul3A_1945 : vector<16xf32>
        %get3A_1947 = arith.index_cast %select_n3A_164 : i32 to index
        %get3A_1948 = arith.index_cast %add3A_1857 : i32 to index
        %get3A_1949 = arith.constant 80 : index
        %get3A_1950 = tpu.vector_load %arg8[%get3A_1947, %get3A_1948, %get3A_1949] {strides = array<i32>} : memref<2x64x128xf32, #tpu.memory_space<vmem>>, vector<16xf32>,
        %get3A_1951 = arith.index_cast %select_n3A_164 : i32 to index
        %get3A_1952 = arith.index_cast %add3A_1857 : i32 to index
        %get3A_1953 = arith.constant 80 : index
        %get3A_1954 = tpu.vector_load %arg9[%get3A_1951, %get3A_1952, %get3A_1953] {strides = array<i32>} : memref<2x64x128xf32, #tpu.memory_space<vmem>>, vector<16xf32>,
        %sub3A_1955 = arith.subf %get3A_1950, %get3A_1954 : vector<16xf32>
        %get3A_1956 = arith.index_cast %select_n3A_164 : i32 to index
        %get3A_1957 = arith.index_cast %add3A_1857 : i32 to index
        %get3A_1958 = arith.constant 80 : index
        %get3A_1959 = tpu.vector_load %arg11[%get3A_1956, %get3A_1957, %get3A_1958] {strides = array<i32>} : memref<2x64x128xf32, #tpu.memory_space<vmem>>, vector<16xf32>,
        %mul3A_1960 = arith.mulf %sub3A_1955, %get3A_1959 : vector<16xf32>
        %add3A_1961 = arith.addf %add3A_1944, %mul3A_1960 : vector<16xf32>
        %mul3A_1962 = arith.mulf %get3A_1959, %get3A_1959 : vector<16xf32>
        %add3A_1963 = arith.addf %add3A_1946, %mul3A_1962 : vector<16xf32>
        %get3A_1964 = arith.index_cast %select_n3A_164 : i32 to index
        %get3A_1965 = arith.index_cast %add3A_1857 : i32 to index
        %get3A_1966 = arith.constant 96 : index
        %get3A_1967 = tpu.vector_load %arg8[%get3A_1964, %get3A_1965, %get3A_1966] {strides = array<i32>} : memref<2x64x128xf32, #tpu.memory_space<vmem>>, vector<16xf32>,
        %get3A_1968 = arith.index_cast %select_n3A_164 : i32 to index
        %get3A_1969 = arith.index_cast %add3A_1857 : i32 to index
        %get3A_1970 = arith.constant 96 : index
        %get3A_1971 = tpu.vector_load %arg9[%get3A_1968, %get3A_1969, %get3A_1970] {strides = array<i32>} : memref<2x64x128xf32, #tpu.memory_space<vmem>>, vector<16xf32>,
        %sub3A_1972 = arith.subf %get3A_1967, %get3A_1971 : vector<16xf32>
        %get3A_1973 = arith.index_cast %select_n3A_164 : i32 to index
        %get3A_1974 = arith.index_cast %add3A_1857 : i32 to index
        %get3A_1975 = arith.constant 96 : index
        %get3A_1976 = tpu.vector_load %arg11[%get3A_1973, %get3A_1974, %get3A_1975] {strides = array<i32>} : memref<2x64x128xf32, #tpu.memory_space<vmem>>, vector<16xf32>,
        %mul3A_1977 = arith.mulf %sub3A_1972, %get3A_1976 : vector<16xf32>
        %add3A_1978 = arith.addf %add3A_1961, %mul3A_1977 : vector<16xf32>
        %mul3A_1979 = arith.mulf %get3A_1976, %get3A_1976 : vector<16xf32>
        %add3A_1980 = arith.addf %add3A_1963, %mul3A_1979 : vector<16xf32>
        %get3A_1981 = arith.index_cast %select_n3A_164 : i32 to index
        %get3A_1982 = arith.index_cast %add3A_1857 : i32 to index
        %get3A_1983 = arith.constant 112 : index
        %get3A_1984 = tpu.vector_load %arg8[%get3A_1981, %get3A_1982, %get3A_1983] {strides = array<i32>} : memref<2x64x128xf32, #tpu.memory_space<vmem>>, vector<16xf32>,
        %get3A_1985 = arith.index_cast %select_n3A_164 : i32 to index
        %get3A_1986 = arith.index_cast %add3A_1857 : i32 to index
        %get3A_1987 = arith.constant 112 : index
        %get3A_1988 = tpu.vector_load %arg9[%get3A_1985, %get3A_1986, %get3A_1987] {strides = array<i32>} : memref<2x64x128xf32, #tpu.memory_space<vmem>>, vector<16xf32>,
        %sub3A_1989 = arith.subf %get3A_1984, %get3A_1988 : vector<16xf32>
        %get3A_1990 = arith.index_cast %select_n3A_164 : i32 to index
        %get3A_1991 = arith.index_cast %add3A_1857 : i32 to index
        %get3A_1992 = arith.constant 112 : index
        %get3A_1993 = tpu.vector_load %arg11[%get3A_1990, %get3A_1991, %get3A_1992] {strides = array<i32>} : memref<2x64x128xf32, #tpu.memory_space<vmem>>, vector<16xf32>,
        %mul3A_1994 = arith.mulf %sub3A_1989, %get3A_1993 : vector<16xf32>
        %add3A_1995 = arith.addf %add3A_1978, %mul3A_1994 : vector<16xf32>
        %mul3A_1996 = arith.mulf %get3A_1993, %get3A_1993 : vector<16xf32>
        %add3A_1997 = arith.addf %add3A_1980, %mul3A_1996 : vector<16xf32>
        %reduce_sum3A_1998 = arith.constant true
        %reduce_sum3A_1999 = vector.broadcast %reduce_sum3A_1998 : i1 to vector<16xi1>
        %reduce_sum3A_2000 = tpu.scan <sum>, %add3A_1995 masked %reduce_sum3A_1999 : vector<16xf32>, vector<16xi1> -> vector<16xf32>
        %reduce_sum3A_2001 = vector.extract %reduce_sum3A_2000[15] : f32 from vector<16xf32>
        %broadcast_in_dim3A_2002 = vector.broadcast %reduce_sum3A_2001 : f32 to vector<16xf32>
        %reduce_sum3A_2003 = arith.constant true
        %reduce_sum3A_2004 = vector.broadcast %reduce_sum3A_2003 : i1 to vector<16xi1>
        %reduce_sum3A_2005 = tpu.scan <sum>, %add3A_1997 masked %reduce_sum3A_2004 : vector<16xf32>, vector<16xi1> -> vector<16xf32>
        %reduce_sum3A_2006 = vector.extract %reduce_sum3A_2005[15] : f32 from vector<16xf32>
        %broadcast_in_dim3A_2007 = vector.broadcast %reduce_sum3A_2006 : f32 to vector<16xf32>
        %max3A_2008 = arith.constant 1.000000e-24 : f32
        %max3A_2009 = vector.broadcast %max3A_2008 : f32 to vector<16xf32>
        %max3A_2010 = arith.maximumf %broadcast_in_dim3A_2007, %max3A_2009 : vector<16xf32>
        %div3A_2011 = arith.divf %broadcast_in_dim3A_2002, %max3A_2010 : vector<16xf32>
        %broadcast_in_dim3A_2012 = arith.constant 0.000000e+00 : f32
        %broadcast_in_dim3A_2013 = vector.broadcast %broadcast_in_dim3A_2012 : f32 to vector<16xf32>
        %get3A_2014 = arith.index_cast %select_n3A_164 : i32 to index
        %get3A_2015 = arith.index_cast %add3A_1857 : i32 to index
        %get3A_2016 = arith.constant 0 : index
        %get3A_2017 = tpu.vector_load %arg10[%get3A_2014, %get3A_2015, %get3A_2016] {strides = array<i32>} : memref<2x64x128xf32, #tpu.memory_space<vmem>>, vector<16xf32>,
        %add3A_2018 = arith.addf %sub3A_1870, %get3A_2017 : vector<16xf32>
        %mul3A_2019 = arith.mulf %div3A_2011, %get3A_1874 : vector<16xf32>
        %sub3A_2020 = arith.subf %add3A_2018, %mul3A_2019 : vector<16xf32>
        %abs3A_2021 = math.absf %sub3A_2020 : vector<16xf32>
        %add3A_2022 = arith.addf %broadcast_in_dim3A_2013, %abs3A_2021 : vector<16xf32>
        %get3A_2023 = arith.index_cast %select_n3A_164 : i32 to index
        %get3A_2024 = arith.index_cast %add3A_1857 : i32 to index
        %get3A_2025 = arith.constant 16 : index
        %get3A_2026 = tpu.vector_load %arg10[%get3A_2023, %get3A_2024, %get3A_2025] {strides = array<i32>} : memref<2x64x128xf32, #tpu.memory_space<vmem>>, vector<16xf32>,
        %add3A_2027 = arith.addf %sub3A_1887, %get3A_2026 : vector<16xf32>
        %mul3A_2028 = arith.mulf %div3A_2011, %get3A_1891 : vector<16xf32>
        %sub3A_2029 = arith.subf %add3A_2027, %mul3A_2028 : vector<16xf32>
        %abs3A_2030 = math.absf %sub3A_2029 : vector<16xf32>
        %add3A_2031 = arith.addf %add3A_2022, %abs3A_2030 : vector<16xf32>
        %get3A_2032 = arith.index_cast %select_n3A_164 : i32 to index
        %get3A_2033 = arith.index_cast %add3A_1857 : i32 to index
        %get3A_2034 = arith.constant 32 : index
        %get3A_2035 = tpu.vector_load %arg10[%get3A_2032, %get3A_2033, %get3A_2034] {strides = array<i32>} : memref<2x64x128xf32, #tpu.memory_space<vmem>>, vector<16xf32>,
        %add3A_2036 = arith.addf %sub3A_1904, %get3A_2035 : vector<16xf32>
        %mul3A_2037 = arith.mulf %div3A_2011, %get3A_1908 : vector<16xf32>
        %sub3A_2038 = arith.subf %add3A_2036, %mul3A_2037 : vector<16xf32>
        %abs3A_2039 = math.absf %sub3A_2038 : vector<16xf32>
        %add3A_2040 = arith.addf %add3A_2031, %abs3A_2039 : vector<16xf32>
        %get3A_2041 = arith.index_cast %select_n3A_164 : i32 to index
        %get3A_2042 = arith.index_cast %add3A_1857 : i32 to index
        %get3A_2043 = arith.constant 48 : index
        %get3A_2044 = tpu.vector_load %arg10[%get3A_2041, %get3A_2042, %get3A_2043] {strides = array<i32>} : memref<2x64x128xf32, #tpu.memory_space<vmem>>, vector<16xf32>,
        %add3A_2045 = arith.addf %sub3A_1921, %get3A_2044 : vector<16xf32>
        %mul3A_2046 = arith.mulf %div3A_2011, %get3A_1925 : vector<16xf32>
        %sub3A_2047 = arith.subf %add3A_2045, %mul3A_2046 : vector<16xf32>
        %abs3A_2048 = math.absf %sub3A_2047 : vector<16xf32>
        %add3A_2049 = arith.addf %add3A_2040, %abs3A_2048 : vector<16xf32>
        %get3A_2050 = arith.index_cast %select_n3A_164 : i32 to index
        %get3A_2051 = arith.index_cast %add3A_1857 : i32 to index
        %get3A_2052 = arith.constant 64 : index
        %get3A_2053 = tpu.vector_load %arg10[%get3A_2050, %get3A_2051, %get3A_2052] {strides = array<i32>} : memref<2x64x128xf32, #tpu.memory_space<vmem>>, vector<16xf32>,
        %add3A_2054 = arith.addf %sub3A_1938, %get3A_2053 : vector<16xf32>
        %mul3A_2055 = arith.mulf %div3A_2011, %get3A_1942 : vector<16xf32>
        %sub3A_2056 = arith.subf %add3A_2054, %mul3A_2055 : vector<16xf32>
        %abs3A_2057 = math.absf %sub3A_2056 : vector<16xf32>
        %add3A_2058 = arith.addf %add3A_2049, %abs3A_2057 : vector<16xf32>
        %get3A_2059 = arith.index_cast %select_n3A_164 : i32 to index
        %get3A_2060 = arith.index_cast %add3A_1857 : i32 to index
        %get3A_2061 = arith.constant 80 : index
        %get3A_2062 = tpu.vector_load %arg10[%get3A_2059, %get3A_2060, %get3A_2061] {strides = array<i32>} : memref<2x64x128xf32, #tpu.memory_space<vmem>>, vector<16xf32>,
        %add3A_2063 = arith.addf %sub3A_1955, %get3A_2062 : vector<16xf32>
        %mul3A_2064 = arith.mulf %div3A_2011, %get3A_1959 : vector<16xf32>
        %sub3A_2065 = arith.subf %add3A_2063, %mul3A_2064 : vector<16xf32>
        %abs3A_2066 = math.absf %sub3A_2065 : vector<16xf32>
        %add3A_2067 = arith.addf %add3A_2058, %abs3A_2066 : vector<16xf32>
        %get3A_2068 = arith.index_cast %select_n3A_164 : i32 to index
        %get3A_2069 = arith.index_cast %add3A_1857 : i32 to index
        %get3A_2070 = arith.constant 96 : index
        %get3A_2071 = tpu.vector_load %arg10[%get3A_2068, %get3A_2069, %get3A_2070] {strides = array<i32>} : memref<2x64x128xf32, #tpu.memory_space<vmem>>, vector<16xf32>,
        %add3A_2072 = arith.addf %sub3A_1972, %get3A_2071 : vector<16xf32>
        %mul3A_2073 = arith.mulf %div3A_2011, %get3A_1976 : vector<16xf32>
        %sub3A_2074 = arith.subf %add3A_2072, %mul3A_2073 : vector<16xf32>
        %abs3A_2075 = math.absf %sub3A_2074 : vector<16xf32>
        %add3A_2076 = arith.addf %add3A_2067, %abs3A_2075 : vector<16xf32>
        %get3A_2077 = arith.index_cast %select_n3A_164 : i32 to index
        %get3A_2078 = arith.index_cast %add3A_1857 : i32 to index
        %get3A_2079 = arith.constant 112 : index
        %get3A_2080 = tpu.vector_load %arg10[%get3A_2077, %get3A_2078, %get3A_2079] {strides = array<i32>} : memref<2x64x128xf32, #tpu.memory_space<vmem>>, vector<16xf32>,
        %add3A_2081 = arith.addf %sub3A_1989, %get3A_2080 : vector<16xf32>
        %mul3A_2082 = arith.mulf %div3A_2011, %get3A_1993 : vector<16xf32>
        %sub3A_2083 = arith.subf %add3A_2081, %mul3A_2082 : vector<16xf32>
        %abs3A_2084 = math.absf %sub3A_2083 : vector<16xf32>
        %add3A_2085 = arith.addf %add3A_2076, %abs3A_2084 : vector<16xf32>
        %reduce_sum3A_2086 = arith.constant true
        %reduce_sum3A_2087 = vector.broadcast %reduce_sum3A_2086 : i1 to vector<16xi1>
        %reduce_sum3A_2088 = tpu.scan <sum>, %add3A_2085 masked %reduce_sum3A_2087 : vector<16xf32>, vector<16xi1> -> vector<16xf32>
        %reduce_sum3A_2089 = vector.extract %reduce_sum3A_2088[15] : f32 from vector<16xf32>
        %broadcast_in_dim3A_2090 = vector.broadcast %reduce_sum3A_2089 : f32 to vector<16xf32>
        %eq3A_2091 = arith.constant 7 : i32
        %eq3A_2092 = vector.broadcast %eq3A_2091 : i32 to vector<16xi32>
        %eq3A_2093 = arith.cmpi eq, %iota3A, %eq3A_2092 : vector<16xi32>
        %select_n3A_2094 = arith.select %eq3A_2093, %broadcast_in_dim3A_2090, %select_n3A_1853 : vector<16xi1>, vector<16xf32>
        %mul3A_2095 = arith.constant 16 : i32
        %mul3A_2096 = arith.muli %scan3A_171, %mul3A_2095 : i32
        %add3A_2097 = arith.constant 8 : i32
        %add3A_2098 = arith.addi %mul3A_2096, %add3A_2097 : i32
        %broadcast_in_dim3A_2099 = arith.constant 0.000000e+00 : f32
        %broadcast_in_dim3A_2100 = vector.broadcast %broadcast_in_dim3A_2099 : f32 to vector<16xf32>
        %broadcast_in_dim3A_2101 = arith.constant 0.000000e+00 : f32
        %broadcast_in_dim3A_2102 = vector.broadcast %broadcast_in_dim3A_2101 : f32 to vector<16xf32>
        %get3A_2103 = arith.index_cast %select_n3A_164 : i32 to index
        %get3A_2104 = arith.index_cast %add3A_2098 : i32 to index
        %get3A_2105 = arith.constant 0 : index
        %get3A_2106 = tpu.vector_load %arg8[%get3A_2103, %get3A_2104, %get3A_2105] {strides = array<i32>} : memref<2x64x128xf32, #tpu.memory_space<vmem>>, vector<16xf32>,
        %get3A_2107 = arith.index_cast %select_n3A_164 : i32 to index
        %get3A_2108 = arith.index_cast %add3A_2098 : i32 to index
        %get3A_2109 = arith.constant 0 : index
        %get3A_2110 = tpu.vector_load %arg9[%get3A_2107, %get3A_2108, %get3A_2109] {strides = array<i32>} : memref<2x64x128xf32, #tpu.memory_space<vmem>>, vector<16xf32>,
        %sub3A_2111 = arith.subf %get3A_2106, %get3A_2110 : vector<16xf32>
        %get3A_2112 = arith.index_cast %select_n3A_164 : i32 to index
        %get3A_2113 = arith.index_cast %add3A_2098 : i32 to index
        %get3A_2114 = arith.constant 0 : index
        %get3A_2115 = tpu.vector_load %arg11[%get3A_2112, %get3A_2113, %get3A_2114] {strides = array<i32>} : memref<2x64x128xf32, #tpu.memory_space<vmem>>, vector<16xf32>,
        %mul3A_2116 = arith.mulf %sub3A_2111, %get3A_2115 : vector<16xf32>
        %add3A_2117 = arith.addf %broadcast_in_dim3A_2100, %mul3A_2116 : vector<16xf32>
        %mul3A_2118 = arith.mulf %get3A_2115, %get3A_2115 : vector<16xf32>
        %add3A_2119 = arith.addf %broadcast_in_dim3A_2102, %mul3A_2118 : vector<16xf32>
        %get3A_2120 = arith.index_cast %select_n3A_164 : i32 to index
        %get3A_2121 = arith.index_cast %add3A_2098 : i32 to index
        %get3A_2122 = arith.constant 16 : index
        %get3A_2123 = tpu.vector_load %arg8[%get3A_2120, %get3A_2121, %get3A_2122] {strides = array<i32>} : memref<2x64x128xf32, #tpu.memory_space<vmem>>, vector<16xf32>,
        %get3A_2124 = arith.index_cast %select_n3A_164 : i32 to index
        %get3A_2125 = arith.index_cast %add3A_2098 : i32 to index
        %get3A_2126 = arith.constant 16 : index
        %get3A_2127 = tpu.vector_load %arg9[%get3A_2124, %get3A_2125, %get3A_2126] {strides = array<i32>} : memref<2x64x128xf32, #tpu.memory_space<vmem>>, vector<16xf32>,
        %sub3A_2128 = arith.subf %get3A_2123, %get3A_2127 : vector<16xf32>
        %get3A_2129 = arith.index_cast %select_n3A_164 : i32 to index
        %get3A_2130 = arith.index_cast %add3A_2098 : i32 to index
        %get3A_2131 = arith.constant 16 : index
        %get3A_2132 = tpu.vector_load %arg11[%get3A_2129, %get3A_2130, %get3A_2131] {strides = array<i32>} : memref<2x64x128xf32, #tpu.memory_space<vmem>>, vector<16xf32>,
        %mul3A_2133 = arith.mulf %sub3A_2128, %get3A_2132 : vector<16xf32>
        %add3A_2134 = arith.addf %add3A_2117, %mul3A_2133 : vector<16xf32>
        %mul3A_2135 = arith.mulf %get3A_2132, %get3A_2132 : vector<16xf32>
        %add3A_2136 = arith.addf %add3A_2119, %mul3A_2135 : vector<16xf32>
        %get3A_2137 = arith.index_cast %select_n3A_164 : i32 to index
        %get3A_2138 = arith.index_cast %add3A_2098 : i32 to index
        %get3A_2139 = arith.constant 32 : index
        %get3A_2140 = tpu.vector_load %arg8[%get3A_2137, %get3A_2138, %get3A_2139] {strides = array<i32>} : memref<2x64x128xf32, #tpu.memory_space<vmem>>, vector<16xf32>,
        %get3A_2141 = arith.index_cast %select_n3A_164 : i32 to index
        %get3A_2142 = arith.index_cast %add3A_2098 : i32 to index
        %get3A_2143 = arith.constant 32 : index
        %get3A_2144 = tpu.vector_load %arg9[%get3A_2141, %get3A_2142, %get3A_2143] {strides = array<i32>} : memref<2x64x128xf32, #tpu.memory_space<vmem>>, vector<16xf32>,
        %sub3A_2145 = arith.subf %get3A_2140, %get3A_2144 : vector<16xf32>
        %get3A_2146 = arith.index_cast %select_n3A_164 : i32 to index
        %get3A_2147 = arith.index_cast %add3A_2098 : i32 to index
        %get3A_2148 = arith.constant 32 : index
        %get3A_2149 = tpu.vector_load %arg11[%get3A_2146, %get3A_2147, %get3A_2148] {strides = array<i32>} : memref<2x64x128xf32, #tpu.memory_space<vmem>>, vector<16xf32>,
        %mul3A_2150 = arith.mulf %sub3A_2145, %get3A_2149 : vector<16xf32>
        %add3A_2151 = arith.addf %add3A_2134, %mul3A_2150 : vector<16xf32>
        %mul3A_2152 = arith.mulf %get3A_2149, %get3A_2149 : vector<16xf32>
        %add3A_2153 = arith.addf %add3A_2136, %mul3A_2152 : vector<16xf32>
        %get3A_2154 = arith.index_cast %select_n3A_164 : i32 to index
        %get3A_2155 = arith.index_cast %add3A_2098 : i32 to index
        %get3A_2156 = arith.constant 48 : index
        %get3A_2157 = tpu.vector_load %arg8[%get3A_2154, %get3A_2155, %get3A_2156] {strides = array<i32>} : memref<2x64x128xf32, #tpu.memory_space<vmem>>, vector<16xf32>,
        %get3A_2158 = arith.index_cast %select_n3A_164 : i32 to index
        %get3A_2159 = arith.index_cast %add3A_2098 : i32 to index
        %get3A_2160 = arith.constant 48 : index
        %get3A_2161 = tpu.vector_load %arg9[%get3A_2158, %get3A_2159, %get3A_2160] {strides = array<i32>} : memref<2x64x128xf32, #tpu.memory_space<vmem>>, vector<16xf32>,
        %sub3A_2162 = arith.subf %get3A_2157, %get3A_2161 : vector<16xf32>
        %get3A_2163 = arith.index_cast %select_n3A_164 : i32 to index
        %get3A_2164 = arith.index_cast %add3A_2098 : i32 to index
        %get3A_2165 = arith.constant 48 : index
        %get3A_2166 = tpu.vector_load %arg11[%get3A_2163, %get3A_2164, %get3A_2165] {strides = array<i32>} : memref<2x64x128xf32, #tpu.memory_space<vmem>>, vector<16xf32>,
        %mul3A_2167 = arith.mulf %sub3A_2162, %get3A_2166 : vector<16xf32>
        %add3A_2168 = arith.addf %add3A_2151, %mul3A_2167 : vector<16xf32>
        %mul3A_2169 = arith.mulf %get3A_2166, %get3A_2166 : vector<16xf32>
        %add3A_2170 = arith.addf %add3A_2153, %mul3A_2169 : vector<16xf32>
        %get3A_2171 = arith.index_cast %select_n3A_164 : i32 to index
        %get3A_2172 = arith.index_cast %add3A_2098 : i32 to index
        %get3A_2173 = arith.constant 64 : index
        %get3A_2174 = tpu.vector_load %arg8[%get3A_2171, %get3A_2172, %get3A_2173] {strides = array<i32>} : memref<2x64x128xf32, #tpu.memory_space<vmem>>, vector<16xf32>,
        %get3A_2175 = arith.index_cast %select_n3A_164 : i32 to index
        %get3A_2176 = arith.index_cast %add3A_2098 : i32 to index
        %get3A_2177 = arith.constant 64 : index
        %get3A_2178 = tpu.vector_load %arg9[%get3A_2175, %get3A_2176, %get3A_2177] {strides = array<i32>} : memref<2x64x128xf32, #tpu.memory_space<vmem>>, vector<16xf32>,
        %sub3A_2179 = arith.subf %get3A_2174, %get3A_2178 : vector<16xf32>
        %get3A_2180 = arith.index_cast %select_n3A_164 : i32 to index
        %get3A_2181 = arith.index_cast %add3A_2098 : i32 to index
        %get3A_2182 = arith.constant 64 : index
        %get3A_2183 = tpu.vector_load %arg11[%get3A_2180, %get3A_2181, %get3A_2182] {strides = array<i32>} : memref<2x64x128xf32, #tpu.memory_space<vmem>>, vector<16xf32>,
        %mul3A_2184 = arith.mulf %sub3A_2179, %get3A_2183 : vector<16xf32>
        %add3A_2185 = arith.addf %add3A_2168, %mul3A_2184 : vector<16xf32>
        %mul3A_2186 = arith.mulf %get3A_2183, %get3A_2183 : vector<16xf32>
        %add3A_2187 = arith.addf %add3A_2170, %mul3A_2186 : vector<16xf32>
        %get3A_2188 = arith.index_cast %select_n3A_164 : i32 to index
        %get3A_2189 = arith.index_cast %add3A_2098 : i32 to index
        %get3A_2190 = arith.constant 80 : index
        %get3A_2191 = tpu.vector_load %arg8[%get3A_2188, %get3A_2189, %get3A_2190] {strides = array<i32>} : memref<2x64x128xf32, #tpu.memory_space<vmem>>, vector<16xf32>,
        %get3A_2192 = arith.index_cast %select_n3A_164 : i32 to index
        %get3A_2193 = arith.index_cast %add3A_2098 : i32 to index
        %get3A_2194 = arith.constant 80 : index
        %get3A_2195 = tpu.vector_load %arg9[%get3A_2192, %get3A_2193, %get3A_2194] {strides = array<i32>} : memref<2x64x128xf32, #tpu.memory_space<vmem>>, vector<16xf32>,
        %sub3A_2196 = arith.subf %get3A_2191, %get3A_2195 : vector<16xf32>
        %get3A_2197 = arith.index_cast %select_n3A_164 : i32 to index
        %get3A_2198 = arith.index_cast %add3A_2098 : i32 to index
        %get3A_2199 = arith.constant 80 : index
        %get3A_2200 = tpu.vector_load %arg11[%get3A_2197, %get3A_2198, %get3A_2199] {strides = array<i32>} : memref<2x64x128xf32, #tpu.memory_space<vmem>>, vector<16xf32>,
        %mul3A_2201 = arith.mulf %sub3A_2196, %get3A_2200 : vector<16xf32>
        %add3A_2202 = arith.addf %add3A_2185, %mul3A_2201 : vector<16xf32>
        %mul3A_2203 = arith.mulf %get3A_2200, %get3A_2200 : vector<16xf32>
        %add3A_2204 = arith.addf %add3A_2187, %mul3A_2203 : vector<16xf32>
        %get3A_2205 = arith.index_cast %select_n3A_164 : i32 to index
        %get3A_2206 = arith.index_cast %add3A_2098 : i32 to index
        %get3A_2207 = arith.constant 96 : index
        %get3A_2208 = tpu.vector_load %arg8[%get3A_2205, %get3A_2206, %get3A_2207] {strides = array<i32>} : memref<2x64x128xf32, #tpu.memory_space<vmem>>, vector<16xf32>,
        %get3A_2209 = arith.index_cast %select_n3A_164 : i32 to index
        %get3A_2210 = arith.index_cast %add3A_2098 : i32 to index
        %get3A_2211 = arith.constant 96 : index
        %get3A_2212 = tpu.vector_load %arg9[%get3A_2209, %get3A_2210, %get3A_2211] {strides = array<i32>} : memref<2x64x128xf32, #tpu.memory_space<vmem>>, vector<16xf32>,
        %sub3A_2213 = arith.subf %get3A_2208, %get3A_2212 : vector<16xf32>
        %get3A_2214 = arith.index_cast %select_n3A_164 : i32 to index
        %get3A_2215 = arith.index_cast %add3A_2098 : i32 to index
        %get3A_2216 = arith.constant 96 : index
        %get3A_2217 = tpu.vector_load %arg11[%get3A_2214, %get3A_2215, %get3A_2216] {strides = array<i32>} : memref<2x64x128xf32, #tpu.memory_space<vmem>>, vector<16xf32>,
        %mul3A_2218 = arith.mulf %sub3A_2213, %get3A_2217 : vector<16xf32>
        %add3A_2219 = arith.addf %add3A_2202, %mul3A_2218 : vector<16xf32>
        %mul3A_2220 = arith.mulf %get3A_2217, %get3A_2217 : vector<16xf32>
        %add3A_2221 = arith.addf %add3A_2204, %mul3A_2220 : vector<16xf32>
        %get3A_2222 = arith.index_cast %select_n3A_164 : i32 to index
        %get3A_2223 = arith.index_cast %add3A_2098 : i32 to index
        %get3A_2224 = arith.constant 112 : index
        %get3A_2225 = tpu.vector_load %arg8[%get3A_2222, %get3A_2223, %get3A_2224] {strides = array<i32>} : memref<2x64x128xf32, #tpu.memory_space<vmem>>, vector<16xf32>,
        %get3A_2226 = arith.index_cast %select_n3A_164 : i32 to index
        %get3A_2227 = arith.index_cast %add3A_2098 : i32 to index
        %get3A_2228 = arith.constant 112 : index
        %get3A_2229 = tpu.vector_load %arg9[%get3A_2226, %get3A_2227, %get3A_2228] {strides = array<i32>} : memref<2x64x128xf32, #tpu.memory_space<vmem>>, vector<16xf32>,
        %sub3A_2230 = arith.subf %get3A_2225, %get3A_2229 : vector<16xf32>
        %get3A_2231 = arith.index_cast %select_n3A_164 : i32 to index
        %get3A_2232 = arith.index_cast %add3A_2098 : i32 to index
        %get3A_2233 = arith.constant 112 : index
        %get3A_2234 = tpu.vector_load %arg11[%get3A_2231, %get3A_2232, %get3A_2233] {strides = array<i32>} : memref<2x64x128xf32, #tpu.memory_space<vmem>>, vector<16xf32>,
        %mul3A_2235 = arith.mulf %sub3A_2230, %get3A_2234 : vector<16xf32>
        %add3A_2236 = arith.addf %add3A_2219, %mul3A_2235 : vector<16xf32>
        %mul3A_2237 = arith.mulf %get3A_2234, %get3A_2234 : vector<16xf32>
        %add3A_2238 = arith.addf %add3A_2221, %mul3A_2237 : vector<16xf32>
        %reduce_sum3A_2239 = arith.constant true
        %reduce_sum3A_2240 = vector.broadcast %reduce_sum3A_2239 : i1 to vector<16xi1>
        %reduce_sum3A_2241 = tpu.scan <sum>, %add3A_2236 masked %reduce_sum3A_2240 : vector<16xf32>, vector<16xi1> -> vector<16xf32>
        %reduce_sum3A_2242 = vector.extract %reduce_sum3A_2241[15] : f32 from vector<16xf32>
        %broadcast_in_dim3A_2243 = vector.broadcast %reduce_sum3A_2242 : f32 to vector<16xf32>
        %reduce_sum3A_2244 = arith.constant true
        %reduce_sum3A_2245 = vector.broadcast %reduce_sum3A_2244 : i1 to vector<16xi1>
        %reduce_sum3A_2246 = tpu.scan <sum>, %add3A_2238 masked %reduce_sum3A_2245 : vector<16xf32>, vector<16xi1> -> vector<16xf32>
        %reduce_sum3A_2247 = vector.extract %reduce_sum3A_2246[15] : f32 from vector<16xf32>
        %broadcast_in_dim3A_2248 = vector.broadcast %reduce_sum3A_2247 : f32 to vector<16xf32>
        %max3A_2249 = arith.constant 1.000000e-24 : f32
        %max3A_2250 = vector.broadcast %max3A_2249 : f32 to vector<16xf32>
        %max3A_2251 = arith.maximumf %broadcast_in_dim3A_2248, %max3A_2250 : vector<16xf32>
        %div3A_2252 = arith.divf %broadcast_in_dim3A_2243, %max3A_2251 : vector<16xf32>
        %broadcast_in_dim3A_2253 = arith.constant 0.000000e+00 : f32
        %broadcast_in_dim3A_2254 = vector.broadcast %broadcast_in_dim3A_2253 : f32 to vector<16xf32>
        %get3A_2255 = arith.index_cast %select_n3A_164 : i32 to index
        %get3A_2256 = arith.index_cast %add3A_2098 : i32 to index
        %get3A_2257 = arith.constant 0 : index
        %get3A_2258 = tpu.vector_load %arg10[%get3A_2255, %get3A_2256, %get3A_2257] {strides = array<i32>} : memref<2x64x128xf32, #tpu.memory_space<vmem>>, vector<16xf32>,
        %add3A_2259 = arith.addf %sub3A_2111, %get3A_2258 : vector<16xf32>
        %mul3A_2260 = arith.mulf %div3A_2252, %get3A_2115 : vector<16xf32>
        %sub3A_2261 = arith.subf %add3A_2259, %mul3A_2260 : vector<16xf32>
        %abs3A_2262 = math.absf %sub3A_2261 : vector<16xf32>
        %add3A_2263 = arith.addf %broadcast_in_dim3A_2254, %abs3A_2262 : vector<16xf32>
        %get3A_2264 = arith.index_cast %select_n3A_164 : i32 to index
        %get3A_2265 = arith.index_cast %add3A_2098 : i32 to index
        %get3A_2266 = arith.constant 16 : index
        %get3A_2267 = tpu.vector_load %arg10[%get3A_2264, %get3A_2265, %get3A_2266] {strides = array<i32>} : memref<2x64x128xf32, #tpu.memory_space<vmem>>, vector<16xf32>,
        %add3A_2268 = arith.addf %sub3A_2128, %get3A_2267 : vector<16xf32>
        %mul3A_2269 = arith.mulf %div3A_2252, %get3A_2132 : vector<16xf32>
        %sub3A_2270 = arith.subf %add3A_2268, %mul3A_2269 : vector<16xf32>
        %abs3A_2271 = math.absf %sub3A_2270 : vector<16xf32>
        %add3A_2272 = arith.addf %add3A_2263, %abs3A_2271 : vector<16xf32>
        %get3A_2273 = arith.index_cast %select_n3A_164 : i32 to index
        %get3A_2274 = arith.index_cast %add3A_2098 : i32 to index
        %get3A_2275 = arith.constant 32 : index
        %get3A_2276 = tpu.vector_load %arg10[%get3A_2273, %get3A_2274, %get3A_2275] {strides = array<i32>} : memref<2x64x128xf32, #tpu.memory_space<vmem>>, vector<16xf32>,
        %add3A_2277 = arith.addf %sub3A_2145, %get3A_2276 : vector<16xf32>
        %mul3A_2278 = arith.mulf %div3A_2252, %get3A_2149 : vector<16xf32>
        %sub3A_2279 = arith.subf %add3A_2277, %mul3A_2278 : vector<16xf32>
        %abs3A_2280 = math.absf %sub3A_2279 : vector<16xf32>
        %add3A_2281 = arith.addf %add3A_2272, %abs3A_2280 : vector<16xf32>
        %get3A_2282 = arith.index_cast %select_n3A_164 : i32 to index
        %get3A_2283 = arith.index_cast %add3A_2098 : i32 to index
        %get3A_2284 = arith.constant 48 : index
        %get3A_2285 = tpu.vector_load %arg10[%get3A_2282, %get3A_2283, %get3A_2284] {strides = array<i32>} : memref<2x64x128xf32, #tpu.memory_space<vmem>>, vector<16xf32>,
        %add3A_2286 = arith.addf %sub3A_2162, %get3A_2285 : vector<16xf32>
        %mul3A_2287 = arith.mulf %div3A_2252, %get3A_2166 : vector<16xf32>
        %sub3A_2288 = arith.subf %add3A_2286, %mul3A_2287 : vector<16xf32>
        %abs3A_2289 = math.absf %sub3A_2288 : vector<16xf32>
        %add3A_2290 = arith.addf %add3A_2281, %abs3A_2289 : vector<16xf32>
        %get3A_2291 = arith.index_cast %select_n3A_164 : i32 to index
        %get3A_2292 = arith.index_cast %add3A_2098 : i32 to index
        %get3A_2293 = arith.constant 64 : index
        %get3A_2294 = tpu.vector_load %arg10[%get3A_2291, %get3A_2292, %get3A_2293] {strides = array<i32>} : memref<2x64x128xf32, #tpu.memory_space<vmem>>, vector<16xf32>,
        %add3A_2295 = arith.addf %sub3A_2179, %get3A_2294 : vector<16xf32>
        %mul3A_2296 = arith.mulf %div3A_2252, %get3A_2183 : vector<16xf32>
        %sub3A_2297 = arith.subf %add3A_2295, %mul3A_2296 : vector<16xf32>
        %abs3A_2298 = math.absf %sub3A_2297 : vector<16xf32>
        %add3A_2299 = arith.addf %add3A_2290, %abs3A_2298 : vector<16xf32>
        %get3A_2300 = arith.index_cast %select_n3A_164 : i32 to index
        %get3A_2301 = arith.index_cast %add3A_2098 : i32 to index
        %get3A_2302 = arith.constant 80 : index
        %get3A_2303 = tpu.vector_load %arg10[%get3A_2300, %get3A_2301, %get3A_2302] {strides = array<i32>} : memref<2x64x128xf32, #tpu.memory_space<vmem>>, vector<16xf32>,
        %add3A_2304 = arith.addf %sub3A_2196, %get3A_2303 : vector<16xf32>
        %mul3A_2305 = arith.mulf %div3A_2252, %get3A_2200 : vector<16xf32>
        %sub3A_2306 = arith.subf %add3A_2304, %mul3A_2305 : vector<16xf32>
        %abs3A_2307 = math.absf %sub3A_2306 : vector<16xf32>
        %add3A_2308 = arith.addf %add3A_2299, %abs3A_2307 : vector<16xf32>
        %get3A_2309 = arith.index_cast %select_n3A_164 : i32 to index
        %get3A_2310 = arith.index_cast %add3A_2098 : i32 to index
        %get3A_2311 = arith.constant 96 : index
        %get3A_2312 = tpu.vector_load %arg10[%get3A_2309, %get3A_2310, %get3A_2311] {strides = array<i32>} : memref<2x64x128xf32, #tpu.memory_space<vmem>>, vector<16xf32>,
        %add3A_2313 = arith.addf %sub3A_2213, %get3A_2312 : vector<16xf32>
        %mul3A_2314 = arith.mulf %div3A_2252, %get3A_2217 : vector<16xf32>
        %sub3A_2315 = arith.subf %add3A_2313, %mul3A_2314 : vector<16xf32>
        %abs3A_2316 = math.absf %sub3A_2315 : vector<16xf32>
        %add3A_2317 = arith.addf %add3A_2308, %abs3A_2316 : vector<16xf32>
        %get3A_2318 = arith.index_cast %select_n3A_164 : i32 to index
        %get3A_2319 = arith.index_cast %add3A_2098 : i32 to index
        %get3A_2320 = arith.constant 112 : index
        %get3A_2321 = tpu.vector_load %arg10[%get3A_2318, %get3A_2319, %get3A_2320] {strides = array<i32>} : memref<2x64x128xf32, #tpu.memory_space<vmem>>, vector<16xf32>,
        %add3A_2322 = arith.addf %sub3A_2230, %get3A_2321 : vector<16xf32>
        %mul3A_2323 = arith.mulf %div3A_2252, %get3A_2234 : vector<16xf32>
        %sub3A_2324 = arith.subf %add3A_2322, %mul3A_2323 : vector<16xf32>
        %abs3A_2325 = math.absf %sub3A_2324 : vector<16xf32>
        %add3A_2326 = arith.addf %add3A_2317, %abs3A_2325 : vector<16xf32>
        %reduce_sum3A_2327 = arith.constant true
        %reduce_sum3A_2328 = vector.broadcast %reduce_sum3A_2327 : i1 to vector<16xi1>
        %reduce_sum3A_2329 = tpu.scan <sum>, %add3A_2326 masked %reduce_sum3A_2328 : vector<16xf32>, vector<16xi1> -> vector<16xf32>
        %reduce_sum3A_2330 = vector.extract %reduce_sum3A_2329[15] : f32 from vector<16xf32>
        %broadcast_in_dim3A_2331 = vector.broadcast %reduce_sum3A_2330 : f32 to vector<16xf32>
        %eq3A_2332 = arith.constant 8 : i32
        %eq3A_2333 = vector.broadcast %eq3A_2332 : i32 to vector<16xi32>
        %eq3A_2334 = arith.cmpi eq, %iota3A, %eq3A_2333 : vector<16xi32>
        %select_n3A_2335 = arith.select %eq3A_2334, %broadcast_in_dim3A_2331, %select_n3A_2094 : vector<16xi1>, vector<16xf32>
        %mul3A_2336 = arith.constant 16 : i32
        %mul3A_2337 = arith.muli %scan3A_171, %mul3A_2336 : i32
        %add3A_2338 = arith.constant 9 : i32
        %add3A_2339 = arith.addi %mul3A_2337, %add3A_2338 : i32
        %broadcast_in_dim3A_2340 = arith.constant 0.000000e+00 : f32
        %broadcast_in_dim3A_2341 = vector.broadcast %broadcast_in_dim3A_2340 : f32 to vector<16xf32>
        %broadcast_in_dim3A_2342 = arith.constant 0.000000e+00 : f32
        %broadcast_in_dim3A_2343 = vector.broadcast %broadcast_in_dim3A_2342 : f32 to vector<16xf32>
        %get3A_2344 = arith.index_cast %select_n3A_164 : i32 to index
        %get3A_2345 = arith.index_cast %add3A_2339 : i32 to index
        %get3A_2346 = arith.constant 0 : index
        %get3A_2347 = tpu.vector_load %arg8[%get3A_2344, %get3A_2345, %get3A_2346] {strides = array<i32>} : memref<2x64x128xf32, #tpu.memory_space<vmem>>, vector<16xf32>,
        %get3A_2348 = arith.index_cast %select_n3A_164 : i32 to index
        %get3A_2349 = arith.index_cast %add3A_2339 : i32 to index
        %get3A_2350 = arith.constant 0 : index
        %get3A_2351 = tpu.vector_load %arg9[%get3A_2348, %get3A_2349, %get3A_2350] {strides = array<i32>} : memref<2x64x128xf32, #tpu.memory_space<vmem>>, vector<16xf32>,
        %sub3A_2352 = arith.subf %get3A_2347, %get3A_2351 : vector<16xf32>
        %get3A_2353 = arith.index_cast %select_n3A_164 : i32 to index
        %get3A_2354 = arith.index_cast %add3A_2339 : i32 to index
        %get3A_2355 = arith.constant 0 : index
        %get3A_2356 = tpu.vector_load %arg11[%get3A_2353, %get3A_2354, %get3A_2355] {strides = array<i32>} : memref<2x64x128xf32, #tpu.memory_space<vmem>>, vector<16xf32>,
        %mul3A_2357 = arith.mulf %sub3A_2352, %get3A_2356 : vector<16xf32>
        %add3A_2358 = arith.addf %broadcast_in_dim3A_2341, %mul3A_2357 : vector<16xf32>
        %mul3A_2359 = arith.mulf %get3A_2356, %get3A_2356 : vector<16xf32>
        %add3A_2360 = arith.addf %broadcast_in_dim3A_2343, %mul3A_2359 : vector<16xf32>
        %get3A_2361 = arith.index_cast %select_n3A_164 : i32 to index
        %get3A_2362 = arith.index_cast %add3A_2339 : i32 to index
        %get3A_2363 = arith.constant 16 : index
        %get3A_2364 = tpu.vector_load %arg8[%get3A_2361, %get3A_2362, %get3A_2363] {strides = array<i32>} : memref<2x64x128xf32, #tpu.memory_space<vmem>>, vector<16xf32>,
        %get3A_2365 = arith.index_cast %select_n3A_164 : i32 to index
        %get3A_2366 = arith.index_cast %add3A_2339 : i32 to index
        %get3A_2367 = arith.constant 16 : index
        %get3A_2368 = tpu.vector_load %arg9[%get3A_2365, %get3A_2366, %get3A_2367] {strides = array<i32>} : memref<2x64x128xf32, #tpu.memory_space<vmem>>, vector<16xf32>,
        %sub3A_2369 = arith.subf %get3A_2364, %get3A_2368 : vector<16xf32>
        %get3A_2370 = arith.index_cast %select_n3A_164 : i32 to index
        %get3A_2371 = arith.index_cast %add3A_2339 : i32 to index
        %get3A_2372 = arith.constant 16 : index
        %get3A_2373 = tpu.vector_load %arg11[%get3A_2370, %get3A_2371, %get3A_2372] {strides = array<i32>} : memref<2x64x128xf32, #tpu.memory_space<vmem>>, vector<16xf32>,
        %mul3A_2374 = arith.mulf %sub3A_2369, %get3A_2373 : vector<16xf32>
        %add3A_2375 = arith.addf %add3A_2358, %mul3A_2374 : vector<16xf32>
        %mul3A_2376 = arith.mulf %get3A_2373, %get3A_2373 : vector<16xf32>
        %add3A_2377 = arith.addf %add3A_2360, %mul3A_2376 : vector<16xf32>
        %get3A_2378 = arith.index_cast %select_n3A_164 : i32 to index
        %get3A_2379 = arith.index_cast %add3A_2339 : i32 to index
        %get3A_2380 = arith.constant 32 : index
        %get3A_2381 = tpu.vector_load %arg8[%get3A_2378, %get3A_2379, %get3A_2380] {strides = array<i32>} : memref<2x64x128xf32, #tpu.memory_space<vmem>>, vector<16xf32>,
        %get3A_2382 = arith.index_cast %select_n3A_164 : i32 to index
        %get3A_2383 = arith.index_cast %add3A_2339 : i32 to index
        %get3A_2384 = arith.constant 32 : index
        %get3A_2385 = tpu.vector_load %arg9[%get3A_2382, %get3A_2383, %get3A_2384] {strides = array<i32>} : memref<2x64x128xf32, #tpu.memory_space<vmem>>, vector<16xf32>,
        %sub3A_2386 = arith.subf %get3A_2381, %get3A_2385 : vector<16xf32>
        %get3A_2387 = arith.index_cast %select_n3A_164 : i32 to index
        %get3A_2388 = arith.index_cast %add3A_2339 : i32 to index
        %get3A_2389 = arith.constant 32 : index
        %get3A_2390 = tpu.vector_load %arg11[%get3A_2387, %get3A_2388, %get3A_2389] {strides = array<i32>} : memref<2x64x128xf32, #tpu.memory_space<vmem>>, vector<16xf32>,
        %mul3A_2391 = arith.mulf %sub3A_2386, %get3A_2390 : vector<16xf32>
        %add3A_2392 = arith.addf %add3A_2375, %mul3A_2391 : vector<16xf32>
        %mul3A_2393 = arith.mulf %get3A_2390, %get3A_2390 : vector<16xf32>
        %add3A_2394 = arith.addf %add3A_2377, %mul3A_2393 : vector<16xf32>
        %get3A_2395 = arith.index_cast %select_n3A_164 : i32 to index
        %get3A_2396 = arith.index_cast %add3A_2339 : i32 to index
        %get3A_2397 = arith.constant 48 : index
        %get3A_2398 = tpu.vector_load %arg8[%get3A_2395, %get3A_2396, %get3A_2397] {strides = array<i32>} : memref<2x64x128xf32, #tpu.memory_space<vmem>>, vector<16xf32>,
        %get3A_2399 = arith.index_cast %select_n3A_164 : i32 to index
        %get3A_2400 = arith.index_cast %add3A_2339 : i32 to index
        %get3A_2401 = arith.constant 48 : index
        %get3A_2402 = tpu.vector_load %arg9[%get3A_2399, %get3A_2400, %get3A_2401] {strides = array<i32>} : memref<2x64x128xf32, #tpu.memory_space<vmem>>, vector<16xf32>,
        %sub3A_2403 = arith.subf %get3A_2398, %get3A_2402 : vector<16xf32>
        %get3A_2404 = arith.index_cast %select_n3A_164 : i32 to index
        %get3A_2405 = arith.index_cast %add3A_2339 : i32 to index
        %get3A_2406 = arith.constant 48 : index
        %get3A_2407 = tpu.vector_load %arg11[%get3A_2404, %get3A_2405, %get3A_2406] {strides = array<i32>} : memref<2x64x128xf32, #tpu.memory_space<vmem>>, vector<16xf32>,
        %mul3A_2408 = arith.mulf %sub3A_2403, %get3A_2407 : vector<16xf32>
        %add3A_2409 = arith.addf %add3A_2392, %mul3A_2408 : vector<16xf32>
        %mul3A_2410 = arith.mulf %get3A_2407, %get3A_2407 : vector<16xf32>
        %add3A_2411 = arith.addf %add3A_2394, %mul3A_2410 : vector<16xf32>
        %get3A_2412 = arith.index_cast %select_n3A_164 : i32 to index
        %get3A_2413 = arith.index_cast %add3A_2339 : i32 to index
        %get3A_2414 = arith.constant 64 : index
        %get3A_2415 = tpu.vector_load %arg8[%get3A_2412, %get3A_2413, %get3A_2414] {strides = array<i32>} : memref<2x64x128xf32, #tpu.memory_space<vmem>>, vector<16xf32>,
        %get3A_2416 = arith.index_cast %select_n3A_164 : i32 to index
        %get3A_2417 = arith.index_cast %add3A_2339 : i32 to index
        %get3A_2418 = arith.constant 64 : index
        %get3A_2419 = tpu.vector_load %arg9[%get3A_2416, %get3A_2417, %get3A_2418] {strides = array<i32>} : memref<2x64x128xf32, #tpu.memory_space<vmem>>, vector<16xf32>,
        %sub3A_2420 = arith.subf %get3A_2415, %get3A_2419 : vector<16xf32>
        %get3A_2421 = arith.index_cast %select_n3A_164 : i32 to index
        %get3A_2422 = arith.index_cast %add3A_2339 : i32 to index
        %get3A_2423 = arith.constant 64 : index
        %get3A_2424 = tpu.vector_load %arg11[%get3A_2421, %get3A_2422, %get3A_2423] {strides = array<i32>} : memref<2x64x128xf32, #tpu.memory_space<vmem>>, vector<16xf32>,
        %mul3A_2425 = arith.mulf %sub3A_2420, %get3A_2424 : vector<16xf32>
        %add3A_2426 = arith.addf %add3A_2409, %mul3A_2425 : vector<16xf32>
        %mul3A_2427 = arith.mulf %get3A_2424, %get3A_2424 : vector<16xf32>
        %add3A_2428 = arith.addf %add3A_2411, %mul3A_2427 : vector<16xf32>
        %get3A_2429 = arith.index_cast %select_n3A_164 : i32 to index
        %get3A_2430 = arith.index_cast %add3A_2339 : i32 to index
        %get3A_2431 = arith.constant 80 : index
        %get3A_2432 = tpu.vector_load %arg8[%get3A_2429, %get3A_2430, %get3A_2431] {strides = array<i32>} : memref<2x64x128xf32, #tpu.memory_space<vmem>>, vector<16xf32>,
        %get3A_2433 = arith.index_cast %select_n3A_164 : i32 to index
        %get3A_2434 = arith.index_cast %add3A_2339 : i32 to index
        %get3A_2435 = arith.constant 80 : index
        %get3A_2436 = tpu.vector_load %arg9[%get3A_2433, %get3A_2434, %get3A_2435] {strides = array<i32>} : memref<2x64x128xf32, #tpu.memory_space<vmem>>, vector<16xf32>,
        %sub3A_2437 = arith.subf %get3A_2432, %get3A_2436 : vector<16xf32>
        %get3A_2438 = arith.index_cast %select_n3A_164 : i32 to index
        %get3A_2439 = arith.index_cast %add3A_2339 : i32 to index
        %get3A_2440 = arith.constant 80 : index
        %get3A_2441 = tpu.vector_load %arg11[%get3A_2438, %get3A_2439, %get3A_2440] {strides = array<i32>} : memref<2x64x128xf32, #tpu.memory_space<vmem>>, vector<16xf32>,
        %mul3A_2442 = arith.mulf %sub3A_2437, %get3A_2441 : vector<16xf32>
        %add3A_2443 = arith.addf %add3A_2426, %mul3A_2442 : vector<16xf32>
        %mul3A_2444 = arith.mulf %get3A_2441, %get3A_2441 : vector<16xf32>
        %add3A_2445 = arith.addf %add3A_2428, %mul3A_2444 : vector<16xf32>
        %get3A_2446 = arith.index_cast %select_n3A_164 : i32 to index
        %get3A_2447 = arith.index_cast %add3A_2339 : i32 to index
        %get3A_2448 = arith.constant 96 : index
        %get3A_2449 = tpu.vector_load %arg8[%get3A_2446, %get3A_2447, %get3A_2448] {strides = array<i32>} : memref<2x64x128xf32, #tpu.memory_space<vmem>>, vector<16xf32>,
        %get3A_2450 = arith.index_cast %select_n3A_164 : i32 to index
        %get3A_2451 = arith.index_cast %add3A_2339 : i32 to index
        %get3A_2452 = arith.constant 96 : index
        %get3A_2453 = tpu.vector_load %arg9[%get3A_2450, %get3A_2451, %get3A_2452] {strides = array<i32>} : memref<2x64x128xf32, #tpu.memory_space<vmem>>, vector<16xf32>,
        %sub3A_2454 = arith.subf %get3A_2449, %get3A_2453 : vector<16xf32>
        %get3A_2455 = arith.index_cast %select_n3A_164 : i32 to index
        %get3A_2456 = arith.index_cast %add3A_2339 : i32 to index
        %get3A_2457 = arith.constant 96 : index
        %get3A_2458 = tpu.vector_load %arg11[%get3A_2455, %get3A_2456, %get3A_2457] {strides = array<i32>} : memref<2x64x128xf32, #tpu.memory_space<vmem>>, vector<16xf32>,
        %mul3A_2459 = arith.mulf %sub3A_2454, %get3A_2458 : vector<16xf32>
        %add3A_2460 = arith.addf %add3A_2443, %mul3A_2459 : vector<16xf32>
        %mul3A_2461 = arith.mulf %get3A_2458, %get3A_2458 : vector<16xf32>
        %add3A_2462 = arith.addf %add3A_2445, %mul3A_2461 : vector<16xf32>
        %get3A_2463 = arith.index_cast %select_n3A_164 : i32 to index
        %get3A_2464 = arith.index_cast %add3A_2339 : i32 to index
        %get3A_2465 = arith.constant 112 : index
        %get3A_2466 = tpu.vector_load %arg8[%get3A_2463, %get3A_2464, %get3A_2465] {strides = array<i32>} : memref<2x64x128xf32, #tpu.memory_space<vmem>>, vector<16xf32>,
        %get3A_2467 = arith.index_cast %select_n3A_164 : i32 to index
        %get3A_2468 = arith.index_cast %add3A_2339 : i32 to index
        %get3A_2469 = arith.constant 112 : index
        %get3A_2470 = tpu.vector_load %arg9[%get3A_2467, %get3A_2468, %get3A_2469] {strides = array<i32>} : memref<2x64x128xf32, #tpu.memory_space<vmem>>, vector<16xf32>,
        %sub3A_2471 = arith.subf %get3A_2466, %get3A_2470 : vector<16xf32>
        %get3A_2472 = arith.index_cast %select_n3A_164 : i32 to index
        %get3A_2473 = arith.index_cast %add3A_2339 : i32 to index
        %get3A_2474 = arith.constant 112 : index
        %get3A_2475 = tpu.vector_load %arg11[%get3A_2472, %get3A_2473, %get3A_2474] {strides = array<i32>} : memref<2x64x128xf32, #tpu.memory_space<vmem>>, vector<16xf32>,
        %mul3A_2476 = arith.mulf %sub3A_2471, %get3A_2475 : vector<16xf32>
        %add3A_2477 = arith.addf %add3A_2460, %mul3A_2476 : vector<16xf32>
        %mul3A_2478 = arith.mulf %get3A_2475, %get3A_2475 : vector<16xf32>
        %add3A_2479 = arith.addf %add3A_2462, %mul3A_2478 : vector<16xf32>
        %reduce_sum3A_2480 = arith.constant true
        %reduce_sum3A_2481 = vector.broadcast %reduce_sum3A_2480 : i1 to vector<16xi1>
        %reduce_sum3A_2482 = tpu.scan <sum>, %add3A_2477 masked %reduce_sum3A_2481 : vector<16xf32>, vector<16xi1> -> vector<16xf32>
        %reduce_sum3A_2483 = vector.extract %reduce_sum3A_2482[15] : f32 from vector<16xf32>
        %broadcast_in_dim3A_2484 = vector.broadcast %reduce_sum3A_2483 : f32 to vector<16xf32>
        %reduce_sum3A_2485 = arith.constant true
        %reduce_sum3A_2486 = vector.broadcast %reduce_sum3A_2485 : i1 to vector<16xi1>
        %reduce_sum3A_2487 = tpu.scan <sum>, %add3A_2479 masked %reduce_sum3A_2486 : vector<16xf32>, vector<16xi1> -> vector<16xf32>
        %reduce_sum3A_2488 = vector.extract %reduce_sum3A_2487[15] : f32 from vector<16xf32>
        %broadcast_in_dim3A_2489 = vector.broadcast %reduce_sum3A_2488 : f32 to vector<16xf32>
        %max3A_2490 = arith.constant 1.000000e-24 : f32
        %max3A_2491 = vector.broadcast %max3A_2490 : f32 to vector<16xf32>
        %max3A_2492 = arith.maximumf %broadcast_in_dim3A_2489, %max3A_2491 : vector<16xf32>
        %div3A_2493 = arith.divf %broadcast_in_dim3A_2484, %max3A_2492 : vector<16xf32>
        %broadcast_in_dim3A_2494 = arith.constant 0.000000e+00 : f32
        %broadcast_in_dim3A_2495 = vector.broadcast %broadcast_in_dim3A_2494 : f32 to vector<16xf32>
        %get3A_2496 = arith.index_cast %select_n3A_164 : i32 to index
        %get3A_2497 = arith.index_cast %add3A_2339 : i32 to index
        %get3A_2498 = arith.constant 0 : index
        %get3A_2499 = tpu.vector_load %arg10[%get3A_2496, %get3A_2497, %get3A_2498] {strides = array<i32>} : memref<2x64x128xf32, #tpu.memory_space<vmem>>, vector<16xf32>,
        %add3A_2500 = arith.addf %sub3A_2352, %get3A_2499 : vector<16xf32>
        %mul3A_2501 = arith.mulf %div3A_2493, %get3A_2356 : vector<16xf32>
        %sub3A_2502 = arith.subf %add3A_2500, %mul3A_2501 : vector<16xf32>
        %abs3A_2503 = math.absf %sub3A_2502 : vector<16xf32>
        %add3A_2504 = arith.addf %broadcast_in_dim3A_2495, %abs3A_2503 : vector<16xf32>
        %get3A_2505 = arith.index_cast %select_n3A_164 : i32 to index
        %get3A_2506 = arith.index_cast %add3A_2339 : i32 to index
        %get3A_2507 = arith.constant 16 : index
        %get3A_2508 = tpu.vector_load %arg10[%get3A_2505, %get3A_2506, %get3A_2507] {strides = array<i32>} : memref<2x64x128xf32, #tpu.memory_space<vmem>>, vector<16xf32>,
        %add3A_2509 = arith.addf %sub3A_2369, %get3A_2508 : vector<16xf32>
        %mul3A_2510 = arith.mulf %div3A_2493, %get3A_2373 : vector<16xf32>
        %sub3A_2511 = arith.subf %add3A_2509, %mul3A_2510 : vector<16xf32>
        %abs3A_2512 = math.absf %sub3A_2511 : vector<16xf32>
        %add3A_2513 = arith.addf %add3A_2504, %abs3A_2512 : vector<16xf32>
        %get3A_2514 = arith.index_cast %select_n3A_164 : i32 to index
        %get3A_2515 = arith.index_cast %add3A_2339 : i32 to index
        %get3A_2516 = arith.constant 32 : index
        %get3A_2517 = tpu.vector_load %arg10[%get3A_2514, %get3A_2515, %get3A_2516] {strides = array<i32>} : memref<2x64x128xf32, #tpu.memory_space<vmem>>, vector<16xf32>,
        %add3A_2518 = arith.addf %sub3A_2386, %get3A_2517 : vector<16xf32>
        %mul3A_2519 = arith.mulf %div3A_2493, %get3A_2390 : vector<16xf32>
        %sub3A_2520 = arith.subf %add3A_2518, %mul3A_2519 : vector<16xf32>
        %abs3A_2521 = math.absf %sub3A_2520 : vector<16xf32>
        %add3A_2522 = arith.addf %add3A_2513, %abs3A_2521 : vector<16xf32>
        %get3A_2523 = arith.index_cast %select_n3A_164 : i32 to index
        %get3A_2524 = arith.index_cast %add3A_2339 : i32 to index
        %get3A_2525 = arith.constant 48 : index
        %get3A_2526 = tpu.vector_load %arg10[%get3A_2523, %get3A_2524, %get3A_2525] {strides = array<i32>} : memref<2x64x128xf32, #tpu.memory_space<vmem>>, vector<16xf32>,
        %add3A_2527 = arith.addf %sub3A_2403, %get3A_2526 : vector<16xf32>
        %mul3A_2528 = arith.mulf %div3A_2493, %get3A_2407 : vector<16xf32>
        %sub3A_2529 = arith.subf %add3A_2527, %mul3A_2528 : vector<16xf32>
        %abs3A_2530 = math.absf %sub3A_2529 : vector<16xf32>
        %add3A_2531 = arith.addf %add3A_2522, %abs3A_2530 : vector<16xf32>
        %get3A_2532 = arith.index_cast %select_n3A_164 : i32 to index
        %get3A_2533 = arith.index_cast %add3A_2339 : i32 to index
        %get3A_2534 = arith.constant 64 : index
        %get3A_2535 = tpu.vector_load %arg10[%get3A_2532, %get3A_2533, %get3A_2534] {strides = array<i32>} : memref<2x64x128xf32, #tpu.memory_space<vmem>>, vector<16xf32>,
        %add3A_2536 = arith.addf %sub3A_2420, %get3A_2535 : vector<16xf32>
        %mul3A_2537 = arith.mulf %div3A_2493, %get3A_2424 : vector<16xf32>
        %sub3A_2538 = arith.subf %add3A_2536, %mul3A_2537 : vector<16xf32>
        %abs3A_2539 = math.absf %sub3A_2538 : vector<16xf32>
        %add3A_2540 = arith.addf %add3A_2531, %abs3A_2539 : vector<16xf32>
        %get3A_2541 = arith.index_cast %select_n3A_164 : i32 to index
        %get3A_2542 = arith.index_cast %add3A_2339 : i32 to index
        %get3A_2543 = arith.constant 80 : index
        %get3A_2544 = tpu.vector_load %arg10[%get3A_2541, %get3A_2542, %get3A_2543] {strides = array<i32>} : memref<2x64x128xf32, #tpu.memory_space<vmem>>, vector<16xf32>,
        %add3A_2545 = arith.addf %sub3A_2437, %get3A_2544 : vector<16xf32>
        %mul3A_2546 = arith.mulf %div3A_2493, %get3A_2441 : vector<16xf32>
        %sub3A_2547 = arith.subf %add3A_2545, %mul3A_2546 : vector<16xf32>
        %abs3A_2548 = math.absf %sub3A_2547 : vector<16xf32>
        %add3A_2549 = arith.addf %add3A_2540, %abs3A_2548 : vector<16xf32>
        %get3A_2550 = arith.index_cast %select_n3A_164 : i32 to index
        %get3A_2551 = arith.index_cast %add3A_2339 : i32 to index
        %get3A_2552 = arith.constant 96 : index
        %get3A_2553 = tpu.vector_load %arg10[%get3A_2550, %get3A_2551, %get3A_2552] {strides = array<i32>} : memref<2x64x128xf32, #tpu.memory_space<vmem>>, vector<16xf32>,
        %add3A_2554 = arith.addf %sub3A_2454, %get3A_2553 : vector<16xf32>
        %mul3A_2555 = arith.mulf %div3A_2493, %get3A_2458 : vector<16xf32>
        %sub3A_2556 = arith.subf %add3A_2554, %mul3A_2555 : vector<16xf32>
        %abs3A_2557 = math.absf %sub3A_2556 : vector<16xf32>
        %add3A_2558 = arith.addf %add3A_2549, %abs3A_2557 : vector<16xf32>
        %get3A_2559 = arith.index_cast %select_n3A_164 : i32 to index
        %get3A_2560 = arith.index_cast %add3A_2339 : i32 to index
        %get3A_2561 = arith.constant 112 : index
        %get3A_2562 = tpu.vector_load %arg10[%get3A_2559, %get3A_2560, %get3A_2561] {strides = array<i32>} : memref<2x64x128xf32, #tpu.memory_space<vmem>>, vector<16xf32>,
        %add3A_2563 = arith.addf %sub3A_2471, %get3A_2562 : vector<16xf32>
        %mul3A_2564 = arith.mulf %div3A_2493, %get3A_2475 : vector<16xf32>
        %sub3A_2565 = arith.subf %add3A_2563, %mul3A_2564 : vector<16xf32>
        %abs3A_2566 = math.absf %sub3A_2565 : vector<16xf32>
        %add3A_2567 = arith.addf %add3A_2558, %abs3A_2566 : vector<16xf32>
        %reduce_sum3A_2568 = arith.constant true
        %reduce_sum3A_2569 = vector.broadcast %reduce_sum3A_2568 : i1 to vector<16xi1>
        %reduce_sum3A_2570 = tpu.scan <sum>, %add3A_2567 masked %reduce_sum3A_2569 : vector<16xf32>, vector<16xi1> -> vector<16xf32>
        %reduce_sum3A_2571 = vector.extract %reduce_sum3A_2570[15] : f32 from vector<16xf32>
        %broadcast_in_dim3A_2572 = vector.broadcast %reduce_sum3A_2571 : f32 to vector<16xf32>
        %eq3A_2573 = arith.constant 9 : i32
        %eq3A_2574 = vector.broadcast %eq3A_2573 : i32 to vector<16xi32>
        %eq3A_2575 = arith.cmpi eq, %iota3A, %eq3A_2574 : vector<16xi32>
        %select_n3A_2576 = arith.select %eq3A_2575, %broadcast_in_dim3A_2572, %select_n3A_2335 : vector<16xi1>, vector<16xf32>
        %mul3A_2577 = arith.constant 16 : i32
        %mul3A_2578 = arith.muli %scan3A_171, %mul3A_2577 : i32
        %add3A_2579 = arith.constant 10 : i32
        %add3A_2580 = arith.addi %mul3A_2578, %add3A_2579 : i32
        %broadcast_in_dim3A_2581 = arith.constant 0.000000e+00 : f32
        %broadcast_in_dim3A_2582 = vector.broadcast %broadcast_in_dim3A_2581 : f32 to vector<16xf32>
        %broadcast_in_dim3A_2583 = arith.constant 0.000000e+00 : f32
        %broadcast_in_dim3A_2584 = vector.broadcast %broadcast_in_dim3A_2583 : f32 to vector<16xf32>
        %get3A_2585 = arith.index_cast %select_n3A_164 : i32 to index
        %get3A_2586 = arith.index_cast %add3A_2580 : i32 to index
        %get3A_2587 = arith.constant 0 : index
        %get3A_2588 = tpu.vector_load %arg8[%get3A_2585, %get3A_2586, %get3A_2587] {strides = array<i32>} : memref<2x64x128xf32, #tpu.memory_space<vmem>>, vector<16xf32>,
        %get3A_2589 = arith.index_cast %select_n3A_164 : i32 to index
        %get3A_2590 = arith.index_cast %add3A_2580 : i32 to index
        %get3A_2591 = arith.constant 0 : index
        %get3A_2592 = tpu.vector_load %arg9[%get3A_2589, %get3A_2590, %get3A_2591] {strides = array<i32>} : memref<2x64x128xf32, #tpu.memory_space<vmem>>, vector<16xf32>,
        %sub3A_2593 = arith.subf %get3A_2588, %get3A_2592 : vector<16xf32>
        %get3A_2594 = arith.index_cast %select_n3A_164 : i32 to index
        %get3A_2595 = arith.index_cast %add3A_2580 : i32 to index
        %get3A_2596 = arith.constant 0 : index
        %get3A_2597 = tpu.vector_load %arg11[%get3A_2594, %get3A_2595, %get3A_2596] {strides = array<i32>} : memref<2x64x128xf32, #tpu.memory_space<vmem>>, vector<16xf32>,
        %mul3A_2598 = arith.mulf %sub3A_2593, %get3A_2597 : vector<16xf32>
        %add3A_2599 = arith.addf %broadcast_in_dim3A_2582, %mul3A_2598 : vector<16xf32>
        %mul3A_2600 = arith.mulf %get3A_2597, %get3A_2597 : vector<16xf32>
        %add3A_2601 = arith.addf %broadcast_in_dim3A_2584, %mul3A_2600 : vector<16xf32>
        %get3A_2602 = arith.index_cast %select_n3A_164 : i32 to index
        %get3A_2603 = arith.index_cast %add3A_2580 : i32 to index
        %get3A_2604 = arith.constant 16 : index
        %get3A_2605 = tpu.vector_load %arg8[%get3A_2602, %get3A_2603, %get3A_2604] {strides = array<i32>} : memref<2x64x128xf32, #tpu.memory_space<vmem>>, vector<16xf32>,
        %get3A_2606 = arith.index_cast %select_n3A_164 : i32 to index
        %get3A_2607 = arith.index_cast %add3A_2580 : i32 to index
        %get3A_2608 = arith.constant 16 : index
        %get3A_2609 = tpu.vector_load %arg9[%get3A_2606, %get3A_2607, %get3A_2608] {strides = array<i32>} : memref<2x64x128xf32, #tpu.memory_space<vmem>>, vector<16xf32>,
        %sub3A_2610 = arith.subf %get3A_2605, %get3A_2609 : vector<16xf32>
        %get3A_2611 = arith.index_cast %select_n3A_164 : i32 to index
        %get3A_2612 = arith.index_cast %add3A_2580 : i32 to index
        %get3A_2613 = arith.constant 16 : index
        %get3A_2614 = tpu.vector_load %arg11[%get3A_2611, %get3A_2612, %get3A_2613] {strides = array<i32>} : memref<2x64x128xf32, #tpu.memory_space<vmem>>, vector<16xf32>,
        %mul3A_2615 = arith.mulf %sub3A_2610, %get3A_2614 : vector<16xf32>
        %add3A_2616 = arith.addf %add3A_2599, %mul3A_2615 : vector<16xf32>
        %mul3A_2617 = arith.mulf %get3A_2614, %get3A_2614 : vector<16xf32>
        %add3A_2618 = arith.addf %add3A_2601, %mul3A_2617 : vector<16xf32>
        %get3A_2619 = arith.index_cast %select_n3A_164 : i32 to index
        %get3A_2620 = arith.index_cast %add3A_2580 : i32 to index
        %get3A_2621 = arith.constant 32 : index
        %get3A_2622 = tpu.vector_load %arg8[%get3A_2619, %get3A_2620, %get3A_2621] {strides = array<i32>} : memref<2x64x128xf32, #tpu.memory_space<vmem>>, vector<16xf32>,
        %get3A_2623 = arith.index_cast %select_n3A_164 : i32 to index
        %get3A_2624 = arith.index_cast %add3A_2580 : i32 to index
        %get3A_2625 = arith.constant 32 : index
        %get3A_2626 = tpu.vector_load %arg9[%get3A_2623, %get3A_2624, %get3A_2625] {strides = array<i32>} : memref<2x64x128xf32, #tpu.memory_space<vmem>>, vector<16xf32>,
        %sub3A_2627 = arith.subf %get3A_2622, %get3A_2626 : vector<16xf32>
        %get3A_2628 = arith.index_cast %select_n3A_164 : i32 to index
        %get3A_2629 = arith.index_cast %add3A_2580 : i32 to index
        %get3A_2630 = arith.constant 32 : index
        %get3A_2631 = tpu.vector_load %arg11[%get3A_2628, %get3A_2629, %get3A_2630] {strides = array<i32>} : memref<2x64x128xf32, #tpu.memory_space<vmem>>, vector<16xf32>,
        %mul3A_2632 = arith.mulf %sub3A_2627, %get3A_2631 : vector<16xf32>
        %add3A_2633 = arith.addf %add3A_2616, %mul3A_2632 : vector<16xf32>
        %mul3A_2634 = arith.mulf %get3A_2631, %get3A_2631 : vector<16xf32>
        %add3A_2635 = arith.addf %add3A_2618, %mul3A_2634 : vector<16xf32>
        %get3A_2636 = arith.index_cast %select_n3A_164 : i32 to index
        %get3A_2637 = arith.index_cast %add3A_2580 : i32 to index
        %get3A_2638 = arith.constant 48 : index
        %get3A_2639 = tpu.vector_load %arg8[%get3A_2636, %get3A_2637, %get3A_2638] {strides = array<i32>} : memref<2x64x128xf32, #tpu.memory_space<vmem>>, vector<16xf32>,
        %get3A_2640 = arith.index_cast %select_n3A_164 : i32 to index
        %get3A_2641 = arith.index_cast %add3A_2580 : i32 to index
        %get3A_2642 = arith.constant 48 : index
        %get3A_2643 = tpu.vector_load %arg9[%get3A_2640, %get3A_2641, %get3A_2642] {strides = array<i32>} : memref<2x64x128xf32, #tpu.memory_space<vmem>>, vector<16xf32>,
        %sub3A_2644 = arith.subf %get3A_2639, %get3A_2643 : vector<16xf32>
        %get3A_2645 = arith.index_cast %select_n3A_164 : i32 to index
        %get3A_2646 = arith.index_cast %add3A_2580 : i32 to index
        %get3A_2647 = arith.constant 48 : index
        %get3A_2648 = tpu.vector_load %arg11[%get3A_2645, %get3A_2646, %get3A_2647] {strides = array<i32>} : memref<2x64x128xf32, #tpu.memory_space<vmem>>, vector<16xf32>,
        %mul3A_2649 = arith.mulf %sub3A_2644, %get3A_2648 : vector<16xf32>
        %add3A_2650 = arith.addf %add3A_2633, %mul3A_2649 : vector<16xf32>
        %mul3A_2651 = arith.mulf %get3A_2648, %get3A_2648 : vector<16xf32>
        %add3A_2652 = arith.addf %add3A_2635, %mul3A_2651 : vector<16xf32>
        %get3A_2653 = arith.index_cast %select_n3A_164 : i32 to index
        %get3A_2654 = arith.index_cast %add3A_2580 : i32 to index
        %get3A_2655 = arith.constant 64 : index
        %get3A_2656 = tpu.vector_load %arg8[%get3A_2653, %get3A_2654, %get3A_2655] {strides = array<i32>} : memref<2x64x128xf32, #tpu.memory_space<vmem>>, vector<16xf32>,
        %get3A_2657 = arith.index_cast %select_n3A_164 : i32 to index
        %get3A_2658 = arith.index_cast %add3A_2580 : i32 to index
        %get3A_2659 = arith.constant 64 : index
        %get3A_2660 = tpu.vector_load %arg9[%get3A_2657, %get3A_2658, %get3A_2659] {strides = array<i32>} : memref<2x64x128xf32, #tpu.memory_space<vmem>>, vector<16xf32>,
        %sub3A_2661 = arith.subf %get3A_2656, %get3A_2660 : vector<16xf32>
        %get3A_2662 = arith.index_cast %select_n3A_164 : i32 to index
        %get3A_2663 = arith.index_cast %add3A_2580 : i32 to index
        %get3A_2664 = arith.constant 64 : index
        %get3A_2665 = tpu.vector_load %arg11[%get3A_2662, %get3A_2663, %get3A_2664] {strides = array<i32>} : memref<2x64x128xf32, #tpu.memory_space<vmem>>, vector<16xf32>,
        %mul3A_2666 = arith.mulf %sub3A_2661, %get3A_2665 : vector<16xf32>
        %add3A_2667 = arith.addf %add3A_2650, %mul3A_2666 : vector<16xf32>
        %mul3A_2668 = arith.mulf %get3A_2665, %get3A_2665 : vector<16xf32>
        %add3A_2669 = arith.addf %add3A_2652, %mul3A_2668 : vector<16xf32>
        %get3A_2670 = arith.index_cast %select_n3A_164 : i32 to index
        %get3A_2671 = arith.index_cast %add3A_2580 : i32 to index
        %get3A_2672 = arith.constant 80 : index
        %get3A_2673 = tpu.vector_load %arg8[%get3A_2670, %get3A_2671, %get3A_2672] {strides = array<i32>} : memref<2x64x128xf32, #tpu.memory_space<vmem>>, vector<16xf32>,
        %get3A_2674 = arith.index_cast %select_n3A_164 : i32 to index
        %get3A_2675 = arith.index_cast %add3A_2580 : i32 to index
        %get3A_2676 = arith.constant 80 : index
        %get3A_2677 = tpu.vector_load %arg9[%get3A_2674, %get3A_2675, %get3A_2676] {strides = array<i32>} : memref<2x64x128xf32, #tpu.memory_space<vmem>>, vector<16xf32>,
        %sub3A_2678 = arith.subf %get3A_2673, %get3A_2677 : vector<16xf32>
        %get3A_2679 = arith.index_cast %select_n3A_164 : i32 to index
        %get3A_2680 = arith.index_cast %add3A_2580 : i32 to index
        %get3A_2681 = arith.constant 80 : index
        %get3A_2682 = tpu.vector_load %arg11[%get3A_2679, %get3A_2680, %get3A_2681] {strides = array<i32>} : memref<2x64x128xf32, #tpu.memory_space<vmem>>, vector<16xf32>,
        %mul3A_2683 = arith.mulf %sub3A_2678, %get3A_2682 : vector<16xf32>
        %add3A_2684 = arith.addf %add3A_2667, %mul3A_2683 : vector<16xf32>
        %mul3A_2685 = arith.mulf %get3A_2682, %get3A_2682 : vector<16xf32>
        %add3A_2686 = arith.addf %add3A_2669, %mul3A_2685 : vector<16xf32>
        %get3A_2687 = arith.index_cast %select_n3A_164 : i32 to index
        %get3A_2688 = arith.index_cast %add3A_2580 : i32 to index
        %get3A_2689 = arith.constant 96 : index
        %get3A_2690 = tpu.vector_load %arg8[%get3A_2687, %get3A_2688, %get3A_2689] {strides = array<i32>} : memref<2x64x128xf32, #tpu.memory_space<vmem>>, vector<16xf32>,
        %get3A_2691 = arith.index_cast %select_n3A_164 : i32 to index
        %get3A_2692 = arith.index_cast %add3A_2580 : i32 to index
        %get3A_2693 = arith.constant 96 : index
        %get3A_2694 = tpu.vector_load %arg9[%get3A_2691, %get3A_2692, %get3A_2693] {strides = array<i32>} : memref<2x64x128xf32, #tpu.memory_space<vmem>>, vector<16xf32>,
        %sub3A_2695 = arith.subf %get3A_2690, %get3A_2694 : vector<16xf32>
        %get3A_2696 = arith.index_cast %select_n3A_164 : i32 to index
        %get3A_2697 = arith.index_cast %add3A_2580 : i32 to index
        %get3A_2698 = arith.constant 96 : index
        %get3A_2699 = tpu.vector_load %arg11[%get3A_2696, %get3A_2697, %get3A_2698] {strides = array<i32>} : memref<2x64x128xf32, #tpu.memory_space<vmem>>, vector<16xf32>,
        %mul3A_2700 = arith.mulf %sub3A_2695, %get3A_2699 : vector<16xf32>
        %add3A_2701 = arith.addf %add3A_2684, %mul3A_2700 : vector<16xf32>
        %mul3A_2702 = arith.mulf %get3A_2699, %get3A_2699 : vector<16xf32>
        %add3A_2703 = arith.addf %add3A_2686, %mul3A_2702 : vector<16xf32>
        %get3A_2704 = arith.index_cast %select_n3A_164 : i32 to index
        %get3A_2705 = arith.index_cast %add3A_2580 : i32 to index
        %get3A_2706 = arith.constant 112 : index
        %get3A_2707 = tpu.vector_load %arg8[%get3A_2704, %get3A_2705, %get3A_2706] {strides = array<i32>} : memref<2x64x128xf32, #tpu.memory_space<vmem>>, vector<16xf32>,
        %get3A_2708 = arith.index_cast %select_n3A_164 : i32 to index
        %get3A_2709 = arith.index_cast %add3A_2580 : i32 to index
        %get3A_2710 = arith.constant 112 : index
        %get3A_2711 = tpu.vector_load %arg9[%get3A_2708, %get3A_2709, %get3A_2710] {strides = array<i32>} : memref<2x64x128xf32, #tpu.memory_space<vmem>>, vector<16xf32>,
        %sub3A_2712 = arith.subf %get3A_2707, %get3A_2711 : vector<16xf32>
        %get3A_2713 = arith.index_cast %select_n3A_164 : i32 to index
        %get3A_2714 = arith.index_cast %add3A_2580 : i32 to index
        %get3A_2715 = arith.constant 112 : index
        %get3A_2716 = tpu.vector_load %arg11[%get3A_2713, %get3A_2714, %get3A_2715] {strides = array<i32>} : memref<2x64x128xf32, #tpu.memory_space<vmem>>, vector<16xf32>,
        %mul3A_2717 = arith.mulf %sub3A_2712, %get3A_2716 : vector<16xf32>
        %add3A_2718 = arith.addf %add3A_2701, %mul3A_2717 : vector<16xf32>
        %mul3A_2719 = arith.mulf %get3A_2716, %get3A_2716 : vector<16xf32>
        %add3A_2720 = arith.addf %add3A_2703, %mul3A_2719 : vector<16xf32>
        %reduce_sum3A_2721 = arith.constant true
        %reduce_sum3A_2722 = vector.broadcast %reduce_sum3A_2721 : i1 to vector<16xi1>
        %reduce_sum3A_2723 = tpu.scan <sum>, %add3A_2718 masked %reduce_sum3A_2722 : vector<16xf32>, vector<16xi1> -> vector<16xf32>
        %reduce_sum3A_2724 = vector.extract %reduce_sum3A_2723[15] : f32 from vector<16xf32>
        %broadcast_in_dim3A_2725 = vector.broadcast %reduce_sum3A_2724 : f32 to vector<16xf32>
        %reduce_sum3A_2726 = arith.constant true
        %reduce_sum3A_2727 = vector.broadcast %reduce_sum3A_2726 : i1 to vector<16xi1>
        %reduce_sum3A_2728 = tpu.scan <sum>, %add3A_2720 masked %reduce_sum3A_2727 : vector<16xf32>, vector<16xi1> -> vector<16xf32>
        %reduce_sum3A_2729 = vector.extract %reduce_sum3A_2728[15] : f32 from vector<16xf32>
        %broadcast_in_dim3A_2730 = vector.broadcast %reduce_sum3A_2729 : f32 to vector<16xf32>
        %max3A_2731 = arith.constant 1.000000e-24 : f32
        %max3A_2732 = vector.broadcast %max3A_2731 : f32 to vector<16xf32>
        %max3A_2733 = arith.maximumf %broadcast_in_dim3A_2730, %max3A_2732 : vector<16xf32>
        %div3A_2734 = arith.divf %broadcast_in_dim3A_2725, %max3A_2733 : vector<16xf32>
        %broadcast_in_dim3A_2735 = arith.constant 0.000000e+00 : f32
        %broadcast_in_dim3A_2736 = vector.broadcast %broadcast_in_dim3A_2735 : f32 to vector<16xf32>
        %get3A_2737 = arith.index_cast %select_n3A_164 : i32 to index
        %get3A_2738 = arith.index_cast %add3A_2580 : i32 to index
        %get3A_2739 = arith.constant 0 : index
        %get3A_2740 = tpu.vector_load %arg10[%get3A_2737, %get3A_2738, %get3A_2739] {strides = array<i32>} : memref<2x64x128xf32, #tpu.memory_space<vmem>>, vector<16xf32>,
        %add3A_2741 = arith.addf %sub3A_2593, %get3A_2740 : vector<16xf32>
        %mul3A_2742 = arith.mulf %div3A_2734, %get3A_2597 : vector<16xf32>
        %sub3A_2743 = arith.subf %add3A_2741, %mul3A_2742 : vector<16xf32>
        %abs3A_2744 = math.absf %sub3A_2743 : vector<16xf32>
        %add3A_2745 = arith.addf %broadcast_in_dim3A_2736, %abs3A_2744 : vector<16xf32>
        %get3A_2746 = arith.index_cast %select_n3A_164 : i32 to index
        %get3A_2747 = arith.index_cast %add3A_2580 : i32 to index
        %get3A_2748 = arith.constant 16 : index
        %get3A_2749 = tpu.vector_load %arg10[%get3A_2746, %get3A_2747, %get3A_2748] {strides = array<i32>} : memref<2x64x128xf32, #tpu.memory_space<vmem>>, vector<16xf32>,
        %add3A_2750 = arith.addf %sub3A_2610, %get3A_2749 : vector<16xf32>
        %mul3A_2751 = arith.mulf %div3A_2734, %get3A_2614 : vector<16xf32>
        %sub3A_2752 = arith.subf %add3A_2750, %mul3A_2751 : vector<16xf32>
        %abs3A_2753 = math.absf %sub3A_2752 : vector<16xf32>
        %add3A_2754 = arith.addf %add3A_2745, %abs3A_2753 : vector<16xf32>
        %get3A_2755 = arith.index_cast %select_n3A_164 : i32 to index
        %get3A_2756 = arith.index_cast %add3A_2580 : i32 to index
        %get3A_2757 = arith.constant 32 : index
        %get3A_2758 = tpu.vector_load %arg10[%get3A_2755, %get3A_2756, %get3A_2757] {strides = array<i32>} : memref<2x64x128xf32, #tpu.memory_space<vmem>>, vector<16xf32>,
        %add3A_2759 = arith.addf %sub3A_2627, %get3A_2758 : vector<16xf32>
        %mul3A_2760 = arith.mulf %div3A_2734, %get3A_2631 : vector<16xf32>
        %sub3A_2761 = arith.subf %add3A_2759, %mul3A_2760 : vector<16xf32>
        %abs3A_2762 = math.absf %sub3A_2761 : vector<16xf32>
        %add3A_2763 = arith.addf %add3A_2754, %abs3A_2762 : vector<16xf32>
        %get3A_2764 = arith.index_cast %select_n3A_164 : i32 to index
        %get3A_2765 = arith.index_cast %add3A_2580 : i32 to index
        %get3A_2766 = arith.constant 48 : index
        %get3A_2767 = tpu.vector_load %arg10[%get3A_2764, %get3A_2765, %get3A_2766] {strides = array<i32>} : memref<2x64x128xf32, #tpu.memory_space<vmem>>, vector<16xf32>,
        %add3A_2768 = arith.addf %sub3A_2644, %get3A_2767 : vector<16xf32>
        %mul3A_2769 = arith.mulf %div3A_2734, %get3A_2648 : vector<16xf32>
        %sub3A_2770 = arith.subf %add3A_2768, %mul3A_2769 : vector<16xf32>
        %abs3A_2771 = math.absf %sub3A_2770 : vector<16xf32>
        %add3A_2772 = arith.addf %add3A_2763, %abs3A_2771 : vector<16xf32>
        %get3A_2773 = arith.index_cast %select_n3A_164 : i32 to index
        %get3A_2774 = arith.index_cast %add3A_2580 : i32 to index
        %get3A_2775 = arith.constant 64 : index
        %get3A_2776 = tpu.vector_load %arg10[%get3A_2773, %get3A_2774, %get3A_2775] {strides = array<i32>} : memref<2x64x128xf32, #tpu.memory_space<vmem>>, vector<16xf32>,
        %add3A_2777 = arith.addf %sub3A_2661, %get3A_2776 : vector<16xf32>
        %mul3A_2778 = arith.mulf %div3A_2734, %get3A_2665 : vector<16xf32>
        %sub3A_2779 = arith.subf %add3A_2777, %mul3A_2778 : vector<16xf32>
        %abs3A_2780 = math.absf %sub3A_2779 : vector<16xf32>
        %add3A_2781 = arith.addf %add3A_2772, %abs3A_2780 : vector<16xf32>
        %get3A_2782 = arith.index_cast %select_n3A_164 : i32 to index
        %get3A_2783 = arith.index_cast %add3A_2580 : i32 to index
        %get3A_2784 = arith.constant 80 : index
        %get3A_2785 = tpu.vector_load %arg10[%get3A_2782, %get3A_2783, %get3A_2784] {strides = array<i32>} : memref<2x64x128xf32, #tpu.memory_space<vmem>>, vector<16xf32>,
        %add3A_2786 = arith.addf %sub3A_2678, %get3A_2785 : vector<16xf32>
        %mul3A_2787 = arith.mulf %div3A_2734, %get3A_2682 : vector<16xf32>
        %sub3A_2788 = arith.subf %add3A_2786, %mul3A_2787 : vector<16xf32>
        %abs3A_2789 = math.absf %sub3A_2788 : vector<16xf32>
        %add3A_2790 = arith.addf %add3A_2781, %abs3A_2789 : vector<16xf32>
        %get3A_2791 = arith.index_cast %select_n3A_164 : i32 to index
        %get3A_2792 = arith.index_cast %add3A_2580 : i32 to index
        %get3A_2793 = arith.constant 96 : index
        %get3A_2794 = tpu.vector_load %arg10[%get3A_2791, %get3A_2792, %get3A_2793] {strides = array<i32>} : memref<2x64x128xf32, #tpu.memory_space<vmem>>, vector<16xf32>,
        %add3A_2795 = arith.addf %sub3A_2695, %get3A_2794 : vector<16xf32>
        %mul3A_2796 = arith.mulf %div3A_2734, %get3A_2699 : vector<16xf32>
        %sub3A_2797 = arith.subf %add3A_2795, %mul3A_2796 : vector<16xf32>
        %abs3A_2798 = math.absf %sub3A_2797 : vector<16xf32>
        %add3A_2799 = arith.addf %add3A_2790, %abs3A_2798 : vector<16xf32>
        %get3A_2800 = arith.index_cast %select_n3A_164 : i32 to index
        %get3A_2801 = arith.index_cast %add3A_2580 : i32 to index
        %get3A_2802 = arith.constant 112 : index
        %get3A_2803 = tpu.vector_load %arg10[%get3A_2800, %get3A_2801, %get3A_2802] {strides = array<i32>} : memref<2x64x128xf32, #tpu.memory_space<vmem>>, vector<16xf32>,
        %add3A_2804 = arith.addf %sub3A_2712, %get3A_2803 : vector<16xf32>
        %mul3A_2805 = arith.mulf %div3A_2734, %get3A_2716 : vector<16xf32>
        %sub3A_2806 = arith.subf %add3A_2804, %mul3A_2805 : vector<16xf32>
        %abs3A_2807 = math.absf %sub3A_2806 : vector<16xf32>
        %add3A_2808 = arith.addf %add3A_2799, %abs3A_2807 : vector<16xf32>
        %reduce_sum3A_2809 = arith.constant true
        %reduce_sum3A_2810 = vector.broadcast %reduce_sum3A_2809 : i1 to vector<16xi1>
        %reduce_sum3A_2811 = tpu.scan <sum>, %add3A_2808 masked %reduce_sum3A_2810 : vector<16xf32>, vector<16xi1> -> vector<16xf32>
        %reduce_sum3A_2812 = vector.extract %reduce_sum3A_2811[15] : f32 from vector<16xf32>
        %broadcast_in_dim3A_2813 = vector.broadcast %reduce_sum3A_2812 : f32 to vector<16xf32>
        %eq3A_2814 = arith.constant 10 : i32
        %eq3A_2815 = vector.broadcast %eq3A_2814 : i32 to vector<16xi32>
        %eq3A_2816 = arith.cmpi eq, %iota3A, %eq3A_2815 : vector<16xi32>
        %select_n3A_2817 = arith.select %eq3A_2816, %broadcast_in_dim3A_2813, %select_n3A_2576 : vector<16xi1>, vector<16xf32>
        %mul3A_2818 = arith.constant 16 : i32
        %mul3A_2819 = arith.muli %scan3A_171, %mul3A_2818 : i32
        %add3A_2820 = arith.constant 11 : i32
        %add3A_2821 = arith.addi %mul3A_2819, %add3A_2820 : i32
        %broadcast_in_dim3A_2822 = arith.constant 0.000000e+00 : f32
        %broadcast_in_dim3A_2823 = vector.broadcast %broadcast_in_dim3A_2822 : f32 to vector<16xf32>
        %broadcast_in_dim3A_2824 = arith.constant 0.000000e+00 : f32
        %broadcast_in_dim3A_2825 = vector.broadcast %broadcast_in_dim3A_2824 : f32 to vector<16xf32>
        %get3A_2826 = arith.index_cast %select_n3A_164 : i32 to index
        %get3A_2827 = arith.index_cast %add3A_2821 : i32 to index
        %get3A_2828 = arith.constant 0 : index
        %get3A_2829 = tpu.vector_load %arg8[%get3A_2826, %get3A_2827, %get3A_2828] {strides = array<i32>} : memref<2x64x128xf32, #tpu.memory_space<vmem>>, vector<16xf32>,
        %get3A_2830 = arith.index_cast %select_n3A_164 : i32 to index
        %get3A_2831 = arith.index_cast %add3A_2821 : i32 to index
        %get3A_2832 = arith.constant 0 : index
        %get3A_2833 = tpu.vector_load %arg9[%get3A_2830, %get3A_2831, %get3A_2832] {strides = array<i32>} : memref<2x64x128xf32, #tpu.memory_space<vmem>>, vector<16xf32>,
        %sub3A_2834 = arith.subf %get3A_2829, %get3A_2833 : vector<16xf32>
        %get3A_2835 = arith.index_cast %select_n3A_164 : i32 to index
        %get3A_2836 = arith.index_cast %add3A_2821 : i32 to index
        %get3A_2837 = arith.constant 0 : index
        %get3A_2838 = tpu.vector_load %arg11[%get3A_2835, %get3A_2836, %get3A_2837] {strides = array<i32>} : memref<2x64x128xf32, #tpu.memory_space<vmem>>, vector<16xf32>,
        %mul3A_2839 = arith.mulf %sub3A_2834, %get3A_2838 : vector<16xf32>
        %add3A_2840 = arith.addf %broadcast_in_dim3A_2823, %mul3A_2839 : vector<16xf32>
        %mul3A_2841 = arith.mulf %get3A_2838, %get3A_2838 : vector<16xf32>
        %add3A_2842 = arith.addf %broadcast_in_dim3A_2825, %mul3A_2841 : vector<16xf32>
        %get3A_2843 = arith.index_cast %select_n3A_164 : i32 to index
        %get3A_2844 = arith.index_cast %add3A_2821 : i32 to index
        %get3A_2845 = arith.constant 16 : index
        %get3A_2846 = tpu.vector_load %arg8[%get3A_2843, %get3A_2844, %get3A_2845] {strides = array<i32>} : memref<2x64x128xf32, #tpu.memory_space<vmem>>, vector<16xf32>,
        %get3A_2847 = arith.index_cast %select_n3A_164 : i32 to index
        %get3A_2848 = arith.index_cast %add3A_2821 : i32 to index
        %get3A_2849 = arith.constant 16 : index
        %get3A_2850 = tpu.vector_load %arg9[%get3A_2847, %get3A_2848, %get3A_2849] {strides = array<i32>} : memref<2x64x128xf32, #tpu.memory_space<vmem>>, vector<16xf32>,
        %sub3A_2851 = arith.subf %get3A_2846, %get3A_2850 : vector<16xf32>
        %get3A_2852 = arith.index_cast %select_n3A_164 : i32 to index
        %get3A_2853 = arith.index_cast %add3A_2821 : i32 to index
        %get3A_2854 = arith.constant 16 : index
        %get3A_2855 = tpu.vector_load %arg11[%get3A_2852, %get3A_2853, %get3A_2854] {strides = array<i32>} : memref<2x64x128xf32, #tpu.memory_space<vmem>>, vector<16xf32>,
        %mul3A_2856 = arith.mulf %sub3A_2851, %get3A_2855 : vector<16xf32>
        %add3A_2857 = arith.addf %add3A_2840, %mul3A_2856 : vector<16xf32>
        %mul3A_2858 = arith.mulf %get3A_2855, %get3A_2855 : vector<16xf32>
        %add3A_2859 = arith.addf %add3A_2842, %mul3A_2858 : vector<16xf32>
        %get3A_2860 = arith.index_cast %select_n3A_164 : i32 to index
        %get3A_2861 = arith.index_cast %add3A_2821 : i32 to index
        %get3A_2862 = arith.constant 32 : index
        %get3A_2863 = tpu.vector_load %arg8[%get3A_2860, %get3A_2861, %get3A_2862] {strides = array<i32>} : memref<2x64x128xf32, #tpu.memory_space<vmem>>, vector<16xf32>,
        %get3A_2864 = arith.index_cast %select_n3A_164 : i32 to index
        %get3A_2865 = arith.index_cast %add3A_2821 : i32 to index
        %get3A_2866 = arith.constant 32 : index
        %get3A_2867 = tpu.vector_load %arg9[%get3A_2864, %get3A_2865, %get3A_2866] {strides = array<i32>} : memref<2x64x128xf32, #tpu.memory_space<vmem>>, vector<16xf32>,
        %sub3A_2868 = arith.subf %get3A_2863, %get3A_2867 : vector<16xf32>
        %get3A_2869 = arith.index_cast %select_n3A_164 : i32 to index
        %get3A_2870 = arith.index_cast %add3A_2821 : i32 to index
        %get3A_2871 = arith.constant 32 : index
        %get3A_2872 = tpu.vector_load %arg11[%get3A_2869, %get3A_2870, %get3A_2871] {strides = array<i32>} : memref<2x64x128xf32, #tpu.memory_space<vmem>>, vector<16xf32>,
        %mul3A_2873 = arith.mulf %sub3A_2868, %get3A_2872 : vector<16xf32>
        %add3A_2874 = arith.addf %add3A_2857, %mul3A_2873 : vector<16xf32>
        %mul3A_2875 = arith.mulf %get3A_2872, %get3A_2872 : vector<16xf32>
        %add3A_2876 = arith.addf %add3A_2859, %mul3A_2875 : vector<16xf32>
        %get3A_2877 = arith.index_cast %select_n3A_164 : i32 to index
        %get3A_2878 = arith.index_cast %add3A_2821 : i32 to index
        %get3A_2879 = arith.constant 48 : index
        %get3A_2880 = tpu.vector_load %arg8[%get3A_2877, %get3A_2878, %get3A_2879] {strides = array<i32>} : memref<2x64x128xf32, #tpu.memory_space<vmem>>, vector<16xf32>,
        %get3A_2881 = arith.index_cast %select_n3A_164 : i32 to index
        %get3A_2882 = arith.index_cast %add3A_2821 : i32 to index
        %get3A_2883 = arith.constant 48 : index
        %get3A_2884 = tpu.vector_load %arg9[%get3A_2881, %get3A_2882, %get3A_2883] {strides = array<i32>} : memref<2x64x128xf32, #tpu.memory_space<vmem>>, vector<16xf32>,
        %sub3A_2885 = arith.subf %get3A_2880, %get3A_2884 : vector<16xf32>
        %get3A_2886 = arith.index_cast %select_n3A_164 : i32 to index
        %get3A_2887 = arith.index_cast %add3A_2821 : i32 to index
        %get3A_2888 = arith.constant 48 : index
        %get3A_2889 = tpu.vector_load %arg11[%get3A_2886, %get3A_2887, %get3A_2888] {strides = array<i32>} : memref<2x64x128xf32, #tpu.memory_space<vmem>>, vector<16xf32>,
        %mul3A_2890 = arith.mulf %sub3A_2885, %get3A_2889 : vector<16xf32>
        %add3A_2891 = arith.addf %add3A_2874, %mul3A_2890 : vector<16xf32>
        %mul3A_2892 = arith.mulf %get3A_2889, %get3A_2889 : vector<16xf32>
        %add3A_2893 = arith.addf %add3A_2876, %mul3A_2892 : vector<16xf32>
        %get3A_2894 = arith.index_cast %select_n3A_164 : i32 to index
        %get3A_2895 = arith.index_cast %add3A_2821 : i32 to index
        %get3A_2896 = arith.constant 64 : index
        %get3A_2897 = tpu.vector_load %arg8[%get3A_2894, %get3A_2895, %get3A_2896] {strides = array<i32>} : memref<2x64x128xf32, #tpu.memory_space<vmem>>, vector<16xf32>,
        %get3A_2898 = arith.index_cast %select_n3A_164 : i32 to index
        %get3A_2899 = arith.index_cast %add3A_2821 : i32 to index
        %get3A_2900 = arith.constant 64 : index
        %get3A_2901 = tpu.vector_load %arg9[%get3A_2898, %get3A_2899, %get3A_2900] {strides = array<i32>} : memref<2x64x128xf32, #tpu.memory_space<vmem>>, vector<16xf32>,
        %sub3A_2902 = arith.subf %get3A_2897, %get3A_2901 : vector<16xf32>
        %get3A_2903 = arith.index_cast %select_n3A_164 : i32 to index
        %get3A_2904 = arith.index_cast %add3A_2821 : i32 to index
        %get3A_2905 = arith.constant 64 : index
        %get3A_2906 = tpu.vector_load %arg11[%get3A_2903, %get3A_2904, %get3A_2905] {strides = array<i32>} : memref<2x64x128xf32, #tpu.memory_space<vmem>>, vector<16xf32>,
        %mul3A_2907 = arith.mulf %sub3A_2902, %get3A_2906 : vector<16xf32>
        %add3A_2908 = arith.addf %add3A_2891, %mul3A_2907 : vector<16xf32>
        %mul3A_2909 = arith.mulf %get3A_2906, %get3A_2906 : vector<16xf32>
        %add3A_2910 = arith.addf %add3A_2893, %mul3A_2909 : vector<16xf32>
        %get3A_2911 = arith.index_cast %select_n3A_164 : i32 to index
        %get3A_2912 = arith.index_cast %add3A_2821 : i32 to index
        %get3A_2913 = arith.constant 80 : index
        %get3A_2914 = tpu.vector_load %arg8[%get3A_2911, %get3A_2912, %get3A_2913] {strides = array<i32>} : memref<2x64x128xf32, #tpu.memory_space<vmem>>, vector<16xf32>,
        %get3A_2915 = arith.index_cast %select_n3A_164 : i32 to index
        %get3A_2916 = arith.index_cast %add3A_2821 : i32 to index
        %get3A_2917 = arith.constant 80 : index
        %get3A_2918 = tpu.vector_load %arg9[%get3A_2915, %get3A_2916, %get3A_2917] {strides = array<i32>} : memref<2x64x128xf32, #tpu.memory_space<vmem>>, vector<16xf32>,
        %sub3A_2919 = arith.subf %get3A_2914, %get3A_2918 : vector<16xf32>
        %get3A_2920 = arith.index_cast %select_n3A_164 : i32 to index
        %get3A_2921 = arith.index_cast %add3A_2821 : i32 to index
        %get3A_2922 = arith.constant 80 : index
        %get3A_2923 = tpu.vector_load %arg11[%get3A_2920, %get3A_2921, %get3A_2922] {strides = array<i32>} : memref<2x64x128xf32, #tpu.memory_space<vmem>>, vector<16xf32>,
        %mul3A_2924 = arith.mulf %sub3A_2919, %get3A_2923 : vector<16xf32>
        %add3A_2925 = arith.addf %add3A_2908, %mul3A_2924 : vector<16xf32>
        %mul3A_2926 = arith.mulf %get3A_2923, %get3A_2923 : vector<16xf32>
        %add3A_2927 = arith.addf %add3A_2910, %mul3A_2926 : vector<16xf32>
        %get3A_2928 = arith.index_cast %select_n3A_164 : i32 to index
        %get3A_2929 = arith.index_cast %add3A_2821 : i32 to index
        %get3A_2930 = arith.constant 96 : index
        %get3A_2931 = tpu.vector_load %arg8[%get3A_2928, %get3A_2929, %get3A_2930] {strides = array<i32>} : memref<2x64x128xf32, #tpu.memory_space<vmem>>, vector<16xf32>,
        %get3A_2932 = arith.index_cast %select_n3A_164 : i32 to index
        %get3A_2933 = arith.index_cast %add3A_2821 : i32 to index
        %get3A_2934 = arith.constant 96 : index
        %get3A_2935 = tpu.vector_load %arg9[%get3A_2932, %get3A_2933, %get3A_2934] {strides = array<i32>} : memref<2x64x128xf32, #tpu.memory_space<vmem>>, vector<16xf32>,
        %sub3A_2936 = arith.subf %get3A_2931, %get3A_2935 : vector<16xf32>
        %get3A_2937 = arith.index_cast %select_n3A_164 : i32 to index
        %get3A_2938 = arith.index_cast %add3A_2821 : i32 to index
        %get3A_2939 = arith.constant 96 : index
        %get3A_2940 = tpu.vector_load %arg11[%get3A_2937, %get3A_2938, %get3A_2939] {strides = array<i32>} : memref<2x64x128xf32, #tpu.memory_space<vmem>>, vector<16xf32>,
        %mul3A_2941 = arith.mulf %sub3A_2936, %get3A_2940 : vector<16xf32>
        %add3A_2942 = arith.addf %add3A_2925, %mul3A_2941 : vector<16xf32>
        %mul3A_2943 = arith.mulf %get3A_2940, %get3A_2940 : vector<16xf32>
        %add3A_2944 = arith.addf %add3A_2927, %mul3A_2943 : vector<16xf32>
        %get3A_2945 = arith.index_cast %select_n3A_164 : i32 to index
        %get3A_2946 = arith.index_cast %add3A_2821 : i32 to index
        %get3A_2947 = arith.constant 112 : index
        %get3A_2948 = tpu.vector_load %arg8[%get3A_2945, %get3A_2946, %get3A_2947] {strides = array<i32>} : memref<2x64x128xf32, #tpu.memory_space<vmem>>, vector<16xf32>,
        %get3A_2949 = arith.index_cast %select_n3A_164 : i32 to index
        %get3A_2950 = arith.index_cast %add3A_2821 : i32 to index
        %get3A_2951 = arith.constant 112 : index
        %get3A_2952 = tpu.vector_load %arg9[%get3A_2949, %get3A_2950, %get3A_2951] {strides = array<i32>} : memref<2x64x128xf32, #tpu.memory_space<vmem>>, vector<16xf32>,
        %sub3A_2953 = arith.subf %get3A_2948, %get3A_2952 : vector<16xf32>
        %get3A_2954 = arith.index_cast %select_n3A_164 : i32 to index
        %get3A_2955 = arith.index_cast %add3A_2821 : i32 to index
        %get3A_2956 = arith.constant 112 : index
        %get3A_2957 = tpu.vector_load %arg11[%get3A_2954, %get3A_2955, %get3A_2956] {strides = array<i32>} : memref<2x64x128xf32, #tpu.memory_space<vmem>>, vector<16xf32>,
        %mul3A_2958 = arith.mulf %sub3A_2953, %get3A_2957 : vector<16xf32>
        %add3A_2959 = arith.addf %add3A_2942, %mul3A_2958 : vector<16xf32>
        %mul3A_2960 = arith.mulf %get3A_2957, %get3A_2957 : vector<16xf32>
        %add3A_2961 = arith.addf %add3A_2944, %mul3A_2960 : vector<16xf32>
        %reduce_sum3A_2962 = arith.constant true
        %reduce_sum3A_2963 = vector.broadcast %reduce_sum3A_2962 : i1 to vector<16xi1>
        %reduce_sum3A_2964 = tpu.scan <sum>, %add3A_2959 masked %reduce_sum3A_2963 : vector<16xf32>, vector<16xi1> -> vector<16xf32>
        %reduce_sum3A_2965 = vector.extract %reduce_sum3A_2964[15] : f32 from vector<16xf32>
        %broadcast_in_dim3A_2966 = vector.broadcast %reduce_sum3A_2965 : f32 to vector<16xf32>
        %reduce_sum3A_2967 = arith.constant true
        %reduce_sum3A_2968 = vector.broadcast %reduce_sum3A_2967 : i1 to vector<16xi1>
        %reduce_sum3A_2969 = tpu.scan <sum>, %add3A_2961 masked %reduce_sum3A_2968 : vector<16xf32>, vector<16xi1> -> vector<16xf32>
        %reduce_sum3A_2970 = vector.extract %reduce_sum3A_2969[15] : f32 from vector<16xf32>
        %broadcast_in_dim3A_2971 = vector.broadcast %reduce_sum3A_2970 : f32 to vector<16xf32>
        %max3A_2972 = arith.constant 1.000000e-24 : f32
        %max3A_2973 = vector.broadcast %max3A_2972 : f32 to vector<16xf32>
        %max3A_2974 = arith.maximumf %broadcast_in_dim3A_2971, %max3A_2973 : vector<16xf32>
        %div3A_2975 = arith.divf %broadcast_in_dim3A_2966, %max3A_2974 : vector<16xf32>
        %broadcast_in_dim3A_2976 = arith.constant 0.000000e+00 : f32
        %broadcast_in_dim3A_2977 = vector.broadcast %broadcast_in_dim3A_2976 : f32 to vector<16xf32>
        %get3A_2978 = arith.index_cast %select_n3A_164 : i32 to index
        %get3A_2979 = arith.index_cast %add3A_2821 : i32 to index
        %get3A_2980 = arith.constant 0 : index
        %get3A_2981 = tpu.vector_load %arg10[%get3A_2978, %get3A_2979, %get3A_2980] {strides = array<i32>} : memref<2x64x128xf32, #tpu.memory_space<vmem>>, vector<16xf32>,
        %add3A_2982 = arith.addf %sub3A_2834, %get3A_2981 : vector<16xf32>
        %mul3A_2983 = arith.mulf %div3A_2975, %get3A_2838 : vector<16xf32>
        %sub3A_2984 = arith.subf %add3A_2982, %mul3A_2983 : vector<16xf32>
        %abs3A_2985 = math.absf %sub3A_2984 : vector<16xf32>
        %add3A_2986 = arith.addf %broadcast_in_dim3A_2977, %abs3A_2985 : vector<16xf32>
        %get3A_2987 = arith.index_cast %select_n3A_164 : i32 to index
        %get3A_2988 = arith.index_cast %add3A_2821 : i32 to index
        %get3A_2989 = arith.constant 16 : index
        %get3A_2990 = tpu.vector_load %arg10[%get3A_2987, %get3A_2988, %get3A_2989] {strides = array<i32>} : memref<2x64x128xf32, #tpu.memory_space<vmem>>, vector<16xf32>,
        %add3A_2991 = arith.addf %sub3A_2851, %get3A_2990 : vector<16xf32>
        %mul3A_2992 = arith.mulf %div3A_2975, %get3A_2855 : vector<16xf32>
        %sub3A_2993 = arith.subf %add3A_2991, %mul3A_2992 : vector<16xf32>
        %abs3A_2994 = math.absf %sub3A_2993 : vector<16xf32>
        %add3A_2995 = arith.addf %add3A_2986, %abs3A_2994 : vector<16xf32>
        %get3A_2996 = arith.index_cast %select_n3A_164 : i32 to index
        %get3A_2997 = arith.index_cast %add3A_2821 : i32 to index
        %get3A_2998 = arith.constant 32 : index
        %get3A_2999 = tpu.vector_load %arg10[%get3A_2996, %get3A_2997, %get3A_2998] {strides = array<i32>} : memref<2x64x128xf32, #tpu.memory_space<vmem>>, vector<16xf32>,
        %add3A_3000 = arith.addf %sub3A_2868, %get3A_2999 : vector<16xf32>
        %mul3A_3001 = arith.mulf %div3A_2975, %get3A_2872 : vector<16xf32>
        %sub3A_3002 = arith.subf %add3A_3000, %mul3A_3001 : vector<16xf32>
        %abs3A_3003 = math.absf %sub3A_3002 : vector<16xf32>
        %add3A_3004 = arith.addf %add3A_2995, %abs3A_3003 : vector<16xf32>
        %get3A_3005 = arith.index_cast %select_n3A_164 : i32 to index
        %get3A_3006 = arith.index_cast %add3A_2821 : i32 to index
        %get3A_3007 = arith.constant 48 : index
        %get3A_3008 = tpu.vector_load %arg10[%get3A_3005, %get3A_3006, %get3A_3007] {strides = array<i32>} : memref<2x64x128xf32, #tpu.memory_space<vmem>>, vector<16xf32>,
        %add3A_3009 = arith.addf %sub3A_2885, %get3A_3008 : vector<16xf32>
        %mul3A_3010 = arith.mulf %div3A_2975, %get3A_2889 : vector<16xf32>
        %sub3A_3011 = arith.subf %add3A_3009, %mul3A_3010 : vector<16xf32>
        %abs3A_3012 = math.absf %sub3A_3011 : vector<16xf32>
        %add3A_3013 = arith.addf %add3A_3004, %abs3A_3012 : vector<16xf32>
        %get3A_3014 = arith.index_cast %select_n3A_164 : i32 to index
        %get3A_3015 = arith.index_cast %add3A_2821 : i32 to index
        %get3A_3016 = arith.constant 64 : index
        %get3A_3017 = tpu.vector_load %arg10[%get3A_3014, %get3A_3015, %get3A_3016] {strides = array<i32>} : memref<2x64x128xf32, #tpu.memory_space<vmem>>, vector<16xf32>,
        %add3A_3018 = arith.addf %sub3A_2902, %get3A_3017 : vector<16xf32>
        %mul3A_3019 = arith.mulf %div3A_2975, %get3A_2906 : vector<16xf32>
        %sub3A_3020 = arith.subf %add3A_3018, %mul3A_3019 : vector<16xf32>
        %abs3A_3021 = math.absf %sub3A_3020 : vector<16xf32>
        %add3A_3022 = arith.addf %add3A_3013, %abs3A_3021 : vector<16xf32>
        %get3A_3023 = arith.index_cast %select_n3A_164 : i32 to index
        %get3A_3024 = arith.index_cast %add3A_2821 : i32 to index
        %get3A_3025 = arith.constant 80 : index
        %get3A_3026 = tpu.vector_load %arg10[%get3A_3023, %get3A_3024, %get3A_3025] {strides = array<i32>} : memref<2x64x128xf32, #tpu.memory_space<vmem>>, vector<16xf32>,
        %add3A_3027 = arith.addf %sub3A_2919, %get3A_3026 : vector<16xf32>
        %mul3A_3028 = arith.mulf %div3A_2975, %get3A_2923 : vector<16xf32>
        %sub3A_3029 = arith.subf %add3A_3027, %mul3A_3028 : vector<16xf32>
        %abs3A_3030 = math.absf %sub3A_3029 : vector<16xf32>
        %add3A_3031 = arith.addf %add3A_3022, %abs3A_3030 : vector<16xf32>
        %get3A_3032 = arith.index_cast %select_n3A_164 : i32 to index
        %get3A_3033 = arith.index_cast %add3A_2821 : i32 to index
        %get3A_3034 = arith.constant 96 : index
        %get3A_3035 = tpu.vector_load %arg10[%get3A_3032, %get3A_3033, %get3A_3034] {strides = array<i32>} : memref<2x64x128xf32, #tpu.memory_space<vmem>>, vector<16xf32>,
        %add3A_3036 = arith.addf %sub3A_2936, %get3A_3035 : vector<16xf32>
        %mul3A_3037 = arith.mulf %div3A_2975, %get3A_2940 : vector<16xf32>
        %sub3A_3038 = arith.subf %add3A_3036, %mul3A_3037 : vector<16xf32>
        %abs3A_3039 = math.absf %sub3A_3038 : vector<16xf32>
        %add3A_3040 = arith.addf %add3A_3031, %abs3A_3039 : vector<16xf32>
        %get3A_3041 = arith.index_cast %select_n3A_164 : i32 to index
        %get3A_3042 = arith.index_cast %add3A_2821 : i32 to index
        %get3A_3043 = arith.constant 112 : index
        %get3A_3044 = tpu.vector_load %arg10[%get3A_3041, %get3A_3042, %get3A_3043] {strides = array<i32>} : memref<2x64x128xf32, #tpu.memory_space<vmem>>, vector<16xf32>,
        %add3A_3045 = arith.addf %sub3A_2953, %get3A_3044 : vector<16xf32>
        %mul3A_3046 = arith.mulf %div3A_2975, %get3A_2957 : vector<16xf32>
        %sub3A_3047 = arith.subf %add3A_3045, %mul3A_3046 : vector<16xf32>
        %abs3A_3048 = math.absf %sub3A_3047 : vector<16xf32>
        %add3A_3049 = arith.addf %add3A_3040, %abs3A_3048 : vector<16xf32>
        %reduce_sum3A_3050 = arith.constant true
        %reduce_sum3A_3051 = vector.broadcast %reduce_sum3A_3050 : i1 to vector<16xi1>
        %reduce_sum3A_3052 = tpu.scan <sum>, %add3A_3049 masked %reduce_sum3A_3051 : vector<16xf32>, vector<16xi1> -> vector<16xf32>
        %reduce_sum3A_3053 = vector.extract %reduce_sum3A_3052[15] : f32 from vector<16xf32>
        %broadcast_in_dim3A_3054 = vector.broadcast %reduce_sum3A_3053 : f32 to vector<16xf32>
        %eq3A_3055 = arith.constant 11 : i32
        %eq3A_3056 = vector.broadcast %eq3A_3055 : i32 to vector<16xi32>
        %eq3A_3057 = arith.cmpi eq, %iota3A, %eq3A_3056 : vector<16xi32>
        %select_n3A_3058 = arith.select %eq3A_3057, %broadcast_in_dim3A_3054, %select_n3A_2817 : vector<16xi1>, vector<16xf32>
        %mul3A_3059 = arith.constant 16 : i32
        %mul3A_3060 = arith.muli %scan3A_171, %mul3A_3059 : i32
        %add3A_3061 = arith.constant 12 : i32
        %add3A_3062 = arith.addi %mul3A_3060, %add3A_3061 : i32
        %broadcast_in_dim3A_3063 = arith.constant 0.000000e+00 : f32
        %broadcast_in_dim3A_3064 = vector.broadcast %broadcast_in_dim3A_3063 : f32 to vector<16xf32>
        %broadcast_in_dim3A_3065 = arith.constant 0.000000e+00 : f32
        %broadcast_in_dim3A_3066 = vector.broadcast %broadcast_in_dim3A_3065 : f32 to vector<16xf32>
        %get3A_3067 = arith.index_cast %select_n3A_164 : i32 to index
        %get3A_3068 = arith.index_cast %add3A_3062 : i32 to index
        %get3A_3069 = arith.constant 0 : index
        %get3A_3070 = tpu.vector_load %arg8[%get3A_3067, %get3A_3068, %get3A_3069] {strides = array<i32>} : memref<2x64x128xf32, #tpu.memory_space<vmem>>, vector<16xf32>,
        %get3A_3071 = arith.index_cast %select_n3A_164 : i32 to index
        %get3A_3072 = arith.index_cast %add3A_3062 : i32 to index
        %get3A_3073 = arith.constant 0 : index
        %get3A_3074 = tpu.vector_load %arg9[%get3A_3071, %get3A_3072, %get3A_3073] {strides = array<i32>} : memref<2x64x128xf32, #tpu.memory_space<vmem>>, vector<16xf32>,
        %sub3A_3075 = arith.subf %get3A_3070, %get3A_3074 : vector<16xf32>
        %get3A_3076 = arith.index_cast %select_n3A_164 : i32 to index
        %get3A_3077 = arith.index_cast %add3A_3062 : i32 to index
        %get3A_3078 = arith.constant 0 : index
        %get3A_3079 = tpu.vector_load %arg11[%get3A_3076, %get3A_3077, %get3A_3078] {strides = array<i32>} : memref<2x64x128xf32, #tpu.memory_space<vmem>>, vector<16xf32>,
        %mul3A_3080 = arith.mulf %sub3A_3075, %get3A_3079 : vector<16xf32>
        %add3A_3081 = arith.addf %broadcast_in_dim3A_3064, %mul3A_3080 : vector<16xf32>
        %mul3A_3082 = arith.mulf %get3A_3079, %get3A_3079 : vector<16xf32>
        %add3A_3083 = arith.addf %broadcast_in_dim3A_3066, %mul3A_3082 : vector<16xf32>
        %get3A_3084 = arith.index_cast %select_n3A_164 : i32 to index
        %get3A_3085 = arith.index_cast %add3A_3062 : i32 to index
        %get3A_3086 = arith.constant 16 : index
        %get3A_3087 = tpu.vector_load %arg8[%get3A_3084, %get3A_3085, %get3A_3086] {strides = array<i32>} : memref<2x64x128xf32, #tpu.memory_space<vmem>>, vector<16xf32>,
        %get3A_3088 = arith.index_cast %select_n3A_164 : i32 to index
        %get3A_3089 = arith.index_cast %add3A_3062 : i32 to index
        %get3A_3090 = arith.constant 16 : index
        %get3A_3091 = tpu.vector_load %arg9[%get3A_3088, %get3A_3089, %get3A_3090] {strides = array<i32>} : memref<2x64x128xf32, #tpu.memory_space<vmem>>, vector<16xf32>,
        %sub3A_3092 = arith.subf %get3A_3087, %get3A_3091 : vector<16xf32>
        %get3A_3093 = arith.index_cast %select_n3A_164 : i32 to index
        %get3A_3094 = arith.index_cast %add3A_3062 : i32 to index
        %get3A_3095 = arith.constant 16 : index
        %get3A_3096 = tpu.vector_load %arg11[%get3A_3093, %get3A_3094, %get3A_3095] {strides = array<i32>} : memref<2x64x128xf32, #tpu.memory_space<vmem>>, vector<16xf32>,
        %mul3A_3097 = arith.mulf %sub3A_3092, %get3A_3096 : vector<16xf32>
        %add3A_3098 = arith.addf %add3A_3081, %mul3A_3097 : vector<16xf32>
        %mul3A_3099 = arith.mulf %get3A_3096, %get3A_3096 : vector<16xf32>
        %add3A_3100 = arith.addf %add3A_3083, %mul3A_3099 : vector<16xf32>
        %get3A_3101 = arith.index_cast %select_n3A_164 : i32 to index
        %get3A_3102 = arith.index_cast %add3A_3062 : i32 to index
        %get3A_3103 = arith.constant 32 : index
        %get3A_3104 = tpu.vector_load %arg8[%get3A_3101, %get3A_3102, %get3A_3103] {strides = array<i32>} : memref<2x64x128xf32, #tpu.memory_space<vmem>>, vector<16xf32>,
        %get3A_3105 = arith.index_cast %select_n3A_164 : i32 to index
        %get3A_3106 = arith.index_cast %add3A_3062 : i32 to index
        %get3A_3107 = arith.constant 32 : index
        %get3A_3108 = tpu.vector_load %arg9[%get3A_3105, %get3A_3106, %get3A_3107] {strides = array<i32>} : memref<2x64x128xf32, #tpu.memory_space<vmem>>, vector<16xf32>,
        %sub3A_3109 = arith.subf %get3A_3104, %get3A_3108 : vector<16xf32>
        %get3A_3110 = arith.index_cast %select_n3A_164 : i32 to index
        %get3A_3111 = arith.index_cast %add3A_3062 : i32 to index
        %get3A_3112 = arith.constant 32 : index
        %get3A_3113 = tpu.vector_load %arg11[%get3A_3110, %get3A_3111, %get3A_3112] {strides = array<i32>} : memref<2x64x128xf32, #tpu.memory_space<vmem>>, vector<16xf32>,
        %mul3A_3114 = arith.mulf %sub3A_3109, %get3A_3113 : vector<16xf32>
        %add3A_3115 = arith.addf %add3A_3098, %mul3A_3114 : vector<16xf32>
        %mul3A_3116 = arith.mulf %get3A_3113, %get3A_3113 : vector<16xf32>
        %add3A_3117 = arith.addf %add3A_3100, %mul3A_3116 : vector<16xf32>
        %get3A_3118 = arith.index_cast %select_n3A_164 : i32 to index
        %get3A_3119 = arith.index_cast %add3A_3062 : i32 to index
        %get3A_3120 = arith.constant 48 : index
        %get3A_3121 = tpu.vector_load %arg8[%get3A_3118, %get3A_3119, %get3A_3120] {strides = array<i32>} : memref<2x64x128xf32, #tpu.memory_space<vmem>>, vector<16xf32>,
        %get3A_3122 = arith.index_cast %select_n3A_164 : i32 to index
        %get3A_3123 = arith.index_cast %add3A_3062 : i32 to index
        %get3A_3124 = arith.constant 48 : index
        %get3A_3125 = tpu.vector_load %arg9[%get3A_3122, %get3A_3123, %get3A_3124] {strides = array<i32>} : memref<2x64x128xf32, #tpu.memory_space<vmem>>, vector<16xf32>,
        %sub3A_3126 = arith.subf %get3A_3121, %get3A_3125 : vector<16xf32>
        %get3A_3127 = arith.index_cast %select_n3A_164 : i32 to index
        %get3A_3128 = arith.index_cast %add3A_3062 : i32 to index
        %get3A_3129 = arith.constant 48 : index
        %get3A_3130 = tpu.vector_load %arg11[%get3A_3127, %get3A_3128, %get3A_3129] {strides = array<i32>} : memref<2x64x128xf32, #tpu.memory_space<vmem>>, vector<16xf32>,
        %mul3A_3131 = arith.mulf %sub3A_3126, %get3A_3130 : vector<16xf32>
        %add3A_3132 = arith.addf %add3A_3115, %mul3A_3131 : vector<16xf32>
        %mul3A_3133 = arith.mulf %get3A_3130, %get3A_3130 : vector<16xf32>
        %add3A_3134 = arith.addf %add3A_3117, %mul3A_3133 : vector<16xf32>
        %get3A_3135 = arith.index_cast %select_n3A_164 : i32 to index
        %get3A_3136 = arith.index_cast %add3A_3062 : i32 to index
        %get3A_3137 = arith.constant 64 : index
        %get3A_3138 = tpu.vector_load %arg8[%get3A_3135, %get3A_3136, %get3A_3137] {strides = array<i32>} : memref<2x64x128xf32, #tpu.memory_space<vmem>>, vector<16xf32>,
        %get3A_3139 = arith.index_cast %select_n3A_164 : i32 to index
        %get3A_3140 = arith.index_cast %add3A_3062 : i32 to index
        %get3A_3141 = arith.constant 64 : index
        %get3A_3142 = tpu.vector_load %arg9[%get3A_3139, %get3A_3140, %get3A_3141] {strides = array<i32>} : memref<2x64x128xf32, #tpu.memory_space<vmem>>, vector<16xf32>,
        %sub3A_3143 = arith.subf %get3A_3138, %get3A_3142 : vector<16xf32>
        %get3A_3144 = arith.index_cast %select_n3A_164 : i32 to index
        %get3A_3145 = arith.index_cast %add3A_3062 : i32 to index
        %get3A_3146 = arith.constant 64 : index
        %get3A_3147 = tpu.vector_load %arg11[%get3A_3144, %get3A_3145, %get3A_3146] {strides = array<i32>} : memref<2x64x128xf32, #tpu.memory_space<vmem>>, vector<16xf32>,
        %mul3A_3148 = arith.mulf %sub3A_3143, %get3A_3147 : vector<16xf32>
        %add3A_3149 = arith.addf %add3A_3132, %mul3A_3148 : vector<16xf32>
        %mul3A_3150 = arith.mulf %get3A_3147, %get3A_3147 : vector<16xf32>
        %add3A_3151 = arith.addf %add3A_3134, %mul3A_3150 : vector<16xf32>
        %get3A_3152 = arith.index_cast %select_n3A_164 : i32 to index
        %get3A_3153 = arith.index_cast %add3A_3062 : i32 to index
        %get3A_3154 = arith.constant 80 : index
        %get3A_3155 = tpu.vector_load %arg8[%get3A_3152, %get3A_3153, %get3A_3154] {strides = array<i32>} : memref<2x64x128xf32, #tpu.memory_space<vmem>>, vector<16xf32>,
        %get3A_3156 = arith.index_cast %select_n3A_164 : i32 to index
        %get3A_3157 = arith.index_cast %add3A_3062 : i32 to index
        %get3A_3158 = arith.constant 80 : index
        %get3A_3159 = tpu.vector_load %arg9[%get3A_3156, %get3A_3157, %get3A_3158] {strides = array<i32>} : memref<2x64x128xf32, #tpu.memory_space<vmem>>, vector<16xf32>,
        %sub3A_3160 = arith.subf %get3A_3155, %get3A_3159 : vector<16xf32>
        %get3A_3161 = arith.index_cast %select_n3A_164 : i32 to index
        %get3A_3162 = arith.index_cast %add3A_3062 : i32 to index
        %get3A_3163 = arith.constant 80 : index
        %get3A_3164 = tpu.vector_load %arg11[%get3A_3161, %get3A_3162, %get3A_3163] {strides = array<i32>} : memref<2x64x128xf32, #tpu.memory_space<vmem>>, vector<16xf32>,
        %mul3A_3165 = arith.mulf %sub3A_3160, %get3A_3164 : vector<16xf32>
        %add3A_3166 = arith.addf %add3A_3149, %mul3A_3165 : vector<16xf32>
        %mul3A_3167 = arith.mulf %get3A_3164, %get3A_3164 : vector<16xf32>
        %add3A_3168 = arith.addf %add3A_3151, %mul3A_3167 : vector<16xf32>
        %get3A_3169 = arith.index_cast %select_n3A_164 : i32 to index
        %get3A_3170 = arith.index_cast %add3A_3062 : i32 to index
        %get3A_3171 = arith.constant 96 : index
        %get3A_3172 = tpu.vector_load %arg8[%get3A_3169, %get3A_3170, %get3A_3171] {strides = array<i32>} : memref<2x64x128xf32, #tpu.memory_space<vmem>>, vector<16xf32>,
        %get3A_3173 = arith.index_cast %select_n3A_164 : i32 to index
        %get3A_3174 = arith.index_cast %add3A_3062 : i32 to index
        %get3A_3175 = arith.constant 96 : index
        %get3A_3176 = tpu.vector_load %arg9[%get3A_3173, %get3A_3174, %get3A_3175] {strides = array<i32>} : memref<2x64x128xf32, #tpu.memory_space<vmem>>, vector<16xf32>,
        %sub3A_3177 = arith.subf %get3A_3172, %get3A_3176 : vector<16xf32>
        %get3A_3178 = arith.index_cast %select_n3A_164 : i32 to index
        %get3A_3179 = arith.index_cast %add3A_3062 : i32 to index
        %get3A_3180 = arith.constant 96 : index
        %get3A_3181 = tpu.vector_load %arg11[%get3A_3178, %get3A_3179, %get3A_3180] {strides = array<i32>} : memref<2x64x128xf32, #tpu.memory_space<vmem>>, vector<16xf32>,
        %mul3A_3182 = arith.mulf %sub3A_3177, %get3A_3181 : vector<16xf32>
        %add3A_3183 = arith.addf %add3A_3166, %mul3A_3182 : vector<16xf32>
        %mul3A_3184 = arith.mulf %get3A_3181, %get3A_3181 : vector<16xf32>
        %add3A_3185 = arith.addf %add3A_3168, %mul3A_3184 : vector<16xf32>
        %get3A_3186 = arith.index_cast %select_n3A_164 : i32 to index
        %get3A_3187 = arith.index_cast %add3A_3062 : i32 to index
        %get3A_3188 = arith.constant 112 : index
        %get3A_3189 = tpu.vector_load %arg8[%get3A_3186, %get3A_3187, %get3A_3188] {strides = array<i32>} : memref<2x64x128xf32, #tpu.memory_space<vmem>>, vector<16xf32>,
        %get3A_3190 = arith.index_cast %select_n3A_164 : i32 to index
        %get3A_3191 = arith.index_cast %add3A_3062 : i32 to index
        %get3A_3192 = arith.constant 112 : index
        %get3A_3193 = tpu.vector_load %arg9[%get3A_3190, %get3A_3191, %get3A_3192] {strides = array<i32>} : memref<2x64x128xf32, #tpu.memory_space<vmem>>, vector<16xf32>,
        %sub3A_3194 = arith.subf %get3A_3189, %get3A_3193 : vector<16xf32>
        %get3A_3195 = arith.index_cast %select_n3A_164 : i32 to index
        %get3A_3196 = arith.index_cast %add3A_3062 : i32 to index
        %get3A_3197 = arith.constant 112 : index
        %get3A_3198 = tpu.vector_load %arg11[%get3A_3195, %get3A_3196, %get3A_3197] {strides = array<i32>} : memref<2x64x128xf32, #tpu.memory_space<vmem>>, vector<16xf32>,
        %mul3A_3199 = arith.mulf %sub3A_3194, %get3A_3198 : vector<16xf32>
        %add3A_3200 = arith.addf %add3A_3183, %mul3A_3199 : vector<16xf32>
        %mul3A_3201 = arith.mulf %get3A_3198, %get3A_3198 : vector<16xf32>
        %add3A_3202 = arith.addf %add3A_3185, %mul3A_3201 : vector<16xf32>
        %reduce_sum3A_3203 = arith.constant true
        %reduce_sum3A_3204 = vector.broadcast %reduce_sum3A_3203 : i1 to vector<16xi1>
        %reduce_sum3A_3205 = tpu.scan <sum>, %add3A_3200 masked %reduce_sum3A_3204 : vector<16xf32>, vector<16xi1> -> vector<16xf32>
        %reduce_sum3A_3206 = vector.extract %reduce_sum3A_3205[15] : f32 from vector<16xf32>
        %broadcast_in_dim3A_3207 = vector.broadcast %reduce_sum3A_3206 : f32 to vector<16xf32>
        %reduce_sum3A_3208 = arith.constant true
        %reduce_sum3A_3209 = vector.broadcast %reduce_sum3A_3208 : i1 to vector<16xi1>
        %reduce_sum3A_3210 = tpu.scan <sum>, %add3A_3202 masked %reduce_sum3A_3209 : vector<16xf32>, vector<16xi1> -> vector<16xf32>
        %reduce_sum3A_3211 = vector.extract %reduce_sum3A_3210[15] : f32 from vector<16xf32>
        %broadcast_in_dim3A_3212 = vector.broadcast %reduce_sum3A_3211 : f32 to vector<16xf32>
        %max3A_3213 = arith.constant 1.000000e-24 : f32
        %max3A_3214 = vector.broadcast %max3A_3213 : f32 to vector<16xf32>
        %max3A_3215 = arith.maximumf %broadcast_in_dim3A_3212, %max3A_3214 : vector<16xf32>
        %div3A_3216 = arith.divf %broadcast_in_dim3A_3207, %max3A_3215 : vector<16xf32>
        %broadcast_in_dim3A_3217 = arith.constant 0.000000e+00 : f32
        %broadcast_in_dim3A_3218 = vector.broadcast %broadcast_in_dim3A_3217 : f32 to vector<16xf32>
        %get3A_3219 = arith.index_cast %select_n3A_164 : i32 to index
        %get3A_3220 = arith.index_cast %add3A_3062 : i32 to index
        %get3A_3221 = arith.constant 0 : index
        %get3A_3222 = tpu.vector_load %arg10[%get3A_3219, %get3A_3220, %get3A_3221] {strides = array<i32>} : memref<2x64x128xf32, #tpu.memory_space<vmem>>, vector<16xf32>,
        %add3A_3223 = arith.addf %sub3A_3075, %get3A_3222 : vector<16xf32>
        %mul3A_3224 = arith.mulf %div3A_3216, %get3A_3079 : vector<16xf32>
        %sub3A_3225 = arith.subf %add3A_3223, %mul3A_3224 : vector<16xf32>
        %abs3A_3226 = math.absf %sub3A_3225 : vector<16xf32>
        %add3A_3227 = arith.addf %broadcast_in_dim3A_3218, %abs3A_3226 : vector<16xf32>
        %get3A_3228 = arith.index_cast %select_n3A_164 : i32 to index
        %get3A_3229 = arith.index_cast %add3A_3062 : i32 to index
        %get3A_3230 = arith.constant 16 : index
        %get3A_3231 = tpu.vector_load %arg10[%get3A_3228, %get3A_3229, %get3A_3230] {strides = array<i32>} : memref<2x64x128xf32, #tpu.memory_space<vmem>>, vector<16xf32>,
        %add3A_3232 = arith.addf %sub3A_3092, %get3A_3231 : vector<16xf32>
        %mul3A_3233 = arith.mulf %div3A_3216, %get3A_3096 : vector<16xf32>
        %sub3A_3234 = arith.subf %add3A_3232, %mul3A_3233 : vector<16xf32>
        %abs3A_3235 = math.absf %sub3A_3234 : vector<16xf32>
        %add3A_3236 = arith.addf %add3A_3227, %abs3A_3235 : vector<16xf32>
        %get3A_3237 = arith.index_cast %select_n3A_164 : i32 to index
        %get3A_3238 = arith.index_cast %add3A_3062 : i32 to index
        %get3A_3239 = arith.constant 32 : index
        %get3A_3240 = tpu.vector_load %arg10[%get3A_3237, %get3A_3238, %get3A_3239] {strides = array<i32>} : memref<2x64x128xf32, #tpu.memory_space<vmem>>, vector<16xf32>,
        %add3A_3241 = arith.addf %sub3A_3109, %get3A_3240 : vector<16xf32>
        %mul3A_3242 = arith.mulf %div3A_3216, %get3A_3113 : vector<16xf32>
        %sub3A_3243 = arith.subf %add3A_3241, %mul3A_3242 : vector<16xf32>
        %abs3A_3244 = math.absf %sub3A_3243 : vector<16xf32>
        %add3A_3245 = arith.addf %add3A_3236, %abs3A_3244 : vector<16xf32>
        %get3A_3246 = arith.index_cast %select_n3A_164 : i32 to index
        %get3A_3247 = arith.index_cast %add3A_3062 : i32 to index
        %get3A_3248 = arith.constant 48 : index
        %get3A_3249 = tpu.vector_load %arg10[%get3A_3246, %get3A_3247, %get3A_3248] {strides = array<i32>} : memref<2x64x128xf32, #tpu.memory_space<vmem>>, vector<16xf32>,
        %add3A_3250 = arith.addf %sub3A_3126, %get3A_3249 : vector<16xf32>
        %mul3A_3251 = arith.mulf %div3A_3216, %get3A_3130 : vector<16xf32>
        %sub3A_3252 = arith.subf %add3A_3250, %mul3A_3251 : vector<16xf32>
        %abs3A_3253 = math.absf %sub3A_3252 : vector<16xf32>
        %add3A_3254 = arith.addf %add3A_3245, %abs3A_3253 : vector<16xf32>
        %get3A_3255 = arith.index_cast %select_n3A_164 : i32 to index
        %get3A_3256 = arith.index_cast %add3A_3062 : i32 to index
        %get3A_3257 = arith.constant 64 : index
        %get3A_3258 = tpu.vector_load %arg10[%get3A_3255, %get3A_3256, %get3A_3257] {strides = array<i32>} : memref<2x64x128xf32, #tpu.memory_space<vmem>>, vector<16xf32>,
        %add3A_3259 = arith.addf %sub3A_3143, %get3A_3258 : vector<16xf32>
        %mul3A_3260 = arith.mulf %div3A_3216, %get3A_3147 : vector<16xf32>
        %sub3A_3261 = arith.subf %add3A_3259, %mul3A_3260 : vector<16xf32>
        %abs3A_3262 = math.absf %sub3A_3261 : vector<16xf32>
        %add3A_3263 = arith.addf %add3A_3254, %abs3A_3262 : vector<16xf32>
        %get3A_3264 = arith.index_cast %select_n3A_164 : i32 to index
        %get3A_3265 = arith.index_cast %add3A_3062 : i32 to index
        %get3A_3266 = arith.constant 80 : index
        %get3A_3267 = tpu.vector_load %arg10[%get3A_3264, %get3A_3265, %get3A_3266] {strides = array<i32>} : memref<2x64x128xf32, #tpu.memory_space<vmem>>, vector<16xf32>,
        %add3A_3268 = arith.addf %sub3A_3160, %get3A_3267 : vector<16xf32>
        %mul3A_3269 = arith.mulf %div3A_3216, %get3A_3164 : vector<16xf32>
        %sub3A_3270 = arith.subf %add3A_3268, %mul3A_3269 : vector<16xf32>
        %abs3A_3271 = math.absf %sub3A_3270 : vector<16xf32>
        %add3A_3272 = arith.addf %add3A_3263, %abs3A_3271 : vector<16xf32>
        %get3A_3273 = arith.index_cast %select_n3A_164 : i32 to index
        %get3A_3274 = arith.index_cast %add3A_3062 : i32 to index
        %get3A_3275 = arith.constant 96 : index
        %get3A_3276 = tpu.vector_load %arg10[%get3A_3273, %get3A_3274, %get3A_3275] {strides = array<i32>} : memref<2x64x128xf32, #tpu.memory_space<vmem>>, vector<16xf32>,
        %add3A_3277 = arith.addf %sub3A_3177, %get3A_3276 : vector<16xf32>
        %mul3A_3278 = arith.mulf %div3A_3216, %get3A_3181 : vector<16xf32>
        %sub3A_3279 = arith.subf %add3A_3277, %mul3A_3278 : vector<16xf32>
        %abs3A_3280 = math.absf %sub3A_3279 : vector<16xf32>
        %add3A_3281 = arith.addf %add3A_3272, %abs3A_3280 : vector<16xf32>
        %get3A_3282 = arith.index_cast %select_n3A_164 : i32 to index
        %get3A_3283 = arith.index_cast %add3A_3062 : i32 to index
        %get3A_3284 = arith.constant 112 : index
        %get3A_3285 = tpu.vector_load %arg10[%get3A_3282, %get3A_3283, %get3A_3284] {strides = array<i32>} : memref<2x64x128xf32, #tpu.memory_space<vmem>>, vector<16xf32>,
        %add3A_3286 = arith.addf %sub3A_3194, %get3A_3285 : vector<16xf32>
        %mul3A_3287 = arith.mulf %div3A_3216, %get3A_3198 : vector<16xf32>
        %sub3A_3288 = arith.subf %add3A_3286, %mul3A_3287 : vector<16xf32>
        %abs3A_3289 = math.absf %sub3A_3288 : vector<16xf32>
        %add3A_3290 = arith.addf %add3A_3281, %abs3A_3289 : vector<16xf32>
        %reduce_sum3A_3291 = arith.constant true
        %reduce_sum3A_3292 = vector.broadcast %reduce_sum3A_3291 : i1 to vector<16xi1>
        %reduce_sum3A_3293 = tpu.scan <sum>, %add3A_3290 masked %reduce_sum3A_3292 : vector<16xf32>, vector<16xi1> -> vector<16xf32>
        %reduce_sum3A_3294 = vector.extract %reduce_sum3A_3293[15] : f32 from vector<16xf32>
        %broadcast_in_dim3A_3295 = vector.broadcast %reduce_sum3A_3294 : f32 to vector<16xf32>
        %eq3A_3296 = arith.constant 12 : i32
        %eq3A_3297 = vector.broadcast %eq3A_3296 : i32 to vector<16xi32>
        %eq3A_3298 = arith.cmpi eq, %iota3A, %eq3A_3297 : vector<16xi32>
        %select_n3A_3299 = arith.select %eq3A_3298, %broadcast_in_dim3A_3295, %select_n3A_3058 : vector<16xi1>, vector<16xf32>
        %mul3A_3300 = arith.constant 16 : i32
        %mul3A_3301 = arith.muli %scan3A_171, %mul3A_3300 : i32
        %add3A_3302 = arith.constant 13 : i32
        %add3A_3303 = arith.addi %mul3A_3301, %add3A_3302 : i32
        %broadcast_in_dim3A_3304 = arith.constant 0.000000e+00 : f32
        %broadcast_in_dim3A_3305 = vector.broadcast %broadcast_in_dim3A_3304 : f32 to vector<16xf32>
        %broadcast_in_dim3A_3306 = arith.constant 0.000000e+00 : f32
        %broadcast_in_dim3A_3307 = vector.broadcast %broadcast_in_dim3A_3306 : f32 to vector<16xf32>
        %get3A_3308 = arith.index_cast %select_n3A_164 : i32 to index
        %get3A_3309 = arith.index_cast %add3A_3303 : i32 to index
        %get3A_3310 = arith.constant 0 : index
        %get3A_3311 = tpu.vector_load %arg8[%get3A_3308, %get3A_3309, %get3A_3310] {strides = array<i32>} : memref<2x64x128xf32, #tpu.memory_space<vmem>>, vector<16xf32>,
        %get3A_3312 = arith.index_cast %select_n3A_164 : i32 to index
        %get3A_3313 = arith.index_cast %add3A_3303 : i32 to index
        %get3A_3314 = arith.constant 0 : index
        %get3A_3315 = tpu.vector_load %arg9[%get3A_3312, %get3A_3313, %get3A_3314] {strides = array<i32>} : memref<2x64x128xf32, #tpu.memory_space<vmem>>, vector<16xf32>,
        %sub3A_3316 = arith.subf %get3A_3311, %get3A_3315 : vector<16xf32>
        %get3A_3317 = arith.index_cast %select_n3A_164 : i32 to index
        %get3A_3318 = arith.index_cast %add3A_3303 : i32 to index
        %get3A_3319 = arith.constant 0 : index
        %get3A_3320 = tpu.vector_load %arg11[%get3A_3317, %get3A_3318, %get3A_3319] {strides = array<i32>} : memref<2x64x128xf32, #tpu.memory_space<vmem>>, vector<16xf32>,
        %mul3A_3321 = arith.mulf %sub3A_3316, %get3A_3320 : vector<16xf32>
        %add3A_3322 = arith.addf %broadcast_in_dim3A_3305, %mul3A_3321 : vector<16xf32>
        %mul3A_3323 = arith.mulf %get3A_3320, %get3A_3320 : vector<16xf32>
        %add3A_3324 = arith.addf %broadcast_in_dim3A_3307, %mul3A_3323 : vector<16xf32>
        %get3A_3325 = arith.index_cast %select_n3A_164 : i32 to index
        %get3A_3326 = arith.index_cast %add3A_3303 : i32 to index
        %get3A_3327 = arith.constant 16 : index
        %get3A_3328 = tpu.vector_load %arg8[%get3A_3325, %get3A_3326, %get3A_3327] {strides = array<i32>} : memref<2x64x128xf32, #tpu.memory_space<vmem>>, vector<16xf32>,
        %get3A_3329 = arith.index_cast %select_n3A_164 : i32 to index
        %get3A_3330 = arith.index_cast %add3A_3303 : i32 to index
        %get3A_3331 = arith.constant 16 : index
        %get3A_3332 = tpu.vector_load %arg9[%get3A_3329, %get3A_3330, %get3A_3331] {strides = array<i32>} : memref<2x64x128xf32, #tpu.memory_space<vmem>>, vector<16xf32>,
        %sub3A_3333 = arith.subf %get3A_3328, %get3A_3332 : vector<16xf32>
        %get3A_3334 = arith.index_cast %select_n3A_164 : i32 to index
        %get3A_3335 = arith.index_cast %add3A_3303 : i32 to index
        %get3A_3336 = arith.constant 16 : index
        %get3A_3337 = tpu.vector_load %arg11[%get3A_3334, %get3A_3335, %get3A_3336] {strides = array<i32>} : memref<2x64x128xf32, #tpu.memory_space<vmem>>, vector<16xf32>,
        %mul3A_3338 = arith.mulf %sub3A_3333, %get3A_3337 : vector<16xf32>
        %add3A_3339 = arith.addf %add3A_3322, %mul3A_3338 : vector<16xf32>
        %mul3A_3340 = arith.mulf %get3A_3337, %get3A_3337 : vector<16xf32>
        %add3A_3341 = arith.addf %add3A_3324, %mul3A_3340 : vector<16xf32>
        %get3A_3342 = arith.index_cast %select_n3A_164 : i32 to index
        %get3A_3343 = arith.index_cast %add3A_3303 : i32 to index
        %get3A_3344 = arith.constant 32 : index
        %get3A_3345 = tpu.vector_load %arg8[%get3A_3342, %get3A_3343, %get3A_3344] {strides = array<i32>} : memref<2x64x128xf32, #tpu.memory_space<vmem>>, vector<16xf32>,
        %get3A_3346 = arith.index_cast %select_n3A_164 : i32 to index
        %get3A_3347 = arith.index_cast %add3A_3303 : i32 to index
        %get3A_3348 = arith.constant 32 : index
        %get3A_3349 = tpu.vector_load %arg9[%get3A_3346, %get3A_3347, %get3A_3348] {strides = array<i32>} : memref<2x64x128xf32, #tpu.memory_space<vmem>>, vector<16xf32>,
        %sub3A_3350 = arith.subf %get3A_3345, %get3A_3349 : vector<16xf32>
        %get3A_3351 = arith.index_cast %select_n3A_164 : i32 to index
        %get3A_3352 = arith.index_cast %add3A_3303 : i32 to index
        %get3A_3353 = arith.constant 32 : index
        %get3A_3354 = tpu.vector_load %arg11[%get3A_3351, %get3A_3352, %get3A_3353] {strides = array<i32>} : memref<2x64x128xf32, #tpu.memory_space<vmem>>, vector<16xf32>,
        %mul3A_3355 = arith.mulf %sub3A_3350, %get3A_3354 : vector<16xf32>
        %add3A_3356 = arith.addf %add3A_3339, %mul3A_3355 : vector<16xf32>
        %mul3A_3357 = arith.mulf %get3A_3354, %get3A_3354 : vector<16xf32>
        %add3A_3358 = arith.addf %add3A_3341, %mul3A_3357 : vector<16xf32>
        %get3A_3359 = arith.index_cast %select_n3A_164 : i32 to index
        %get3A_3360 = arith.index_cast %add3A_3303 : i32 to index
        %get3A_3361 = arith.constant 48 : index
        %get3A_3362 = tpu.vector_load %arg8[%get3A_3359, %get3A_3360, %get3A_3361] {strides = array<i32>} : memref<2x64x128xf32, #tpu.memory_space<vmem>>, vector<16xf32>,
        %get3A_3363 = arith.index_cast %select_n3A_164 : i32 to index
        %get3A_3364 = arith.index_cast %add3A_3303 : i32 to index
        %get3A_3365 = arith.constant 48 : index
        %get3A_3366 = tpu.vector_load %arg9[%get3A_3363, %get3A_3364, %get3A_3365] {strides = array<i32>} : memref<2x64x128xf32, #tpu.memory_space<vmem>>, vector<16xf32>,
        %sub3A_3367 = arith.subf %get3A_3362, %get3A_3366 : vector<16xf32>
        %get3A_3368 = arith.index_cast %select_n3A_164 : i32 to index
        %get3A_3369 = arith.index_cast %add3A_3303 : i32 to index
        %get3A_3370 = arith.constant 48 : index
        %get3A_3371 = tpu.vector_load %arg11[%get3A_3368, %get3A_3369, %get3A_3370] {strides = array<i32>} : memref<2x64x128xf32, #tpu.memory_space<vmem>>, vector<16xf32>,
        %mul3A_3372 = arith.mulf %sub3A_3367, %get3A_3371 : vector<16xf32>
        %add3A_3373 = arith.addf %add3A_3356, %mul3A_3372 : vector<16xf32>
        %mul3A_3374 = arith.mulf %get3A_3371, %get3A_3371 : vector<16xf32>
        %add3A_3375 = arith.addf %add3A_3358, %mul3A_3374 : vector<16xf32>
        %get3A_3376 = arith.index_cast %select_n3A_164 : i32 to index
        %get3A_3377 = arith.index_cast %add3A_3303 : i32 to index
        %get3A_3378 = arith.constant 64 : index
        %get3A_3379 = tpu.vector_load %arg8[%get3A_3376, %get3A_3377, %get3A_3378] {strides = array<i32>} : memref<2x64x128xf32, #tpu.memory_space<vmem>>, vector<16xf32>,
        %get3A_3380 = arith.index_cast %select_n3A_164 : i32 to index
        %get3A_3381 = arith.index_cast %add3A_3303 : i32 to index
        %get3A_3382 = arith.constant 64 : index
        %get3A_3383 = tpu.vector_load %arg9[%get3A_3380, %get3A_3381, %get3A_3382] {strides = array<i32>} : memref<2x64x128xf32, #tpu.memory_space<vmem>>, vector<16xf32>,
        %sub3A_3384 = arith.subf %get3A_3379, %get3A_3383 : vector<16xf32>
        %get3A_3385 = arith.index_cast %select_n3A_164 : i32 to index
        %get3A_3386 = arith.index_cast %add3A_3303 : i32 to index
        %get3A_3387 = arith.constant 64 : index
        %get3A_3388 = tpu.vector_load %arg11[%get3A_3385, %get3A_3386, %get3A_3387] {strides = array<i32>} : memref<2x64x128xf32, #tpu.memory_space<vmem>>, vector<16xf32>,
        %mul3A_3389 = arith.mulf %sub3A_3384, %get3A_3388 : vector<16xf32>
        %add3A_3390 = arith.addf %add3A_3373, %mul3A_3389 : vector<16xf32>
        %mul3A_3391 = arith.mulf %get3A_3388, %get3A_3388 : vector<16xf32>
        %add3A_3392 = arith.addf %add3A_3375, %mul3A_3391 : vector<16xf32>
        %get3A_3393 = arith.index_cast %select_n3A_164 : i32 to index
        %get3A_3394 = arith.index_cast %add3A_3303 : i32 to index
        %get3A_3395 = arith.constant 80 : index
        %get3A_3396 = tpu.vector_load %arg8[%get3A_3393, %get3A_3394, %get3A_3395] {strides = array<i32>} : memref<2x64x128xf32, #tpu.memory_space<vmem>>, vector<16xf32>,
        %get3A_3397 = arith.index_cast %select_n3A_164 : i32 to index
        %get3A_3398 = arith.index_cast %add3A_3303 : i32 to index
        %get3A_3399 = arith.constant 80 : index
        %get3A_3400 = tpu.vector_load %arg9[%get3A_3397, %get3A_3398, %get3A_3399] {strides = array<i32>} : memref<2x64x128xf32, #tpu.memory_space<vmem>>, vector<16xf32>,
        %sub3A_3401 = arith.subf %get3A_3396, %get3A_3400 : vector<16xf32>
        %get3A_3402 = arith.index_cast %select_n3A_164 : i32 to index
        %get3A_3403 = arith.index_cast %add3A_3303 : i32 to index
        %get3A_3404 = arith.constant 80 : index
        %get3A_3405 = tpu.vector_load %arg11[%get3A_3402, %get3A_3403, %get3A_3404] {strides = array<i32>} : memref<2x64x128xf32, #tpu.memory_space<vmem>>, vector<16xf32>,
        %mul3A_3406 = arith.mulf %sub3A_3401, %get3A_3405 : vector<16xf32>
        %add3A_3407 = arith.addf %add3A_3390, %mul3A_3406 : vector<16xf32>
        %mul3A_3408 = arith.mulf %get3A_3405, %get3A_3405 : vector<16xf32>
        %add3A_3409 = arith.addf %add3A_3392, %mul3A_3408 : vector<16xf32>
        %get3A_3410 = arith.index_cast %select_n3A_164 : i32 to index
        %get3A_3411 = arith.index_cast %add3A_3303 : i32 to index
        %get3A_3412 = arith.constant 96 : index
        %get3A_3413 = tpu.vector_load %arg8[%get3A_3410, %get3A_3411, %get3A_3412] {strides = array<i32>} : memref<2x64x128xf32, #tpu.memory_space<vmem>>, vector<16xf32>,
        %get3A_3414 = arith.index_cast %select_n3A_164 : i32 to index
        %get3A_3415 = arith.index_cast %add3A_3303 : i32 to index
        %get3A_3416 = arith.constant 96 : index
        %get3A_3417 = tpu.vector_load %arg9[%get3A_3414, %get3A_3415, %get3A_3416] {strides = array<i32>} : memref<2x64x128xf32, #tpu.memory_space<vmem>>, vector<16xf32>,
        %sub3A_3418 = arith.subf %get3A_3413, %get3A_3417 : vector<16xf32>
        %get3A_3419 = arith.index_cast %select_n3A_164 : i32 to index
        %get3A_3420 = arith.index_cast %add3A_3303 : i32 to index
        %get3A_3421 = arith.constant 96 : index
        %get3A_3422 = tpu.vector_load %arg11[%get3A_3419, %get3A_3420, %get3A_3421] {strides = array<i32>} : memref<2x64x128xf32, #tpu.memory_space<vmem>>, vector<16xf32>,
        %mul3A_3423 = arith.mulf %sub3A_3418, %get3A_3422 : vector<16xf32>
        %add3A_3424 = arith.addf %add3A_3407, %mul3A_3423 : vector<16xf32>
        %mul3A_3425 = arith.mulf %get3A_3422, %get3A_3422 : vector<16xf32>
        %add3A_3426 = arith.addf %add3A_3409, %mul3A_3425 : vector<16xf32>
        %get3A_3427 = arith.index_cast %select_n3A_164 : i32 to index
        %get3A_3428 = arith.index_cast %add3A_3303 : i32 to index
        %get3A_3429 = arith.constant 112 : index
        %get3A_3430 = tpu.vector_load %arg8[%get3A_3427, %get3A_3428, %get3A_3429] {strides = array<i32>} : memref<2x64x128xf32, #tpu.memory_space<vmem>>, vector<16xf32>,
        %get3A_3431 = arith.index_cast %select_n3A_164 : i32 to index
        %get3A_3432 = arith.index_cast %add3A_3303 : i32 to index
        %get3A_3433 = arith.constant 112 : index
        %get3A_3434 = tpu.vector_load %arg9[%get3A_3431, %get3A_3432, %get3A_3433] {strides = array<i32>} : memref<2x64x128xf32, #tpu.memory_space<vmem>>, vector<16xf32>,
        %sub3A_3435 = arith.subf %get3A_3430, %get3A_3434 : vector<16xf32>
        %get3A_3436 = arith.index_cast %select_n3A_164 : i32 to index
        %get3A_3437 = arith.index_cast %add3A_3303 : i32 to index
        %get3A_3438 = arith.constant 112 : index
        %get3A_3439 = tpu.vector_load %arg11[%get3A_3436, %get3A_3437, %get3A_3438] {strides = array<i32>} : memref<2x64x128xf32, #tpu.memory_space<vmem>>, vector<16xf32>,
        %mul3A_3440 = arith.mulf %sub3A_3435, %get3A_3439 : vector<16xf32>
        %add3A_3441 = arith.addf %add3A_3424, %mul3A_3440 : vector<16xf32>
        %mul3A_3442 = arith.mulf %get3A_3439, %get3A_3439 : vector<16xf32>
        %add3A_3443 = arith.addf %add3A_3426, %mul3A_3442 : vector<16xf32>
        %reduce_sum3A_3444 = arith.constant true
        %reduce_sum3A_3445 = vector.broadcast %reduce_sum3A_3444 : i1 to vector<16xi1>
        %reduce_sum3A_3446 = tpu.scan <sum>, %add3A_3441 masked %reduce_sum3A_3445 : vector<16xf32>, vector<16xi1> -> vector<16xf32>
        %reduce_sum3A_3447 = vector.extract %reduce_sum3A_3446[15] : f32 from vector<16xf32>
        %broadcast_in_dim3A_3448 = vector.broadcast %reduce_sum3A_3447 : f32 to vector<16xf32>
        %reduce_sum3A_3449 = arith.constant true
        %reduce_sum3A_3450 = vector.broadcast %reduce_sum3A_3449 : i1 to vector<16xi1>
        %reduce_sum3A_3451 = tpu.scan <sum>, %add3A_3443 masked %reduce_sum3A_3450 : vector<16xf32>, vector<16xi1> -> vector<16xf32>
        %reduce_sum3A_3452 = vector.extract %reduce_sum3A_3451[15] : f32 from vector<16xf32>
        %broadcast_in_dim3A_3453 = vector.broadcast %reduce_sum3A_3452 : f32 to vector<16xf32>
        %max3A_3454 = arith.constant 1.000000e-24 : f32
        %max3A_3455 = vector.broadcast %max3A_3454 : f32 to vector<16xf32>
        %max3A_3456 = arith.maximumf %broadcast_in_dim3A_3453, %max3A_3455 : vector<16xf32>
        %div3A_3457 = arith.divf %broadcast_in_dim3A_3448, %max3A_3456 : vector<16xf32>
        %broadcast_in_dim3A_3458 = arith.constant 0.000000e+00 : f32
        %broadcast_in_dim3A_3459 = vector.broadcast %broadcast_in_dim3A_3458 : f32 to vector<16xf32>
        %get3A_3460 = arith.index_cast %select_n3A_164 : i32 to index
        %get3A_3461 = arith.index_cast %add3A_3303 : i32 to index
        %get3A_3462 = arith.constant 0 : index
        %get3A_3463 = tpu.vector_load %arg10[%get3A_3460, %get3A_3461, %get3A_3462] {strides = array<i32>} : memref<2x64x128xf32, #tpu.memory_space<vmem>>, vector<16xf32>,
        %add3A_3464 = arith.addf %sub3A_3316, %get3A_3463 : vector<16xf32>
        %mul3A_3465 = arith.mulf %div3A_3457, %get3A_3320 : vector<16xf32>
        %sub3A_3466 = arith.subf %add3A_3464, %mul3A_3465 : vector<16xf32>
        %abs3A_3467 = math.absf %sub3A_3466 : vector<16xf32>
        %add3A_3468 = arith.addf %broadcast_in_dim3A_3459, %abs3A_3467 : vector<16xf32>
        %get3A_3469 = arith.index_cast %select_n3A_164 : i32 to index
        %get3A_3470 = arith.index_cast %add3A_3303 : i32 to index
        %get3A_3471 = arith.constant 16 : index
        %get3A_3472 = tpu.vector_load %arg10[%get3A_3469, %get3A_3470, %get3A_3471] {strides = array<i32>} : memref<2x64x128xf32, #tpu.memory_space<vmem>>, vector<16xf32>,
        %add3A_3473 = arith.addf %sub3A_3333, %get3A_3472 : vector<16xf32>
        %mul3A_3474 = arith.mulf %div3A_3457, %get3A_3337 : vector<16xf32>
        %sub3A_3475 = arith.subf %add3A_3473, %mul3A_3474 : vector<16xf32>
        %abs3A_3476 = math.absf %sub3A_3475 : vector<16xf32>
        %add3A_3477 = arith.addf %add3A_3468, %abs3A_3476 : vector<16xf32>
        %get3A_3478 = arith.index_cast %select_n3A_164 : i32 to index
        %get3A_3479 = arith.index_cast %add3A_3303 : i32 to index
        %get3A_3480 = arith.constant 32 : index
        %get3A_3481 = tpu.vector_load %arg10[%get3A_3478, %get3A_3479, %get3A_3480] {strides = array<i32>} : memref<2x64x128xf32, #tpu.memory_space<vmem>>, vector<16xf32>,
        %add3A_3482 = arith.addf %sub3A_3350, %get3A_3481 : vector<16xf32>
        %mul3A_3483 = arith.mulf %div3A_3457, %get3A_3354 : vector<16xf32>
        %sub3A_3484 = arith.subf %add3A_3482, %mul3A_3483 : vector<16xf32>
        %abs3A_3485 = math.absf %sub3A_3484 : vector<16xf32>
        %add3A_3486 = arith.addf %add3A_3477, %abs3A_3485 : vector<16xf32>
        %get3A_3487 = arith.index_cast %select_n3A_164 : i32 to index
        %get3A_3488 = arith.index_cast %add3A_3303 : i32 to index
        %get3A_3489 = arith.constant 48 : index
        %get3A_3490 = tpu.vector_load %arg10[%get3A_3487, %get3A_3488, %get3A_3489] {strides = array<i32>} : memref<2x64x128xf32, #tpu.memory_space<vmem>>, vector<16xf32>,
        %add3A_3491 = arith.addf %sub3A_3367, %get3A_3490 : vector<16xf32>
        %mul3A_3492 = arith.mulf %div3A_3457, %get3A_3371 : vector<16xf32>
        %sub3A_3493 = arith.subf %add3A_3491, %mul3A_3492 : vector<16xf32>
        %abs3A_3494 = math.absf %sub3A_3493 : vector<16xf32>
        %add3A_3495 = arith.addf %add3A_3486, %abs3A_3494 : vector<16xf32>
        %get3A_3496 = arith.index_cast %select_n3A_164 : i32 to index
        %get3A_3497 = arith.index_cast %add3A_3303 : i32 to index
        %get3A_3498 = arith.constant 64 : index
        %get3A_3499 = tpu.vector_load %arg10[%get3A_3496, %get3A_3497, %get3A_3498] {strides = array<i32>} : memref<2x64x128xf32, #tpu.memory_space<vmem>>, vector<16xf32>,
        %add3A_3500 = arith.addf %sub3A_3384, %get3A_3499 : vector<16xf32>
        %mul3A_3501 = arith.mulf %div3A_3457, %get3A_3388 : vector<16xf32>
        %sub3A_3502 = arith.subf %add3A_3500, %mul3A_3501 : vector<16xf32>
        %abs3A_3503 = math.absf %sub3A_3502 : vector<16xf32>
        %add3A_3504 = arith.addf %add3A_3495, %abs3A_3503 : vector<16xf32>
        %get3A_3505 = arith.index_cast %select_n3A_164 : i32 to index
        %get3A_3506 = arith.index_cast %add3A_3303 : i32 to index
        %get3A_3507 = arith.constant 80 : index
        %get3A_3508 = tpu.vector_load %arg10[%get3A_3505, %get3A_3506, %get3A_3507] {strides = array<i32>} : memref<2x64x128xf32, #tpu.memory_space<vmem>>, vector<16xf32>,
        %add3A_3509 = arith.addf %sub3A_3401, %get3A_3508 : vector<16xf32>
        %mul3A_3510 = arith.mulf %div3A_3457, %get3A_3405 : vector<16xf32>
        %sub3A_3511 = arith.subf %add3A_3509, %mul3A_3510 : vector<16xf32>
        %abs3A_3512 = math.absf %sub3A_3511 : vector<16xf32>
        %add3A_3513 = arith.addf %add3A_3504, %abs3A_3512 : vector<16xf32>
        %get3A_3514 = arith.index_cast %select_n3A_164 : i32 to index
        %get3A_3515 = arith.index_cast %add3A_3303 : i32 to index
        %get3A_3516 = arith.constant 96 : index
        %get3A_3517 = tpu.vector_load %arg10[%get3A_3514, %get3A_3515, %get3A_3516] {strides = array<i32>} : memref<2x64x128xf32, #tpu.memory_space<vmem>>, vector<16xf32>,
        %add3A_3518 = arith.addf %sub3A_3418, %get3A_3517 : vector<16xf32>
        %mul3A_3519 = arith.mulf %div3A_3457, %get3A_3422 : vector<16xf32>
        %sub3A_3520 = arith.subf %add3A_3518, %mul3A_3519 : vector<16xf32>
        %abs3A_3521 = math.absf %sub3A_3520 : vector<16xf32>
        %add3A_3522 = arith.addf %add3A_3513, %abs3A_3521 : vector<16xf32>
        %get3A_3523 = arith.index_cast %select_n3A_164 : i32 to index
        %get3A_3524 = arith.index_cast %add3A_3303 : i32 to index
        %get3A_3525 = arith.constant 112 : index
        %get3A_3526 = tpu.vector_load %arg10[%get3A_3523, %get3A_3524, %get3A_3525] {strides = array<i32>} : memref<2x64x128xf32, #tpu.memory_space<vmem>>, vector<16xf32>,
        %add3A_3527 = arith.addf %sub3A_3435, %get3A_3526 : vector<16xf32>
        %mul3A_3528 = arith.mulf %div3A_3457, %get3A_3439 : vector<16xf32>
        %sub3A_3529 = arith.subf %add3A_3527, %mul3A_3528 : vector<16xf32>
        %abs3A_3530 = math.absf %sub3A_3529 : vector<16xf32>
        %add3A_3531 = arith.addf %add3A_3522, %abs3A_3530 : vector<16xf32>
        %reduce_sum3A_3532 = arith.constant true
        %reduce_sum3A_3533 = vector.broadcast %reduce_sum3A_3532 : i1 to vector<16xi1>
        %reduce_sum3A_3534 = tpu.scan <sum>, %add3A_3531 masked %reduce_sum3A_3533 : vector<16xf32>, vector<16xi1> -> vector<16xf32>
        %reduce_sum3A_3535 = vector.extract %reduce_sum3A_3534[15] : f32 from vector<16xf32>
        %broadcast_in_dim3A_3536 = vector.broadcast %reduce_sum3A_3535 : f32 to vector<16xf32>
        %eq3A_3537 = arith.constant 13 : i32
        %eq3A_3538 = vector.broadcast %eq3A_3537 : i32 to vector<16xi32>
        %eq3A_3539 = arith.cmpi eq, %iota3A, %eq3A_3538 : vector<16xi32>
        %select_n3A_3540 = arith.select %eq3A_3539, %broadcast_in_dim3A_3536, %select_n3A_3299 : vector<16xi1>, vector<16xf32>
        %mul3A_3541 = arith.constant 16 : i32
        %mul3A_3542 = arith.muli %scan3A_171, %mul3A_3541 : i32
        %add3A_3543 = arith.constant 14 : i32
        %add3A_3544 = arith.addi %mul3A_3542, %add3A_3543 : i32
        %broadcast_in_dim3A_3545 = arith.constant 0.000000e+00 : f32
        %broadcast_in_dim3A_3546 = vector.broadcast %broadcast_in_dim3A_3545 : f32 to vector<16xf32>
        %broadcast_in_dim3A_3547 = arith.constant 0.000000e+00 : f32
        %broadcast_in_dim3A_3548 = vector.broadcast %broadcast_in_dim3A_3547 : f32 to vector<16xf32>
        %get3A_3549 = arith.index_cast %select_n3A_164 : i32 to index
        %get3A_3550 = arith.index_cast %add3A_3544 : i32 to index
        %get3A_3551 = arith.constant 0 : index
        %get3A_3552 = tpu.vector_load %arg8[%get3A_3549, %get3A_3550, %get3A_3551] {strides = array<i32>} : memref<2x64x128xf32, #tpu.memory_space<vmem>>, vector<16xf32>,
        %get3A_3553 = arith.index_cast %select_n3A_164 : i32 to index
        %get3A_3554 = arith.index_cast %add3A_3544 : i32 to index
        %get3A_3555 = arith.constant 0 : index
        %get3A_3556 = tpu.vector_load %arg9[%get3A_3553, %get3A_3554, %get3A_3555] {strides = array<i32>} : memref<2x64x128xf32, #tpu.memory_space<vmem>>, vector<16xf32>,
        %sub3A_3557 = arith.subf %get3A_3552, %get3A_3556 : vector<16xf32>
        %get3A_3558 = arith.index_cast %select_n3A_164 : i32 to index
        %get3A_3559 = arith.index_cast %add3A_3544 : i32 to index
        %get3A_3560 = arith.constant 0 : index
        %get3A_3561 = tpu.vector_load %arg11[%get3A_3558, %get3A_3559, %get3A_3560] {strides = array<i32>} : memref<2x64x128xf32, #tpu.memory_space<vmem>>, vector<16xf32>,
        %mul3A_3562 = arith.mulf %sub3A_3557, %get3A_3561 : vector<16xf32>
        %add3A_3563 = arith.addf %broadcast_in_dim3A_3546, %mul3A_3562 : vector<16xf32>
        %mul3A_3564 = arith.mulf %get3A_3561, %get3A_3561 : vector<16xf32>
        %add3A_3565 = arith.addf %broadcast_in_dim3A_3548, %mul3A_3564 : vector<16xf32>
        %get3A_3566 = arith.index_cast %select_n3A_164 : i32 to index
        %get3A_3567 = arith.index_cast %add3A_3544 : i32 to index
        %get3A_3568 = arith.constant 16 : index
        %get3A_3569 = tpu.vector_load %arg8[%get3A_3566, %get3A_3567, %get3A_3568] {strides = array<i32>} : memref<2x64x128xf32, #tpu.memory_space<vmem>>, vector<16xf32>,
        %get3A_3570 = arith.index_cast %select_n3A_164 : i32 to index
        %get3A_3571 = arith.index_cast %add3A_3544 : i32 to index
        %get3A_3572 = arith.constant 16 : index
        %get3A_3573 = tpu.vector_load %arg9[%get3A_3570, %get3A_3571, %get3A_3572] {strides = array<i32>} : memref<2x64x128xf32, #tpu.memory_space<vmem>>, vector<16xf32>,
        %sub3A_3574 = arith.subf %get3A_3569, %get3A_3573 : vector<16xf32>
        %get3A_3575 = arith.index_cast %select_n3A_164 : i32 to index
        %get3A_3576 = arith.index_cast %add3A_3544 : i32 to index
        %get3A_3577 = arith.constant 16 : index
        %get3A_3578 = tpu.vector_load %arg11[%get3A_3575, %get3A_3576, %get3A_3577] {strides = array<i32>} : memref<2x64x128xf32, #tpu.memory_space<vmem>>, vector<16xf32>,
        %mul3A_3579 = arith.mulf %sub3A_3574, %get3A_3578 : vector<16xf32>
        %add3A_3580 = arith.addf %add3A_3563, %mul3A_3579 : vector<16xf32>
        %mul3A_3581 = arith.mulf %get3A_3578, %get3A_3578 : vector<16xf32>
        %add3A_3582 = arith.addf %add3A_3565, %mul3A_3581 : vector<16xf32>
        %get3A_3583 = arith.index_cast %select_n3A_164 : i32 to index
        %get3A_3584 = arith.index_cast %add3A_3544 : i32 to index
        %get3A_3585 = arith.constant 32 : index
        %get3A_3586 = tpu.vector_load %arg8[%get3A_3583, %get3A_3584, %get3A_3585] {strides = array<i32>} : memref<2x64x128xf32, #tpu.memory_space<vmem>>, vector<16xf32>,
        %get3A_3587 = arith.index_cast %select_n3A_164 : i32 to index
        %get3A_3588 = arith.index_cast %add3A_3544 : i32 to index
        %get3A_3589 = arith.constant 32 : index
        %get3A_3590 = tpu.vector_load %arg9[%get3A_3587, %get3A_3588, %get3A_3589] {strides = array<i32>} : memref<2x64x128xf32, #tpu.memory_space<vmem>>, vector<16xf32>,
        %sub3A_3591 = arith.subf %get3A_3586, %get3A_3590 : vector<16xf32>
        %get3A_3592 = arith.index_cast %select_n3A_164 : i32 to index
        %get3A_3593 = arith.index_cast %add3A_3544 : i32 to index
        %get3A_3594 = arith.constant 32 : index
        %get3A_3595 = tpu.vector_load %arg11[%get3A_3592, %get3A_3593, %get3A_3594] {strides = array<i32>} : memref<2x64x128xf32, #tpu.memory_space<vmem>>, vector<16xf32>,
        %mul3A_3596 = arith.mulf %sub3A_3591, %get3A_3595 : vector<16xf32>
        %add3A_3597 = arith.addf %add3A_3580, %mul3A_3596 : vector<16xf32>
        %mul3A_3598 = arith.mulf %get3A_3595, %get3A_3595 : vector<16xf32>
        %add3A_3599 = arith.addf %add3A_3582, %mul3A_3598 : vector<16xf32>
        %get3A_3600 = arith.index_cast %select_n3A_164 : i32 to index
        %get3A_3601 = arith.index_cast %add3A_3544 : i32 to index
        %get3A_3602 = arith.constant 48 : index
        %get3A_3603 = tpu.vector_load %arg8[%get3A_3600, %get3A_3601, %get3A_3602] {strides = array<i32>} : memref<2x64x128xf32, #tpu.memory_space<vmem>>, vector<16xf32>,
        %get3A_3604 = arith.index_cast %select_n3A_164 : i32 to index
        %get3A_3605 = arith.index_cast %add3A_3544 : i32 to index
        %get3A_3606 = arith.constant 48 : index
        %get3A_3607 = tpu.vector_load %arg9[%get3A_3604, %get3A_3605, %get3A_3606] {strides = array<i32>} : memref<2x64x128xf32, #tpu.memory_space<vmem>>, vector<16xf32>,
        %sub3A_3608 = arith.subf %get3A_3603, %get3A_3607 : vector<16xf32>
        %get3A_3609 = arith.index_cast %select_n3A_164 : i32 to index
        %get3A_3610 = arith.index_cast %add3A_3544 : i32 to index
        %get3A_3611 = arith.constant 48 : index
        %get3A_3612 = tpu.vector_load %arg11[%get3A_3609, %get3A_3610, %get3A_3611] {strides = array<i32>} : memref<2x64x128xf32, #tpu.memory_space<vmem>>, vector<16xf32>,
        %mul3A_3613 = arith.mulf %sub3A_3608, %get3A_3612 : vector<16xf32>
        %add3A_3614 = arith.addf %add3A_3597, %mul3A_3613 : vector<16xf32>
        %mul3A_3615 = arith.mulf %get3A_3612, %get3A_3612 : vector<16xf32>
        %add3A_3616 = arith.addf %add3A_3599, %mul3A_3615 : vector<16xf32>
        %get3A_3617 = arith.index_cast %select_n3A_164 : i32 to index
        %get3A_3618 = arith.index_cast %add3A_3544 : i32 to index
        %get3A_3619 = arith.constant 64 : index
        %get3A_3620 = tpu.vector_load %arg8[%get3A_3617, %get3A_3618, %get3A_3619] {strides = array<i32>} : memref<2x64x128xf32, #tpu.memory_space<vmem>>, vector<16xf32>,
        %get3A_3621 = arith.index_cast %select_n3A_164 : i32 to index
        %get3A_3622 = arith.index_cast %add3A_3544 : i32 to index
        %get3A_3623 = arith.constant 64 : index
        %get3A_3624 = tpu.vector_load %arg9[%get3A_3621, %get3A_3622, %get3A_3623] {strides = array<i32>} : memref<2x64x128xf32, #tpu.memory_space<vmem>>, vector<16xf32>,
        %sub3A_3625 = arith.subf %get3A_3620, %get3A_3624 : vector<16xf32>
        %get3A_3626 = arith.index_cast %select_n3A_164 : i32 to index
        %get3A_3627 = arith.index_cast %add3A_3544 : i32 to index
        %get3A_3628 = arith.constant 64 : index
        %get3A_3629 = tpu.vector_load %arg11[%get3A_3626, %get3A_3627, %get3A_3628] {strides = array<i32>} : memref<2x64x128xf32, #tpu.memory_space<vmem>>, vector<16xf32>,
        %mul3A_3630 = arith.mulf %sub3A_3625, %get3A_3629 : vector<16xf32>
        %add3A_3631 = arith.addf %add3A_3614, %mul3A_3630 : vector<16xf32>
        %mul3A_3632 = arith.mulf %get3A_3629, %get3A_3629 : vector<16xf32>
        %add3A_3633 = arith.addf %add3A_3616, %mul3A_3632 : vector<16xf32>
        %get3A_3634 = arith.index_cast %select_n3A_164 : i32 to index
        %get3A_3635 = arith.index_cast %add3A_3544 : i32 to index
        %get3A_3636 = arith.constant 80 : index
        %get3A_3637 = tpu.vector_load %arg8[%get3A_3634, %get3A_3635, %get3A_3636] {strides = array<i32>} : memref<2x64x128xf32, #tpu.memory_space<vmem>>, vector<16xf32>,
        %get3A_3638 = arith.index_cast %select_n3A_164 : i32 to index
        %get3A_3639 = arith.index_cast %add3A_3544 : i32 to index
        %get3A_3640 = arith.constant 80 : index
        %get3A_3641 = tpu.vector_load %arg9[%get3A_3638, %get3A_3639, %get3A_3640] {strides = array<i32>} : memref<2x64x128xf32, #tpu.memory_space<vmem>>, vector<16xf32>,
        %sub3A_3642 = arith.subf %get3A_3637, %get3A_3641 : vector<16xf32>
        %get3A_3643 = arith.index_cast %select_n3A_164 : i32 to index
        %get3A_3644 = arith.index_cast %add3A_3544 : i32 to index
        %get3A_3645 = arith.constant 80 : index
        %get3A_3646 = tpu.vector_load %arg11[%get3A_3643, %get3A_3644, %get3A_3645] {strides = array<i32>} : memref<2x64x128xf32, #tpu.memory_space<vmem>>, vector<16xf32>,
        %mul3A_3647 = arith.mulf %sub3A_3642, %get3A_3646 : vector<16xf32>
        %add3A_3648 = arith.addf %add3A_3631, %mul3A_3647 : vector<16xf32>
        %mul3A_3649 = arith.mulf %get3A_3646, %get3A_3646 : vector<16xf32>
        %add3A_3650 = arith.addf %add3A_3633, %mul3A_3649 : vector<16xf32>
        %get3A_3651 = arith.index_cast %select_n3A_164 : i32 to index
        %get3A_3652 = arith.index_cast %add3A_3544 : i32 to index
        %get3A_3653 = arith.constant 96 : index
        %get3A_3654 = tpu.vector_load %arg8[%get3A_3651, %get3A_3652, %get3A_3653] {strides = array<i32>} : memref<2x64x128xf32, #tpu.memory_space<vmem>>, vector<16xf32>,
        %get3A_3655 = arith.index_cast %select_n3A_164 : i32 to index
        %get3A_3656 = arith.index_cast %add3A_3544 : i32 to index
        %get3A_3657 = arith.constant 96 : index
        %get3A_3658 = tpu.vector_load %arg9[%get3A_3655, %get3A_3656, %get3A_3657] {strides = array<i32>} : memref<2x64x128xf32, #tpu.memory_space<vmem>>, vector<16xf32>,
        %sub3A_3659 = arith.subf %get3A_3654, %get3A_3658 : vector<16xf32>
        %get3A_3660 = arith.index_cast %select_n3A_164 : i32 to index
        %get3A_3661 = arith.index_cast %add3A_3544 : i32 to index
        %get3A_3662 = arith.constant 96 : index
        %get3A_3663 = tpu.vector_load %arg11[%get3A_3660, %get3A_3661, %get3A_3662] {strides = array<i32>} : memref<2x64x128xf32, #tpu.memory_space<vmem>>, vector<16xf32>,
        %mul3A_3664 = arith.mulf %sub3A_3659, %get3A_3663 : vector<16xf32>
        %add3A_3665 = arith.addf %add3A_3648, %mul3A_3664 : vector<16xf32>
        %mul3A_3666 = arith.mulf %get3A_3663, %get3A_3663 : vector<16xf32>
        %add3A_3667 = arith.addf %add3A_3650, %mul3A_3666 : vector<16xf32>
        %get3A_3668 = arith.index_cast %select_n3A_164 : i32 to index
        %get3A_3669 = arith.index_cast %add3A_3544 : i32 to index
        %get3A_3670 = arith.constant 112 : index
        %get3A_3671 = tpu.vector_load %arg8[%get3A_3668, %get3A_3669, %get3A_3670] {strides = array<i32>} : memref<2x64x128xf32, #tpu.memory_space<vmem>>, vector<16xf32>,
        %get3A_3672 = arith.index_cast %select_n3A_164 : i32 to index
        %get3A_3673 = arith.index_cast %add3A_3544 : i32 to index
        %get3A_3674 = arith.constant 112 : index
        %get3A_3675 = tpu.vector_load %arg9[%get3A_3672, %get3A_3673, %get3A_3674] {strides = array<i32>} : memref<2x64x128xf32, #tpu.memory_space<vmem>>, vector<16xf32>,
        %sub3A_3676 = arith.subf %get3A_3671, %get3A_3675 : vector<16xf32>
        %get3A_3677 = arith.index_cast %select_n3A_164 : i32 to index
        %get3A_3678 = arith.index_cast %add3A_3544 : i32 to index
        %get3A_3679 = arith.constant 112 : index
        %get3A_3680 = tpu.vector_load %arg11[%get3A_3677, %get3A_3678, %get3A_3679] {strides = array<i32>} : memref<2x64x128xf32, #tpu.memory_space<vmem>>, vector<16xf32>,
        %mul3A_3681 = arith.mulf %sub3A_3676, %get3A_3680 : vector<16xf32>
        %add3A_3682 = arith.addf %add3A_3665, %mul3A_3681 : vector<16xf32>
        %mul3A_3683 = arith.mulf %get3A_3680, %get3A_3680 : vector<16xf32>
        %add3A_3684 = arith.addf %add3A_3667, %mul3A_3683 : vector<16xf32>
        %reduce_sum3A_3685 = arith.constant true
        %reduce_sum3A_3686 = vector.broadcast %reduce_sum3A_3685 : i1 to vector<16xi1>
        %reduce_sum3A_3687 = tpu.scan <sum>, %add3A_3682 masked %reduce_sum3A_3686 : vector<16xf32>, vector<16xi1> -> vector<16xf32>
        %reduce_sum3A_3688 = vector.extract %reduce_sum3A_3687[15] : f32 from vector<16xf32>
        %broadcast_in_dim3A_3689 = vector.broadcast %reduce_sum3A_3688 : f32 to vector<16xf32>
        %reduce_sum3A_3690 = arith.constant true
        %reduce_sum3A_3691 = vector.broadcast %reduce_sum3A_3690 : i1 to vector<16xi1>
        %reduce_sum3A_3692 = tpu.scan <sum>, %add3A_3684 masked %reduce_sum3A_3691 : vector<16xf32>, vector<16xi1> -> vector<16xf32>
        %reduce_sum3A_3693 = vector.extract %reduce_sum3A_3692[15] : f32 from vector<16xf32>
        %broadcast_in_dim3A_3694 = vector.broadcast %reduce_sum3A_3693 : f32 to vector<16xf32>
        %max3A_3695 = arith.constant 1.000000e-24 : f32
        %max3A_3696 = vector.broadcast %max3A_3695 : f32 to vector<16xf32>
        %max3A_3697 = arith.maximumf %broadcast_in_dim3A_3694, %max3A_3696 : vector<16xf32>
        %div3A_3698 = arith.divf %broadcast_in_dim3A_3689, %max3A_3697 : vector<16xf32>
        %broadcast_in_dim3A_3699 = arith.constant 0.000000e+00 : f32
        %broadcast_in_dim3A_3700 = vector.broadcast %broadcast_in_dim3A_3699 : f32 to vector<16xf32>
        %get3A_3701 = arith.index_cast %select_n3A_164 : i32 to index
        %get3A_3702 = arith.index_cast %add3A_3544 : i32 to index
        %get3A_3703 = arith.constant 0 : index
        %get3A_3704 = tpu.vector_load %arg10[%get3A_3701, %get3A_3702, %get3A_3703] {strides = array<i32>} : memref<2x64x128xf32, #tpu.memory_space<vmem>>, vector<16xf32>,
        %add3A_3705 = arith.addf %sub3A_3557, %get3A_3704 : vector<16xf32>
        %mul3A_3706 = arith.mulf %div3A_3698, %get3A_3561 : vector<16xf32>
        %sub3A_3707 = arith.subf %add3A_3705, %mul3A_3706 : vector<16xf32>
        %abs3A_3708 = math.absf %sub3A_3707 : vector<16xf32>
        %add3A_3709 = arith.addf %broadcast_in_dim3A_3700, %abs3A_3708 : vector<16xf32>
        %get3A_3710 = arith.index_cast %select_n3A_164 : i32 to index
        %get3A_3711 = arith.index_cast %add3A_3544 : i32 to index
        %get3A_3712 = arith.constant 16 : index
        %get3A_3713 = tpu.vector_load %arg10[%get3A_3710, %get3A_3711, %get3A_3712] {strides = array<i32>} : memref<2x64x128xf32, #tpu.memory_space<vmem>>, vector<16xf32>,
        %add3A_3714 = arith.addf %sub3A_3574, %get3A_3713 : vector<16xf32>
        %mul3A_3715 = arith.mulf %div3A_3698, %get3A_3578 : vector<16xf32>
        %sub3A_3716 = arith.subf %add3A_3714, %mul3A_3715 : vector<16xf32>
        %abs3A_3717 = math.absf %sub3A_3716 : vector<16xf32>
        %add3A_3718 = arith.addf %add3A_3709, %abs3A_3717 : vector<16xf32>
        %get3A_3719 = arith.index_cast %select_n3A_164 : i32 to index
        %get3A_3720 = arith.index_cast %add3A_3544 : i32 to index
        %get3A_3721 = arith.constant 32 : index
        %get3A_3722 = tpu.vector_load %arg10[%get3A_3719, %get3A_3720, %get3A_3721] {strides = array<i32>} : memref<2x64x128xf32, #tpu.memory_space<vmem>>, vector<16xf32>,
        %add3A_3723 = arith.addf %sub3A_3591, %get3A_3722 : vector<16xf32>
        %mul3A_3724 = arith.mulf %div3A_3698, %get3A_3595 : vector<16xf32>
        %sub3A_3725 = arith.subf %add3A_3723, %mul3A_3724 : vector<16xf32>
        %abs3A_3726 = math.absf %sub3A_3725 : vector<16xf32>
        %add3A_3727 = arith.addf %add3A_3718, %abs3A_3726 : vector<16xf32>
        %get3A_3728 = arith.index_cast %select_n3A_164 : i32 to index
        %get3A_3729 = arith.index_cast %add3A_3544 : i32 to index
        %get3A_3730 = arith.constant 48 : index
        %get3A_3731 = tpu.vector_load %arg10[%get3A_3728, %get3A_3729, %get3A_3730] {strides = array<i32>} : memref<2x64x128xf32, #tpu.memory_space<vmem>>, vector<16xf32>,
        %add3A_3732 = arith.addf %sub3A_3608, %get3A_3731 : vector<16xf32>
        %mul3A_3733 = arith.mulf %div3A_3698, %get3A_3612 : vector<16xf32>
        %sub3A_3734 = arith.subf %add3A_3732, %mul3A_3733 : vector<16xf32>
        %abs3A_3735 = math.absf %sub3A_3734 : vector<16xf32>
        %add3A_3736 = arith.addf %add3A_3727, %abs3A_3735 : vector<16xf32>
        %get3A_3737 = arith.index_cast %select_n3A_164 : i32 to index
        %get3A_3738 = arith.index_cast %add3A_3544 : i32 to index
        %get3A_3739 = arith.constant 64 : index
        %get3A_3740 = tpu.vector_load %arg10[%get3A_3737, %get3A_3738, %get3A_3739] {strides = array<i32>} : memref<2x64x128xf32, #tpu.memory_space<vmem>>, vector<16xf32>,
        %add3A_3741 = arith.addf %sub3A_3625, %get3A_3740 : vector<16xf32>
        %mul3A_3742 = arith.mulf %div3A_3698, %get3A_3629 : vector<16xf32>
        %sub3A_3743 = arith.subf %add3A_3741, %mul3A_3742 : vector<16xf32>
        %abs3A_3744 = math.absf %sub3A_3743 : vector<16xf32>
        %add3A_3745 = arith.addf %add3A_3736, %abs3A_3744 : vector<16xf32>
        %get3A_3746 = arith.index_cast %select_n3A_164 : i32 to index
        %get3A_3747 = arith.index_cast %add3A_3544 : i32 to index
        %get3A_3748 = arith.constant 80 : index
        %get3A_3749 = tpu.vector_load %arg10[%get3A_3746, %get3A_3747, %get3A_3748] {strides = array<i32>} : memref<2x64x128xf32, #tpu.memory_space<vmem>>, vector<16xf32>,
        %add3A_3750 = arith.addf %sub3A_3642, %get3A_3749 : vector<16xf32>
        %mul3A_3751 = arith.mulf %div3A_3698, %get3A_3646 : vector<16xf32>
        %sub3A_3752 = arith.subf %add3A_3750, %mul3A_3751 : vector<16xf32>
        %abs3A_3753 = math.absf %sub3A_3752 : vector<16xf32>
        %add3A_3754 = arith.addf %add3A_3745, %abs3A_3753 : vector<16xf32>
        %get3A_3755 = arith.index_cast %select_n3A_164 : i32 to index
        %get3A_3756 = arith.index_cast %add3A_3544 : i32 to index
        %get3A_3757 = arith.constant 96 : index
        %get3A_3758 = tpu.vector_load %arg10[%get3A_3755, %get3A_3756, %get3A_3757] {strides = array<i32>} : memref<2x64x128xf32, #tpu.memory_space<vmem>>, vector<16xf32>,
        %add3A_3759 = arith.addf %sub3A_3659, %get3A_3758 : vector<16xf32>
        %mul3A_3760 = arith.mulf %div3A_3698, %get3A_3663 : vector<16xf32>
        %sub3A_3761 = arith.subf %add3A_3759, %mul3A_3760 : vector<16xf32>
        %abs3A_3762 = math.absf %sub3A_3761 : vector<16xf32>
        %add3A_3763 = arith.addf %add3A_3754, %abs3A_3762 : vector<16xf32>
        %get3A_3764 = arith.index_cast %select_n3A_164 : i32 to index
        %get3A_3765 = arith.index_cast %add3A_3544 : i32 to index
        %get3A_3766 = arith.constant 112 : index
        %get3A_3767 = tpu.vector_load %arg10[%get3A_3764, %get3A_3765, %get3A_3766] {strides = array<i32>} : memref<2x64x128xf32, #tpu.memory_space<vmem>>, vector<16xf32>,
        %add3A_3768 = arith.addf %sub3A_3676, %get3A_3767 : vector<16xf32>
        %mul3A_3769 = arith.mulf %div3A_3698, %get3A_3680 : vector<16xf32>
        %sub3A_3770 = arith.subf %add3A_3768, %mul3A_3769 : vector<16xf32>
        %abs3A_3771 = math.absf %sub3A_3770 : vector<16xf32>
        %add3A_3772 = arith.addf %add3A_3763, %abs3A_3771 : vector<16xf32>
        %reduce_sum3A_3773 = arith.constant true
        %reduce_sum3A_3774 = vector.broadcast %reduce_sum3A_3773 : i1 to vector<16xi1>
        %reduce_sum3A_3775 = tpu.scan <sum>, %add3A_3772 masked %reduce_sum3A_3774 : vector<16xf32>, vector<16xi1> -> vector<16xf32>
        %reduce_sum3A_3776 = vector.extract %reduce_sum3A_3775[15] : f32 from vector<16xf32>
        %broadcast_in_dim3A_3777 = vector.broadcast %reduce_sum3A_3776 : f32 to vector<16xf32>
        %eq3A_3778 = arith.constant 14 : i32
        %eq3A_3779 = vector.broadcast %eq3A_3778 : i32 to vector<16xi32>
        %eq3A_3780 = arith.cmpi eq, %iota3A, %eq3A_3779 : vector<16xi32>
        %select_n3A_3781 = arith.select %eq3A_3780, %broadcast_in_dim3A_3777, %select_n3A_3540 : vector<16xi1>, vector<16xf32>
        %mul3A_3782 = arith.constant 16 : i32
        %mul3A_3783 = arith.muli %scan3A_171, %mul3A_3782 : i32
        %add3A_3784 = arith.constant 15 : i32
        %add3A_3785 = arith.addi %mul3A_3783, %add3A_3784 : i32
        %broadcast_in_dim3A_3786 = arith.constant 0.000000e+00 : f32
        %broadcast_in_dim3A_3787 = vector.broadcast %broadcast_in_dim3A_3786 : f32 to vector<16xf32>
        %broadcast_in_dim3A_3788 = arith.constant 0.000000e+00 : f32
        %broadcast_in_dim3A_3789 = vector.broadcast %broadcast_in_dim3A_3788 : f32 to vector<16xf32>
        %get3A_3790 = arith.index_cast %select_n3A_164 : i32 to index
        %get3A_3791 = arith.index_cast %add3A_3785 : i32 to index
        %get3A_3792 = arith.constant 0 : index
        %get3A_3793 = tpu.vector_load %arg8[%get3A_3790, %get3A_3791, %get3A_3792] {strides = array<i32>} : memref<2x64x128xf32, #tpu.memory_space<vmem>>, vector<16xf32>,
        %get3A_3794 = arith.index_cast %select_n3A_164 : i32 to index
        %get3A_3795 = arith.index_cast %add3A_3785 : i32 to index
        %get3A_3796 = arith.constant 0 : index
        %get3A_3797 = tpu.vector_load %arg9[%get3A_3794, %get3A_3795, %get3A_3796] {strides = array<i32>} : memref<2x64x128xf32, #tpu.memory_space<vmem>>, vector<16xf32>,
        %sub3A_3798 = arith.subf %get3A_3793, %get3A_3797 : vector<16xf32>
        %get3A_3799 = arith.index_cast %select_n3A_164 : i32 to index
        %get3A_3800 = arith.index_cast %add3A_3785 : i32 to index
        %get3A_3801 = arith.constant 0 : index
        %get3A_3802 = tpu.vector_load %arg11[%get3A_3799, %get3A_3800, %get3A_3801] {strides = array<i32>} : memref<2x64x128xf32, #tpu.memory_space<vmem>>, vector<16xf32>,
        %mul3A_3803 = arith.mulf %sub3A_3798, %get3A_3802 : vector<16xf32>
        %add3A_3804 = arith.addf %broadcast_in_dim3A_3787, %mul3A_3803 : vector<16xf32>
        %mul3A_3805 = arith.mulf %get3A_3802, %get3A_3802 : vector<16xf32>
        %add3A_3806 = arith.addf %broadcast_in_dim3A_3789, %mul3A_3805 : vector<16xf32>
        %get3A_3807 = arith.index_cast %select_n3A_164 : i32 to index
        %get3A_3808 = arith.index_cast %add3A_3785 : i32 to index
        %get3A_3809 = arith.constant 16 : index
        %get3A_3810 = tpu.vector_load %arg8[%get3A_3807, %get3A_3808, %get3A_3809] {strides = array<i32>} : memref<2x64x128xf32, #tpu.memory_space<vmem>>, vector<16xf32>,
        %get3A_3811 = arith.index_cast %select_n3A_164 : i32 to index
        %get3A_3812 = arith.index_cast %add3A_3785 : i32 to index
        %get3A_3813 = arith.constant 16 : index
        %get3A_3814 = tpu.vector_load %arg9[%get3A_3811, %get3A_3812, %get3A_3813] {strides = array<i32>} : memref<2x64x128xf32, #tpu.memory_space<vmem>>, vector<16xf32>,
        %sub3A_3815 = arith.subf %get3A_3810, %get3A_3814 : vector<16xf32>
        %get3A_3816 = arith.index_cast %select_n3A_164 : i32 to index
        %get3A_3817 = arith.index_cast %add3A_3785 : i32 to index
        %get3A_3818 = arith.constant 16 : index
        %get3A_3819 = tpu.vector_load %arg11[%get3A_3816, %get3A_3817, %get3A_3818] {strides = array<i32>} : memref<2x64x128xf32, #tpu.memory_space<vmem>>, vector<16xf32>,
        %mul3A_3820 = arith.mulf %sub3A_3815, %get3A_3819 : vector<16xf32>
        %add3A_3821 = arith.addf %add3A_3804, %mul3A_3820 : vector<16xf32>
        %mul3A_3822 = arith.mulf %get3A_3819, %get3A_3819 : vector<16xf32>
        %add3A_3823 = arith.addf %add3A_3806, %mul3A_3822 : vector<16xf32>
        %get3A_3824 = arith.index_cast %select_n3A_164 : i32 to index
        %get3A_3825 = arith.index_cast %add3A_3785 : i32 to index
        %get3A_3826 = arith.constant 32 : index
        %get3A_3827 = tpu.vector_load %arg8[%get3A_3824, %get3A_3825, %get3A_3826] {strides = array<i32>} : memref<2x64x128xf32, #tpu.memory_space<vmem>>, vector<16xf32>,
        %get3A_3828 = arith.index_cast %select_n3A_164 : i32 to index
        %get3A_3829 = arith.index_cast %add3A_3785 : i32 to index
        %get3A_3830 = arith.constant 32 : index
        %get3A_3831 = tpu.vector_load %arg9[%get3A_3828, %get3A_3829, %get3A_3830] {strides = array<i32>} : memref<2x64x128xf32, #tpu.memory_space<vmem>>, vector<16xf32>,
        %sub3A_3832 = arith.subf %get3A_3827, %get3A_3831 : vector<16xf32>
        %get3A_3833 = arith.index_cast %select_n3A_164 : i32 to index
        %get3A_3834 = arith.index_cast %add3A_3785 : i32 to index
        %get3A_3835 = arith.constant 32 : index
        %get3A_3836 = tpu.vector_load %arg11[%get3A_3833, %get3A_3834, %get3A_3835] {strides = array<i32>} : memref<2x64x128xf32, #tpu.memory_space<vmem>>, vector<16xf32>,
        %mul3A_3837 = arith.mulf %sub3A_3832, %get3A_3836 : vector<16xf32>
        %add3A_3838 = arith.addf %add3A_3821, %mul3A_3837 : vector<16xf32>
        %mul3A_3839 = arith.mulf %get3A_3836, %get3A_3836 : vector<16xf32>
        %add3A_3840 = arith.addf %add3A_3823, %mul3A_3839 : vector<16xf32>
        %get3A_3841 = arith.index_cast %select_n3A_164 : i32 to index
        %get3A_3842 = arith.index_cast %add3A_3785 : i32 to index
        %get3A_3843 = arith.constant 48 : index
        %get3A_3844 = tpu.vector_load %arg8[%get3A_3841, %get3A_3842, %get3A_3843] {strides = array<i32>} : memref<2x64x128xf32, #tpu.memory_space<vmem>>, vector<16xf32>,
        %get3A_3845 = arith.index_cast %select_n3A_164 : i32 to index
        %get3A_3846 = arith.index_cast %add3A_3785 : i32 to index
        %get3A_3847 = arith.constant 48 : index
        %get3A_3848 = tpu.vector_load %arg9[%get3A_3845, %get3A_3846, %get3A_3847] {strides = array<i32>} : memref<2x64x128xf32, #tpu.memory_space<vmem>>, vector<16xf32>,
        %sub3A_3849 = arith.subf %get3A_3844, %get3A_3848 : vector<16xf32>
        %get3A_3850 = arith.index_cast %select_n3A_164 : i32 to index
        %get3A_3851 = arith.index_cast %add3A_3785 : i32 to index
        %get3A_3852 = arith.constant 48 : index
        %get3A_3853 = tpu.vector_load %arg11[%get3A_3850, %get3A_3851, %get3A_3852] {strides = array<i32>} : memref<2x64x128xf32, #tpu.memory_space<vmem>>, vector<16xf32>,
        %mul3A_3854 = arith.mulf %sub3A_3849, %get3A_3853 : vector<16xf32>
        %add3A_3855 = arith.addf %add3A_3838, %mul3A_3854 : vector<16xf32>
        %mul3A_3856 = arith.mulf %get3A_3853, %get3A_3853 : vector<16xf32>
        %add3A_3857 = arith.addf %add3A_3840, %mul3A_3856 : vector<16xf32>
        %get3A_3858 = arith.index_cast %select_n3A_164 : i32 to index
        %get3A_3859 = arith.index_cast %add3A_3785 : i32 to index
        %get3A_3860 = arith.constant 64 : index
        %get3A_3861 = tpu.vector_load %arg8[%get3A_3858, %get3A_3859, %get3A_3860] {strides = array<i32>} : memref<2x64x128xf32, #tpu.memory_space<vmem>>, vector<16xf32>,
        %get3A_3862 = arith.index_cast %select_n3A_164 : i32 to index
        %get3A_3863 = arith.index_cast %add3A_3785 : i32 to index
        %get3A_3864 = arith.constant 64 : index
        %get3A_3865 = tpu.vector_load %arg9[%get3A_3862, %get3A_3863, %get3A_3864] {strides = array<i32>} : memref<2x64x128xf32, #tpu.memory_space<vmem>>, vector<16xf32>,
        %sub3A_3866 = arith.subf %get3A_3861, %get3A_3865 : vector<16xf32>
        %get3A_3867 = arith.index_cast %select_n3A_164 : i32 to index
        %get3A_3868 = arith.index_cast %add3A_3785 : i32 to index
        %get3A_3869 = arith.constant 64 : index
        %get3A_3870 = tpu.vector_load %arg11[%get3A_3867, %get3A_3868, %get3A_3869] {strides = array<i32>} : memref<2x64x128xf32, #tpu.memory_space<vmem>>, vector<16xf32>,
        %mul3A_3871 = arith.mulf %sub3A_3866, %get3A_3870 : vector<16xf32>
        %add3A_3872 = arith.addf %add3A_3855, %mul3A_3871 : vector<16xf32>
        %mul3A_3873 = arith.mulf %get3A_3870, %get3A_3870 : vector<16xf32>
        %add3A_3874 = arith.addf %add3A_3857, %mul3A_3873 : vector<16xf32>
        %get3A_3875 = arith.index_cast %select_n3A_164 : i32 to index
        %get3A_3876 = arith.index_cast %add3A_3785 : i32 to index
        %get3A_3877 = arith.constant 80 : index
        %get3A_3878 = tpu.vector_load %arg8[%get3A_3875, %get3A_3876, %get3A_3877] {strides = array<i32>} : memref<2x64x128xf32, #tpu.memory_space<vmem>>, vector<16xf32>,
        %get3A_3879 = arith.index_cast %select_n3A_164 : i32 to index
        %get3A_3880 = arith.index_cast %add3A_3785 : i32 to index
        %get3A_3881 = arith.constant 80 : index
        %get3A_3882 = tpu.vector_load %arg9[%get3A_3879, %get3A_3880, %get3A_3881] {strides = array<i32>} : memref<2x64x128xf32, #tpu.memory_space<vmem>>, vector<16xf32>,
        %sub3A_3883 = arith.subf %get3A_3878, %get3A_3882 : vector<16xf32>
        %get3A_3884 = arith.index_cast %select_n3A_164 : i32 to index
        %get3A_3885 = arith.index_cast %add3A_3785 : i32 to index
        %get3A_3886 = arith.constant 80 : index
        %get3A_3887 = tpu.vector_load %arg11[%get3A_3884, %get3A_3885, %get3A_3886] {strides = array<i32>} : memref<2x64x128xf32, #tpu.memory_space<vmem>>, vector<16xf32>,
        %mul3A_3888 = arith.mulf %sub3A_3883, %get3A_3887 : vector<16xf32>
        %add3A_3889 = arith.addf %add3A_3872, %mul3A_3888 : vector<16xf32>
        %mul3A_3890 = arith.mulf %get3A_3887, %get3A_3887 : vector<16xf32>
        %add3A_3891 = arith.addf %add3A_3874, %mul3A_3890 : vector<16xf32>
        %get3A_3892 = arith.index_cast %select_n3A_164 : i32 to index
        %get3A_3893 = arith.index_cast %add3A_3785 : i32 to index
        %get3A_3894 = arith.constant 96 : index
        %get3A_3895 = tpu.vector_load %arg8[%get3A_3892, %get3A_3893, %get3A_3894] {strides = array<i32>} : memref<2x64x128xf32, #tpu.memory_space<vmem>>, vector<16xf32>,
        %get3A_3896 = arith.index_cast %select_n3A_164 : i32 to index
        %get3A_3897 = arith.index_cast %add3A_3785 : i32 to index
        %get3A_3898 = arith.constant 96 : index
        %get3A_3899 = tpu.vector_load %arg9[%get3A_3896, %get3A_3897, %get3A_3898] {strides = array<i32>} : memref<2x64x128xf32, #tpu.memory_space<vmem>>, vector<16xf32>,
        %sub3A_3900 = arith.subf %get3A_3895, %get3A_3899 : vector<16xf32>
        %get3A_3901 = arith.index_cast %select_n3A_164 : i32 to index
        %get3A_3902 = arith.index_cast %add3A_3785 : i32 to index
        %get3A_3903 = arith.constant 96 : index
        %get3A_3904 = tpu.vector_load %arg11[%get3A_3901, %get3A_3902, %get3A_3903] {strides = array<i32>} : memref<2x64x128xf32, #tpu.memory_space<vmem>>, vector<16xf32>,
        %mul3A_3905 = arith.mulf %sub3A_3900, %get3A_3904 : vector<16xf32>
        %add3A_3906 = arith.addf %add3A_3889, %mul3A_3905 : vector<16xf32>
        %mul3A_3907 = arith.mulf %get3A_3904, %get3A_3904 : vector<16xf32>
        %add3A_3908 = arith.addf %add3A_3891, %mul3A_3907 : vector<16xf32>
        %get3A_3909 = arith.index_cast %select_n3A_164 : i32 to index
        %get3A_3910 = arith.index_cast %add3A_3785 : i32 to index
        %get3A_3911 = arith.constant 112 : index
        %get3A_3912 = tpu.vector_load %arg8[%get3A_3909, %get3A_3910, %get3A_3911] {strides = array<i32>} : memref<2x64x128xf32, #tpu.memory_space<vmem>>, vector<16xf32>,
        %get3A_3913 = arith.index_cast %select_n3A_164 : i32 to index
        %get3A_3914 = arith.index_cast %add3A_3785 : i32 to index
        %get3A_3915 = arith.constant 112 : index
        %get3A_3916 = tpu.vector_load %arg9[%get3A_3913, %get3A_3914, %get3A_3915] {strides = array<i32>} : memref<2x64x128xf32, #tpu.memory_space<vmem>>, vector<16xf32>,
        %sub3A_3917 = arith.subf %get3A_3912, %get3A_3916 : vector<16xf32>
        %get3A_3918 = arith.index_cast %select_n3A_164 : i32 to index
        %get3A_3919 = arith.index_cast %add3A_3785 : i32 to index
        %get3A_3920 = arith.constant 112 : index
        %get3A_3921 = tpu.vector_load %arg11[%get3A_3918, %get3A_3919, %get3A_3920] {strides = array<i32>} : memref<2x64x128xf32, #tpu.memory_space<vmem>>, vector<16xf32>,
        %mul3A_3922 = arith.mulf %sub3A_3917, %get3A_3921 : vector<16xf32>
        %add3A_3923 = arith.addf %add3A_3906, %mul3A_3922 : vector<16xf32>
        %mul3A_3924 = arith.mulf %get3A_3921, %get3A_3921 : vector<16xf32>
        %add3A_3925 = arith.addf %add3A_3908, %mul3A_3924 : vector<16xf32>
        %reduce_sum3A_3926 = arith.constant true
        %reduce_sum3A_3927 = vector.broadcast %reduce_sum3A_3926 : i1 to vector<16xi1>
        %reduce_sum3A_3928 = tpu.scan <sum>, %add3A_3923 masked %reduce_sum3A_3927 : vector<16xf32>, vector<16xi1> -> vector<16xf32>
        %reduce_sum3A_3929 = vector.extract %reduce_sum3A_3928[15] : f32 from vector<16xf32>
        %broadcast_in_dim3A_3930 = vector.broadcast %reduce_sum3A_3929 : f32 to vector<16xf32>
        %reduce_sum3A_3931 = arith.constant true
        %reduce_sum3A_3932 = vector.broadcast %reduce_sum3A_3931 : i1 to vector<16xi1>
        %reduce_sum3A_3933 = tpu.scan <sum>, %add3A_3925 masked %reduce_sum3A_3932 : vector<16xf32>, vector<16xi1> -> vector<16xf32>
        %reduce_sum3A_3934 = vector.extract %reduce_sum3A_3933[15] : f32 from vector<16xf32>
        %broadcast_in_dim3A_3935 = vector.broadcast %reduce_sum3A_3934 : f32 to vector<16xf32>
        %max3A_3936 = arith.constant 1.000000e-24 : f32
        %max3A_3937 = vector.broadcast %max3A_3936 : f32 to vector<16xf32>
        %max3A_3938 = arith.maximumf %broadcast_in_dim3A_3935, %max3A_3937 : vector<16xf32>
        %div3A_3939 = arith.divf %broadcast_in_dim3A_3930, %max3A_3938 : vector<16xf32>
        %broadcast_in_dim3A_3940 = arith.constant 0.000000e+00 : f32
        %broadcast_in_dim3A_3941 = vector.broadcast %broadcast_in_dim3A_3940 : f32 to vector<16xf32>
        %get3A_3942 = arith.index_cast %select_n3A_164 : i32 to index
        %get3A_3943 = arith.index_cast %add3A_3785 : i32 to index
        %get3A_3944 = arith.constant 0 : index
        %get3A_3945 = tpu.vector_load %arg10[%get3A_3942, %get3A_3943, %get3A_3944] {strides = array<i32>} : memref<2x64x128xf32, #tpu.memory_space<vmem>>, vector<16xf32>,
        %add3A_3946 = arith.addf %sub3A_3798, %get3A_3945 : vector<16xf32>
        %mul3A_3947 = arith.mulf %div3A_3939, %get3A_3802 : vector<16xf32>
        %sub3A_3948 = arith.subf %add3A_3946, %mul3A_3947 : vector<16xf32>
        %abs3A_3949 = math.absf %sub3A_3948 : vector<16xf32>
        %add3A_3950 = arith.addf %broadcast_in_dim3A_3941, %abs3A_3949 : vector<16xf32>
        %get3A_3951 = arith.index_cast %select_n3A_164 : i32 to index
        %get3A_3952 = arith.index_cast %add3A_3785 : i32 to index
        %get3A_3953 = arith.constant 16 : index
        %get3A_3954 = tpu.vector_load %arg10[%get3A_3951, %get3A_3952, %get3A_3953] {strides = array<i32>} : memref<2x64x128xf32, #tpu.memory_space<vmem>>, vector<16xf32>,
        %add3A_3955 = arith.addf %sub3A_3815, %get3A_3954 : vector<16xf32>
        %mul3A_3956 = arith.mulf %div3A_3939, %get3A_3819 : vector<16xf32>
        %sub3A_3957 = arith.subf %add3A_3955, %mul3A_3956 : vector<16xf32>
        %abs3A_3958 = math.absf %sub3A_3957 : vector<16xf32>
        %add3A_3959 = arith.addf %add3A_3950, %abs3A_3958 : vector<16xf32>
        %get3A_3960 = arith.index_cast %select_n3A_164 : i32 to index
        %get3A_3961 = arith.index_cast %add3A_3785 : i32 to index
        %get3A_3962 = arith.constant 32 : index
        %get3A_3963 = tpu.vector_load %arg10[%get3A_3960, %get3A_3961, %get3A_3962] {strides = array<i32>} : memref<2x64x128xf32, #tpu.memory_space<vmem>>, vector<16xf32>,
        %add3A_3964 = arith.addf %sub3A_3832, %get3A_3963 : vector<16xf32>
        %mul3A_3965 = arith.mulf %div3A_3939, %get3A_3836 : vector<16xf32>
        %sub3A_3966 = arith.subf %add3A_3964, %mul3A_3965 : vector<16xf32>
        %abs3A_3967 = math.absf %sub3A_3966 : vector<16xf32>
        %add3A_3968 = arith.addf %add3A_3959, %abs3A_3967 : vector<16xf32>
        %get3A_3969 = arith.index_cast %select_n3A_164 : i32 to index
        %get3A_3970 = arith.index_cast %add3A_3785 : i32 to index
        %get3A_3971 = arith.constant 48 : index
        %get3A_3972 = tpu.vector_load %arg10[%get3A_3969, %get3A_3970, %get3A_3971] {strides = array<i32>} : memref<2x64x128xf32, #tpu.memory_space<vmem>>, vector<16xf32>,
        %add3A_3973 = arith.addf %sub3A_3849, %get3A_3972 : vector<16xf32>
        %mul3A_3974 = arith.mulf %div3A_3939, %get3A_3853 : vector<16xf32>
        %sub3A_3975 = arith.subf %add3A_3973, %mul3A_3974 : vector<16xf32>
        %abs3A_3976 = math.absf %sub3A_3975 : vector<16xf32>
        %add3A_3977 = arith.addf %add3A_3968, %abs3A_3976 : vector<16xf32>
        %get3A_3978 = arith.index_cast %select_n3A_164 : i32 to index
        %get3A_3979 = arith.index_cast %add3A_3785 : i32 to index
        %get3A_3980 = arith.constant 64 : index
        %get3A_3981 = tpu.vector_load %arg10[%get3A_3978, %get3A_3979, %get3A_3980] {strides = array<i32>} : memref<2x64x128xf32, #tpu.memory_space<vmem>>, vector<16xf32>,
        %add3A_3982 = arith.addf %sub3A_3866, %get3A_3981 : vector<16xf32>
        %mul3A_3983 = arith.mulf %div3A_3939, %get3A_3870 : vector<16xf32>
        %sub3A_3984 = arith.subf %add3A_3982, %mul3A_3983 : vector<16xf32>
        %abs3A_3985 = math.absf %sub3A_3984 : vector<16xf32>
        %add3A_3986 = arith.addf %add3A_3977, %abs3A_3985 : vector<16xf32>
        %get3A_3987 = arith.index_cast %select_n3A_164 : i32 to index
        %get3A_3988 = arith.index_cast %add3A_3785 : i32 to index
        %get3A_3989 = arith.constant 80 : index
        %get3A_3990 = tpu.vector_load %arg10[%get3A_3987, %get3A_3988, %get3A_3989] {strides = array<i32>} : memref<2x64x128xf32, #tpu.memory_space<vmem>>, vector<16xf32>,
        %add3A_3991 = arith.addf %sub3A_3883, %get3A_3990 : vector<16xf32>
        %mul3A_3992 = arith.mulf %div3A_3939, %get3A_3887 : vector<16xf32>
        %sub3A_3993 = arith.subf %add3A_3991, %mul3A_3992 : vector<16xf32>
        %abs3A_3994 = math.absf %sub3A_3993 : vector<16xf32>
        %add3A_3995 = arith.addf %add3A_3986, %abs3A_3994 : vector<16xf32>
        %get3A_3996 = arith.index_cast %select_n3A_164 : i32 to index
        %get3A_3997 = arith.index_cast %add3A_3785 : i32 to index
        %get3A_3998 = arith.constant 96 : index
        %get3A_3999 = tpu.vector_load %arg10[%get3A_3996, %get3A_3997, %get3A_3998] {strides = array<i32>} : memref<2x64x128xf32, #tpu.memory_space<vmem>>, vector<16xf32>,
        %add3A_4000 = arith.addf %sub3A_3900, %get3A_3999 : vector<16xf32>
        %mul3A_4001 = arith.mulf %div3A_3939, %get3A_3904 : vector<16xf32>
        %sub3A_4002 = arith.subf %add3A_4000, %mul3A_4001 : vector<16xf32>
        %abs3A_4003 = math.absf %sub3A_4002 : vector<16xf32>
        %add3A_4004 = arith.addf %add3A_3995, %abs3A_4003 : vector<16xf32>
        %get3A_4005 = arith.index_cast %select_n3A_164 : i32 to index
        %get3A_4006 = arith.index_cast %add3A_3785 : i32 to index
        %get3A_4007 = arith.constant 112 : index
        %get3A_4008 = tpu.vector_load %arg10[%get3A_4005, %get3A_4006, %get3A_4007] {strides = array<i32>} : memref<2x64x128xf32, #tpu.memory_space<vmem>>, vector<16xf32>,
        %add3A_4009 = arith.addf %sub3A_3917, %get3A_4008 : vector<16xf32>
        %mul3A_4010 = arith.mulf %div3A_3939, %get3A_3921 : vector<16xf32>
        %sub3A_4011 = arith.subf %add3A_4009, %mul3A_4010 : vector<16xf32>
        %abs3A_4012 = math.absf %sub3A_4011 : vector<16xf32>
        %add3A_4013 = arith.addf %add3A_4004, %abs3A_4012 : vector<16xf32>
        %reduce_sum3A_4014 = arith.constant true
        %reduce_sum3A_4015 = vector.broadcast %reduce_sum3A_4014 : i1 to vector<16xi1>
        %reduce_sum3A_4016 = tpu.scan <sum>, %add3A_4013 masked %reduce_sum3A_4015 : vector<16xf32>, vector<16xi1> -> vector<16xf32>
        %reduce_sum3A_4017 = vector.extract %reduce_sum3A_4016[15] : f32 from vector<16xf32>
        %broadcast_in_dim3A_4018 = vector.broadcast %reduce_sum3A_4017 : f32 to vector<16xf32>
        %eq3A_4019 = arith.constant 15 : i32
        %eq3A_4020 = vector.broadcast %eq3A_4019 : i32 to vector<16xi32>
        %eq3A_4021 = arith.cmpi eq, %iota3A, %eq3A_4020 : vector<16xi32>
        %select_n3A_4022 = arith.select %eq3A_4021, %broadcast_in_dim3A_4018, %select_n3A_3781 : vector<16xi1>, vector<16xf32>
        %mul3A_4023 = arith.constant 64 : i32
        %mul3A_4024 = arith.muli %scan3A_71, %mul3A_4023 : i32
        %mul3A_4025 = arith.constant 16 : i32
        %mul3A_4026 = arith.muli %scan3A_171, %mul3A_4025 : i32
        %add3A_4027 = arith.addi %mul3A_4024, %mul3A_4026 : i32
        %multiple_of3A_4028 = tpu.assume_multiple %add3A_4027, 16 : i32
        %swap3A = arith.index_cast %multiple_of3A_4028 : i32 to index
        %swap3A_4029 = tpu.vector_load %arg12[%swap3A] {strides = array<i32>} : memref<512xf32, #tpu.memory_space<vmem>>, vector<16xf32>,
        tpu.vector_store %arg12[%swap3A], %select_n3A_4022 {strides = array<i32>} : memref<512xf32, #tpu.memory_space<vmem>>, vector<16xf32>,
      }
      %scan3A_170 = arith.constant 4 : i32
    }
    %scan3A_68 = arith.constant 8 : i32
    %mul3A_69 = arith.constant 512 : i32
    %mul3A_70 = arith.muli %add3A, %mul3A_69 : i32
    %multiple_of3A = tpu.assume_multiple %mul3A_70, 8 : i32
    "tpu.region"() ({
      %run_scoped3A = tpu.sem_alloc : memref<!tpu.dma_semaphore, #tpu.memory_space<semaphore_mem>>
      %dma_start3A_71 = tpu.memref_slice %arg6[%multiple_of3A] : memref<16384xf32, #tpu.memory_space<hbm>> -> memref<512xf32, #tpu.memory_space<hbm>>
      %dma_start3A_72 = tpu.memref_slice %arg6[%multiple_of3A] : memref<16384xf32, #tpu.memory_space<hbm>> -> memref<512xf32, #tpu.memory_space<hbm>>
      tpu.enqueue_dma source(%arg12 : memref<512xf32, #tpu.memory_space<vmem>>) target(%dma_start3A_72 : memref<512xf32, #tpu.memory_space<hbm>>) target_semaphore(%run_scoped3A : memref<!tpu.dma_semaphore, #tpu.memory_space<semaphore_mem>>)
      %dma_wait3A = tpu.memref_slice %arg6[%multiple_of3A] : memref<16384xf32, #tpu.memory_space<hbm>> -> memref<512xf32, #tpu.memory_space<hbm>>
      %dma_wait3A_73 = tpu.memref_slice %arg6[%multiple_of3A] : memref<16384xf32, #tpu.memory_space<hbm>> -> memref<512xf32, #tpu.memory_space<hbm>>
      tpu.wait_dma2 semaphore(%run_scoped3A : memref<!tpu.dma_semaphore, #tpu.memory_space<semaphore_mem>>) src(%arg12 : memref<512xf32, #tpu.memory_space<vmem>>) dst(%dma_wait3A_73 : memref<512xf32, #tpu.memory_space<hbm>>)
      tpu.yield
    }) : () -> ()
    return
  }
}

</mosaic_0001>

<sc_bundles>
// kernel: kernel.3.cloned.1.call-start
scs
__scs_entry_jumppad:
0x0: {  	(pc) =	sbr.rel $0x88, $3  }
0x1: {  	(tag) =	ssettag $0x0;
	lr =	simm.s32 $0x1  }
0x2: {  	[smem:$0x3F9B] =	sst lr;
	_ =	strace $0xD0000000  }
0x3: {  	_ = 	snop  }
0x4: {  	_ = 	snop  }
0x5: {  	_ = 	snop  }
0x6: {  	_ = 	snop  }
0x7: {  	_ = 	snop  }
__scs_overlays_trampoline_lowered:
0x8: {  	[smem:$0x3FAA] =	sst s0  }
0x9: {  	[smem:$0x3FAB] =	sst s1  }
0xa: {  	[smem:$0x3FAC] =	sst s2  }
0xb: {  	[smem:$0x3FAD] =	sst s3  }
0xc: {  	[smem:$0x3FAE] =	sst s4  }
0xd: {  	[smem:$0x3FAF] =	sst s5  }
0xe: {  	[smem:$0x3FB0] =	sst s6  }
0xf: {  	[smem:$0x3FB1] =	sst s7  }
0x10: {  	[smem:$0x3FB2] =	sst s8  }
0x11: {  	[smem:$0x3FB3] =	sst s9;
	s0 =	simm.s32 @!p0 $0x0  }
0x12: {  	s1 =	sld [smem:$0x3F99];
	s0 =	simm.s32 @p0 $0x1  }
0x13: {  	[smem:$0x3FB4] =	sst s0;
	s0 =	simm.s32 @!p1 $0x0  }
0x14: {  	s2 =	sld [smem:$0x3F98];
	s0 =	simm.s32 @p1 $0x1  }
0x15: {  	[smem:$0x3FB5] =	sst s0;
	s0 =	simm.s32 @!p2 $0x0  }
0x16: {  	s3 =	sld [smem:$0x3FDB];
	s0 =	simm.s32 @p2 $0x1  }
0x17: {  	s4 =	simm.s32 $0x1BF5;
	[smem:$0x3FB7] =	sst s0  }
0x18: {  	s0 =	sld [smem:$0x3F9A];
	_ =	swait.ge [sflag:s4], $0x0  }
0x19: {  	s7 =	sld [smem:$0x3F9B]  }
0x1a: {  	s8 =	sadd.s32 $0xFFFFE003, lr  }
0x1b: {  	s9 =	sadd.s32 $0xFFFFFEF7, lr;
	s5 =	simm.s32 $0xFFFFFFFF;
	p2 =	slt.u32 s8, $0xFFFFF086  }
0x1c: {  	p1 =	slt.u32 s9, $0xF7A;
	s5 =	simm.s32 @!p2 $0x0  }
0x1d: {  	s5 =	simm.s32 @p1 $0x1;
	p0 =	seq.s32 s7, s2  }
0x1e: {  	s7 =	smul.u32 @!p0 $0xF7A, s2;
	p2 =	seq.s32 @!p0 s5, $0x0  }
0x1f: {  	s9 =	smul.u32 $0xF7A, s1;
	s8 =	simm.s32 @!p0 $0x1BF5;
	p2 =	por !p2, p0  }
0x20: {  	[sflag:s8] =	ssyncset.s32 @!p0 $0xFFFFF086;
	s6 =	sadd.s32 @!p0 s3, s7;
	s7 =	simm.s32 @!p0 $0x108  }
0x21: {  	s3 =	sadd.s32 s3, s9;
	s6 =	sadd.s32 @!p0 $0x88, s6;
	s7 =	simm.s32 @p2 $0x1082  }
0x22: {  	[simem:s7], [sflag:s8] =	dma.local @!p0 [hbm:s6], $0xF7A  }
0x23: {  	s9 =	sor.u32 $0xD0000000, s2;
	s6 =	simm.s32 $0x108;
	_ =	swait.ge @!p0 [sflag:s8], $0x0  }
0x24: {  	s3 =	sadd.s32 $0x88, s3;
	s6 =	simm.s32 @!p1 $0x1082;
	[sflag:s4] =	ssyncset.s32 $0xFFFFF086  }
0x25: {  	[simem:s6], [sflag:s4] =	dma.local [hbm:s3], $0xF7A  }
0x26: {  	[smem:$0x3F9B] =	sst s1;
	(tag) =	ssettag s2;
	_ =	strace s9  }
0x27: {  	s1 =	sld [smem:$0x3FAB]  }
0x28: {  	s2 =	sld [smem:$0x3FAC]  }
0x29: {  	s4 =	sld [smem:$0x3FAE]  }
0x2a: {  	p0 =	seq.s32 s5, $0x0;
	s5 =	sld [smem:$0x3FAF]  }
0x2b: {  	s6 =	sld [smem:$0x3FB0]  }
0x2c: {  	s7 =	sld [smem:$0x3FB1]  }
0x2d: {  	s3 =	simm.s32 $0x108;
	s8 =	sld [smem:$0x3FB2]  }
0x2e: {  	s3 =	simm.s32 @!p0 $0x1082;
	s9 =	sld [smem:$0x3FB3]  }
0x2f: {  	lr =	sadd.s32 s0, s3;
	s0 =	sld [smem:$0x3FAA]  }
0x30: {  	s3 =	sld [smem:$0x3FAD]  }
0x31: {  	[smem:$0x3FB6] =	sst s10  }
0x32: {  	s10 =	sld [smem:$0x3FB4];
	_ =	sdelay $0x3  }
0x33: {  	p0 =	seq.s32 s10, $0x1;
	s10 =	sld [smem:$0x3FB6];
	_ =	sdelay $0x3  }
0x34: {  	[smem:$0x3FB6] =	sst s10  }
0x35: {  	s10 =	sld [smem:$0x3FB5];
	_ =	sdelay $0x3  }
0x36: {  	p1 =	seq.s32 s10, $0x1;
	s10 =	sld [smem:$0x3FB6];
	_ =	sdelay $0x3  }
0x37: {  	[smem:$0x3FB6] =	sst s10  }
0x38: {  	s10 =	sld [smem:$0x3FB7]  }
0x39: {  	_ = 	snop;
	(pc) =	sbr.ind lr, $3  }
0x3a: {  	_ = 	snop  }
0x3b: {  	_ = 	snop  }
0x3c: {  	p2 =	seq.s32 s10, $0x1;
	s10 =	sld [smem:$0x3FB6]  }
0x3d: {  	_ =	shalt  }
0x3e: {  	_ =	shalt  }
0x3f: {  	_ =	shalt  }
0x40: {  	_ =	shalt  }
0x41: {  	_ =	shalt  }
0x42: {  	_ =	shalt  }
0x43: {  	_ =	shalt  }
0x44: {  	_ =	shalt  }
0x45: {  	_ =	shalt  }
0x46: {  	_ =	shalt  }
0x47: {  	_ =	shalt  }
0x48: {  	_ =	shalt  }
0x49: {  	_ =	shalt  }
0x4a: {  	_ =	shalt  }
0x4b: {  	_ =	shalt  }
0x4c: {  	_ =	shalt  }
0x4d: {  	_ =	shalt  }
0x4e: {  	_ =	shalt  }
0x4f: {  	_ =	shalt  }
0x50: {  	_ =	shalt  }
0x51: {  	_ =	shalt  }
0x52: {  	_ =	shalt  }
0x53: {  	_ =	shalt  }
0x54: {  	_ =	shalt  }
0x55: {  	_ =	shalt  }
0x56: {  	_ =	shalt  }
0x57: {  	_ =	shalt  }
0x58: {  	_ =	shalt  }
0x59: {  	_ =	shalt  }
0x5a: {  	_ =	shalt  }
0x5b: {  	_ =	shalt  }
0x5c: {  	_ =	shalt  }
0x5d: {  	_ =	shalt  }
0x5e: {  	_ =	shalt  }
0x5f: {  	_ =	shalt  }
0x60: {  	_ =	shalt  }
0x61: {  	_ =	shalt  }
0x62: {  	_ =	shalt  }
0x63: {  	_ =	shalt  }
0x64: {  	_ =	shalt  }
0x65: {  	_ =	shalt  }
0x66: {  	_ =	shalt  }
0x67: {  	_ =	shalt  }
0x68: {  	_ =	shalt  }
0x69: {  	_ =	shalt  }
0x6a: {  	_ =	shalt  }
0x6b: {  	_ =	shalt  }
0x6c: {  	_ =	shalt  }
0x6d: {  	_ =	shalt  }
0x6e: {  	_ =	shalt  }
0x6f: {  	_ =	shalt  }
0x70: {  	_ =	shalt  }
0x71: {  	_ =	shalt  }
0x72: {  	_ =	shalt  }
0x73: {  	_ =	shalt  }
0x74: {  	_ =	shalt  }
0x75: {  	_ =	shalt  }
0x76: {  	_ =	shalt  }
0x77: {  	_ =	shalt  }
0x78: {  	_ =	shalt  }
0x79: {  	_ =	shalt  }
0x7a: {  	_ =	shalt  }
0x7b: {  	_ =	shalt  }
0x7c: {  	_ =	shalt  }
0x7d: {  	_ =	shalt  }
0x7e: {  	_ =	shalt  }
0x7f: {  	_ =	shalt  }
0x80: {  	_ =	shalt  }
0x81: {  	_ =	shalt  }
0x82: {  	_ =	shalt  }
0x83: {  	_ =	shalt  }
0x84: {  	_ =	shalt  }
0x85: {  	_ =	shalt  }
0x86: {  	_ =	shalt  }
0x87: {  	_ =	shalt  }
.Lfunc_end0:
.L_simem_size_0:
called_computation_lowered:
.L_overlay_start_0:
0x88: {  	s2 =	sld [smem:$0x3FD9]  }
0x89: {  	s3 =	sld [smem:$0x3FFE];
	_ =	sdelay $0x1  }
0x8a: {  	s1 =	srdreg.scid  }
0x8b: {  	s0 =	sand.u32 $0x1, s1  }
0x8c: {  	s17 =	sshll.u32 s0, $0xA;
	s2 =	sadd.s32 s3, s2  }
0x8d: {  	s2 =	sadd.s32 s2, s17  }
0x8e: {  	[smem:$0x3FC2] =	sst s2  }
0x8f: {  	_ = 	snop  }
0x90: {  	s2 =	sld [smem:$0x3FC6]  }
0x91: {  	s18 =	sld [smem:$0x3FC5]  }
0x92: {  	s4 =	sld [smem:$0x3FC4]  }
0x93: {  	s5 =	sld [smem:$0x3FD0];
	(tm) =	ssettm $0x1  }
0x94: {  	s6 =	sld [smem:$0x3FFB];
	_ =	sdelay $0x3  }
0x95: {  	_ =	strace s6  }
0x96: {  	s6 =	sld [smem:$0x3FFC];
	_ =	sdelay $0x3  }
0x97: {  	_ =	strace s6  }
0x98: {  	s6 =	sld [smem:$0x3FFD];
	_ =	sdelay $0x3  }
0x99: {  	_ =	strace s6  }
0x9a: {  	_ =	strace $0x8FFFFFFF  }
0x9b: {  	s19 =	sld [smem:$0x3FDB];
	_ =	sdelay $0x1  }
0x9c: {  	s7 =	simm.s32 $_scs_section_size  }
0x9d: {  	s8 =	simm.s32 $_size__tile_overlayer_lowered;
	s9 =	simm.s32 $_tile_overlayer_lowered  }
0x9e: {  	s22 =	simm.s32 $0x1BFF;
	s21 =	sshll.u32 s9, $0x1;
	s6 =	sadd.s32 s7, s19  }
0x9f: {  	s10 =	simm.s32 $0x0;
	s20 =	sshll.u32 s8, $0x1;
	s8 =	sadd.s32 s21, s6  }
0xa0: {  	[timem:s10], [sflag:s22] =	dma.local [hbm:s8], s20  }
0xa1: {  	_ =	swait.ge [sflag:s22], s20  }
0xa2: {  	s7 =	ssub.s32 $0x0, s20;
	[sflag:s22] =	ssyncset.done $0x0  }
0xa3: {  	[sflag:s22] =	ssyncadd.s32 s7;
	_ =	sdelay $0x1  }
0xa4: {  	s23 =	simm.s32 $0x1B8B  }
0xa5: {  	_ =	swait.ge [sflag:s23], $0x1  }
0xa6: {  	[sflag:s23] =	ssyncset.done $0x0  }
0xa7: {  	s25 =	simm.s32 $0x1B8E;
	s24 =	sld [smem:$0x3FFE];
	[sflag:s23] =	ssyncadd.s32 $0xFFFFFFFF  }
0xa8: {  	s26 =	simm.s32 $execute0_lowered;
	[smem:$0x3FD2] =	sst s25  }
0xa9: {  	s8 =	sshll.u32 s26, $0x1;
	_ =	strace $0x80000046;
	[dreg:$0x1] =	wrdreg $0xFFFFFFFF  }
0xaa: {  	s28 =	simm.s32 $_size_execute0_lowered;
	s6 =	sadd.s32 s6, s8;
	[dreg:$0x0] =	wrdreg $0x0  }
0xab: {  	s8 =	sshll.u32 s28, $0x1;
	[dreg:$0x2] =	wrdreg s6  }
0xac: {  	[dreg:$0x3] =	wrdreg s8  }
0xad: {  	[dreg:$0x4] =	wrdreg $0xC0  }
0xae: {  	_ =	task [dreg:s10], $0x5FFFF  }
0xaf: {  	[dreg:$0x1] =	wrdreg $0xFFFFFFFF  }
0xb0: {  	[dreg:$0x0] =	wrdreg $0x60  }
0xb1: {  	[dreg:$0x2] =	wrdreg s24  }
0xb2: {  	[dreg:$0x3] =	wrdreg s2  }
0xb3: {  	[dreg:$0x4] =	wrdreg s18  }
0xb4: {  	[dreg:$0x5] =	wrdreg s4  }
0xb5: {  	[dreg:$0x6] =	wrdreg s5  }
0xb6: {  	[dreg:$0x7] =	wrdreg $0x9  }
0xb7: {  	_ =	task.clear_ibuf [dreg:s10], $0x8FFFF;
	_ =	strace $0x90000046  }
0xb8: {  	s29 =	simm.s32 $0x9;
	_ =	strace $0x80000048  }
0xb9: {  	_ =	swait.ge [sflag:s29], $0x1  }
0xba: {  	[sflag:s29] =	ssyncadd.s32 $0xFFFFFFFF  }
0xbb: {  	_ =	strace $0x90000048  }
0xbc: {  	_ =	sfence  }
0xbd: {  	s30 =	sld [smem:$0x0];
	_ =	sdelay $0x2  }
0xbe: {  	s31 =	sshll.u32 s1, $0xD;
	s1 =	sshrl.u32 s1, $0x2  }
0xbf: {  	s3 =	sand.u32 $0x4000, s31;
	s1 =	sadd.s32 s1, s30  }
0xc0: {  	s0 =	sor.u32 s3, s0;
	s1 =	sshll.u32 s1, $0x11  }
0xc1: {  	s0 =	sor.u32 s1, s0  }
0xc2: {  	s0 =	sadd.s32 $0x8F2B, s0  }
0xc3: {  	[sflag:s0] =	ssyncadd.remote.s32 $0x1  }
0xc4: {  	_ =	sfence.sel $0xFFFF  }
0xc5: {  	[dreg:$0x0] =	wrdreg $0xFFFFFFFF;
	(pc) =	sbr.abs _section_cstart, $3  }
0xc6: {  	[dreg:$0x1] =	wrdreg $0xFFFFFFFF  }
0xc7: {  	_ =	task.clear_ibuf [dreg:s10], $0x2FFFF;
	_ =	strace $0x9FFFFFFF  }
0xc8: {  	(tm) =	ssettm $0x7FFFFFFF  }
0xc9: {  	_ =	shalt  }
tec
execute0_lowered:
.L_overlay_start_1:
0x0: {  	(tag) =	ssettag $0x1  }
0x1: {  	s0 =	rddreg [dreg:$0x0]  }
0x2: {  	s1 =	rddreg [dreg:$0x1]  }
0x3: {  	s2 =	rddreg [dreg:$0x2]  }
0x4: {  	s3 =	srdreg.scid;
	s4 =	rddreg [dreg:$0x3]  }
0x5: {  	s5 =	stileid.u32;
	s7 =	rddreg [dreg:$0x4]  }
0x6: {  	s9 =	simm.s32 $0x3;
	s10 =	simm.s32 $0x40;
	s14 =	simm.s32 $0x800  }
0x7: {  	s16 =	simm.s32 $0xCC00;
	s3 =	sand.u32 $0x1, s3;
	s5 =	sshll.u32 s5, $0x1  }
0x8: {  	vm0 =	vmmov $0x1;
	vm1 =	vmmov $0x3;
	vm2 =	vmmov $0x7;
	s17 =	simm.s32 $0x10C00;
	s18 =	simm.s32 $0x0;
	s8 =	sor.u32 s3, s5  }
0x9: {  	vm3 =	vmmov $0xf;
	vm4 =	vmmov $0x1f;
	vm5 =	vmmov $0x3f;
	s5 =	simm.s32 $0x0;
	s3 =	ssub.s32 $0x2, s3;
	s6 =	smul.u32 $0x180, s8  }
0xa: {  	vm6 =	vmmov $0x7f;
	vm7 =	vmmov $0xff;
	vm8 =	vmmov $0x1ff;
	[smem:$0x7FF] =	sst s5;
	s30 =	sshrl.u32 s3, $0x1;
	s31 =	sshll.u32 s8, $0x6  }
0xb: {  	vm9 =	vmmov $0x3ff;
	vm10 =	vmmov $0x7ff;
	vm11 =	vmmov $0xfff;
	_ =	strace $0x80000047;
	s3 =	ssub.s32 s3, s30;
	s0 =	sadd.s32 s6, s0  }
0xc: {  	vm12 =	vmmov $0x1fff;
	vm13 =	vmmov $0x3fff;
	vm14 =	vmmov $0x7fff;
	s7 =	sadd.s32 s7, s31;
	s8 =	smax.u32 s3, $0x1;
	s6 =	sadd.s32 $0x400, s0  }
.LBB2_1:
0xd: {  	[tilespmem:s5], [sflag:$0x3] =	stream.linear.gather [hbm4b:s6+s5], $0xC00, $0x38;
	[tilespmem:$0x10E00] =	vst v63  }
0xe: {  	_ =	swait.ge [sflag:s9], $0xC00  }
0xf: {  	[sflag:s9] =	ssyncset.done $0x0  }
0x10: {  	s0 =	simm.s32 $0xC00;
	[sflag:s9] =	ssyncadd.s32 $0xFFFFF400  }
0x11: {  	[tilespmem:s0], [sflag:$0x1] =	stream.indirect.gather [hbm4b:s1+s10], $0x80, s5, s10, $0xb8;
	[tilespmem:$0x10E00] =	vst v63  }
0x12: {  	s30 =	simm.s32 $0x400;
	s3 =	simm.s32 $0x4C00  }
0x13: {  	[tilespmem:s3], [sflag:$0x1] =	stream.indirect.gather [hbm4b:s1+s10], $0x80, s30, s10, $0xb8;
	[tilespmem:$0x10E00] =	vst v63  }
0x14: {  	s31 =	simm.s32 $0x8C00  }
0x15: {  	[tilespmem:s31], [sflag:$0x1] =	stream.indirect.gather [hbm4b:s2+s10], $0x80, s14, s10, $0xb8;
	[tilespmem:$0x10E00] =	vst v63  }
0x16: {  	s19 =	simm.s32 $0x0  }
0x17: {  	[tilespmem:s16], [sflag:$0x1] =	stream.indirect.gather [hbm4b:s4+s10], $0x80, s14, s10, $0xb8;
	[tilespmem:$0x10E00] =	vst v63  }
.LBB2_3:
0x18: {  	s0 =	smov.u32 s19  }
0x19: {  	s19 =	sadd.s32 $0x1, s19;
	p0 =	seq.s32 s0, $0x7  }
0x1a: {  	s3 =	sand.u32 @!p0 $0x1, s19  }
0x1b: {  	s13 =	sshll.u32 @!p0 s19, $0x7;
	s20 =	simm.s32 @!p0 $0x40;
	s11 =	sshll.u32 @!p0 s3, $0xD  }
0x1c: {  	s13 =	sand.u32 @!p0 $0x3FFFFF80, s13;
	s3 =	sadd.s32 @!p0 $0x1, s3;
	s12 =	sor.u32 @!p0 $0xC00, s11  }
0x1d: {  	[tilespmem:s12], [sflag:s3] =	stream.indirect.gather @!p0 [hbm4b:s1+s20], $0x80, s13, s20, $0xb8;
	[tilespmem:$0x10E00] =	vst v63  }
0x1e: {  	s21 =	sadd.s32 @!p0 $0x400, s13;
	s12 =	sor.u32 @!p0 $0x4C00, s11  }
0x1f: {  	[tilespmem:s12], [sflag:s3] =	stream.indirect.gather @!p0 [hbm4b:s1+s20], $0x80, s21, s20, $0xb8;
	[tilespmem:$0x10E00] =	vst v63  }
0x20: {  	s25 =	sand.u32 $0x1, s0;
	s13 =	sadd.s32 @!p0 $0x800, s13;
	s12 =	sor.u32 @!p0 $0x8C00, s11  }
0x21: {  	[tilespmem:s12], [sflag:s3] =	stream.indirect.gather @!p0 [hbm4b:s2+s20], $0x80, s13, s20, $0xb8;
	[tilespmem:$0x10E00] =	vst v63  }
0x22: {  	s26 =	sadd.s32 $0x1, s25;
	s11 =	sor.u32 @!p0 $0xCC00, s11  }
0x23: {  	[tilespmem:s11], [sflag:s3] =	stream.indirect.gather @!p0 [hbm4b:s4+s20], $0x80, s13, s20, $0xb8;
	[tilespmem:$0x10E00] =	vst v63  }
0x24: {  	_ =	swait.ge [sflag:s26], $0x2000  }
0x25: {  	s0 =	sshll.u32 s0, $0x6;
	[sflag:s26] =	ssyncset.done $0x0  }
0x26: {  	s0 =	sand.u32 $0x3FFFFFC0, s0;
	[sflag:s26] =	ssyncadd.s32 $0xFFFFE000  }
0x27: {  	s15 =	sadd.s32 $0x10C00, s0;
	s20 =	sshll.u32 s25, $0xD;
	_ =	swait.ge [sflag:s26], $0x2000  }
0x28: {  	s11 =	simm.s32 $0x0;
	s3 =	sor.u32 $0x80, s20;
	[sflag:s26] =	ssyncset.done $0x0  }
0x29: {  	s12 =	sor.u32 $0x100, s20;
	s13 =	sor.u32 $0x180, s20;
	[sflag:s26] =	ssyncadd.s32 $0xFFFFE000  }
0x2a: {  	s21 =	sor.u32 $0x200, s20;
	s22 =	sor.u32 $0x280, s20;
	_ =	swait.ge [sflag:s26], $0x2000  }
0x2b: {  	s23 =	sor.u32 $0x300, s20;
	s24 =	sor.u32 $0x380, s20;
	[sflag:s26] =	ssyncset.done $0x0  }
0x2c: {  	s25 =	sor.u32 $0x400, s20;
	s28 =	sor.u32 $0x500, s20;
	[sflag:s26] =	ssyncadd.s32 $0xFFFFE000  }
0x2d: {  	s29 =	sor.u32 $0x580, s20;
	_ =	swait.ge [sflag:s26], $0x2000;
	[dreg:$0x6] =	wrdreg s3  }
0x2e: {  	s30 =	sor.u32 $0x600, s20;
	s31 =	sor.u32 $0x680, s20;
	[dreg:$0x7] =	wrdreg s12  }
0x2f: {  	s0 =	sor.u32 $0x780, s20;
	[dreg:$0x8] =	wrdreg s13;
	[sflag:s26] =	ssyncset.done $0x0  }
0x30: {  	v0 =	vmov s15;
	s3 =	sor.u32 $0x700, s20;
	[sflag:s26] =	ssyncadd.s32 $0xFFFFE000;
	s26 =	sor.u32 $0x480, s20  }
.LBB2_4:
0x31: {  	s12 =	sshll.u32 s11, $0xB  }
0x32: {  	s13 =	sor.u32 s20, s12  }
0x33: {  	v1 =	vld [tilespmem:s13+$0xC00]  }
0x34: {  	v2 =	vld [tilespmem:s13+$0x4C00]  }
0x35: {  	v3 =	vld [tilespmem:s13+$0xCC00]  }
0x36: {  	v4 =	vld [tilespmem:s13+$0xC10]  }
0x37: {  	v5 =	vld [tilespmem:s13+$0x4C10]  }
0x38: {  	v6 =	vld [tilespmem:s13+$0xCC10]  }
0x39: {  	v7 =	vld [tilespmem:s13+$0xC20]  }
0x3a: {  	v8 =	vld [tilespmem:s13+$0x4C20]  }
0x3b: {  	v9 =	vld [tilespmem:s13+$0xCC20]  }
0x3c: {  	v10 =	vld [tilespmem:s13+$0xC30]  }
0x3d: {  	v11 =	vld [tilespmem:s13+$0x4C30]  }
0x3e: {  	v12 =	vld [tilespmem:s13+$0xCC30]  }
0x3f: {  	v13 =	vld [tilespmem:s13+$0xC40]  }
0x40: {  	v14 =	vld [tilespmem:s13+$0xCC40];
	v1 =	vsub.f32 v1, v2  }
0x41: {  	v62 =	vld [tilespmem:s13+$0xC50]  }
0x42: {  	v16 =	vld [tilespmem:s13+$0x4C50];
	v4 =	vsub.f32 v4, v5;
	v15 =	vmul.f32 v3, v1  }
0x43: {  	v2 =	vld [tilespmem:s13+$0x4C40]  }
0x44: {  	v63 =	vld [tilespmem:s13+$0xCC50];
	v7 =	vsub.f32 v7, v8;
	v17 =	vmul.f32 v6, v4;
	v15 =	vadd.f32 $0.0e+00, v15  }
0x45: {  	v20 =	vld [tilespmem:s13+$0xC60];
	v18 =	vmul.f32 v3, v3;
	v19 =	vmul.f32 v6, v6  }
0x46: {  	v28 =	vld [tilespmem:s13+$0x4C60];
	v10 =	vsub.f32 v10, v11;
	v27 =	vmul.f32 v9, v7;
	v15 =	vadd.f32 v17, v15  }
0x47: {  	v21 =	vld [tilespmem:s13+$0xCC60];
	v29 =	vmul.f32 v9, v9;
	v18 =	vadd.f32 v19, v18  }
0x48: {  	v31 =	vld [tilespmem:s13+$0xC70];
	v30 =	vmul.f32 v12, v10;
	v2 =	vsub.f32 v13, v2;
	v15 =	vadd.f32 v27, v15  }
0x49: {  	v22 =	vld [tilespmem:s13+$0x4C70];
	v32 =	vmul.f32 v12, v12;
	v18 =	vadd.f32 v29, v18  }
0x4a: {  	v5 =	vsub.f32 v62, v16;
	v33 =	vmul.f32 v14, v2;
	v15 =	vadd.f32 v30, v15  }
0x4b: {  	v35 =	vmul.f32 v14, v14;
	v19 =	vld [tilespmem:s13+$0xCC70];
	v34 =	vadd.f32 v32, v18  }
0x4c: {  	v11 =	vsub.f32 v20, v28;
	v36 =	vmul.f32 v63, v5;
	v15 =	vadd.f32 v33, v15  }
0x4d: {  	v37 =	vmul.f32 v63, v63;
	v16 =	vadd.f32 v35, v34  }
0x4e: {  	v38 =	vmul.f32 v21, v11;
	v13 =	vsub.f32 v31, v22;
	v15 =	vadd.f32 v36, v15  }
0x4f: {  	v39 =	vmul.f32 v21, v21;
	v16 =	vadd.f32 v37, v16  }
0x50: {  	v40 =	vmul.f32 v19, v13;
	v15 =	vadd.f32 v38, v15  }
0x51: {  	v41 =	vmul.f32 v19, v19;
	v16 =	vadd.f32 v39, v16  }
0x52: {  	v15 =	vadd.f32 v40, v15  }
0x53: {  	v16 =	vadd.f32 v41, v16  }
0x54: {  	(xrf2) =	vadd.scan.msk.f32 $0xffff, v15  }
0x55: {  	(xrf2) =	vadd.scan.msk.f32 $0xffff, v16;
	_ =	sdelay $0x8  }
0x56: {  	v42 =	vld [tilespmem:s13+$0x8C00];
	v15, _, _ =	vpop (xrf2)  }
0x57: {  	v43 =	vld [tilespmem:s13+$0x8C10];
	v16, _, _ =	vpop (xrf2)  }
0x58: {  	v44 =	vld [tilespmem:s13+$0x8C20];
	v16 =	vmax.f32 v16, $1.000000020e-24  }
0x59: {  	v45 =	vld [tilespmem:s13+$0x8C30];
	v16 =	vbroadcast v16, $0xF  }
0x5a: {  	v46 =	vld [tilespmem:s13+$0x8C40]  }
0x5b: {  	v23 =	vld [tilespmem:s13+$0x8C50];
	(erf) = vrcp.f32 v16  }
0x5c: {  	s15 =	rddreg [dreg:$0x6];
	v24 =	vld [tilespmem:s13+$0x8C60]  }
0x5d: {  	v26 =	vld [tilespmem:s13+$0x8C70];
	s13 =	sor.u32 s15, s12  }
0x5e: {  	v47 =	vld [tilespmem:s13+$0xC00]  }
0x5f: {  	v48 =	vld [tilespmem:s13+$0xC10]  }
0x60: {  	v51 =	vld [tilespmem:s13+$0xC20]  }
0x61: {  	v52 =	vld [tilespmem:s13+$0x4C20]  }
0x62: {  	v55 =	vld [tilespmem:s13+$0xC30]  }
0x63: {  	v56 =	vld [tilespmem:s13+$0x4C30];
	v15 =	vbroadcast v15, $0xF  }
0x64: {  	v1 =	vadd.f32 v42, v1;
	v4 =	vadd.f32 v43, v4;
	v37 =	vld [tilespmem:s13+$0xC70];
	v25 =	vpop (erf)  }
0x65: {  	v49 =	vadd.f32 v44, v7;
	v10 =	vadd.f32 v45, v10;
	v39 =	vld [tilespmem:s13+$0x4C70];
	v15 =	vmul.f32 v25, v15  }
0x66: {  	v5 =	vadd.f32 v23, v5;
	v61 =	vadd.f32 v24, v11;
	v57 =	vld [tilespmem:s13+$0xC40]  }
0x67: {  	v58 =	vld [tilespmem:s13+$0x4C40];
	v2 =	vadd.f32 v46, v2;
	v3 =	vmul.f32 v15, v3;
	v6 =	vmul.f32 v15, v6  }
0x68: {  	v13 =	vadd.f32 v26, v13;
	v27 =	vld [tilespmem:s13+$0x4C00];
	v7 =	vsub.f32 v51, v52  }
0x69: {  	v16 =	vld [tilespmem:s13+$0xCC00];
	v50 =	vmul.f32 v15, v9;
	v1 =	vsub.f32 v1, v3;
	v4 =	vsub.f32 v4, v6  }
0x6a: {  	v20 =	vsub.f32 v37, v39;
	v12 =	vmul.f32 v15, v12;
	v8 =	vmul.f32 v15, v63;
	v3 =	vld [tilespmem:s13+$0x4C10]  }
0x6b: {  	v60 =	vld [tilespmem:s13+$0xC50];
	v6 =	vsub.f32 v49, v50;
	v1 =	vand.u32 $0x7FFFFFFF, v1;
	v4 =	vand.u32 $0x7FFFFFFF, v4  }
0x6c: {  	v9 =	vld [tilespmem:s13+$0xCC10];
	v54 =	vmul.f32 v15, v14;
	v53 =	vsub.f32 v10, v12;
	v1 =	vadd.f32 v4, v1  }
0x6d: {  	v32 =	vld [tilespmem:s13+$0xC60];
	v5 =	vsub.f32 v5, v8;
	v8 =	vsub.f32 v47, v27;
	v6 =	vand.u32 $0x7FFFFFFF, v6  }
0x6e: {  	v10 =	vld [tilespmem:s13+$0xCC20];
	v2 =	vsub.f32 v2, v54;
	v1 =	vadd.f32 v1, v6  }
0x6f: {  	v34 =	vld [tilespmem:s13+$0x4C60];
	v59 =	vmul.f32 v16, v8;
	v4 =	vand.u32 $0x7FFFFFFF, v53;
	v3 =	vsub.f32 v48, v3  }
0x70: {  	v30 =	vmul.f32 v16, v16;
	v62 =	vmul.f32 v15, v21;
	v12 =	vld [tilespmem:s13+$0xCC30];
	v1 =	vadd.f32 v1, v4  }
0x71: {  	v63 =	vld [tilespmem:s13+$0x4C50];
	v2 =	vand.u32 $0x7FFFFFFF, v2;
	v22 =	vadd.f32 $0.0e+00, v59;
	v29 =	vmul.f32 v9, v3  }
0x72: {  	v15 =	vmul.f32 v15, v19;
	v31 =	vmul.f32 v9, v9;
	v1 =	vadd.f32 v1, v2;
	v2 =	vld [tilespmem:s13+$0xCC40]  }
0x73: {  	v33 =	vmul.f32 v10, v7;
	v6 =	vsub.f32 v55, v56;
	v22 =	vadd.f32 v29, v22  }
0x74: {  	v18 =	vld [tilespmem:s13+$0xCC50];
	v14 =	vsub.f32 v32, v34;
	v11 =	vadd.f32 v31, v30;
	v35 =	vmul.f32 v10, v10  }
0x75: {  	v36 =	vmul.f32 v12, v6;
	v4 =	vsub.f32 v57, v58;
	v22 =	vadd.f32 v33, v22  }
0x76: {  	v27 =	vld [tilespmem:s13+$0xCC60];
	v5 =	vand.u32 $0x7FFFFFFF, v5;
	v38 =	vmul.f32 v12, v12;
	v11 =	vadd.f32 v35, v11  }
0x77: {  	v17 =	vsub.f32 v60, v63;
	v22 =	vadd.f32 v36, v22;
	v40 =	vmul.f32 v2, v4  }
0x78: {  	v21 =	vld [tilespmem:s13+$0xCC70];
	v11 =	vadd.f32 v38, v11;
	v1 =	vadd.f32 v1, v5;
	v41 =	vmul.f32 v2, v2  }
0x79: {  	v42 =	vmul.f32 v18, v17;
	v5 =	vsub.f32 v61, v62;
	v22 =	vadd.f32 v40, v22  }
0x7a: {  	v43 =	vmul.f32 v18, v18;
	v13 =	vsub.f32 v13, v15;
	v11 =	vadd.f32 v41, v11  }
0x7b: {  	v45 =	vmul.f32 v27, v14;
	v5 =	vand.u32 $0x7FFFFFFF, v5;
	v44 =	vadd.f32 v42, v22  }
0x7c: {  	v47 =	vmul.f32 v27, v27;
	v1 =	vadd.f32 v1, v5;
	v46 =	vadd.f32 v43, v11  }
0x7d: {  	v13 =	vand.u32 $0x7FFFFFFF, v13;
	v49 =	vmul.f32 v21, v20;
	v48 =	vadd.f32 v45, v44  }
0x7e: {  	v50 =	vmul.f32 v21, v21;
	v1 =	vadd.f32 v1, v13;
	v5 =	vadd.f32 v47, v46  }
0x7f: {  	v51 =	vadd.f32 v49, v48  }
0x80: {  	(xrf2) =	vadd.scan.msk.f32 $0xffff, v1;
	v1 =	vadd.f32 v50, v5  }
0x81: {  	(xrf2) =	vadd.scan.msk.f32 $0xffff, v51  }
0x82: {  	(xrf2) =	vadd.scan.msk.f32 $0xffff, v1;
	_ =	sdelay $0x7  }
0x83: {  	v1, _, _ =	vpop (xrf2)  }
0x84: {  	v54 =	vld [tilespmem:s13+$0x8C00];
	v52, _, _ =	vpop (xrf2)  }
0x85: {  	v60 =	vld [tilespmem:s13+$0x8C60];
	v53, _, _ =	vpop (xrf2)  }
0x86: {  	v59 =	vld [tilespmem:s13+$0x8C50];
	v11 =	vmax.f32 v53, $1.000000020e-24  }
0x87: {  	v55 =	vld [tilespmem:s13+$0x8C10];
	v11 =	vbroadcast v11, $0xF  }
0x88: {  	v56 =	vld [tilespmem:s13+$0x8C20]  }
0x89: {  	v57 =	vld [tilespmem:s13+$0x8C30];
	(erf) = vrcp.f32 v11  }
0x8a: {  	s15 =	rddreg [dreg:$0x7];
	v58 =	vld [tilespmem:s13+$0x8C40]  }
0x8b: {  	v62 =	vld [tilespmem:s13+$0x8C70];
	s13 =	sor.u32 s15, s12  }
0x8c: {  	v63 =	vld [tilespmem:s13+$0xC00]  }
0x8d: {  	v28 =	vld [tilespmem:s13+$0x4C00]  }
0x8e: {  	v31 =	vld [tilespmem:s13+$0xC10]  }
0x8f: {  	v32 =	vld [tilespmem:s13+$0x4C10]  }
0x90: {  	v7 =	vadd.f32 v56, v7;
	v56 =	vld [tilespmem:s13+$0xC70]  }
0x91: {  	v4 =	vadd.f32 v58, v4;
	v58 =	vld [tilespmem:s13+$0x4C70];
	v5 =	vbroadcast v52, $0xF  }
0x92: {  	v43 =	vld [tilespmem:s13+$0xC50];
	v61 =	vpop (erf)  }
0x93: {  	v8 =	vadd.f32 v54, v8;
	v38 =	vadd.f32 v59, v17;
	v46 =	vld [tilespmem:s13+$0x4C50];
	v5 =	vmul.f32 v61, v5  }
0x94: {  	v3 =	vadd.f32 v55, v3;
	v6 =	vadd.f32 v57, v6;
	v34 =	vld [tilespmem:s13+$0xC20]  }
0x95: {  	v35 =	vld [tilespmem:s13+$0x4C20];
	v20 =	vadd.f32 v62, v20;
	v30 =	vmul.f32 v5, v16;
	v9 =	vmul.f32 v5, v9  }
0x96: {  	v37 =	vld [tilespmem:s13+$0x4C30];
	v17 =	vsub.f32 v63, v28;
	v19 =	vsub.f32 v56, v58  }
0x97: {  	v36 =	vld [tilespmem:s13+$0xC30];
	v33 =	vmul.f32 v5, v10;
	v8 =	vsub.f32 v8, v30;
	v3 =	vsub.f32 v3, v9  }
0x98: {  	v44 =	vadd.f32 v60, v14;
	v13 =	vsub.f32 v43, v46;
	v16 =	vld [tilespmem:s13+$0xCC00];
	v12 =	vmul.f32 v5, v12  }
0x99: {  	v40 =	vld [tilespmem:s13+$0xC40];
	v7 =	vsub.f32 v7, v33;
	v8 =	vand.u32 $0x7FFFFFFF, v8;
	v3 =	vand.u32 $0x7FFFFFFF, v3  }
0x9a: {  	v11 =	vsub.f32 v31, v32;
	v10 =	vld [tilespmem:s13+$0xCC10];
	v3 =	vadd.f32 v3, v8  }
0x9b: {  	v41 =	vld [tilespmem:s13+$0x4C40];
	v2 =	vmul.f32 v5, v2;
	v6 =	vsub.f32 v6, v12;
	v7 =	vand.u32 $0x7FFFFFFF, v7  }
0x9c: {  	v39 =	vmul.f32 v5, v18;
	v45 =	vmul.f32 v5, v27;
	v8 =	vld [tilespmem:s13+$0xCC20];
	v3 =	vadd.f32 v3, v7  }
0x9d: {  	v50 =	vld [tilespmem:s13+$0xC60];
	v2 =	vsub.f32 v4, v2;
	v6 =	vand.u32 $0x7FFFFFFF, v6;
	v42 =	vmul.f32 v16, v17  }
0x9e: {  	v18 =	vld [tilespmem:s13+$0xCC30];
	v5 =	vmul.f32 v5, v21;
	v9 =	vsub.f32 v34, v35;
	v3 =	vadd.f32 v3, v6  }
0x9f: {  	v52 =	vld [tilespmem:s13+$0x4C60];
	v2 =	vand.u32 $0x7FFFFFFF, v2;
	v47 =	vmul.f32 v10, v11;
	v22 =	vadd.f32 $0.0e+00, v42  }
0xa0: {  	v48 =	vmul.f32 v16, v16;
	v49 =	vmul.f32 v10, v10;
	v2 =	vadd.f32 v3, v2;
	v3 =	vld [tilespmem:s13+$0xCC40]  }
0xa1: {  	v7 =	vsub.f32 v36, v37;
	v22 =	vadd.f32 v47, v22;
	v51 =	vmul.f32 v8, v9  }
0xa2: {  	v15 =	vld [tilespmem:s13+$0xCC50];
	v4 =	vsub.f32 v38, v39;
	v14 =	vadd.f32 v49, v48;
	v53 =	vmul.f32 v8, v8  }
0xa3: {  	v55 =	vmul.f32 v18, v7;
	v6 =	vsub.f32 v40, v41;
	v22 =	vadd.f32 v51, v22  }
0xa4: {  	v54 =	vld [tilespmem:s13+$0xCC60];
	v12 =	vsub.f32 v50, v52;
	v57 =	vmul.f32 v18, v18;
	v14 =	vadd.f32 v53, v14  }
0xa5: {  	v4 =	vand.u32 $0x7FFFFFFF, v4;
	v22 =	vadd.f32 v55, v22;
	v59 =	vmul.f32 v3, v6  }
0xa6: {  	v61 =	vld [tilespmem:s13+$0xCC70];
	v2 =	vadd.f32 v2, v4;
	v14 =	vadd.f32 v57, v14;
	v60 =	vmul.f32 v3, v3  }
0xa7: {  	v62 =	vmul.f32 v15, v13;
	v4 =	vsub.f32 v44, v45;
	v22 =	vadd.f32 v59, v22  }
0xa8: {  	v63 =	vmul.f32 v15, v15;
	v5 =	vsub.f32 v20, v5;
	v14 =	vadd.f32 v60, v14  }
0xa9: {  	v27 =	vmul.f32 v54, v12;
	v4 =	vand.u32 $0x7FFFFFFF, v4;
	v25 =	vadd.f32 v62, v22  }
0xaa: {  	v30 =	vmul.f32 v54, v54;
	v2 =	vadd.f32 v2, v4;
	v29 =	vadd.f32 v63, v14  }
0xab: {  	v32 =	vmul.f32 v61, v19;
	v5 =	vand.u32 $0x7FFFFFFF, v5;
	v31 =	vadd.f32 v27, v25  }
0xac: {  	v33 =	vmul.f32 v61, v61;
	v2 =	vadd.f32 v2, v5;
	v4 =	vadd.f32 v30, v29  }
0xad: {  	v34 =	vadd.f32 v32, v31  }
0xae: {  	(xrf2) =	vadd.scan.msk.f32 $0xffff, v2;
	v2 =	vadd.f32 v33, v4  }
0xaf: {  	(xrf2) =	vadd.scan.msk.f32 $0xffff, v34  }
0xb0: {  	(xrf2) =	vadd.scan.msk.f32 $0xffff, v2;
	_ =	sdelay $0x7  }
0xb1: {  	v2, _, _ =	vpop (xrf2)  }
0xb2: {  	v35, _, _ =	vpop (xrf2)  }
0xb3: {  	v36, _, _ =	vpop (xrf2)  }
0xb4: {  	v5 =	vmax.f32 v36, $1.000000020e-24  }
0xb5: {  	v5 =	vbroadcast v5, $0xF;
	_ =	sdelay $0x1  }
0xb6: {  	(erf) = vrcp.f32 v5;
	_ =	sdelay $0x5  }
0xb7: {  	v38 =	vld [tilespmem:s13+$0x8C10]  }
0xb8: {  	v37 =	vld [tilespmem:s13+$0x8C00]  }
0xb9: {  	v40 =	vld [tilespmem:s13+$0x8C20];
	v4 =	vbroadcast v35, $0xF  }
0xba: {  	v39 =	vpop (erf)  }
0xbb: {  	v41 =	vld [tilespmem:s13+$0x8C30];
	v4 =	vmul.f32 v39, v4  }
0xbc: {  	v11 =	vadd.f32 v38, v11  }
0xbd: {  	v42 =	vld [tilespmem:s13+$0x8C40];
	v5 =	vadd.f32 v37, v17;
	v16 =	vmul.f32 v4, v16;
	v10 =	vmul.f32 v4, v10  }
0xbe: {  	v9 =	vadd.f32 v40, v9  }
0xbf: {  	v43 =	vld [tilespmem:s13+$0x8C50];
	v8 =	vmul.f32 v4, v8;
	v5 =	vsub.f32 v5, v16;
	v10 =	vsub.f32 v11, v10  }
0xc0: {  	v7 =	vadd.f32 v41, v7;
	v45 =	vmul.f32 v4, v18  }
0xc1: {  	v46 =	vld [tilespmem:s13+$0x8C60];
	v8 =	vsub.f32 v9, v8;
	v5 =	vand.u32 $0x7FFFFFFF, v5;
	v44 =	vand.u32 $0x7FFFFFFF, v10  }
0xc2: {  	v6 =	vadd.f32 v42, v6;
	v5 =	vadd.f32 v44, v5  }
0xc3: {  	v47 =	vld [tilespmem:s13+$0x8C70];
	v3 =	vmul.f32 v4, v3;
	v7 =	vsub.f32 v7, v45;
	v8 =	vand.u32 $0x7FFFFFFF, v8  }
0xc4: {  	s15 =	rddreg [dreg:$0x8];
	v48 =	vadd.f32 v43, v13;
	v5 =	vadd.f32 v5, v8  }
0xc5: {  	s15 =	sor.u32 s15, s12;
	v49 =	vmul.f32 v4, v15;
	v3 =	vsub.f32 v6, v3;
	v7 =	vand.u32 $0x7FFFFFFF, v7  }
0xc6: {  	v24 =	vld [tilespmem:s15+$0xCC60];
	v52 =	vadd.f32 v46, v12;
	v5 =	vadd.f32 v5, v7  }
0xc7: {  	v58 =	vld [tilespmem:s15+$0x4C10];
	v53 =	vmul.f32 v4, v54;
	v50 =	vsub.f32 v48, v49;
	v3 =	vand.u32 $0x7FFFFFFF, v3  }
0xc8: {  	v12 =	vld [tilespmem:s15+$0xCC50];
	v56 =	vadd.f32 v47, v19;
	v3 =	vadd.f32 v5, v3  }
0xc9: {  	v51 =	vld [tilespmem:s15+$0xC00];
	v4 =	vmul.f32 v4, v61;
	v55 =	vand.u32 $0x7FFFFFFF, v50;
	v8 =	vsub.f32 v52, v53  }
0xca: {  	v57 =	vld [tilespmem:s15+$0xC10];
	v3 =	vadd.f32 v3, v55  }
0xcb: {  	v59 =	vld [tilespmem:s15+$0xC20];
	v4 =	vsub.f32 v56, v4;
	v8 =	vand.u32 $0x7FFFFFFF, v8  }
0xcc: {  	v60 =	vld [tilespmem:s15+$0x4C20];
	v3 =	vadd.f32 v3, v8  }
0xcd: {  	v14 =	vld [tilespmem:s15+$0xCC30];
	v4 =	vand.u32 $0x7FFFFFFF, v4  }
0xce: {  	v54 =	vld [tilespmem:s15+$0x4C00];
	v3 =	vadd.f32 v3, v4  }
0xcf: {  	v62 =	vld [tilespmem:s15+$0xC40]  }
0xd0: {  	v6 =	vld [tilespmem:s15+$0xCC00];
	(xrf2) =	vadd.scan.msk.f32 $0xffff, v3  }
0xd1: {  	v61 =	vld [tilespmem:s15+$0xC30]  }
0xd2: {  	v9 =	vld [tilespmem:s15+$0xCC10]  }
0xd3: {  	v7 =	vsub.f32 v51, v54;
	v4 =	vld [tilespmem:s15+$0xCC20]  }
0xd4: {  	v3 =	vld [tilespmem:s15+$0x4C30]  }
0xd5: {  	v63 =	vld [tilespmem:s15+$0x4C40];
	v28 =	vmul.f32 v6, v7;
	v5 =	vsub.f32 v57, v58  }
0xd6: {  	v29 =	vld [tilespmem:s15+$0xC50]  }
0xd7: {  	v30 =	vld [tilespmem:s15+$0x4C50];
	v17 =	vadd.f32 $0.0e+00, v28;
	v31 =	vmul.f32 v9, v5;
	v8 =	vsub.f32 v59, v60  }
0xd8: {  	v16 =	vld [tilespmem:s15+$0xCC40];
	v32 =	vmul.f32 v6, v6;
	v33 =	vmul.f32 v9, v9  }
0xd9: {  	v34 =	vld [tilespmem:s15+$0xC60];
	v17 =	vadd.f32 v31, v17;
	v35 =	vmul.f32 v4, v8;
	v13 =	vsub.f32 v61, v3  }
0xda: {  	v36 =	vld [tilespmem:s15+$0x4C60];
	v20 =	vadd.f32 v33, v32;
	v37 =	vmul.f32 v4, v4;
	v3, _, _ =	vpop (xrf2)  }
0xdb: {  	v11 =	vsub.f32 v62, v63;
	v17 =	vadd.f32 v35, v17;
	v38 =	vmul.f32 v14, v13;
	v39 =	vld [tilespmem:s15+$0xC70]  }
0xdc: {  	v40 =	vmul.f32 v14, v14;
	v20 =	vadd.f32 v37, v20;
	v41 =	vld [tilespmem:s15+$0x4C70]  }
0xdd: {  	v10 =	vsub.f32 v29, v30;
	v42 =	vmul.f32 v16, v11;
	v17 =	vadd.f32 v38, v17  }
0xde: {  	v44 =	vmul.f32 v16, v16;
	v43 =	vadd.f32 v40, v20;
	v21 =	vld [tilespmem:s15+$0xCC70]  }
0xdf: {  	v22 =	vsub.f32 v34, v36;
	v45 =	vmul.f32 v12, v10;
	v17 =	vadd.f32 v42, v17  }
0xe0: {  	v46 =	vmul.f32 v12, v12;
	v18 =	vadd.f32 v44, v43  }
0xe1: {  	v47 =	vmul.f32 v24, v22;
	v17 =	vadd.f32 v45, v17;
	v15 =	vsub.f32 v39, v41  }
0xe2: {  	v48 =	vmul.f32 v24, v24;
	v18 =	vadd.f32 v46, v18  }
0xe3: {  	v17 =	vadd.f32 v47, v17;
	v49 =	vmul.f32 v21, v15  }
0xe4: {  	v18 =	vadd.f32 v48, v18;
	v50 =	vmul.f32 v21, v21  }
0xe5: {  	v17 =	vadd.f32 v49, v17  }
0xe6: {  	v18 =	vadd.f32 v50, v18  }
0xe7: {  	(xrf2) =	vadd.scan.msk.f32 $0xffff, v17  }
0xe8: {  	(xrf2) =	vadd.scan.msk.f32 $0xffff, v18;
	_ =	sdelay $0x8  }
0xe9: {  	v51 =	vld [tilespmem:s15+$0x8C00];
	v17, _, _ =	vpop (xrf2)  }
0xea: {  	v52 =	vld [tilespmem:s15+$0x8C10];
	v18, _, _ =	vpop (xrf2)  }
0xeb: {  	v53 =	vld [tilespmem:s15+$0x8C20];
	v18 =	vmax.f32 v18, $1.000000020e-24  }
0xec: {  	v54 =	vld [tilespmem:s15+$0x8C30];
	v18 =	vbroadcast v18, $0xF  }
0xed: {  	v55 =	vld [tilespmem:s15+$0x8C40]  }
0xee: {  	v56 =	vld [tilespmem:s15+$0x8C50];
	(erf) = vrcp.f32 v18  }
0xef: {  	v57 =	vld [tilespmem:s15+$0x8C60]  }
0xf0: {  	v29 =	vld [tilespmem:s15+$0x8C70];
	s15 =	sor.u32 s21, s12  }
0xf1: {  	v59 =	vld [tilespmem:s15+$0xC00]  }
0xf2: {  	v30 =	vld [tilespmem:s15+$0x4C00]  }
0xf3: {  	v60 =	vld [tilespmem:s15+$0xC10]  }
0xf4: {  	v61 =	vld [tilespmem:s15+$0x4C10]  }
0xf5: {  	v42 =	vld [tilespmem:s15+$0x4C50]  }
0xf6: {  	v39 =	vld [tilespmem:s15+$0xC50];
	v17 =	vbroadcast v17, $0xF  }
0xf7: {  	v7 =	vadd.f32 v51, v7;
	v5 =	vadd.f32 v52, v5;
	v51 =	vld [tilespmem:s15+$0xC70];
	v58 =	vpop (erf)  }
0xf8: {  	v8 =	vadd.f32 v53, v8;
	v13 =	vadd.f32 v54, v13;
	v53 =	vld [tilespmem:s15+$0x4C70];
	v17 =	vmul.f32 v58, v17  }
0xf9: {  	v62 =	vld [tilespmem:s15+$0xC20];
	v11 =	vadd.f32 v55, v11;
	v10 =	vadd.f32 v56, v10  }
0xfa: {  	v63 =	vld [tilespmem:s15+$0x4C20];
	v40 =	vadd.f32 v57, v22;
	v6 =	vmul.f32 v17, v6;
	v9 =	vmul.f32 v17, v9  }
0xfb: {  	v33 =	vld [tilespmem:s15+$0xC30];
	v15 =	vadd.f32 v29, v15;
	v19 =	vsub.f32 v39, v42  }
0xfc: {  	v35 =	vld [tilespmem:s15+$0x4C30];
	v4 =	vmul.f32 v17, v4;
	v6 =	vsub.f32 v7, v6;
	v5 =	vsub.f32 v5, v9  }
0xfd: {  	v23 =	vsub.f32 v51, v53;
	v18 =	vld [tilespmem:s15+$0xCC00];
	v14 =	vmul.f32 v17, v14;
	v12 =	vmul.f32 v17, v12  }
0xfe: {  	v36 =	vld [tilespmem:s15+$0xC40];
	v4 =	vsub.f32 v8, v4;
	v6 =	vand.u32 $0x7FFFFFFF, v6;
	v5 =	vand.u32 $0x7FFFFFFF, v5  }
0xff: {  	v32 =	vmul.f32 v17, v16;
	v9 =	vld [tilespmem:s15+$0xCC10];
	v31 =	vsub.f32 v13, v14;
	v5 =	vadd.f32 v5, v6  }
0x100: {  	v37 =	vld [tilespmem:s15+$0x4C40];
	v10 =	vsub.f32 v10, v12;
	v12 =	vsub.f32 v59, v30;
	v4 =	vand.u32 $0x7FFFFFFF, v4  }
0x101: {  	v13 =	vld [tilespmem:s15+$0xCC20];
	v11 =	vsub.f32 v11, v32;
	v4 =	vadd.f32 v5, v4  }
0x102: {  	v46 =	vld [tilespmem:s15+$0xC60];
	v7 =	vsub.f32 v60, v61;
	v34 =	vand.u32 $0x7FFFFFFF, v31;
	v38 =	vmul.f32 v18, v12  }
0x103: {  	v44 =	vmul.f32 v18, v18;
	v14 =	vld [tilespmem:s15+$0xCC30];
	v8 =	vsub.f32 v62, v63;
	v4 =	vadd.f32 v4, v34  }
0x104: {  	v48 =	vld [tilespmem:s15+$0x4C60];
	v11 =	vand.u32 $0x7FFFFFFF, v11;
	v25 =	vadd.f32 $0.0e+00, v38;
	v43 =	vmul.f32 v9, v7  }
0x105: {  	v41 =	vmul.f32 v17, v24;
	v45 =	vmul.f32 v9, v9;
	v4 =	vadd.f32 v4, v11;
	v11 =	vld [tilespmem:s15+$0xCC40]  }
0x106: {  	v6 =	vsub.f32 v33, v35;
	v47 =	vmul.f32 v13, v8;
	v25 =	vadd.f32 v43, v25  }
0x107: {  	v20 =	vld [tilespmem:s15+$0xCC50];
	v17 =	vmul.f32 v17, v21;
	v49 =	vmul.f32 v13, v13;
	v22 =	vadd.f32 v45, v44  }
0x108: {  	v50 =	vmul.f32 v14, v6;
	v5 =	vsub.f32 v36, v37;
	v25 =	vadd.f32 v47, v25  }
0x109: {  	v16 =	vsub.f32 v46, v48;
	v30 =	vld [tilespmem:s15+$0xCC60];
	v52 =	vmul.f32 v14, v14;
	v22 =	vadd.f32 v49, v22  }
0x10a: {  	v10 =	vand.u32 $0x7FFFFFFF, v10;
	v25 =	vadd.f32 v50, v25;
	v54 =	vmul.f32 v11, v5  }
0x10b: {  	v24 =	vld [tilespmem:s15+$0xCC70];
	v4 =	vadd.f32 v4, v10;
	v55 =	vadd.f32 v52, v22;
	v56 =	vmul.f32 v11, v11  }
0x10c: {  	v57 =	vmul.f32 v20, v19;
	v10 =	vsub.f32 v40, v41;
	v25 =	vadd.f32 v54, v25  }
0x10d: {  	v15 =	vsub.f32 v15, v17;
	v59 =	vmul.f32 v20, v20;
	v58 =	vadd.f32 v56, v55  }
0x10e: {  	v61 =	vmul.f32 v30, v16;
	v10 =	vand.u32 $0x7FFFFFFF, v10;
	v60 =	vadd.f32 v57, v25  }
0x10f: {  	v63 =	vmul.f32 v30, v30;
	v4 =	vadd.f32 v4, v10;
	v62 =	vadd.f32 v59, v58  }
0x110: {  	v15 =	vand.u32 $0x7FFFFFFF, v15;
	v27 =	vmul.f32 v24, v23;
	v26 =	vadd.f32 v61, v60  }
0x111: {  	v28 =	vmul.f32 v24, v24;
	v4 =	vadd.f32 v4, v15;
	v10 =	vadd.f32 v63, v62  }
0x112: {  	v29 =	vadd.f32 v27, v26  }
0x113: {  	(xrf2) =	vadd.scan.msk.f32 $0xffff, v4;
	v31 =	vadd.f32 v28, v10  }
0x114: {  	(xrf2) =	vadd.scan.msk.f32 $0xffff, v29  }
0x115: {  	(xrf2) =	vadd.scan.msk.f32 $0xffff, v31;
	_ =	sdelay $0x7  }
0x116: {  	v4, _, _ =	vpop (xrf2)  }
0x117: {  	v39 =	vld [tilespmem:s15+$0x8C50];
	v32, _, _ =	vpop (xrf2)  }
0x118: {  	v42 =	vld [tilespmem:s15+$0x8C70];
	v33, _, _ =	vpop (xrf2)  }
0x119: {  	v35 =	vld [tilespmem:s15+$0x8C10];
	v15 =	vmax.f32 v33, $1.000000020e-24  }
0x11a: {  	v38 =	vld [tilespmem:s15+$0x8C40];
	v15 =	vbroadcast v15, $0xF  }
0x11b: {  	v36 =	vld [tilespmem:s15+$0x8C20]  }
0x11c: {  	v37 =	vld [tilespmem:s15+$0x8C30];
	(erf) = vrcp.f32 v15  }
0x11d: {  	v34 =	vld [tilespmem:s15+$0x8C00]  }
0x11e: {  	v40 =	vld [tilespmem:s15+$0x8C60];
	s15 =	sor.u32 s22, s12  }
0x11f: {  	v43 =	vld [tilespmem:s15+$0xC00]  }
0x120: {  	v45 =	vld [tilespmem:s15+$0xC10]  }
0x121: {  	v46 =	vld [tilespmem:s15+$0x4C10]  }
0x122: {  	v5 =	vadd.f32 v38, v5;
	v38 =	vld [tilespmem:s15+$0xC70]  }
0x123: {  	v57 =	vld [tilespmem:s15+$0xC50]  }
0x124: {  	v58 =	vadd.f32 v40, v16;
	v40 =	vld [tilespmem:s15+$0x4C70];
	v10 =	vbroadcast v32, $0xF  }
0x125: {  	v60 =	vld [tilespmem:s15+$0x4C50];
	v41 =	vpop (erf)  }
0x126: {  	v23 =	vadd.f32 v42, v23;
	v7 =	vadd.f32 v35, v7;
	v31 =	vld [tilespmem:s15+$0x4C00];
	v10 =	vmul.f32 v41, v10  }
0x127: {  	v8 =	vadd.f32 v36, v8;
	v6 =	vadd.f32 v37, v6;
	v48 =	vld [tilespmem:s15+$0xC20]  }
0x128: {  	v12 =	vadd.f32 v34, v12;
	v49 =	vld [tilespmem:s15+$0x4C20];
	v44 =	vmul.f32 v10, v18;
	v9 =	vmul.f32 v10, v9  }
0x129: {  	v52 =	vadd.f32 v39, v19;
	v50 =	vld [tilespmem:s15+$0xC30];
	v22 =	vsub.f32 v38, v40  }
0x12a: {  	v51 =	vld [tilespmem:s15+$0x4C30];
	v47 =	vmul.f32 v10, v13;
	v12 =	vsub.f32 v12, v44;
	v7 =	vsub.f32 v7, v9  }
0x12b: {  	v17 =	vsub.f32 v57, v60;
	v19 =	vsub.f32 v43, v31;
	v18 =	vld [tilespmem:s15+$0xCC00];
	v14 =	vmul.f32 v10, v14  }
0x12c: {  	v35 =	vld [tilespmem:s15+$0x4C60];
	v8 =	vsub.f32 v8, v47;
	v12 =	vand.u32 $0x7FFFFFFF, v12;
	v7 =	vand.u32 $0x7FFFFFFF, v7  }
0x12d: {  	v15 =	vsub.f32 v45, v46;
	v13 =	vld [tilespmem:s15+$0xCC10];
	v7 =	vadd.f32 v7, v12  }
0x12e: {  	v54 =	vld [tilespmem:s15+$0xC40];
	v11 =	vmul.f32 v10, v11;
	v6 =	vsub.f32 v6, v14;
	v8 =	vand.u32 $0x7FFFFFFF, v8  }
0x12f: {  	v53 =	vmul.f32 v10, v20;
	v59 =	vmul.f32 v10, v30;
	v12 =	vld [tilespmem:s15+$0xCC20];
	v7 =	vadd.f32 v7, v8  }
0x130: {  	v55 =	vld [tilespmem:s15+$0x4C40];
	v5 =	vsub.f32 v5, v11;
	v6 =	vand.u32 $0x7FFFFFFF, v6;
	v56 =	vmul.f32 v18, v19  }
0x131: {  	v20 =	vld [tilespmem:s15+$0xCC30];
	v10 =	vmul.f32 v10, v24;
	v9 =	vsub.f32 v48, v49;
	v6 =	vadd.f32 v7, v6  }
0x132: {  	v33 =	vld [tilespmem:s15+$0xC60];
	v5 =	vand.u32 $0x7FFFFFFF, v5;
	v61 =	vmul.f32 v13, v15;
	v25 =	vadd.f32 $0.0e+00, v56  }
0x133: {  	v62 =	vmul.f32 v18, v18;
	v63 =	vmul.f32 v13, v13;
	v5 =	vadd.f32 v6, v5;
	v6 =	vld [tilespmem:s15+$0xCC40]  }
0x134: {  	v8 =	vsub.f32 v50, v51;
	v25 =	vadd.f32 v61, v25;
	v34 =	vmul.f32 v12, v9  }
0x135: {  	v21 =	vld [tilespmem:s15+$0xCC50];
	v11 =	vsub.f32 v52, v53;
	v16 =	vadd.f32 v63, v62;
	v36 =	vmul.f32 v12, v12  }
0x136: {  	v37 =	vmul.f32 v20, v8;
	v7 =	vsub.f32 v54, v55;
	v25 =	vadd.f32 v34, v25  }
0x137: {  	v31 =	vld [tilespmem:s15+$0xCC60];
	v14 =	vsub.f32 v33, v35;
	v39 =	vmul.f32 v20, v20;
	v16 =	vadd.f32 v36, v16  }
0x138: {  	v11 =	vand.u32 $0x7FFFFFFF, v11;
	v25 =	vadd.f32 v37, v25;
	v41 =	vmul.f32 v6, v7  }
0x139: {  	v26 =	vld [tilespmem:s15+$0xCC70];
	v5 =	vadd.f32 v5, v11;
	v16 =	vadd.f32 v39, v16;
	v42 =	vmul.f32 v6, v6  }
0x13a: {  	v43 =	vmul.f32 v21, v17;
	v11 =	vsub.f32 v58, v59;
	v25 =	vadd.f32 v41, v25  }
0x13b: {  	v10 =	vsub.f32 v23, v10;
	v44 =	vmul.f32 v21, v21;
	v16 =	vadd.f32 v42, v16  }
0x13c: {  	v46 =	vmul.f32 v31, v14;
	v11 =	vand.u32 $0x7FFFFFFF, v11;
	v45 =	vadd.f32 v43, v25  }
0x13d: {  	v48 =	vmul.f32 v31, v31;
	v5 =	vadd.f32 v5, v11;
	v47 =	vadd.f32 v44, v16  }
0x13e: {  	v10 =	vand.u32 $0x7FFFFFFF, v10;
	v50 =	vmul.f32 v26, v22;
	v49 =	vadd.f32 v46, v45  }
0x13f: {  	v52 =	vmul.f32 v26, v26;
	v5 =	vadd.f32 v5, v10;
	v51 =	vadd.f32 v48, v47  }
0x140: {  	v53 =	vadd.f32 v50, v49  }
0x141: {  	(xrf2) =	vadd.scan.msk.f32 $0xffff, v5;
	v54 =	vadd.f32 v52, v51  }
0x142: {  	(xrf2) =	vadd.scan.msk.f32 $0xffff, v53  }
0x143: {  	(xrf2) =	vadd.scan.msk.f32 $0xffff, v54;
	_ =	sdelay $0x7  }
0x144: {  	v5, _, _ =	vpop (xrf2)  }
0x145: {  	v57 =	vld [tilespmem:s15+$0x8C00];
	v55, _, _ =	vpop (xrf2)  }
0x146: {  	v60 =	vld [tilespmem:s15+$0x8C30];
	v56, _, _ =	vpop (xrf2)  }
0x147: {  	v62 =	vld [tilespmem:s15+$0x8C50];
	v11 =	vmax.f32 v56, $1.000000020e-24  }
0x148: {  	v63 =	vld [tilespmem:s15+$0x8C60];
	v11 =	vbroadcast v11, $0xF  }
0x149: {  	v61 =	vld [tilespmem:s15+$0x8C40]  }
0x14a: {  	v36 =	vld [tilespmem:s15+$0x8C70];
	(erf) = vrcp.f32 v11  }
0x14b: {  	v58 =	vld [tilespmem:s15+$0x8C10]  }
0x14c: {  	v59 =	vld [tilespmem:s15+$0x8C20];
	s15 =	sor.u32 s23, s12  }
0x14d: {  	v37 =	vld [tilespmem:s15+$0xC00]  }
0x14e: {  	v32 =	vld [tilespmem:s15+$0x4C00]  }
0x14f: {  	v38 =	vld [tilespmem:s15+$0xC10]  }
0x150: {  	v39 =	vld [tilespmem:s15+$0x4C10]  }
0x151: {  	v40 =	vld [tilespmem:s15+$0xC20]  }
0x152: {  	v7 =	vadd.f32 v61, v7;
	v61 =	vld [tilespmem:s15+$0xC70];
	v10 =	vbroadcast v55, $0xF  }
0x153: {  	v41 =	vld [tilespmem:s15+$0x4C20];
	v35 =	vpop (erf)  }
0x154: {  	v8 =	vadd.f32 v60, v8;
	v22 =	vadd.f32 v36, v22;
	v42 =	vld [tilespmem:s15+$0xC30];
	v10 =	vmul.f32 v35, v10  }
0x155: {  	v15 =	vadd.f32 v58, v15;
	v50 =	vadd.f32 v63, v14;
	v63 =	vld [tilespmem:s15+$0x4C70]  }
0x156: {  	v11 =	vadd.f32 v57, v19;
	v19 =	vld [tilespmem:s15+$0xCC00];
	v18 =	vmul.f32 v10, v18;
	v13 =	vmul.f32 v10, v13  }
0x157: {  	v9 =	vadd.f32 v59, v9;
	v58 =	vld [tilespmem:s15+$0x4C60];
	v44 =	vadd.f32 v62, v17  }
0x158: {  	v43 =	vld [tilespmem:s15+$0x4C30];
	v12 =	vmul.f32 v10, v12;
	v11 =	vsub.f32 v11, v18;
	v13 =	vsub.f32 v15, v13  }
0x159: {  	v17 =	vsub.f32 v37, v32;
	v16 =	vsub.f32 v38, v39;
	v46 =	vld [tilespmem:s15+$0xC40];
	v20 =	vmul.f32 v10, v20  }
0x15a: {  	v47 =	vld [tilespmem:s15+$0x4C40];
	v9 =	vsub.f32 v9, v12;
	v11 =	vand.u32 $0x7FFFFFFF, v11;
	v13 =	vand.u32 $0x7FFFFFFF, v13  }
0x15b: {  	v24 =	vsub.f32 v61, v63;
	v48 =	vmul.f32 v19, v17;
	v15 =	vld [tilespmem:s15+$0xCC10];
	v11 =	vadd.f32 v13, v11  }
0x15c: {  	v49 =	vld [tilespmem:s15+$0xC50];
	v6 =	vmul.f32 v10, v6;
	v8 =	vsub.f32 v8, v20;
	v9 =	vand.u32 $0x7FFFFFFF, v9  }
0x15d: {  	v54 =	vmul.f32 v19, v19;
	v25 =	vadd.f32 $0.0e+00, v48;
	v13 =	vld [tilespmem:s15+$0xCC20];
	v9 =	vadd.f32 v11, v9  }
0x15e: {  	v52 =	vld [tilespmem:s15+$0x4C50];
	v45 =	vmul.f32 v10, v21;
	v6 =	vsub.f32 v7, v6;
	v8 =	vand.u32 $0x7FFFFFFF, v8  }
0x15f: {  	v21 =	vld [tilespmem:s15+$0xCC30];
	v51 =	vmul.f32 v10, v31;
	v10 =	vmul.f32 v10, v26;
	v8 =	vadd.f32 v9, v8  }
0x160: {  	v56 =	vld [tilespmem:s15+$0xC60];
	v12 =	vsub.f32 v40, v41;
	v6 =	vand.u32 $0x7FFFFFFF, v6;
	v53 =	vmul.f32 v15, v16  }
0x161: {  	v7 =	vsub.f32 v44, v45;
	v55 =	vmul.f32 v15, v15;
	v6 =	vadd.f32 v8, v6;
	v8 =	vld [tilespmem:s15+$0xCC40]  }
0x162: {  	v11 =	vsub.f32 v42, v43;
	v25 =	vadd.f32 v53, v25;
	v57 =	vmul.f32 v13, v12  }
0x163: {  	v23 =	vld [tilespmem:s15+$0xCC50];
	v18 =	vsub.f32 v49, v52;
	v14 =	vadd.f32 v55, v54;
	v59 =	vmul.f32 v13, v13  }
0x164: {  	v60 =	vmul.f32 v21, v11;
	v9 =	vsub.f32 v46, v47;
	v25 =	vadd.f32 v57, v25  }
0x165: {  	v32 =	vld [tilespmem:s15+$0xCC60];
	v20 =	vsub.f32 v56, v58;
	v62 =	vmul.f32 v21, v21;
	v14 =	vadd.f32 v59, v14  }
0x166: {  	v7 =	vand.u32 $0x7FFFFFFF, v7;
	v25 =	vadd.f32 v60, v25;
	v33 =	vmul.f32 v8, v9  }
0x167: {  	v27 =	vld [tilespmem:s15+$0xCC70];
	v6 =	vadd.f32 v6, v7;
	v14 =	vadd.f32 v62, v14;
	v34 =	vmul.f32 v8, v8  }
0x168: {  	v35 =	vmul.f32 v23, v18;
	v7 =	vsub.f32 v50, v51;
	v25 =	vadd.f32 v33, v25  }
0x169: {  	v36 =	vmul.f32 v23, v23;
	v10 =	vsub.f32 v22, v10;
	v14 =	vadd.f32 v34, v14  }
0x16a: {  	v37 =	vmul.f32 v32, v20;
	v7 =	vand.u32 $0x7FFFFFFF, v7;
	v25 =	vadd.f32 v35, v25  }
0x16b: {  	v39 =	vmul.f32 v32, v32;
	v6 =	vadd.f32 v6, v7;
	v38 =	vadd.f32 v36, v14  }
0x16c: {  	v41 =	vmul.f32 v27, v24;
	v10 =	vand.u32 $0x7FFFFFFF, v10;
	v40 =	vadd.f32 v37, v25  }
0x16d: {  	v42 =	vmul.f32 v27, v27;
	v6 =	vadd.f32 v6, v10;
	v7 =	vadd.f32 v39, v38  }
0x16e: {  	v43 =	vadd.f32 v41, v40  }
0x16f: {  	(xrf2) =	vadd.scan.msk.f32 $0xffff, v6;
	v44 =	vadd.f32 v42, v7  }
0x170: {  	(xrf2) =	vadd.scan.msk.f32 $0xffff, v43  }
0x171: {  	(xrf2) =	vadd.scan.msk.f32 $0xffff, v44;
	_ =	sdelay $0x7  }
0x172: {  	v6, _, _ =	vpop (xrf2)  }
0x173: {  	v48 =	vld [tilespmem:s15+$0x8C10];
	v45, _, _ =	vpop (xrf2)  }
0x174: {  	v49 =	vld [tilespmem:s15+$0x8C20];
	v46, _, _ =	vpop (xrf2)  }
0x175: {  	v52 =	vld [tilespmem:s15+$0x8C50];
	v10 =	vmax.f32 v46, $1.000000020e-24  }
0x176: {  	v47 =	vld [tilespmem:s15+$0x8C00];
	v10 =	vbroadcast v10, $0xF  }
0x177: {  	v53 =	vld [tilespmem:s15+$0x8C60]  }
0x178: {  	v55 =	vld [tilespmem:s15+$0x8C70];
	(erf) = vrcp.f32 v10  }
0x179: {  	v50 =	vld [tilespmem:s15+$0x8C30]  }
0x17a: {  	v51 =	vld [tilespmem:s15+$0x8C40];
	s15 =	sor.u32 s24, s12  }
0x17b: {  	v56 =	vld [tilespmem:s15+$0xC00]  }
0x17c: {  	v58 =	vld [tilespmem:s15+$0xC10]  }
0x17d: {  	v59 =	vld [tilespmem:s15+$0x4C10]  }
0x17e: {  	v60 =	vld [tilespmem:s15+$0xC20]  }
0x17f: {  	v61 =	vld [tilespmem:s15+$0x4C20]  }
0x180: {  	v24 =	vadd.f32 v55, v24;
	v55 =	vld [tilespmem:s15+$0x4C70];
	v7 =	vbroadcast v45, $0xF  }
0x181: {  	v12 =	vadd.f32 v49, v12;
	v33 =	vld [tilespmem:s15+$0x4C00];
	v54 =	vpop (erf)  }
0x182: {  	v11 =	vadd.f32 v50, v11;
	v42 =	vadd.f32 v53, v20;
	v53 =	vld [tilespmem:s15+$0xC70];
	v7 =	vmul.f32 v54, v7  }
0x183: {  	v9 =	vadd.f32 v51, v9;
	v14 =	vadd.f32 v48, v16;
	v41 =	vld [tilespmem:s15+$0xC50]  }
0x184: {  	v44 =	vld [tilespmem:s15+$0x4C50];
	v10 =	vadd.f32 v47, v17;
	v57 =	vmul.f32 v7, v19;
	v15 =	vmul.f32 v7, v15  }
0x185: {  	v62 =	vld [tilespmem:s15+$0xC30];
	v36 =	vadd.f32 v52, v18;
	v16 =	vsub.f32 v58, v59  }
0x186: {  	v63 =	vld [tilespmem:s15+$0x4C30];
	v13 =	vmul.f32 v7, v13;
	v10 =	vsub.f32 v10, v57;
	v14 =	vsub.f32 v14, v15  }
0x187: {  	v18 =	vsub.f32 v56, v33;
	v25 =	vsub.f32 v53, v55;
	v19 =	vld [tilespmem:s15+$0xCC00];
	v21 =	vmul.f32 v7, v21  }
0x188: {  	v50 =	vld [tilespmem:s15+$0x4C60];
	v12 =	vsub.f32 v12, v13;
	v10 =	vand.u32 $0x7FFFFFFF, v10;
	v14 =	vand.u32 $0x7FFFFFFF, v14  }
0x189: {  	v17 =	vsub.f32 v41, v44;
	v15 =	vld [tilespmem:s15+$0xCC10];
	v10 =	vadd.f32 v14, v10  }
0x18a: {  	v38 =	vld [tilespmem:s15+$0xC40];
	v8 =	vmul.f32 v7, v8;
	v11 =	vsub.f32 v11, v21;
	v12 =	vand.u32 $0x7FFFFFFF, v12  }
0x18b: {  	v37 =	vmul.f32 v7, v23;
	v43 =	vmul.f32 v7, v32;
	v14 =	vld [tilespmem:s15+$0xCC20];
	v10 =	vadd.f32 v10, v12  }
0x18c: {  	v39 =	vld [tilespmem:s15+$0x4C40];
	v8 =	vsub.f32 v9, v8;
	v11 =	vand.u32 $0x7FFFFFFF, v11;
	v40 =	vmul.f32 v19, v18  }
0x18d: {  	v23 =	vld [tilespmem:s15+$0xCC30];
	v7 =	vmul.f32 v7, v27;
	v13 =	vsub.f32 v60, v61;
	v10 =	vadd.f32 v10, v11  }
0x18e: {  	v48 =	vld [tilespmem:s15+$0xC60];
	v8 =	vand.u32 $0x7FFFFFFF, v8;
	v26 =	vadd.f32 $0.0e+00, v40;
	v45 =	vmul.f32 v15, v16  }
0x18f: {  	v46 =	vmul.f32 v19, v19;
	v47 =	vmul.f32 v15, v15;
	v8 =	vadd.f32 v10, v8;
	v10 =	vld [tilespmem:s15+$0xCC40]  }
0x190: {  	v12 =	vsub.f32 v62, v63;
	v26 =	vadd.f32 v45, v26;
	v49 =	vmul.f32 v14, v13  }
0x191: {  	v22 =	vld [tilespmem:s15+$0xCC50];
	v9 =	vsub.f32 v36, v37;
	v20 =	vadd.f32 v47, v46;
	v51 =	vmul.f32 v14, v14  }
0x192: {  	v52 =	vmul.f32 v23, v12;
	v11 =	vsub.f32 v38, v39;
	v26 =	vadd.f32 v49, v26  }
0x193: {  	v33 =	vld [tilespmem:s15+$0xCC60];
	v21 =	vsub.f32 v48, v50;
	v54 =	vmul.f32 v23, v23;
	v20 =	vadd.f32 v51, v20  }
0x194: {  	v9 =	vand.u32 $0x7FFFFFFF, v9;
	v26 =	vadd.f32 v52, v26;
	v56 =	vmul.f32 v10, v11  }
0x195: {  	v28 =	vld [tilespmem:s15+$0xCC70];
	v8 =	vadd.f32 v8, v9;
	v20 =	vadd.f32 v54, v20;
	v57 =	vmul.f32 v10, v10  }
0x196: {  	v58 =	vmul.f32 v22, v17;
	v9 =	vsub.f32 v42, v43;
	v26 =	vadd.f32 v56, v26  }
0x197: {  	v59 =	vmul.f32 v22, v22;
	v7 =	vsub.f32 v24, v7;
	v20 =	vadd.f32 v57, v20  }
0x198: {  	v60 =	vmul.f32 v33, v21;
	v9 =	vand.u32 $0x7FFFFFFF, v9;
	v26 =	vadd.f32 v58, v26  }
0x199: {  	v62 =	vmul.f32 v33, v33;
	v8 =	vadd.f32 v8, v9;
	v61 =	vadd.f32 v59, v20  }
0x19a: {  	v29 =	vmul.f32 v28, v25;
	v7 =	vand.u32 $0x7FFFFFFF, v7;
	v63 =	vadd.f32 v60, v26  }
0x19b: {  	v31 =	vmul.f32 v28, v28;
	v7 =	vadd.f32 v8, v7;
	v30 =	vadd.f32 v62, v61  }
0x19c: {  	v32 =	vadd.f32 v29, v63  }
0x19d: {  	(xrf2) =	vadd.scan.msk.f32 $0xffff, v7;
	v34 =	vadd.f32 v31, v30  }
0x19e: {  	(xrf2) =	vadd.scan.msk.f32 $0xffff, v32  }
0x19f: {  	(xrf2) =	vadd.scan.msk.f32 $0xffff, v34;
	_ =	sdelay $0x7  }
0x1a0: {  	v7, _, _ =	vpop (xrf2)  }
0x1a1: {  	v41 =	vld [tilespmem:s15+$0x8C40];
	v35, _, _ =	vpop (xrf2)  }
0x1a2: {  	v37 =	vld [tilespmem:s15+$0x8C00];
	v36, _, _ =	vpop (xrf2)  }
0x1a3: {  	v40 =	vld [tilespmem:s15+$0x8C30];
	v9 =	vmax.f32 v36, $1.000000020e-24  }
0x1a4: {  	v38 =	vld [tilespmem:s15+$0x8C10];
	v9 =	vbroadcast v9, $0xF  }
0x1a5: {  	v39 =	vld [tilespmem:s15+$0x8C20]  }
0x1a6: {  	v45 =	vld [tilespmem:s15+$0x8C70];
	(erf) = vrcp.f32 v9  }
0x1a7: {  	v42 =	vld [tilespmem:s15+$0x8C50]  }
0x1a8: {  	v43 =	vld [tilespmem:s15+$0x8C60];
	s15 =	sor.u32 s25, s12  }
0x1a9: {  	v46 =	vld [tilespmem:s15+$0xC00]  }
0x1aa: {  	v48 =	vld [tilespmem:s15+$0xC10]  }
0x1ab: {  	v49 =	vld [tilespmem:s15+$0x4C10]  }
0x1ac: {  	v25 =	vadd.f32 v45, v25;
	v45 =	vld [tilespmem:s15+$0x4C70]  }
0x1ad: {  	v59 =	vld [tilespmem:s15+$0xC50]  }
0x1ae: {  	v62 =	vld [tilespmem:s15+$0x4C50];
	v8 =	vbroadcast v35, $0xF  }
0x1af: {  	v60 =	vadd.f32 v43, v21;
	v43 =	vld [tilespmem:s15+$0xC70];
	v44 =	vpop (erf)  }
0x1b0: {  	v12 =	vadd.f32 v40, v12;
	v16 =	vadd.f32 v38, v16;
	v34 =	vld [tilespmem:s15+$0x4C00];
	v8 =	vmul.f32 v44, v8  }
0x1b1: {  	v13 =	vadd.f32 v39, v13;
	v50 =	vld [tilespmem:s15+$0xC20];
	v11 =	vadd.f32 v41, v11  }
0x1b2: {  	v51 =	vld [tilespmem:s15+$0x4C20];
	v9 =	vadd.f32 v37, v18;
	v47 =	vmul.f32 v8, v19;
	v15 =	vmul.f32 v8, v15  }
0x1b3: {  	v52 =	vld [tilespmem:s15+$0xC30];
	v54 =	vadd.f32 v42, v17;
	v20 =	vsub.f32 v59, v62  }
0x1b4: {  	v53 =	vld [tilespmem:s15+$0x4C30];
	v14 =	vmul.f32 v8, v14;
	v9 =	vsub.f32 v9, v47;
	v15 =	vsub.f32 v16, v15  }
0x1b5: {  	v26 =	vsub.f32 v43, v45;
	v17 =	vsub.f32 v46, v34;
	v19 =	vld [tilespmem:s15+$0xCC00];
	v23 =	vmul.f32 v8, v23  }
0x1b6: {  	v38 =	vld [tilespmem:s15+$0xC60];
	v13 =	vsub.f32 v13, v14;
	v9 =	vand.u32 $0x7FFFFFFF, v9;
	v15 =	vand.u32 $0x7FFFFFFF, v15  }
0x1b7: {  	v18 =	vsub.f32 v48, v49;
	v16 =	vld [tilespmem:s15+$0xCC10];
	v9 =	vadd.f32 v15, v9  }
0x1b8: {  	v56 =	vld [tilespmem:s15+$0xC40];
	v10 =	vmul.f32 v8, v10;
	v12 =	vsub.f32 v12, v23;
	v13 =	vand.u32 $0x7FFFFFFF, v13  }
0x1b9: {  	v55 =	vmul.f32 v8, v22;
	v61 =	vmul.f32 v8, v33;
	v15 =	vld [tilespmem:s15+$0xCC20];
	v9 =	vadd.f32 v9, v13  }
0x1ba: {  	v57 =	vld [tilespmem:s15+$0x4C40];
	v10 =	vsub.f32 v11, v10;
	v12 =	vand.u32 $0x7FFFFFFF, v12;
	v58 =	vmul.f32 v19, v17  }
0x1bb: {  	v22 =	vld [tilespmem:s15+$0xCC30];
	v8 =	vmul.f32 v8, v28;
	v14 =	vsub.f32 v50, v51;
	v9 =	vadd.f32 v9, v12  }
0x1bc: {  	v40 =	vld [tilespmem:s15+$0x4C60];
	v10 =	vand.u32 $0x7FFFFFFF, v10;
	v27 =	vadd.f32 $0.0e+00, v58;
	v63 =	vmul.f32 v16, v18  }
0x1bd: {  	v36 =	vmul.f32 v19, v19;
	v37 =	vmul.f32 v16, v16;
	v9 =	vadd.f32 v9, v10;
	v10 =	vld [tilespmem:s15+$0xCC40]  }
0x1be: {  	v13 =	vsub.f32 v52, v53;
	v27 =	vadd.f32 v63, v27;
	v39 =	vmul.f32 v15, v14  }
0x1bf: {  	v24 =	vld [tilespmem:s15+$0xCC50];
	v11 =	vsub.f32 v54, v55;
	v21 =	vadd.f32 v37, v36;
	v41 =	vmul.f32 v15, v15  }
0x1c0: {  	v42 =	vmul.f32 v22, v13;
	v12 =	vsub.f32 v56, v57;
	v27 =	vadd.f32 v39, v27  }
0x1c1: {  	v34 =	vld [tilespmem:s15+$0xCC60];
	v23 =	vsub.f32 v38, v40;
	v44 =	vmul.f32 v22, v22;
	v21 =	vadd.f32 v41, v21  }
0x1c2: {  	v11 =	vand.u32 $0x7FFFFFFF, v11;
	v27 =	vadd.f32 v42, v27;
	v46 =	vmul.f32 v10, v12  }
0x1c3: {  	v29 =	vld [tilespmem:s15+$0xCC70];
	v9 =	vadd.f32 v9, v11;
	v21 =	vadd.f32 v44, v21;
	v47 =	vmul.f32 v10, v10  }
0x1c4: {  	v48 =	vmul.f32 v24, v20;
	v11 =	vsub.f32 v60, v61;
	v27 =	vadd.f32 v46, v27  }
0x1c5: {  	v49 =	vmul.f32 v24, v24;
	v8 =	vsub.f32 v25, v8;
	v21 =	vadd.f32 v47, v21  }
0x1c6: {  	v50 =	vmul.f32 v34, v23;
	v11 =	vand.u32 $0x7FFFFFFF, v11;
	v27 =	vadd.f32 v48, v27  }
0x1c7: {  	v52 =	vmul.f32 v34, v34;
	v9 =	vadd.f32 v9, v11;
	v51 =	vadd.f32 v49, v21  }
0x1c8: {  	v54 =	vmul.f32 v29, v26;
	v8 =	vand.u32 $0x7FFFFFFF, v8;
	v53 =	vadd.f32 v50, v27  }
0x1c9: {  	v56 =	vmul.f32 v29, v29;
	v8 =	vadd.f32 v9, v8;
	v55 =	vadd.f32 v52, v51  }
0x1ca: {  	v57 =	vadd.f32 v54, v53  }
0x1cb: {  	(xrf2) =	vadd.scan.msk.f32 $0xffff, v8;
	v58 =	vadd.f32 v56, v55  }
0x1cc: {  	(xrf2) =	vadd.scan.msk.f32 $0xffff, v57  }
0x1cd: {  	(xrf2) =	vadd.scan.msk.f32 $0xffff, v58;
	_ =	sdelay $0x7  }
0x1ce: {  	v8, _, _ =	vpop (xrf2)  }
0x1cf: {  	v62 =	vld [tilespmem:s15+$0x8C10];
	v59, _, _ =	vpop (xrf2)  }
0x1d0: {  	v38 =	vld [tilespmem:s15+$0x8C50];
	v60, _, _ =	vpop (xrf2)  }
0x1d1: {  	v63 =	vld [tilespmem:s15+$0x8C20];
	v11 =	vmax.f32 v60, $1.000000020e-24  }
0x1d2: {  	v36 =	vld [tilespmem:s15+$0x8C30];
	v11 =	vbroadcast v11, $0xF  }
0x1d3: {  	v37 =	vld [tilespmem:s15+$0x8C40]  }
0x1d4: {  	v39 =	vld [tilespmem:s15+$0x8C60];
	(erf) = vrcp.f32 v11  }
0x1d5: {  	v41 =	vld [tilespmem:s15+$0x8C70]  }
0x1d6: {  	v61 =	vld [tilespmem:s15+$0x8C00];
	s15 =	sor.u32 s26, s12  }
0x1d7: {  	v42 =	vld [tilespmem:s15+$0xC00]  }
0x1d8: {  	v35 =	vld [tilespmem:s15+$0x4C00]  }
0x1d9: {  	v44 =	vld [tilespmem:s15+$0xC10]  }
0x1da: {  	v45 =	vld [tilespmem:s15+$0x4C10]  }
0x1db: {  	v26 =	vadd.f32 v41, v26;
	v41 =	vld [tilespmem:s15+$0x4C70]  }
0x1dc: {  	v55 =	vld [tilespmem:s15+$0xC50];
	v9 =	vbroadcast v59, $0xF  }
0x1dd: {  	v56 =	vadd.f32 v39, v23;
	v39 =	vld [tilespmem:s15+$0xC70];
	v40 =	vpop (erf)  }
0x1de: {  	v18 =	vadd.f32 v62, v18;
	v14 =	vadd.f32 v63, v14;
	v58 =	vld [tilespmem:s15+$0x4C50];
	v9 =	vmul.f32 v40, v9  }
0x1df: {  	v13 =	vadd.f32 v36, v13;
	v62 =	vld [tilespmem:s15+$0xC60];
	v12 =	vadd.f32 v37, v12  }
0x1e0: {  	v46 =	vld [tilespmem:s15+$0xC20];
	v11 =	vadd.f32 v61, v17;
	v43 =	vmul.f32 v9, v19;
	v16 =	vmul.f32 v9, v16  }
0x1e1: {  	v47 =	vld [tilespmem:s15+$0x4C20];
	v50 =	vadd.f32 v38, v20;
	v20 =	vsub.f32 v42, v35  }
0x1e2: {  	v48 =	vld [tilespmem:s15+$0xC30];
	v15 =	vmul.f32 v9, v15;
	v11 =	vsub.f32 v11, v43;
	v16 =	vsub.f32 v18, v16  }
0x1e3: {  	v27 =	vsub.f32 v39, v41;
	v21 =	vsub.f32 v55, v58;
	v19 =	vld [tilespmem:s15+$0xCC00];
	v22 =	vmul.f32 v9, v22  }
0x1e4: {  	v49 =	vld [tilespmem:s15+$0x4C30];
	v14 =	vsub.f32 v14, v15;
	v11 =	vand.u32 $0x7FFFFFFF, v11;
	v16 =	vand.u32 $0x7FFFFFFF, v16  }
0x1e5: {  	v17 =	vsub.f32 v44, v45;
	v18 =	vld [tilespmem:s15+$0xCC10];
	v11 =	vadd.f32 v16, v11  }
0x1e6: {  	v52 =	vld [tilespmem:s15+$0xC40];
	v10 =	vmul.f32 v9, v10;
	v13 =	vsub.f32 v13, v22;
	v14 =	vand.u32 $0x7FFFFFFF, v14  }
0x1e7: {  	v51 =	vmul.f32 v9, v24;
	v57 =	vmul.f32 v9, v34;
	v16 =	vld [tilespmem:s15+$0xCC20];
	v11 =	vadd.f32 v11, v14  }
0x1e8: {  	v53 =	vld [tilespmem:s15+$0x4C40];
	v10 =	vsub.f32 v12, v10;
	v13 =	vand.u32 $0x7FFFFFFF, v13;
	v54 =	vmul.f32 v19, v20  }
0x1e9: {  	v24 =	vld [tilespmem:s15+$0xCC30];
	v9 =	vmul.f32 v9, v29;
	v15 =	vsub.f32 v46, v47;
	v11 =	vadd.f32 v11, v13  }
0x1ea: {  	v36 =	vld [tilespmem:s15+$0x4C60];
	v10 =	vand.u32 $0x7FFFFFFF, v10;
	v28 =	vadd.f32 $0.0e+00, v54;
	v59 =	vmul.f32 v18, v17  }
0x1eb: {  	v60 =	vmul.f32 v19, v19;
	v61 =	vmul.f32 v18, v18;
	v10 =	vadd.f32 v11, v10;
	v11 =	vld [tilespmem:s15+$0xCC40]  }
0x1ec: {  	v14 =	vsub.f32 v48, v49;
	v28 =	vadd.f32 v59, v28;
	v63 =	vmul.f32 v16, v15  }
0x1ed: {  	v25 =	vld [tilespmem:s15+$0xCC50];
	v12 =	vsub.f32 v50, v51;
	v23 =	vadd.f32 v61, v60;
	v37 =	vmul.f32 v16, v16  }
0x1ee: {  	v38 =	vmul.f32 v24, v14;
	v13 =	vsub.f32 v52, v53;
	v28 =	vadd.f32 v63, v28  }
0x1ef: {  	v35 =	vld [tilespmem:s15+$0xCC60];
	v22 =	vsub.f32 v62, v36;
	v40 =	vmul.f32 v24, v24;
	v23 =	vadd.f32 v37, v23  }
0x1f0: {  	v12 =	vand.u32 $0x7FFFFFFF, v12;
	v28 =	vadd.f32 v38, v28;
	v42 =	vmul.f32 v11, v13  }
0x1f1: {  	v30 =	vld [tilespmem:s15+$0xCC70];
	v10 =	vadd.f32 v10, v12;
	v23 =	vadd.f32 v40, v23;
	v43 =	vmul.f32 v11, v11  }
0x1f2: {  	v44 =	vmul.f32 v25, v21;
	v12 =	vsub.f32 v56, v57;
	v28 =	vadd.f32 v42, v28  }
0x1f3: {  	v45 =	vmul.f32 v25, v25;
	v9 =	vsub.f32 v26, v9;
	v23 =	vadd.f32 v43, v23  }
0x1f4: {  	v46 =	vmul.f32 v35, v22;
	v12 =	vand.u32 $0x7FFFFFFF, v12;
	v28 =	vadd.f32 v44, v28  }
0x1f5: {  	v48 =	vmul.f32 v35, v35;
	v10 =	vadd.f32 v10, v12;
	v47 =	vadd.f32 v45, v23  }
0x1f6: {  	v50 =	vmul.f32 v30, v27;
	v9 =	vand.u32 $0x7FFFFFFF, v9;
	v49 =	vadd.f32 v46, v28  }
0x1f7: {  	v52 =	vmul.f32 v30, v30;
	v9 =	vadd.f32 v10, v9;
	v51 =	vadd.f32 v48, v47  }
0x1f8: {  	v53 =	vadd.f32 v50, v49  }
0x1f9: {  	(xrf2) =	vadd.scan.msk.f32 $0xffff, v9;
	v54 =	vadd.f32 v52, v51  }
0x1fa: {  	(xrf2) =	vadd.scan.msk.f32 $0xffff, v53  }
0x1fb: {  	(xrf2) =	vadd.scan.msk.f32 $0xffff, v54;
	_ =	sdelay $0x7  }
0x1fc: {  	v9, _, _ =	vpop (xrf2)  }
0x1fd: {  	v55, _, _ =	vpop (xrf2)  }
0x1fe: {  	v58 =	vld [tilespmem:s15+$0x8C10];
	v56, _, _ =	vpop (xrf2)  }
0x1ff: {  	v34 =	vld [tilespmem:s15+$0x8C70];
	v12 =	vmax.f32 v56, $1.000000020e-24  }
0x200: {  	v62 =	vld [tilespmem:s15+$0x8C50];
	v12 =	vbroadcast v12, $0xF  }
0x201: {  	v59 =	vld [tilespmem:s15+$0x8C20]  }
0x202: {  	v60 =	vld [tilespmem:s15+$0x8C30];
	(erf) = vrcp.f32 v12  }
0x203: {  	v61 =	vld [tilespmem:s15+$0x8C40]  }
0x204: {  	v63 =	vld [tilespmem:s15+$0x8C60]  }
0x205: {  	v57 =	vld [tilespmem:s15+$0x8C00];
	s15 =	sor.u32 s28, s12  }
0x206: {  	v40 =	vld [tilespmem:s15+$0xC00]  }
0x207: {  	v36 =	vld [tilespmem:s15+$0x4C00]  }
0x208: {  	v41 =	vld [tilespmem:s15+$0xC10]  }
0x209: {  	v15 =	vadd.f32 v59, v15;
	v59 =	vld [tilespmem:s15+$0xC60]  }
0x20a: {  	v13 =	vadd.f32 v61, v13;
	v61 =	vld [tilespmem:s15+$0x4C60];
	v10 =	vbroadcast v55, $0xF  }
0x20b: {  	v52 =	vld [tilespmem:s15+$0xC50];
	v39 =	vpop (erf)  }
0x20c: {  	v27 =	vadd.f32 v34, v27;
	v55 =	vld [tilespmem:s15+$0x4C50];
	v10 =	vmul.f32 v39, v10  }
0x20d: {  	v17 =	vadd.f32 v58, v17;
	v14 =	vadd.f32 v60, v14;
	v42 =	vld [tilespmem:s15+$0x4C10]  }
0x20e: {  	v12 =	vadd.f32 v57, v20;
	v20 =	vld [tilespmem:s15+$0xCC00];
	v19 =	vmul.f32 v10, v19;
	v18 =	vmul.f32 v10, v18  }
0x20f: {  	v43 =	vld [tilespmem:s15+$0xC20];
	v47 =	vadd.f32 v62, v21;
	v21 =	vsub.f32 v40, v36  }
0x210: {  	v44 =	vld [tilespmem:s15+$0x4C20];
	v16 =	vmul.f32 v10, v16;
	v12 =	vsub.f32 v12, v19;
	v17 =	vsub.f32 v17, v18  }
0x211: {  	v45 =	vld [tilespmem:s15+$0xC30];
	v53 =	vadd.f32 v63, v22;
	v23 =	vsub.f32 v52, v55;
	v24 =	vmul.f32 v10, v24  }
0x212: {  	v46 =	vld [tilespmem:s15+$0x4C30];
	v15 =	vsub.f32 v15, v16;
	v12 =	vand.u32 $0x7FFFFFFF, v12;
	v17 =	vand.u32 $0x7FFFFFFF, v17  }
0x213: {  	v51 =	vmul.f32 v20, v21;
	v57 =	vmul.f32 v20, v20;
	v18 =	vld [tilespmem:s15+$0xCC10];
	v12 =	vadd.f32 v17, v12  }
0x214: {  	v49 =	vld [tilespmem:s15+$0xC40];
	v11 =	vmul.f32 v10, v11;
	v14 =	vsub.f32 v14, v24;
	v15 =	vand.u32 $0x7FFFFFFF, v15  }
0x215: {  	v29 =	vadd.f32 $0.0e+00, v51;
	v48 =	vmul.f32 v10, v25;
	v17 =	vld [tilespmem:s15+$0xCC20];
	v12 =	vadd.f32 v12, v15  }
0x216: {  	v50 =	vld [tilespmem:s15+$0x4C40];
	v11 =	vsub.f32 v13, v11;
	v19 =	vsub.f32 v41, v42;
	v14 =	vand.u32 $0x7FFFFFFF, v14  }
0x217: {  	v25 =	vld [tilespmem:s15+$0xCC30];
	v54 =	vmul.f32 v10, v35;
	v10 =	vmul.f32 v10, v30;
	v12 =	vadd.f32 v12, v14  }
0x218: {  	v16 =	vsub.f32 v43, v44;
	v11 =	vand.u32 $0x7FFFFFFF, v11;
	v56 =	vmul.f32 v18, v19  }
0x219: {  	v13 =	vsub.f32 v47, v48;
	v58 =	vmul.f32 v18, v18;
	v11 =	vadd.f32 v12, v11;
	v12 =	vld [tilespmem:s15+$0xCC40]  }
0x21a: {  	v26 =	vld [tilespmem:s15+$0xCC50];
	v15 =	vsub.f32 v45, v46;
	v29 =	vadd.f32 v56, v29;
	v60 =	vmul.f32 v17, v16  }
0x21b: {  	v37 =	vld [tilespmem:s15+$0xC70];
	v24 =	vsub.f32 v59, v61;
	v22 =	vadd.f32 v58, v57;
	v62 =	vmul.f32 v17, v17  }
0x21c: {  	v39 =	vld [tilespmem:s15+$0x4C70];
	v63 =	vmul.f32 v25, v15;
	v14 =	vsub.f32 v49, v50;
	v29 =	vadd.f32 v60, v29  }
0x21d: {  	v36 =	vld [tilespmem:s15+$0xCC60];
	v10 =	vsub.f32 v27, v10;
	v38 =	vmul.f32 v25, v25;
	v22 =	vadd.f32 v62, v22  }
0x21e: {  	v13 =	vand.u32 $0x7FFFFFFF, v13;
	v29 =	vadd.f32 v63, v29;
	v40 =	vmul.f32 v12, v14  }
0x21f: {  	v31 =	vld [tilespmem:s15+$0xCC70];
	v11 =	vadd.f32 v11, v13;
	v22 =	vadd.f32 v38, v22;
	v41 =	vmul.f32 v12, v12  }
0x220: {  	v42 =	vmul.f32 v26, v23;
	v13 =	vsub.f32 v53, v54;
	v29 =	vadd.f32 v40, v29  }
0x221: {  	v43 =	vmul.f32 v26, v26;
	v28 =	vsub.f32 v37, v39;
	v22 =	vadd.f32 v41, v22  }
0x222: {  	v44 =	vmul.f32 v36, v24;
	v13 =	vand.u32 $0x7FFFFFFF, v13;
	v29 =	vadd.f32 v42, v29  }
0x223: {  	v46 =	vmul.f32 v36, v36;
	v11 =	vadd.f32 v11, v13;
	v45 =	vadd.f32 v43, v22  }
0x224: {  	v10 =	vand.u32 $0x7FFFFFFF, v10;
	v48 =	vmul.f32 v31, v28;
	v47 =	vadd.f32 v44, v29  }
0x225: {  	v50 =	vmul.f32 v31, v31;
	v10 =	vadd.f32 v11, v10;
	v49 =	vadd.f32 v46, v45  }
0x226: {  	v51 =	vadd.f32 v48, v47  }
0x227: {  	(xrf2) =	vadd.scan.msk.f32 $0xffff, v10;
	v52 =	vadd.f32 v50, v49  }
0x228: {  	(xrf2) =	vadd.scan.msk.f32 $0xffff, v51  }
0x229: {  	(xrf2) =	vadd.scan.msk.f32 $0xffff, v52;
	_ =	sdelay $0x7  }
0x22a: {  	v10, _, _ =	vpop (xrf2)  }
0x22b: {  	v53, _, _ =	vpop (xrf2)  }
0x22c: {  	v55 =	vld [tilespmem:s15+$0x8C00];
	v54, _, _ =	vpop (xrf2)  }
0x22d: {  	v35 =	vld [tilespmem:s15+$0x8C70];
	v13 =	vmax.f32 v54, $1.000000020e-24  }
0x22e: {  	v59 =	vld [tilespmem:s15+$0x8C40];
	v13 =	vbroadcast v13, $0xF  }
0x22f: {  	v61 =	vld [tilespmem:s15+$0x8C60]  }
0x230: {  	v56 =	vld [tilespmem:s15+$0x8C10];
	(erf) = vrcp.f32 v13  }
0x231: {  	v57 =	vld [tilespmem:s15+$0x8C20]  }
0x232: {  	v58 =	vld [tilespmem:s15+$0x8C30]  }
0x233: {  	v60 =	vld [tilespmem:s15+$0x8C50];
	s15 =	sor.u32 s29, s12  }
0x234: {  	v37 =	vld [tilespmem:s15+$0x4C00]  }
0x235: {  	v39 =	vld [tilespmem:s15+$0xC10]  }
0x236: {  	v63 =	vld [tilespmem:s15+$0xC00]  }
0x237: {  	v16 =	vadd.f32 v57, v16;
	v57 =	vld [tilespmem:s15+$0xC60]  }
0x238: {  	v14 =	vadd.f32 v59, v14;
	v59 =	vld [tilespmem:s15+$0x4C60];
	v11 =	vbroadcast v53, $0xF  }
0x239: {  	v50 =	vld [tilespmem:s15+$0xC50];
	v62 =	vpop (erf)  }
0x23a: {  	v28 =	vadd.f32 v35, v28;
	v53 =	vld [tilespmem:s15+$0x4C50];
	v11 =	vmul.f32 v62, v11  }
0x23b: {  	v19 =	vadd.f32 v56, v19;
	v15 =	vadd.f32 v58, v15;
	v40 =	vld [tilespmem:s15+$0x4C10]  }
0x23c: {  	v13 =	vadd.f32 v55, v21;
	v21 =	vld [tilespmem:s15+$0xCC00];
	v20 =	vmul.f32 v11, v20;
	v18 =	vmul.f32 v11, v18  }
0x23d: {  	v41 =	vld [tilespmem:s15+$0xC20];
	v45 =	vadd.f32 v60, v23;
	v23 =	vsub.f32 v63, v37  }
0x23e: {  	v42 =	vld [tilespmem:s15+$0x4C20];
	v17 =	vmul.f32 v11, v17;
	v13 =	vsub.f32 v13, v20;
	v18 =	vsub.f32 v19, v18  }
0x23f: {  	v43 =	vld [tilespmem:s15+$0xC30];
	v51 =	vadd.f32 v61, v24;
	v22 =	vsub.f32 v50, v53;
	v25 =	vmul.f32 v11, v25  }
0x240: {  	v44 =	vld [tilespmem:s15+$0x4C30];
	v16 =	vsub.f32 v16, v17;
	v13 =	vand.u32 $0x7FFFFFFF, v13;
	v18 =	vand.u32 $0x7FFFFFFF, v18  }
0x241: {  	v49 =	vmul.f32 v21, v23;
	v55 =	vmul.f32 v21, v21;
	v19 =	vld [tilespmem:s15+$0xCC10];
	v13 =	vadd.f32 v18, v13  }
0x242: {  	v47 =	vld [tilespmem:s15+$0xC40];
	v12 =	vmul.f32 v11, v12;
	v15 =	vsub.f32 v15, v25;
	v16 =	vand.u32 $0x7FFFFFFF, v16  }
0x243: {  	v30 =	vadd.f32 $0.0e+00, v49;
	v46 =	vmul.f32 v11, v26;
	v18 =	vld [tilespmem:s15+$0xCC20];
	v13 =	vadd.f32 v13, v16  }
0x244: {  	v48 =	vld [tilespmem:s15+$0x4C40];
	v12 =	vsub.f32 v14, v12;
	v20 =	vsub.f32 v39, v40;
	v15 =	vand.u32 $0x7FFFFFFF, v15  }
0x245: {  	v26 =	vld [tilespmem:s15+$0xCC30];
	v52 =	vmul.f32 v11, v36;
	v11 =	vmul.f32 v11, v31;
	v13 =	vadd.f32 v13, v15  }
0x246: {  	v17 =	vsub.f32 v41, v42;
	v12 =	vand.u32 $0x7FFFFFFF, v12;
	v54 =	vmul.f32 v19, v20  }
0x247: {  	v14 =	vsub.f32 v45, v46;
	v56 =	vmul.f32 v19, v19;
	v12 =	vadd.f32 v13, v12;
	v13 =	vld [tilespmem:s15+$0xCC40]  }
0x248: {  	v27 =	vld [tilespmem:s15+$0xCC50];
	v16 =	vsub.f32 v43, v44;
	v30 =	vadd.f32 v54, v30;
	v58 =	vmul.f32 v18, v17  }
0x249: {  	v38 =	vld [tilespmem:s15+$0x4C70];
	v25 =	vsub.f32 v57, v59;
	v24 =	vadd.f32 v56, v55;
	v60 =	vmul.f32 v18, v18  }
0x24a: {  	v62 =	vld [tilespmem:s15+$0xC70];
	v61 =	vmul.f32 v26, v16;
	v15 =	vsub.f32 v47, v48;
	v30 =	vadd.f32 v58, v30  }
0x24b: {  	v37 =	vld [tilespmem:s15+$0xCC60];
	v11 =	vsub.f32 v28, v11;
	v63 =	vmul.f32 v26, v26;
	v24 =	vadd.f32 v60, v24  }
0x24c: {  	v14 =	vand.u32 $0x7FFFFFFF, v14;
	v30 =	vadd.f32 v61, v30;
	v39 =	vmul.f32 v13, v15  }
0x24d: {  	v32 =	vld [tilespmem:s15+$0xCC70];
	v12 =	vadd.f32 v12, v14;
	v24 =	vadd.f32 v63, v24;
	v40 =	vmul.f32 v13, v13  }
0x24e: {  	v41 =	vmul.f32 v27, v22;
	v14 =	vsub.f32 v51, v52;
	v30 =	vadd.f32 v39, v30  }
0x24f: {  	v42 =	vmul.f32 v27, v27;
	v29 =	vsub.f32 v62, v38;
	v24 =	vadd.f32 v40, v24  }
0x250: {  	v43 =	vmul.f32 v37, v25;
	v14 =	vand.u32 $0x7FFFFFFF, v14;
	v30 =	vadd.f32 v41, v30  }
0x251: {  	v45 =	vmul.f32 v37, v37;
	v12 =	vadd.f32 v12, v14;
	v44 =	vadd.f32 v42, v24  }
0x252: {  	v11 =	vand.u32 $0x7FFFFFFF, v11;
	v47 =	vmul.f32 v32, v29;
	v46 =	vadd.f32 v43, v30  }
0x253: {  	v49 =	vmul.f32 v32, v32;
	v11 =	vadd.f32 v12, v11;
	v48 =	vadd.f32 v45, v44  }
0x254: {  	v50 =	vadd.f32 v47, v46  }
0x255: {  	(xrf2) =	vadd.scan.msk.f32 $0xffff, v11;
	v51 =	vadd.f32 v49, v48  }
0x256: {  	(xrf2) =	vadd.scan.msk.f32 $0xffff, v50  }
0x257: {  	(xrf2) =	vadd.scan.msk.f32 $0xffff, v51;
	_ =	sdelay $0x7  }
0x258: {  	v11, _, _ =	vpop (xrf2)  }
0x259: {  	v52, _, _ =	vpop (xrf2)  }
0x25a: {  	v36 =	vld [tilespmem:s15+$0x8C70];
	v53, _, _ =	vpop (xrf2)  }
0x25b: {  	v57 =	vld [tilespmem:s15+$0x8C30];
	v14 =	vmax.f32 v53, $1.000000020e-24  }
0x25c: {  	v59 =	vld [tilespmem:s15+$0x8C50];
	v14 =	vbroadcast v14, $0xF  }
0x25d: {  	v54 =	vld [tilespmem:s15+$0x8C00]  }
0x25e: {  	v55 =	vld [tilespmem:s15+$0x8C10];
	(erf) = vrcp.f32 v14  }
0x25f: {  	v56 =	vld [tilespmem:s15+$0x8C20]  }
0x260: {  	v58 =	vld [tilespmem:s15+$0x8C40]  }
0x261: {  	v60 =	vld [tilespmem:s15+$0x8C60];
	s15 =	sor.u32 s30, s12  }
0x262: {  	v62 =	vld [tilespmem:s15+$0xC00]  }
0x263: {  	v38 =	vld [tilespmem:s15+$0x4C00]  }
0x264: {  	v63 =	vld [tilespmem:s15+$0xC10]  }
0x265: {  	v17 =	vadd.f32 v56, v17;
	v56 =	vld [tilespmem:s15+$0xC60]  }
0x266: {  	v15 =	vadd.f32 v58, v15;
	v58 =	vld [tilespmem:s15+$0x4C60];
	v12 =	vbroadcast v52, $0xF  }
0x267: {  	v49 =	vld [tilespmem:s15+$0xC50];
	v61 =	vpop (erf)  }
0x268: {  	v16 =	vadd.f32 v57, v16;
	v52 =	vld [tilespmem:s15+$0x4C50];
	v12 =	vmul.f32 v61, v12  }
0x269: {  	v29 =	vadd.f32 v36, v29;
	v20 =	vadd.f32 v55, v20;
	v39 =	vld [tilespmem:s15+$0x4C10]  }
0x26a: {  	v14 =	vadd.f32 v54, v23;
	v23 =	vld [tilespmem:s15+$0xCC00];
	v21 =	vmul.f32 v12, v21;
	v19 =	vmul.f32 v12, v19  }
0x26b: {  	v40 =	vld [tilespmem:s15+$0xC20];
	v44 =	vadd.f32 v59, v22;
	v22 =	vsub.f32 v62, v38  }
0x26c: {  	v41 =	vld [tilespmem:s15+$0x4C20];
	v18 =	vmul.f32 v12, v18;
	v14 =	vsub.f32 v14, v21;
	v19 =	vsub.f32 v20, v19  }
0x26d: {  	v42 =	vld [tilespmem:s15+$0xC30];
	v50 =	vadd.f32 v60, v25;
	v24 =	vsub.f32 v49, v52;
	v26 =	vmul.f32 v12, v26  }
0x26e: {  	v43 =	vld [tilespmem:s15+$0x4C30];
	v17 =	vsub.f32 v17, v18;
	v14 =	vand.u32 $0x7FFFFFFF, v14;
	v19 =	vand.u32 $0x7FFFFFFF, v19  }
0x26f: {  	v48 =	vmul.f32 v23, v22;
	v54 =	vmul.f32 v23, v23;
	v20 =	vld [tilespmem:s15+$0xCC10];
	v14 =	vadd.f32 v19, v14  }
0x270: {  	v46 =	vld [tilespmem:s15+$0xC40];
	v13 =	vmul.f32 v12, v13;
	v16 =	vsub.f32 v16, v26;
	v17 =	vand.u32 $0x7FFFFFFF, v17  }
0x271: {  	v31 =	vadd.f32 $0.0e+00, v48;
	v45 =	vmul.f32 v12, v27;
	v19 =	vld [tilespmem:s15+$0xCC20];
	v14 =	vadd.f32 v14, v17  }
0x272: {  	v47 =	vld [tilespmem:s15+$0x4C40];
	v13 =	vsub.f32 v15, v13;
	v21 =	vsub.f32 v63, v39;
	v16 =	vand.u32 $0x7FFFFFFF, v16  }
0x273: {  	v27 =	vld [tilespmem:s15+$0xCC30];
	v51 =	vmul.f32 v12, v37;
	v12 =	vmul.f32 v12, v32;
	v14 =	vadd.f32 v14, v16  }
0x274: {  	v18 =	vsub.f32 v40, v41;
	v13 =	vand.u32 $0x7FFFFFFF, v13;
	v53 =	vmul.f32 v20, v21  }
0x275: {  	v15 =	vsub.f32 v44, v45;
	v55 =	vmul.f32 v20, v20;
	v13 =	vadd.f32 v14, v13;
	v14 =	vld [tilespmem:s15+$0xCC40]  }
0x276: {  	v28 =	vld [tilespmem:s15+$0xCC50];
	v17 =	vsub.f32 v42, v43;
	v31 =	vadd.f32 v53, v31;
	v57 =	vmul.f32 v19, v18  }
0x277: {  	v38 =	vld [tilespmem:s15+$0xCC60];
	v26 =	vsub.f32 v56, v58;
	v25 =	vadd.f32 v55, v54;
	v59 =	vmul.f32 v19, v19  }
0x278: {  	v61 =	vld [tilespmem:s15+$0xC70];
	v60 =	vmul.f32 v27, v17;
	v16 =	vsub.f32 v46, v47;
	v31 =	vadd.f32 v57, v31  }
0x279: {  	v63 =	vld [tilespmem:s15+$0x4C70];
	v12 =	vsub.f32 v29, v12;
	v62 =	vmul.f32 v27, v27;
	v25 =	vadd.f32 v59, v25  }
0x27a: {  	v15 =	vand.u32 $0x7FFFFFFF, v15;
	v31 =	vadd.f32 v60, v31;
	v40 =	vmul.f32 v14, v16  }
0x27b: {  	v33 =	vld [tilespmem:s15+$0xCC70];
	v13 =	vadd.f32 v13, v15;
	v25 =	vadd.f32 v62, v25;
	v41 =	vmul.f32 v14, v14  }
0x27c: {  	v42 =	vmul.f32 v28, v24;
	v15 =	vsub.f32 v50, v51;
	v31 =	vadd.f32 v40, v31  }
0x27d: {  	v44 =	vmul.f32 v38, v26;
	v43 =	vmul.f32 v28, v28;
	v25 =	vadd.f32 v41, v25  }
0x27e: {  	v30 =	vsub.f32 v61, v63;
	v15 =	vand.u32 $0x7FFFFFFF, v15;
	v31 =	vadd.f32 v42, v31  }
0x27f: {  	v46 =	vmul.f32 v38, v38;
	v13 =	vadd.f32 v13, v15;
	v45 =	vadd.f32 v43, v25  }
0x280: {  	v12 =	vand.u32 $0x7FFFFFFF, v12;
	v48 =	vmul.f32 v33, v30;
	v47 =	vadd.f32 v44, v31  }
0x281: {  	v50 =	vmul.f32 v33, v33;
	v12 =	vadd.f32 v13, v12;
	v49 =	vadd.f32 v46, v45  }
0x282: {  	v51 =	vadd.f32 v48, v47  }
0x283: {  	(xrf2) =	vadd.scan.msk.f32 $0xffff, v12;
	v52 =	vadd.f32 v50, v49  }
0x284: {  	(xrf2) =	vadd.scan.msk.f32 $0xffff, v51  }
0x285: {  	(xrf2) =	vadd.scan.msk.f32 $0xffff, v52;
	_ =	sdelay $0x7  }
0x286: {  	v12, _, _ =	vpop (xrf2)  }
0x287: {  	v53, _, _ =	vpop (xrf2)  }
0x288: {  	v54, _, _ =	vpop (xrf2)  }
0x289: {  	v37 =	vld [tilespmem:s15+$0x8C70];
	v15 =	vmax.f32 v54, $1.000000020e-24  }
0x28a: {  	v56 =	vld [tilespmem:s15+$0x8C10];
	v15 =	vbroadcast v15, $0xF  }
0x28b: {  	v58 =	vld [tilespmem:s15+$0x8C30]  }
0x28c: {  	v61 =	vld [tilespmem:s15+$0x8C60];
	(erf) = vrcp.f32 v15  }
0x28d: {  	v55 =	vld [tilespmem:s15+$0x8C00]  }
0x28e: {  	v57 =	vld [tilespmem:s15+$0x8C20]  }
0x28f: {  	v59 =	vld [tilespmem:s15+$0x8C40]  }
0x290: {  	v60 =	vld [tilespmem:s15+$0x8C50];
	s15 =	sor.u32 s31, s12  }
0x291: {  	v63 =	vld [tilespmem:s15+$0xC00]  }
0x292: {  	v39 =	vld [tilespmem:s15+$0x4C00]  }
0x293: {  	v21 =	vadd.f32 v56, v21;
	v56 =	vld [tilespmem:s15+$0x4C50]  }
0x294: {  	v42 =	vld [tilespmem:s15+$0xC10];
	v13 =	vbroadcast v53, $0xF  }
0x295: {  	v43 =	vld [tilespmem:s15+$0x4C10];
	v62 =	vpop (erf)  }
0x296: {  	v17 =	vadd.f32 v58, v17;
	v30 =	vadd.f32 v37, v30;
	v44 =	vld [tilespmem:s15+$0xC20];
	v13 =	vmul.f32 v62, v13  }
0x297: {  	v18 =	vadd.f32 v57, v18;
	v16 =	vadd.f32 v59, v16;
	v45 =	vld [tilespmem:s15+$0x4C20]  }
0x298: {  	v53 =	vld [tilespmem:s15+$0xC50];
	v15 =	vadd.f32 v55, v22;
	v41 =	vmul.f32 v13, v23;
	v20 =	vmul.f32 v13, v20  }
0x299: {  	v46 =	vld [tilespmem:s15+$0xC30];
	v48 =	vadd.f32 v60, v24;
	v24 =	vsub.f32 v63, v39  }
0x29a: {  	v47 =	vld [tilespmem:s15+$0x4C30];
	v19 =	vmul.f32 v13, v19;
	v15 =	vsub.f32 v15, v41;
	v20 =	vsub.f32 v21, v20  }
0x29b: {  	v54 =	vadd.f32 v61, v26;
	v22 =	vsub.f32 v42, v43;
	v23 =	vld [tilespmem:s15+$0xCC00];
	v27 =	vmul.f32 v13, v27  }
0x29c: {  	v50 =	vld [tilespmem:s15+$0xC40];
	v18 =	vsub.f32 v18, v19;
	v15 =	vand.u32 $0x7FFFFFFF, v15;
	v20 =	vand.u32 $0x7FFFFFFF, v20  }
0x29d: {  	v25 =	vsub.f32 v53, v56;
	v14 =	vmul.f32 v13, v14;
	v21 =	vld [tilespmem:s15+$0xCC10];
	v15 =	vadd.f32 v20, v15  }
0x29e: {  	v60 =	vld [tilespmem:s15+$0xC60];
	v49 =	vmul.f32 v13, v28;
	v17 =	vsub.f32 v17, v27;
	v18 =	vand.u32 $0x7FFFFFFF, v18  }
0x29f: {  	v55 =	vmul.f32 v13, v38;
	v14 =	vsub.f32 v16, v14;
	v20 =	vld [tilespmem:s15+$0xCC20];
	v15 =	vadd.f32 v15, v18  }
0x2a0: {  	v51 =	vld [tilespmem:s15+$0x4C40];
	v16 =	vsub.f32 v48, v49;
	v17 =	vand.u32 $0x7FFFFFFF, v17;
	v52 =	vmul.f32 v23, v24  }
0x2a1: {  	v28 =	vld [tilespmem:s15+$0xCC30];
	v13 =	vmul.f32 v13, v33;
	v19 =	vsub.f32 v44, v45;
	v15 =	vadd.f32 v15, v17  }
0x2a2: {  	v62 =	vld [tilespmem:s15+$0x4C60];
	v14 =	vand.u32 $0x7FFFFFFF, v14;
	v32 =	vadd.f32 $0.0e+00, v52;
	v57 =	vmul.f32 v21, v22  }
0x2a3: {  	v58 =	vmul.f32 v23, v23;
	v59 =	vmul.f32 v21, v21;
	v14 =	vadd.f32 v15, v14;
	v15 =	vld [tilespmem:s15+$0xCC40]  }
0x2a4: {  	v29 =	vld [tilespmem:s15+$0xCC50];
	v18 =	vsub.f32 v46, v47;
	v32 =	vadd.f32 v57, v32;
	v61 =	vmul.f32 v20, v19  }
0x2a5: {  	v39 =	vld [tilespmem:s15+$0xCC60];
	v13 =	vsub.f32 v30, v13;
	v26 =	vadd.f32 v59, v58;
	v63 =	vmul.f32 v20, v20  }
0x2a6: {  	v42 =	vld [tilespmem:s15+$0xC70];
	v41 =	vmul.f32 v28, v18;
	v17 =	vsub.f32 v50, v51;
	v32 =	vadd.f32 v61, v32  }
0x2a7: {  	v44 =	vld [tilespmem:s15+$0x4C70];
	v27 =	vsub.f32 v60, v62;
	v43 =	vmul.f32 v28, v28;
	v26 =	vadd.f32 v63, v26  }
0x2a8: {  	v16 =	vand.u32 $0x7FFFFFFF, v16;
	v32 =	vadd.f32 v41, v32;
	v45 =	vmul.f32 v15, v17  }
0x2a9: {  	v34 =	vld [tilespmem:s15+$0xCC70];
	v14 =	vadd.f32 v14, v16;
	v26 =	vadd.f32 v43, v26;
	v46 =	vmul.f32 v15, v15  }
0x2aa: {  	v47 =	vmul.f32 v29, v25;
	v16 =	vsub.f32 v54, v55;
	v32 =	vadd.f32 v45, v32  }
0x2ab: {  	v48 =	vmul.f32 v29, v29;
	v49 =	vmul.f32 v39, v27;
	v26 =	vadd.f32 v46, v26  }
0x2ac: {  	v31 =	vsub.f32 v42, v44;
	v16 =	vand.u32 $0x7FFFFFFF, v16;
	v32 =	vadd.f32 v47, v32  }
0x2ad: {  	v51 =	vmul.f32 v39, v39;
	v14 =	vadd.f32 v14, v16;
	v50 =	vadd.f32 v48, v26  }
0x2ae: {  	v13 =	vand.u32 $0x7FFFFFFF, v13;
	v53 =	vmul.f32 v34, v31;
	v52 =	vadd.f32 v49, v32  }
0x2af: {  	v55 =	vmul.f32 v34, v34;
	v13 =	vadd.f32 v14, v13;
	v54 =	vadd.f32 v51, v50  }
0x2b0: {  	v56 =	vadd.f32 v53, v52  }
0x2b1: {  	(xrf2) =	vadd.scan.msk.f32 $0xffff, v13;
	v57 =	vadd.f32 v55, v54  }
0x2b2: {  	(xrf2) =	vadd.scan.msk.f32 $0xffff, v56  }
0x2b3: {  	(xrf2) =	vadd.scan.msk.f32 $0xffff, v57;
	_ =	sdelay $0x7  }
0x2b4: {  	v13, _, _ =	vpop (xrf2)  }
0x2b5: {  	v58, _, _ =	vpop (xrf2)  }
0x2b6: {  	v59, _, _ =	vpop (xrf2)  }
0x2b7: {  	v38 =	vld [tilespmem:s15+$0x8C70];
	v16 =	vmax.f32 v59, $1.000000020e-24  }
0x2b8: {  	v60 =	vld [tilespmem:s15+$0x8C00];
	v16 =	vbroadcast v16, $0xF  }
0x2b9: {  	v62 =	vld [tilespmem:s15+$0x8C20]  }
0x2ba: {  	v44 =	vld [tilespmem:s15+$0x8C40];
	(erf) = vrcp.f32 v16  }
0x2bb: {  	v63 =	vld [tilespmem:s15+$0x8C30]  }
0x2bc: {  	v61 =	vld [tilespmem:s15+$0x8C10]  }
0x2bd: {  	v45 =	vld [tilespmem:s15+$0x8C50]  }
0x2be: {  	v46 =	vld [tilespmem:s15+$0x8C60];
	s15 =	sor.u32 s3, s12  }
0x2bf: {  	v40 =	vld [tilespmem:s15+$0x4C00]  }
0x2c0: {  	v18 =	vadd.f32 v63, v18;
	v63 =	vld [tilespmem:s15+$0x4C50]  }
0x2c1: {  	v48 =	vld [tilespmem:s15+$0xC00]  }
0x2c2: {  	v49 =	vld [tilespmem:s15+$0xC10];
	v14 =	vbroadcast v58, $0xF  }
0x2c3: {  	v50 =	vld [tilespmem:s15+$0x4C10];
	v47 =	vpop (erf)  }
0x2c4: {  	v31 =	vadd.f32 v38, v31;
	v16 =	vadd.f32 v60, v24;
	v24 =	vld [tilespmem:s15+$0xCC00];
	v14 =	vmul.f32 v47, v14  }
0x2c5: {  	v19 =	vadd.f32 v62, v19;
	v17 =	vadd.f32 v44, v17;
	v51 =	vld [tilespmem:s15+$0xC20]  }
0x2c6: {  	v22 =	vadd.f32 v61, v22;
	v60 =	vld [tilespmem:s15+$0xC50];
	v23 =	vmul.f32 v14, v23;
	v21 =	vmul.f32 v14, v21  }
0x2c7: {  	v52 =	vld [tilespmem:s15+$0x4C20];
	v55 =	vadd.f32 v45, v25;
	v25 =	vsub.f32 v48, v40  }
0x2c8: {  	v53 =	vld [tilespmem:s15+$0xC30];
	v20 =	vmul.f32 v14, v20;
	v16 =	vsub.f32 v16, v23;
	v21 =	vsub.f32 v22, v21  }
0x2c9: {  	v61 =	vadd.f32 v46, v27;
	v54 =	vld [tilespmem:s15+$0x4C30];
	v59 =	vmul.f32 v24, v25;
	v28 =	vmul.f32 v14, v28  }
0x2ca: {  	v57 =	vld [tilespmem:s15+$0xC40];
	v19 =	vsub.f32 v19, v20;
	v16 =	vand.u32 $0x7FFFFFFF, v16;
	v21 =	vand.u32 $0x7FFFFFFF, v21  }
0x2cb: {  	v45 =	vmul.f32 v24, v24;
	v26 =	vsub.f32 v60, v63;
	v22 =	vld [tilespmem:s15+$0xCC10];
	v16 =	vadd.f32 v21, v16  }
0x2cc: {  	v58 =	vld [tilespmem:s15+$0x4C40];
	v15 =	vmul.f32 v14, v15;
	v18 =	vsub.f32 v18, v28;
	v19 =	vand.u32 $0x7FFFFFFF, v19  }
0x2cd: {  	v33 =	vadd.f32 $0.0e+00, v59;
	v56 =	vmul.f32 v14, v29;
	v21 =	vld [tilespmem:s15+$0xCC20];
	v16 =	vadd.f32 v16, v19  }
0x2ce: {  	v47 =	vld [tilespmem:s15+$0xC60];
	v15 =	vsub.f32 v17, v15;
	v23 =	vsub.f32 v49, v50;
	v18 =	vand.u32 $0x7FFFFFFF, v18  }
0x2cf: {  	v29 =	vld [tilespmem:s15+$0xCC30];
	v62 =	vmul.f32 v14, v39;
	v14 =	vmul.f32 v14, v34;
	v16 =	vadd.f32 v16, v18  }
0x2d0: {  	v20 =	vsub.f32 v51, v52;
	v49 =	vld [tilespmem:s15+$0x4C60];
	v15 =	vand.u32 $0x7FFFFFFF, v15;
	v44 =	vmul.f32 v22, v23  }
0x2d1: {  	v17 =	vsub.f32 v55, v56;
	v46 =	vmul.f32 v22, v22;
	v15 =	vadd.f32 v16, v15;
	v16 =	vld [tilespmem:s15+$0xCC40]  }
0x2d2: {  	v30 =	vld [tilespmem:s15+$0xCC50];
	v19 =	vsub.f32 v53, v54;
	v33 =	vadd.f32 v44, v33;
	v48 =	vmul.f32 v21, v20  }
0x2d3: {  	v40 =	vld [tilespmem:s15+$0xCC60];
	v14 =	vsub.f32 v31, v14;
	v27 =	vadd.f32 v46, v45;
	v50 =	vmul.f32 v21, v21  }
0x2d4: {  	v52 =	vld [tilespmem:s15+$0xC70];
	v51 =	vmul.f32 v29, v19;
	v18 =	vsub.f32 v57, v58;
	v33 =	vadd.f32 v48, v33  }
0x2d5: {  	v17 =	vand.u32 $0x7FFFFFFF, v17;
	v53 =	vmul.f32 v29, v29;
	v54 =	vld [tilespmem:s15+$0x4C70];
	v27 =	vadd.f32 v50, v27  }
0x2d6: {  	v28 =	vsub.f32 v47, v49;
	v33 =	vadd.f32 v51, v33;
	v55 =	vmul.f32 v16, v18  }
0x2d7: {  	v35 =	vld [tilespmem:s15+$0xCC70];
	v15 =	vadd.f32 v15, v17;
	v27 =	vadd.f32 v53, v27;
	v56 =	vmul.f32 v16, v16  }
0x2d8: {  	v57 =	vmul.f32 v30, v26;
	v17 =	vsub.f32 v61, v62;
	v33 =	vadd.f32 v55, v33  }
0x2d9: {  	v58 =	vmul.f32 v30, v30;
	v59 =	vmul.f32 v40, v28;
	v27 =	vadd.f32 v56, v27  }
0x2da: {  	v32 =	vsub.f32 v52, v54;
	v17 =	vand.u32 $0x7FFFFFFF, v17;
	v33 =	vadd.f32 v57, v33  }
0x2db: {  	v61 =	vmul.f32 v40, v40;
	v15 =	vadd.f32 v15, v17;
	v60 =	vadd.f32 v58, v27  }
0x2dc: {  	v14 =	vand.u32 $0x7FFFFFFF, v14;
	v63 =	vmul.f32 v35, v32;
	v62 =	vadd.f32 v59, v33  }
0x2dd: {  	v36 =	vmul.f32 v35, v35;
	v14 =	vadd.f32 v15, v14;
	v34 =	vadd.f32 v61, v60  }
0x2de: {  	v37 =	vadd.f32 v63, v62  }
0x2df: {  	(xrf2) =	vadd.scan.msk.f32 $0xffff, v14;
	v38 =	vadd.f32 v36, v34  }
0x2e0: {  	(xrf2) =	vadd.scan.msk.f32 $0xffff, v37  }
0x2e1: {  	(xrf2) =	vadd.scan.msk.f32 $0xffff, v38;
	_ =	sdelay $0x7  }
0x2e2: {  	v14, _, _ =	vpop (xrf2)  }
0x2e3: {  	v39, _, _ =	vpop (xrf2)  }
0x2e4: {  	v41, _, _ =	vpop (xrf2)  }
0x2e5: {  	v42 =	vld [tilespmem:s15+$0x8C00];
	v17 =	vmax.f32 v41, $1.000000020e-24  }
0x2e6: {  	s12 =	sor.u32 s0, s12;
	v43 =	vld [tilespmem:s15+$0x8C10];
	v17 =	vbroadcast v17, $0xF  }
0x2e7: {  	v31 =	vld [tilespmem:s12+$0xCC10]  }
0x2e8: {  	v47 =	vld [tilespmem:s15+$0x8C50];
	(erf) = vrcp.f32 v17  }
0x2e9: {  	v49 =	vld [tilespmem:s15+$0x8C60]  }
0x2ea: {  	v44 =	vld [tilespmem:s15+$0x8C20]  }
0x2eb: {  	v45 =	vld [tilespmem:s15+$0x8C30]  }
0x2ec: {  	v46 =	vld [tilespmem:s15+$0x8C40]  }
0x2ed: {  	v50 =	vld [tilespmem:s12+$0xC00]  }
0x2ee: {  	v52 =	vld [tilespmem:s12+$0xC10]  }
0x2ef: {  	v54 =	vld [tilespmem:s12+$0xC20]  }
0x2f0: {  	v28 =	vadd.f32 v49, v28;
	v49 =	vld [tilespmem:s12+$0xC60];
	v15 =	vbroadcast v39, $0xF  }
0x2f1: {  	v51 =	vld [tilespmem:s12+$0x4C00];
	v48 =	vpop (erf)  }
0x2f2: {  	v23 =	vadd.f32 v43, v23;
	v27 =	vld [tilespmem:s12+$0xCC00];
	v15 =	vmul.f32 v48, v15  }
0x2f3: {  	v20 =	vadd.f32 v44, v20;
	v53 =	vld [tilespmem:s12+$0x4C10];
	v19 =	vadd.f32 v45, v19  }
0x2f4: {  	v45 =	vld [tilespmem:s12+$0x4C50];
	v17 =	vadd.f32 v42, v25;
	v24 =	vmul.f32 v15, v24;
	v22 =	vmul.f32 v15, v22  }
0x2f5: {  	v18 =	vadd.f32 v46, v18;
	v57 =	vadd.f32 v47, v26;
	v47 =	vmul.f32 v31, v31;
	v37 =	vld [tilespmem:s15+$0x8C70]  }
0x2f6: {  	v55 =	vld [tilespmem:s12+$0x4C20];
	v21 =	vmul.f32 v15, v21;
	v17 =	vsub.f32 v17, v24;
	v22 =	vsub.f32 v23, v22  }
0x2f7: {  	v56 =	vld [tilespmem:s12+$0xC30];
	v46 =	vmul.f32 v27, v27;
	v25 =	vsub.f32 v50, v51;
	v29 =	vmul.f32 v15, v29  }
0x2f8: {  	v59 =	vld [tilespmem:s12+$0x4C30];
	v20 =	vsub.f32 v20, v21;
	v17 =	vand.u32 $0x7FFFFFFF, v17;
	v22 =	vand.u32 $0x7FFFFFFF, v22  }
0x2f9: {  	v60 =	vld [tilespmem:s12+$0xC40];
	v36 =	vadd.f32 v47, v46;
	v62 =	vmul.f32 v27, v25;
	v17 =	vadd.f32 v22, v17  }
0x2fa: {  	v32 =	vadd.f32 v37, v32;
	v41 =	vld [tilespmem:s12+$0x4C60];
	v19 =	vsub.f32 v19, v29;
	v20 =	vand.u32 $0x7FFFFFFF, v20  }
0x2fb: {  	v33 =	vadd.f32 $0.0e+00, v62;
	v16 =	vmul.f32 v15, v16;
	v29 =	vld [tilespmem:s12+$0xCC20];
	v17 =	vadd.f32 v17, v20  }
0x2fc: {  	v61 =	vld [tilespmem:s12+$0x4C40];
	v58 =	vmul.f32 v15, v30;
	v23 =	vsub.f32 v52, v53;
	v19 =	vand.u32 $0x7FFFFFFF, v19  }
0x2fd: {  	v40 =	vmul.f32 v15, v40;
	v16 =	vsub.f32 v18, v16;
	v17 =	vadd.f32 v17, v19;
	v19 =	vld [tilespmem:s12+$0xCC30]  }
0x2fe: {  	v63 =	vld [tilespmem:s12+$0xC50];
	v15 =	vmul.f32 v15, v35;
	v21 =	vsub.f32 v54, v55;
	v44 =	vmul.f32 v31, v23  }
0x2ff: {  	v30 =	vsub.f32 v49, v41;
	v18 =	vsub.f32 v57, v58;
	v24 =	vld [tilespmem:s12+$0xCC40];
	v16 =	vand.u32 $0x7FFFFFFF, v16  }
0x300: {  	v26 =	vld [tilespmem:s12+$0xCC60];
	v33 =	vadd.f32 v44, v33;
	v48 =	vmul.f32 v29, v21;
	v20 =	vsub.f32 v56, v59  }
0x301: {  	v39 =	vld [tilespmem:s12+$0xCC50];
	v18 =	vand.u32 $0x7FFFFFFF, v18;
	v50 =	vmul.f32 v29, v29;
	v16 =	vadd.f32 v17, v16  }
0x302: {  	v53 =	vld [tilespmem:s12+$0xC70];
	v33 =	vadd.f32 v48, v33;
	v17 =	vsub.f32 v60, v61;
	v51 =	vmul.f32 v19, v20  }
0x303: {  	v55 =	vld [tilespmem:s12+$0x4C70];
	v36 =	vadd.f32 v50, v36;
	v16 =	vadd.f32 v16, v18;
	v52 =	vmul.f32 v19, v19  }
0x304: {  	v54 =	vmul.f32 v24, v17;
	v18 =	vsub.f32 v63, v45;
	v33 =	vadd.f32 v51, v33  }
0x305: {  	v37 =	vld [tilespmem:s12+$0xCC70];
	v28 =	vsub.f32 v28, v40;
	v57 =	vmul.f32 v24, v24;
	v56 =	vadd.f32 v52, v36  }
0x306: {  	v15 =	vsub.f32 v32, v15;
	v58 =	vmul.f32 v39, v18;
	v33 =	vadd.f32 v54, v33  }
0x307: {  	v28 =	vand.u32 $0x7FFFFFFF, v28;
	v60 =	vmul.f32 v39, v39;
	v59 =	vadd.f32 v57, v56  }
0x308: {  	v22 =	vsub.f32 v53, v55;
	v61 =	vmul.f32 v26, v30;
	v33 =	vadd.f32 v58, v33  }
0x309: {  	v63 =	vmul.f32 v26, v26;
	v16 =	vadd.f32 v16, v28;
	v62 =	vadd.f32 v60, v59  }
0x30a: {  	v15 =	vand.u32 $0x7FFFFFFF, v15;
	v36 =	vmul.f32 v37, v22;
	v33 =	vadd.f32 v61, v33  }
0x30b: {  	v40 =	vmul.f32 v37, v37;
	v15 =	vadd.f32 v16, v15;
	v38 =	vadd.f32 v63, v62  }
0x30c: {  	v41 =	vadd.f32 v36, v33  }
0x30d: {  	(xrf2) =	vadd.scan.msk.f32 $0xffff, v15;
	v42 =	vadd.f32 v40, v38  }
0x30e: {  	(xrf2) =	vadd.scan.msk.f32 $0xffff, v41  }
0x30f: {  	(xrf2) =	vadd.scan.msk.f32 $0xffff, v42;
	_ =	sdelay $0x7  }
0x310: {  	v43, _, _ =	vpop (xrf2)  }
0x311: {  	v44, _, _ =	vpop (xrf2)  }
0x312: {  	v45, _, _ =	vpop (xrf2)  }
0x313: {  	v28 =	vmax.f32 v45, $1.000000020e-24  }
0x314: {  	v28 =	vbroadcast v28, $0xF;
	_ =	sdelay $0x1  }
0x315: {  	(erf) = vrcp.f32 v28;
	_ =	sdelay $0x5  }
0x316: {  	v46 =	vld [tilespmem:s12+$0x8C00]  }
0x317: {  	v47 =	vld [tilespmem:s12+$0x8C10]  }
0x318: {  	v49 =	vld [tilespmem:s12+$0x8C20];
	v16 =	vbroadcast v44, $0xF  }
0x319: {  	v48 =	vpop (erf)  }
0x31a: {  	v50 =	vld [tilespmem:s12+$0x8C30];
	v16 =	vmul.f32 v48, v16  }
0x31b: {  	v25 =	vadd.f32 v46, v25  }
0x31c: {  	v23 =	vadd.f32 v47, v23;
	v51 =	vld [tilespmem:s12+$0x8C40];
	v27 =	vmul.f32 v16, v27;
	v31 =	vmul.f32 v16, v31  }
0x31d: {  	v21 =	vadd.f32 v49, v21  }
0x31e: {  	v53 =	vld [tilespmem:s12+$0x8C50];
	v52 =	vmul.f32 v16, v29;
	v25 =	vsub.f32 v25, v27;
	v23 =	vsub.f32 v23, v31  }
0x31f: {  	v20 =	vadd.f32 v50, v20;
	v19 =	vmul.f32 v16, v19  }
0x320: {  	v54 =	vld [tilespmem:s12+$0x8C60];
	v21 =	vsub.f32 v21, v52;
	v25 =	vand.u32 $0x7FFFFFFF, v25;
	v23 =	vand.u32 $0x7FFFFFFF, v23  }
0x321: {  	v17 =	vadd.f32 v51, v17;
	v23 =	vadd.f32 v23, v25  }
0x322: {  	v56 =	vld [tilespmem:s12+$0x8C70];
	v24 =	vmul.f32 v16, v24;
	v19 =	vsub.f32 v20, v19;
	v55 =	vand.u32 $0x7FFFFFFF, v21  }
0x323: {  	v18 =	vadd.f32 v53, v18;
	v20 =	vadd.f32 v23, v55  }
0x324: {  	v57 =	vmul.f32 v16, v39;
	v17 =	vsub.f32 v17, v24;
	v19 =	vand.u32 $0x7FFFFFFF, v19  }
0x325: {  	v58 =	vadd.f32 v54, v30;
	v19 =	vadd.f32 v20, v19  }
0x326: {  	v59 =	vmul.f32 v16, v26;
	v18 =	vsub.f32 v18, v57;
	v17 =	vand.u32 $0x7FFFFFFF, v17  }
0x327: {  	v61 =	vadd.f32 v56, v22;
	v17 =	vadd.f32 v19, v17  }
0x328: {  	v16 =	vmul.f32 v16, v37;
	v60 =	vsub.f32 v58, v59;
	v18 =	vand.u32 $0x7FFFFFFF, v18  }
0x329: {  	v1 =	vbroadcast v1, $0xF;
	v2 =	vbroadcast v2, $0xF;
	v17 =	vadd.f32 v17, v18  }
0x32a: {  	v3 =	vbroadcast v3, $0xF;
	v16 =	vsub.f32 v61, v16;
	v62 =	vand.u32 $0x7FFFFFFF, v60  }
0x32b: {  	v1 =	vsel vm0, v1, v2;
	v2 =	vbroadcast v4, $0xF;
	v17 =	vadd.f32 v17, v62  }
0x32c: {  	v1 =	vsel vm1, v1, v3;
	v3 =	vbroadcast v5, $0xF;
	v63 =	vand.u32 $0x7FFFFFFF, v16  }
0x32d: {  	v1 =	vsel vm2, v1, v2;
	v2 =	vbroadcast v6, $0xF;
	v4 =	vadd.f32 v17, v63  }
0x32e: {  	v1 =	vsel vm3, v1, v3;
	v3 =	vbroadcast v7, $0xF  }
0x32f: {  	v1 =	vsel vm4, v1, v2;
	v2 =	vbroadcast v8, $0xF;
	(xrf2) =	vadd.scan.msk.f32 $0xffff, v4  }
0x330: {  	v1 =	vsel vm5, v1, v3;
	v3 =	vbroadcast v9, $0xF  }
0x331: {  	v1 =	vsel vm6, v1, v2;
	v2 =	vbroadcast v10, $0xF  }
0x332: {  	v1 =	vsel vm7, v1, v3;
	v3 =	vbroadcast v11, $0xF  }
0x333: {  	v1 =	vsel vm8, v1, v2;
	v2 =	vbroadcast v12, $0xF  }
0x334: {  	v1 =	vsel vm9, v1, v3  }
0x335: {  	v1 =	vsel vm10, v1, v2;
	v3 =	vbroadcast v13, $0xF;
	v2 =	vbroadcast v14, $0xF  }
0x336: {  	p0 =	seq.s32 s11, $0x3  }
.Ltmp0:
0x337: {  	v1 =	vsel vm11, v1, v3;
	v3 =	vbroadcast v43, $0xF;
	(pc) =	sbr.rel @!p0 .LBB2_4-.Ltmp0, $4  }
0x338: {  	v1 =	vsel vm12, v1, v2  }
0x339: {  	s15 =	sshll.u32 s11, $0x4;
	v1 =	vsel vm13, v1, v3;
	v2, _, _ =	vpop (xrf2)  }
0x33a: {  	s12 =	sand.u32 $0x3FFFFFF0, s15;
	v1 =	vsel vm14, v1, v2  }
0x33b: {  	s11 =	sadd.s32 $0x1, s11;
	[tilespmem:v0+s12+$0x0 ss:$0x1] =	vst.idx.msk $0xffff, v1  }
0x33c: {  	p0 =	seq.s32 s19, $0x8  }
.Ltmp1:
0x33d: {  	_ = 	snop;
	(pc) =	sbr.rel @!p0 .LBB2_3-.Ltmp1, $1  }
0x33e: {  	_ =	sdelay $0x3  }
0x33f: {  	s18 =	sadd.s32 $0x1, s18  }
0x340: {  	p0 =	sne.s32 s18, s8  }
.Ltmp2:
0x341: {  	_ = 	snop;
	(pc) =	sbr.rel @p0 .LBB2_1-.Ltmp2, $4  }
0x342: {  	[hbm4b:s7+s5] =	stream.linear.scatter [tilespmem:s17], [sflag:$0x3], $0x200, $0x38;
	[tilespmem:$0x10E00] =	vst v63  }
0x343: {  	_ =	swait.ge [sflag:s9], $0x200  }
0x344: {  	[sflag:s9] =	ssyncset.done $0x0  }
0x345: {  	[sflag:s9] =	ssyncadd.s32 $0xFFFFFE00  }
0x346: {  	_ =	sfence.sel $0x180000  }
0x347: {  	[bflag:$0x0] =	sbarrier.arrive $0xFFFF  }
0x348: {  	_ =	strace $0x90000047  }
0x349: {  	s0 =	stileid.u32;
	[bflag:$0x2] =	sbarrier.arrive $0xFFFF  }
0x34a: {  	p0 =	sne.s32 s0, $0x0;
	s0 =	rddreg [dreg:$0x5]  }
0x34b: {  	s0 =	sadd.s32 @!p0 $0x100000, s0  }
0x34c: {  	[sflag:s0] =	ssyncadd.tile.s32 @!p0 $0x1;
	_ =	shalt  }
.Lfunc_end2:
_tile_overlayer_lowered:
.L_overlay_start_2:
0x34d: {  	(tag) =	ssettag $0x2  }
0x34e: {  	s0 =	rddreg [dreg:$0x0];
	s2 =	stileid.u32  }
0x34f: {  	s1 =	rddreg [dreg:$0x1];
	p0 =	sne.s32 s2, $0x0  }
0x350: {  	s3 =	rddreg [dreg:$0x2];
	[bflag:$0x3] =	sbarrier.arrive $0xFFFF;
	s2 =	simm.s32 @!p0 $0x1C03  }
0x351: {  	[timem:s3], [sflag:s2] =	dma.local @!p0 [hbm:s0], s1  }
0x352: {  	s0 =	simm.s32 @!p0 $0x3  }
0x353: {  	_ =	swait.ge @!p0 [sflag:s0], s1  }
0x354: {  	s1 =	ssub.s32 @!p0 $0x0, s1;
	[sflag:s0] =	ssyncset.done @!p0 $0x0  }
0x355: {  	[sflag:s0] =	ssyncadd.s32 @!p0 s1  }
0x356: {  	[bflag:$0x3] =	sbarrier.arrive $0xFFFF  }
0x357: {  	_ =	shalt  }

</sc_bundles>
